<compile_context>
chip_gen: v7x
topology: tpu7x:2x2x1
jax: 0.10.2.dev20260603
libtpu: 0.0.44.dev20260713+nightly
codegen_flags: <defaults>
</compile_context>

<pallas_src>
import functools

import jax
import jax.numpy as jnp
from jax import lax
from jax.experimental import pallas as pl
from jax.experimental.pallas import tpu as pltpu
from jax.experimental.pallas import tpu_sc as plsc

NC = 2
NS = 16
LANES = 16
SLAB = 128
NBUF = 2


def _noisy_or(rules_t, g2l, w_flat, *, B, L, num_rel):
    NW = NC * NS
    n_g2l = g2l.shape[0]
    n_ids = n_g2l - 1
    unit = NS * LANES * 2
    T_pad = ((n_ids + unit - 1) // unit) * unit
    chunk = T_pad // NS
    wchunk = chunk // 2
    tail = n_ids - (NS - 1) * chunk
    assert 0 < tail <= chunk and tail % 8 == 0
    piece = (chunk // 4 + 2 * LANES - 1) // (2 * LANES) * (2 * LANES)
    pieces = [(o, min(piece, chunk - o)) for o in range(0, chunk, piece)]
    assert all(sz % (2 * LANES) == 0 for _, sz in pieces)
    w_copy = (num_rel + 1) // 8 * 8
    W_pad = ((num_rel + 1 + NS * LANES - 1) // (NS * LANES)) * (NS * LANES)
    f_chunk = W_pad // NS
    rows_w = B // NW
    slabs = rows_w // SLAB
    QS = SLAB // LANES

    mesh = plsc.VectorSubcoreMesh(core_axis_name="c", subcore_axis_name="s")

    @functools.partial(
        pl.kernel,
        out_type=jax.ShapeDtypeStruct((B,), jnp.float32),
        mesh=mesh,
        compiler_params=pltpu.CompilerParams(needs_layout_passes=False,
                                             use_tc_tiling_on_sc=True),
        scratch_types=[
            pltpu.VMEM((W_pad,), jnp.float32),
            [pltpu.VMEM((piece,), jnp.int32) for _ in range(2)],
            pltpu.VMEM((T_pad // 2,), jnp.int32),
            pltpu.VMEM_SHARED((T_pad // 2,), jnp.int32),
            pltpu.VMEM_SHARED((W_pad,), jnp.float32),
            [pltpu.VMEM((L, SLAB), jnp.int32) for _ in range(NBUF)],
            pltpu.VMEM((rows_w,), jnp.float32),
            [pltpu.SemaphoreType.DMA for _ in range(NBUF)],
            [pltpu.SemaphoreType.DMA for _ in range(2)],
            pltpu.SemaphoreType.DMA,
        ],
    )
    def run(rules_hbm, g2l_hbm, w_hbm, out_hbm,
            w_v, g2l_vs, t_v, t_sh, f_sh, rbufs, o_v, sems, gsems, wsem):
        cid = lax.axis_index("c")
        sid = lax.axis_index("s")
        wid = sid * NC + cid
        lane = lax.iota(jnp.int32, LANES)
        row_base = wid * rows_w

        def rules_src(s):
            return rules_hbm.at[:, pl.ds(row_base + s * SLAB, SLAB)]

        with jax.named_scope("build"):
            wcopy = pltpu.async_copy(w_hbm.at[pl.ds(0, w_copy)],
                                     w_v.at[pl.ds(0, w_copy)], wsem)

            def stage_g2l(hb):
                h_off, h_sz = pieces[hb]
                part = min(h_sz, max(0, tail - h_off))
                assert part % 8 == 0
                buf, sem = g2l_vs[hb % 2], gsems[hb % 2]

                @pl.when(sid < NS - 1)
                def _():
                    pltpu.async_copy(
                        g2l_hbm.at[pl.ds(sid * chunk + h_off, h_sz)],
                        buf.at[pl.ds(0, h_sz)], sem)

                if part > 0:
                    @pl.when(sid == NS - 1)
                    def _():
                        pltpu.async_copy(
                            g2l_hbm.at[pl.ds((NS - 1) * chunk + h_off, part)],
                            buf.at[pl.ds(0, part)], sem)

            def wait_g2l(hb):
                h_off, h_sz = pieces[hb]
                part = min(h_sz, max(0, tail - h_off))
                buf, sem = g2l_vs[hb % 2], gsems[hb % 2]

                @pl.when(sid < NS - 1)
                def _():
                    pltpu.make_async_copy(
                        g2l_hbm.at[pl.ds(0, h_sz)],
                        buf.at[pl.ds(0, h_sz)], sem).wait()

                if part > 0:
                    @pl.when(sid == NS - 1)
                    def _():
                        pltpu.make_async_copy(
                            g2l_hbm.at[pl.ds(0, part)],
                            buf.at[pl.ds(0, part)], sem).wait()

            stage_g2l(0)
            stage_g2l(1)

            f_base = sid * f_chunk

            wcopy.wait()

            @plsc.parallel_loop(0, f_chunk // LANES, unroll=2)
            def _(i):
                w = w_v[pl.ds(f_base + i * LANES, LANES)]
                f = 1.0 / (1.0 + jnp.exp(w))
                f = jnp.where(f_base + i * LANES + lane >= num_rel, 1.0, f)
                w_v[pl.ds(f_base + i * LANES, LANES)] = f

            pltpu.sync_copy(w_v.at[pl.ds(f_base, f_chunk)],
                            f_sh.at[pl.ds(f_base, f_chunk)])
            plsc.subcore_barrier()
            pltpu.sync_copy(f_sh, w_v)
            plsc.subcore_barrier()

            for b in range(NBUF):
                pltpu.async_copy(rules_src(b), rbufs[b], sems[b])

            limit = jnp.where(sid == NS - 1, tail, chunk)
            lane2 = lane * 2
            for hb, (h_off, h_sz) in enumerate(pieces):
                wait_g2l(hb)
                if hb + 2 < len(pieces):
                    stage_g2l(hb + 2)
                g2l_v = g2l_vs[hb % 2]
                lim_h = limit - h_off

                @plsc.parallel_loop(0, h_sz // (2 * LANES), unroll=2)
                def _(i):
                    pos_e = i * 2 * LANES + lane2
                    ie = plsc.load_gather(g2l_v, [pos_e])
                    io = plsc.load_gather(g2l_v, [pos_e + 1])
                    ie = jnp.where(pos_e < lim_h, ie, num_rel)
                    io = jnp.where(pos_e + 1 < lim_h, io, num_rel)
                    fe = plsc.load_gather(w_v, [ie])
                    fo = plsc.load_gather(w_v, [io])
                    packed = plsc.bitcast(
                        plsc.pack(fe, fo, format=plsc.PackFormat.INTERLEAVED),
                        jnp.int32)
                    t_v[pl.ds((h_off // 2) + i * LANES, LANES)] = packed

        with jax.named_scope("bcast"):
            pltpu.sync_copy(t_v.at[pl.ds(0, wchunk)],
                            t_sh.at[pl.ds(sid * wchunk, wchunk)])
            plsc.subcore_barrier()
            pltpu.sync_copy(t_sh, t_v)

        ones = jnp.ones((LANES,), jnp.float32)

        def compute_slab(s, sub, prefetch):
            rbuf, sem = rbufs[sub], sems[sub]
            pltpu.make_async_copy(rules_src(0), rbuf, sem).wait()

            accs = [[ones, ones] for _ in range(QS)]

            def fac(l, q):
                ids = rbuf[l, pl.ds(q * LANES, LANES)]
                word = plsc.load_gather(t_v, [ids >> 1])
                sh = ((ids ^ 1) & 1) << 4
                return plsc.bitcast(word << sh, jnp.float32)

            def step(i, carry):
                out = []
                for q in range(QS):
                    a0, a1 = carry[q]
                    out.append([a0 * fac(2 * i, q), a1 * fac(2 * i + 1, q)])
                return out

            accs = lax.fori_loop(0, L // 2, step, accs)
            for l in range(L // 2 * 2, L):
                for q in range(QS):
                    accs[q][0] = accs[q][0] * fac(l, q)

            if prefetch and s + NBUF < slabs:
                pltpu.async_copy(rules_src(s + NBUF), rbuf, sem)

            for q in range(QS):
                a0, a1 = accs[q]
                res = jnp.clip(1.0 - a0 * a1, 0.0001, 0.99999)
                o_v[pl.ds(s * SLAB + q * LANES, LANES)] = res

        with jax.named_scope("main"):
            for s in range(slabs):
                compute_slab(s, s % NBUF, True)
            pltpu.sync_copy(o_v, out_hbm.at[pl.ds(row_base, rows_w)])

    return run(rules_t, g2l, w_flat)


def kernel(rules, global_to_local, weights):
    B, L = rules.shape
    num_rel = weights.shape[0] - 1
    out = _noisy_or(rules.T, global_to_local,
                    weights.reshape(-1), B=B, L=L, num_rel=num_rel)
    return out.reshape(B, 1)

# --- scband reference (transcript-rebuilt; emitter-appended) ---
"""Pipeline reference for scband-noisy-or-aggregator-223338299964 (READ-ONLY COPY).

The authoritative reference and input builder live on the scoring server;
editing this copy changes nothing except your own understanding.
"""

import jax, jax.numpy as jnp
import numpy as np

LEN_RULES = 100000
NUM_REL = 8192
B = 16384
L = 200


def setup_inputs(seed: int = 0) -> dict:
    key = jax.random.key(seed)
    k1, k2 = jax.random.split(key)
    # forward arg: global rule ids per example
    rules = jax.random.randint(k1, (B, L), 0, LEN_RULES, dtype=jnp.int32)
    # buffer: global_to_local mapping (constructed in __init__ from rule_map)
    rng = np.random.default_rng(0)
    ids = np.sort(rng.choice(LEN_RULES, size=NUM_REL, replace=False))
    g2l = np.full(LEN_RULES + 1, NUM_REL, dtype=np.int32)
    g2l[ids] = np.arange(NUM_REL, dtype=np.int32)
    # learned params: nn.Embedding(NUM_REL+1, 1) weights, padding row zeroed
    weights = jax.random.normal(k2, (NUM_REL + 1, 1), dtype=jnp.float32) * 0.5
    weights = weights.at[NUM_REL].set(0.0)
    return {"rules": rules, "global_to_local": jnp.asarray(g2l), "weights": weights}


def reference(rules, global_to_local, weights):
    pad_local_tok = weights.shape[0] - 1
    local_rules = jnp.take(global_to_local, rules, axis=0)          # [B, L]
    mask = (local_rules == pad_local_tok)[..., None]                # [B, L, 1]
    emb = jnp.take(weights, local_rules, axis=0)                    # [B, L, 1]
    # masked_fill_(-inf) followed by sigmoid == sigmoid then set masked to 0
    sig = jax.nn.sigmoid(emb)
    sig = jnp.where(mask, 0.0, sig)
    no = 1.0 - jnp.prod(1.0 - sig, axis=1)                          # [B, 1]
    no = jnp.clip(no, 0.0001, 0.99999)
    return no

if __name__ == "__main__":
    import jax
    _d = setup_inputs()
    print(jax.jit(kernel)(*tuple(_d.values())))

</pallas_src>

<mosaic_0001>
#map = affine_map<(d0, d1) -> (0, 0)>
#map1 = affine_map<(d0, d1) -> (0)>
module attributes {stable_mosaic.version = 14 : i64} {
  func.func @run(%arg0: i32, %arg1: i32, %arg2: memref<200x16384xi32, #tpu.memory_space<hbm>>, %arg3: memref<100001xi32, #tpu.memory_space<hbm>>, %arg4: memref<8193xf32, #tpu.memory_space<hbm>>, %arg5: memref<16384xf32, #tpu.memory_space<hbm>>, %arg6: memref<8448xf32, #tpu.memory_space<vmem>>, %arg7: memref<1568xi32, #tpu.memory_space<vmem>>, %arg8: memref<1568xi32, #tpu.memory_space<vmem>>, %arg9: memref<50176xi32, #tpu.memory_space<vmem>>, %arg10: memref<50176xi32, #tpu.memory_space<vmem_shared>>, %arg11: memref<8448xf32, #tpu.memory_space<vmem_shared>>, %arg12: memref<200x128xi32, #tpu.memory_space<vmem>>, %arg13: memref<200x128xi32, #tpu.memory_space<vmem>>, %arg14: memref<512xf32, #tpu.memory_space<vmem>>, %arg15: memref<!tpu.dma_semaphore, #tpu.memory_space<semaphore_mem>>, %arg16: memref<!tpu.dma_semaphore, #tpu.memory_space<semaphore_mem>>, %arg17: memref<!tpu.dma_semaphore, #tpu.memory_space<semaphore_mem>>, %arg18: memref<!tpu.dma_semaphore, #tpu.memory_space<semaphore_mem>>, %arg19: memref<!tpu.dma_semaphore, #tpu.memory_space<semaphore_mem>>) attributes {dimension_semantics = [#tpu.dimension_semantics<core_parallel>, #tpu.dimension_semantics<subcore_parallel>], iteration_bounds = array<i64: 2, 16>, scalar_prefetch = 0 : i64, scratch_operands = 14 : i64, tpu.core_type = #tpu.core_type<sc_vector_subcore>, window_params = [{transform_indices = #map}, {transform_indices = #map1}, {transform_indices = #map1}, {transform_indices = #map1}]} {
    %mul3A = arith.constant 2 : i32
    %mul3A_0 = arith.muli %arg1, %mul3A : i32
    %add3A = arith.addi %mul3A_0, %arg0 : i32
    %iota3A = tpu.iota {dimensions = array<i32: 0>} : vector<16xi32>
    %mul3A_1 = arith.constant 512 : i32
    %mul3A_2 = arith.muli %add3A, %mul3A_1 : i32
    "tpu.trace_start"() <{level = 10 : i32, message = "build"}> : () -> ()
    %dma_start3A = arith.constant 0 : i32
    %dma_start3A_3 = tpu.memref_slice %arg6[%dma_start3A] : memref<8448xf32, #tpu.memory_space<vmem>> -> memref<8192xf32, #tpu.memory_space<vmem>>
    %dma_start3A_4 = arith.constant 0 : i32
    %dma_start3A_5 = tpu.memref_slice %arg4[%dma_start3A_4] : memref<8193xf32, #tpu.memory_space<hbm>> -> memref<8192xf32, #tpu.memory_space<hbm>>
    %dma_start3A_6 = arith.constant 0 : i32
    %dma_start3A_7 = tpu.memref_slice %arg6[%dma_start3A_6] : memref<8448xf32, #tpu.memory_space<vmem>> -> memref<8192xf32, #tpu.memory_space<vmem>>
    %dma_start3A_8 = arith.constant 0 : i32
    %dma_start3A_9 = tpu.memref_slice %arg4[%dma_start3A_8] : memref<8193xf32, #tpu.memory_space<hbm>> -> memref<8192xf32, #tpu.memory_space<hbm>>
    tpu.enqueue_dma source(%dma_start3A_9 : memref<8192xf32, #tpu.memory_space<hbm>>) target(%dma_start3A_7 : memref<8192xf32, #tpu.memory_space<vmem>>) target_semaphore(%arg19 : memref<!tpu.dma_semaphore, #tpu.memory_space<semaphore_mem>>)
    %lt3A = arith.constant 15 : i32
    %lt3A_10 = arith.cmpi slt, %arg1, %lt3A : i32
    %convert_element_type3A = arith.extui %lt3A_10 : i1 to i32
    %cond3A = arith.constant 0 : i32
    %cond3A_11 = arith.cmpi ne, %convert_element_type3A, %cond3A : i32
    scf.if %cond3A_11 {
      %mul3A_579 = arith.constant 6272 : i32
      %mul3A_580 = arith.muli %arg1, %mul3A_579 : i32
      %add3A_581 = arith.constant 0 : i32
      %add3A_582 = arith.addi %mul3A_580, %add3A_581 : i32
      %dma_start3A_583 = arith.constant 0 : i32
      %dma_start3A_584 = tpu.memref_slice %arg7[%dma_start3A_583] : memref<1568xi32, #tpu.memory_space<vmem>> -> memref<1568xi32, #tpu.memory_space<vmem>>
      %dma_start3A_585 = tpu.memref_slice %arg3[%add3A_582] : memref<100001xi32, #tpu.memory_space<hbm>> -> memref<1568xi32, #tpu.memory_space<hbm>>
      %dma_start3A_586 = arith.constant 0 : i32
      %dma_start3A_587 = tpu.memref_slice %arg7[%dma_start3A_586] : memref<1568xi32, #tpu.memory_space<vmem>> -> memref<1568xi32, #tpu.memory_space<vmem>>
      %dma_start3A_588 = tpu.memref_slice %arg3[%add3A_582] : memref<100001xi32, #tpu.memory_space<hbm>> -> memref<1568xi32, #tpu.memory_space<hbm>>
      tpu.enqueue_dma source(%dma_start3A_588 : memref<1568xi32, #tpu.memory_space<hbm>>) target(%dma_start3A_587 : memref<1568xi32, #tpu.memory_space<vmem>>) target_semaphore(%arg17 : memref<!tpu.dma_semaphore, #tpu.memory_space<semaphore_mem>>)
    } else {
    }
    %eq3A = arith.constant 15 : i32
    %eq3A_12 = arith.cmpi eq, %arg1, %eq3A : i32
    %convert_element_type3A_13 = arith.extui %eq3A_12 : i1 to i32
    %cond3A_14 = arith.constant 0 : i32
    %cond3A_15 = arith.cmpi ne, %convert_element_type3A_13, %cond3A_14 : i32
    scf.if %cond3A_15 {
      %dma_start3A_579 = arith.constant 0 : i32
      %dma_start3A_580 = tpu.memref_slice %arg7[%dma_start3A_579] : memref<1568xi32, #tpu.memory_space<vmem>> -> memref<1568xi32, #tpu.memory_space<vmem>>
      %dma_start3A_581 = arith.constant 94080 : i32
      %dma_start3A_582 = tpu.memref_slice %arg3[%dma_start3A_581] : memref<100001xi32, #tpu.memory_space<hbm>> -> memref<1568xi32, #tpu.memory_space<hbm>>
      %dma_start3A_583 = arith.constant 0 : i32
      %dma_start3A_584 = tpu.memref_slice %arg7[%dma_start3A_583] : memref<1568xi32, #tpu.memory_space<vmem>> -> memref<1568xi32, #tpu.memory_space<vmem>>
      %dma_start3A_585 = arith.constant 94080 : i32
      %dma_start3A_586 = tpu.memref_slice %arg3[%dma_start3A_585] : memref<100001xi32, #tpu.memory_space<hbm>> -> memref<1568xi32, #tpu.memory_space<hbm>>
      tpu.enqueue_dma source(%dma_start3A_586 : memref<1568xi32, #tpu.memory_space<hbm>>) target(%dma_start3A_584 : memref<1568xi32, #tpu.memory_space<vmem>>) target_semaphore(%arg17 : memref<!tpu.dma_semaphore, #tpu.memory_space<semaphore_mem>>)
    } else {
    }
    %lt3A_16 = arith.constant 15 : i32
    %lt3A_17 = arith.cmpi slt, %arg1, %lt3A_16 : i32
    %convert_element_type3A_18 = arith.extui %lt3A_17 : i1 to i32
    %cond3A_19 = arith.constant 0 : i32
    %cond3A_20 = arith.cmpi ne, %convert_element_type3A_18, %cond3A_19 : i32
    scf.if %cond3A_20 {
      %mul3A_579 = arith.constant 6272 : i32
      %mul3A_580 = arith.muli %arg1, %mul3A_579 : i32
      %add3A_581 = arith.constant 1568 : i32
      %add3A_582 = arith.addi %mul3A_580, %add3A_581 : i32
      %dma_start3A_583 = arith.constant 0 : i32
      %dma_start3A_584 = tpu.memref_slice %arg8[%dma_start3A_583] : memref<1568xi32, #tpu.memory_space<vmem>> -> memref<1568xi32, #tpu.memory_space<vmem>>
      %dma_start3A_585 = tpu.memref_slice %arg3[%add3A_582] : memref<100001xi32, #tpu.memory_space<hbm>> -> memref<1568xi32, #tpu.memory_space<hbm>>
      %dma_start3A_586 = arith.constant 0 : i32
      %dma_start3A_587 = tpu.memref_slice %arg8[%dma_start3A_586] : memref<1568xi32, #tpu.memory_space<vmem>> -> memref<1568xi32, #tpu.memory_space<vmem>>
      %dma_start3A_588 = tpu.memref_slice %arg3[%add3A_582] : memref<100001xi32, #tpu.memory_space<hbm>> -> memref<1568xi32, #tpu.memory_space<hbm>>
      tpu.enqueue_dma source(%dma_start3A_588 : memref<1568xi32, #tpu.memory_space<hbm>>) target(%dma_start3A_587 : memref<1568xi32, #tpu.memory_space<vmem>>) target_semaphore(%arg18 : memref<!tpu.dma_semaphore, #tpu.memory_space<semaphore_mem>>)
    } else {
    }
    %eq3A_21 = arith.constant 15 : i32
    %eq3A_22 = arith.cmpi eq, %arg1, %eq3A_21 : i32
    %convert_element_type3A_23 = arith.extui %eq3A_22 : i1 to i32
    %cond3A_24 = arith.constant 0 : i32
    %cond3A_25 = arith.cmpi ne, %convert_element_type3A_23, %cond3A_24 : i32
    scf.if %cond3A_25 {
      %dma_start3A_579 = arith.constant 0 : i32
      %dma_start3A_580 = tpu.memref_slice %arg8[%dma_start3A_579] : memref<1568xi32, #tpu.memory_space<vmem>> -> memref<1568xi32, #tpu.memory_space<vmem>>
      %dma_start3A_581 = arith.constant 95648 : i32
      %dma_start3A_582 = tpu.memref_slice %arg3[%dma_start3A_581] : memref<100001xi32, #tpu.memory_space<hbm>> -> memref<1568xi32, #tpu.memory_space<hbm>>
      %dma_start3A_583 = arith.constant 0 : i32
      %dma_start3A_584 = tpu.memref_slice %arg8[%dma_start3A_583] : memref<1568xi32, #tpu.memory_space<vmem>> -> memref<1568xi32, #tpu.memory_space<vmem>>
      %dma_start3A_585 = arith.constant 95648 : i32
      %dma_start3A_586 = tpu.memref_slice %arg3[%dma_start3A_585] : memref<100001xi32, #tpu.memory_space<hbm>> -> memref<1568xi32, #tpu.memory_space<hbm>>
      tpu.enqueue_dma source(%dma_start3A_586 : memref<1568xi32, #tpu.memory_space<hbm>>) target(%dma_start3A_584 : memref<1568xi32, #tpu.memory_space<vmem>>) target_semaphore(%arg18 : memref<!tpu.dma_semaphore, #tpu.memory_space<semaphore_mem>>)
    } else {
    }
    %mul3A_26 = arith.constant 528 : i32
    %mul3A_27 = arith.muli %arg1, %mul3A_26 : i32
    %dma_wait3A = arith.constant 0 : i32
    %dma_wait3A_28 = tpu.memref_slice %arg6[%dma_wait3A] : memref<8448xf32, #tpu.memory_space<vmem>> -> memref<8192xf32, #tpu.memory_space<vmem>>
    %dma_wait3A_29 = arith.constant 0 : i32
    %dma_wait3A_30 = tpu.memref_slice %arg4[%dma_wait3A_29] : memref<8193xf32, #tpu.memory_space<hbm>> -> memref<8192xf32, #tpu.memory_space<hbm>>
    %dma_wait3A_31 = arith.constant 0 : i32
    %dma_wait3A_32 = tpu.memref_slice %arg6[%dma_wait3A_31] : memref<8448xf32, #tpu.memory_space<vmem>> -> memref<8192xf32, #tpu.memory_space<vmem>>
    %dma_wait3A_33 = arith.constant 0 : i32
    %dma_wait3A_34 = tpu.memref_slice %arg4[%dma_wait3A_33] : memref<8193xf32, #tpu.memory_space<hbm>> -> memref<8192xf32, #tpu.memory_space<hbm>>
    tpu.wait_dma2 semaphore(%arg19 : memref<!tpu.dma_semaphore, #tpu.memory_space<semaphore_mem>>) src(%dma_wait3A_34 : memref<8192xf32, #tpu.memory_space<hbm>>) dst(%dma_wait3A_32 : memref<8192xf32, #tpu.memory_space<vmem>>)
    %parallel_loop3A = arith.constant 0 : i32
    %parallel_loop3A_35 = arith.constant 33 : i32
    %parallel_loop3A_36 = arith.constant 1 : i32
    scf.for %parallel_loop3A_579 = %parallel_loop3A to %parallel_loop3A_35 step %parallel_loop3A_36  : i32 {
      %parallel_loop3A_580 = arith.constant 16 : i32
      %parallel_loop3A_581 = arith.muli %parallel_loop3A_579, %parallel_loop3A_580 : i32
      %parallel_loop3A_582 = arith.addi %mul3A_27, %parallel_loop3A_581 : i32
      %parallel_loop3A_583 = arith.index_cast %parallel_loop3A_582 : i32 to index
      %parallel_loop3A_584 = tpu.vector_load %arg6[%parallel_loop3A_583] {strides = array<i32>} : memref<8448xf32, #tpu.memory_space<vmem>>, vector<16xf32>,
      %parallel_loop3A_585 = math.exp %parallel_loop3A_584 : vector<16xf32>
      %parallel_loop3A_586 = arith.constant 1.000000e+00 : f32
      %parallel_loop3A_587 = vector.broadcast %parallel_loop3A_586 : f32 to vector<16xf32>
      %parallel_loop3A_588 = arith.addf %parallel_loop3A_587, %parallel_loop3A_585 : vector<16xf32>
      %parallel_loop3A_589 = arith.constant 1.000000e+00 : f32
      %parallel_loop3A_590 = vector.broadcast %parallel_loop3A_589 : f32 to vector<16xf32>
      %parallel_loop3A_591 = arith.divf %parallel_loop3A_590, %parallel_loop3A_588 : vector<16xf32>
      %parallel_loop3A_592 = arith.constant 16 : i32
      %parallel_loop3A_593 = arith.muli %parallel_loop3A_579, %parallel_loop3A_592 : i32
      %parallel_loop3A_594 = arith.addi %mul3A_27, %parallel_loop3A_593 : i32
      %parallel_loop3A_595 = vector.broadcast %parallel_loop3A_594 : i32 to vector<16xi32>
      %parallel_loop3A_596 = arith.addi %parallel_loop3A_595, %iota3A : vector<16xi32>
      %parallel_loop3A_597 = arith.constant 8192 : i32
      %parallel_loop3A_598 = vector.broadcast %parallel_loop3A_597 : i32 to vector<16xi32>
      %parallel_loop3A_599 = arith.cmpi sge, %parallel_loop3A_596, %parallel_loop3A_598 : vector<16xi32>
      %parallel_loop3A_600 = arith.constant 1.000000e+00 : f32
      %parallel_loop3A_601 = vector.broadcast %parallel_loop3A_600 : f32 to vector<16xf32>
      %parallel_loop3A_602 = arith.select %parallel_loop3A_599, %parallel_loop3A_601, %parallel_loop3A_591 : vector<16xi1>, vector<16xf32>
      %parallel_loop3A_603 = arith.constant 16 : i32
      %parallel_loop3A_604 = arith.muli %parallel_loop3A_579, %parallel_loop3A_603 : i32
      %parallel_loop3A_605 = arith.addi %mul3A_27, %parallel_loop3A_604 : i32
      %parallel_loop3A_606 = arith.index_cast %parallel_loop3A_605 : i32 to index
      %parallel_loop3A_607 = tpu.vector_load %arg6[%parallel_loop3A_606] {strides = array<i32>} : memref<8448xf32, #tpu.memory_space<vmem>>, vector<16xf32>,
      tpu.vector_store %arg6[%parallel_loop3A_606], %parallel_loop3A_602 {strides = array<i32>} : memref<8448xf32, #tpu.memory_space<vmem>>, vector<16xf32>,
    } {sc.loop_unroll_factor = 2 : i64, sc.parallel_access}
    "tpu.region"() ({
      %run_scoped3A = tpu.sem_alloc : memref<!tpu.dma_semaphore, #tpu.memory_space<semaphore_mem>>
      %dma_start3A_579 = tpu.memref_slice %arg6[%mul3A_27] : memref<8448xf32, #tpu.memory_space<vmem>> -> memref<528xf32, #tpu.memory_space<vmem>>
      %dma_start3A_580 = tpu.memref_slice %arg11[%mul3A_27] : memref<8448xf32, #tpu.memory_space<vmem_shared>> -> memref<528xf32, #tpu.memory_space<vmem_shared>>
      %dma_start3A_581 = tpu.memref_slice %arg11[%mul3A_27] : memref<8448xf32, #tpu.memory_space<vmem_shared>> -> memref<528xf32, #tpu.memory_space<vmem_shared>>
      %dma_start3A_582 = tpu.memref_slice %arg6[%mul3A_27] : memref<8448xf32, #tpu.memory_space<vmem>> -> memref<528xf32, #tpu.memory_space<vmem>>
      tpu.enqueue_dma source(%dma_start3A_582 : memref<528xf32, #tpu.memory_space<vmem>>) target(%dma_start3A_581 : memref<528xf32, #tpu.memory_space<vmem_shared>>) target_semaphore(%run_scoped3A : memref<!tpu.dma_semaphore, #tpu.memory_space<semaphore_mem>>)
      %dma_wait3A_583 = tpu.memref_slice %arg6[%mul3A_27] : memref<8448xf32, #tpu.memory_space<vmem>> -> memref<528xf32, #tpu.memory_space<vmem>>
      %dma_wait3A_584 = tpu.memref_slice %arg11[%mul3A_27] : memref<8448xf32, #tpu.memory_space<vmem_shared>> -> memref<528xf32, #tpu.memory_space<vmem_shared>>
      %dma_wait3A_585 = tpu.memref_slice %arg11[%mul3A_27] : memref<8448xf32, #tpu.memory_space<vmem_shared>> -> memref<528xf32, #tpu.memory_space<vmem_shared>>
      %dma_wait3A_586 = tpu.memref_slice %arg6[%mul3A_27] : memref<8448xf32, #tpu.memory_space<vmem>> -> memref<528xf32, #tpu.memory_space<vmem>>
      tpu.wait_dma2 semaphore(%run_scoped3A : memref<!tpu.dma_semaphore, #tpu.memory_space<semaphore_mem>>) src(%dma_wait3A_586 : memref<528xf32, #tpu.memory_space<vmem>>) dst(%dma_wait3A_585 : memref<528xf32, #tpu.memory_space<vmem_shared>>)
      tpu.yield
    }) : () -> ()
    %barrier3A = arith.constant 0 : index
    tpu.barrier barrier_id(%barrier3A)
    "tpu.region"() ({
      %run_scoped3A = tpu.sem_alloc : memref<!tpu.dma_semaphore, #tpu.memory_space<semaphore_mem>>
      tpu.enqueue_dma source(%arg11 : memref<8448xf32, #tpu.memory_space<vmem_shared>>) target(%arg6 : memref<8448xf32, #tpu.memory_space<vmem>>) target_semaphore(%run_scoped3A : memref<!tpu.dma_semaphore, #tpu.memory_space<semaphore_mem>>)
      tpu.wait_dma2 semaphore(%run_scoped3A : memref<!tpu.dma_semaphore, #tpu.memory_space<semaphore_mem>>) src(%arg11 : memref<8448xf32, #tpu.memory_space<vmem_shared>>) dst(%arg6 : memref<8448xf32, #tpu.memory_space<vmem>>)
      tpu.yield
    }) : () -> ()
    %barrier3A_37 = arith.constant 0 : index
    tpu.barrier barrier_id(%barrier3A_37)
    %add3A_38 = arith.constant 0 : i32
    %add3A_39 = arith.addi %mul3A_2, %add3A_38 : i32
    %dma_start3A_40 = arith.constant 0 : i32
    %dma_start3A_41 = tpu.memref_slice %arg2[%dma_start3A_40, %add3A_39] : memref<200x16384xi32, #tpu.memory_space<hbm>> -> memref<200x128xi32, #tpu.memory_space<hbm>>
    %dma_start3A_42 = arith.constant 0 : i32
    %dma_start3A_43 = tpu.memref_slice %arg2[%dma_start3A_42, %add3A_39] : memref<200x16384xi32, #tpu.memory_space<hbm>> -> memref<200x128xi32, #tpu.memory_space<hbm>>
    tpu.enqueue_dma source(%dma_start3A_43 : memref<200x128xi32, #tpu.memory_space<hbm>>) target(%arg12 : memref<200x128xi32, #tpu.memory_space<vmem>>) target_semaphore(%arg15 : memref<!tpu.dma_semaphore, #tpu.memory_space<semaphore_mem>>)
    %add3A_44 = arith.constant 128 : i32
    %add3A_45 = arith.addi %mul3A_2, %add3A_44 : i32
    %dma_start3A_46 = arith.constant 0 : i32
    %dma_start3A_47 = tpu.memref_slice %arg2[%dma_start3A_46, %add3A_45] : memref<200x16384xi32, #tpu.memory_space<hbm>> -> memref<200x128xi32, #tpu.memory_space<hbm>>
    %dma_start3A_48 = arith.constant 0 : i32
    %dma_start3A_49 = tpu.memref_slice %arg2[%dma_start3A_48, %add3A_45] : memref<200x16384xi32, #tpu.memory_space<hbm>> -> memref<200x128xi32, #tpu.memory_space<hbm>>
    tpu.enqueue_dma source(%dma_start3A_49 : memref<200x128xi32, #tpu.memory_space<hbm>>) target(%arg13 : memref<200x128xi32, #tpu.memory_space<vmem>>) target_semaphore(%arg16 : memref<!tpu.dma_semaphore, #tpu.memory_space<semaphore_mem>>)
    %eq3A_50 = arith.constant 15 : i32
    %eq3A_51 = arith.cmpi eq, %arg1, %eq3A_50 : i32
    %jit3A = arith.constant 5920 : i32
    %jit3A_52 = arith.constant 6272 : i32
    %select_n3A = arith.select %eq3A_51, %jit3A, %jit3A_52 : i32
    %mul3A_53 = arith.constant 2 : i32
    %mul3A_54 = vector.broadcast %mul3A_53 : i32 to vector<16xi32>
    %mul3A_55 = arith.muli %iota3A, %mul3A_54 : vector<16xi32>
    %lt3A_56 = arith.constant 15 : i32
    %lt3A_57 = arith.cmpi slt, %arg1, %lt3A_56 : i32
    %convert_element_type3A_58 = arith.extui %lt3A_57 : i1 to i32
    %cond3A_59 = arith.constant 0 : i32
    %cond3A_60 = arith.cmpi ne, %convert_element_type3A_58, %cond3A_59 : i32
    scf.if %cond3A_60 {
      %dma_wait3A_579 = arith.constant 0 : i32
      %dma_wait3A_580 = tpu.memref_slice %arg7[%dma_wait3A_579] : memref<1568xi32, #tpu.memory_space<vmem>> -> memref<1568xi32, #tpu.memory_space<vmem>>
      %dma_wait3A_581 = arith.constant 0 : i32
      %dma_wait3A_582 = tpu.memref_slice %arg3[%dma_wait3A_581] : memref<100001xi32, #tpu.memory_space<hbm>> -> memref<1568xi32, #tpu.memory_space<hbm>>
      %dma_wait3A_583 = arith.constant 0 : i32
      %dma_wait3A_584 = tpu.memref_slice %arg7[%dma_wait3A_583] : memref<1568xi32, #tpu.memory_space<vmem>> -> memref<1568xi32, #tpu.memory_space<vmem>>
      %dma_wait3A_585 = arith.constant 0 : i32
      %dma_wait3A_586 = tpu.memref_slice %arg3[%dma_wait3A_585] : memref<100001xi32, #tpu.memory_space<hbm>> -> memref<1568xi32, #tpu.memory_space<hbm>>
      tpu.wait_dma2 semaphore(%arg17 : memref<!tpu.dma_semaphore, #tpu.memory_space<semaphore_mem>>) src(%dma_wait3A_586 : memref<1568xi32, #tpu.memory_space<hbm>>) dst(%dma_wait3A_584 : memref<1568xi32, #tpu.memory_space<vmem>>)
    } else {
    }
    %eq3A_61 = arith.constant 15 : i32
    %eq3A_62 = arith.cmpi eq, %arg1, %eq3A_61 : i32
    %convert_element_type3A_63 = arith.extui %eq3A_62 : i1 to i32
    %cond3A_64 = arith.constant 0 : i32
    %cond3A_65 = arith.cmpi ne, %convert_element_type3A_63, %cond3A_64 : i32
    scf.if %cond3A_65 {
      %dma_wait3A_579 = arith.constant 0 : i32
      %dma_wait3A_580 = tpu.memref_slice %arg7[%dma_wait3A_579] : memref<1568xi32, #tpu.memory_space<vmem>> -> memref<1568xi32, #tpu.memory_space<vmem>>
      %dma_wait3A_581 = arith.constant 0 : i32
      %dma_wait3A_582 = tpu.memref_slice %arg3[%dma_wait3A_581] : memref<100001xi32, #tpu.memory_space<hbm>> -> memref<1568xi32, #tpu.memory_space<hbm>>
      %dma_wait3A_583 = arith.constant 0 : i32
      %dma_wait3A_584 = tpu.memref_slice %arg7[%dma_wait3A_583] : memref<1568xi32, #tpu.memory_space<vmem>> -> memref<1568xi32, #tpu.memory_space<vmem>>
      %dma_wait3A_585 = arith.constant 0 : i32
      %dma_wait3A_586 = tpu.memref_slice %arg3[%dma_wait3A_585] : memref<100001xi32, #tpu.memory_space<hbm>> -> memref<1568xi32, #tpu.memory_space<hbm>>
      tpu.wait_dma2 semaphore(%arg17 : memref<!tpu.dma_semaphore, #tpu.memory_space<semaphore_mem>>) src(%dma_wait3A_586 : memref<1568xi32, #tpu.memory_space<hbm>>) dst(%dma_wait3A_584 : memref<1568xi32, #tpu.memory_space<vmem>>)
    } else {
    }
    %lt3A_66 = arith.constant 15 : i32
    %lt3A_67 = arith.cmpi slt, %arg1, %lt3A_66 : i32
    %convert_element_type3A_68 = arith.extui %lt3A_67 : i1 to i32
    %cond3A_69 = arith.constant 0 : i32
    %cond3A_70 = arith.cmpi ne, %convert_element_type3A_68, %cond3A_69 : i32
    scf.if %cond3A_70 {
      %mul3A_579 = arith.constant 6272 : i32
      %mul3A_580 = arith.muli %arg1, %mul3A_579 : i32
      %add3A_581 = arith.constant 3136 : i32
      %add3A_582 = arith.addi %mul3A_580, %add3A_581 : i32
      %dma_start3A_583 = arith.constant 0 : i32
      %dma_start3A_584 = tpu.memref_slice %arg7[%dma_start3A_583] : memref<1568xi32, #tpu.memory_space<vmem>> -> memref<1568xi32, #tpu.memory_space<vmem>>
      %dma_start3A_585 = tpu.memref_slice %arg3[%add3A_582] : memref<100001xi32, #tpu.memory_space<hbm>> -> memref<1568xi32, #tpu.memory_space<hbm>>
      %dma_start3A_586 = arith.constant 0 : i32
      %dma_start3A_587 = tpu.memref_slice %arg7[%dma_start3A_586] : memref<1568xi32, #tpu.memory_space<vmem>> -> memref<1568xi32, #tpu.memory_space<vmem>>
      %dma_start3A_588 = tpu.memref_slice %arg3[%add3A_582] : memref<100001xi32, #tpu.memory_space<hbm>> -> memref<1568xi32, #tpu.memory_space<hbm>>
      tpu.enqueue_dma source(%dma_start3A_588 : memref<1568xi32, #tpu.memory_space<hbm>>) target(%dma_start3A_587 : memref<1568xi32, #tpu.memory_space<vmem>>) target_semaphore(%arg17 : memref<!tpu.dma_semaphore, #tpu.memory_space<semaphore_mem>>)
    } else {
    }
    %eq3A_71 = arith.constant 15 : i32
    %eq3A_72 = arith.cmpi eq, %arg1, %eq3A_71 : i32
    %convert_element_type3A_73 = arith.extui %eq3A_72 : i1 to i32
    %cond3A_74 = arith.constant 0 : i32
    %cond3A_75 = arith.cmpi ne, %convert_element_type3A_73, %cond3A_74 : i32
    scf.if %cond3A_75 {
      %dma_start3A_579 = arith.constant 0 : i32
      %dma_start3A_580 = tpu.memref_slice %arg7[%dma_start3A_579] : memref<1568xi32, #tpu.memory_space<vmem>> -> memref<1568xi32, #tpu.memory_space<vmem>>
      %dma_start3A_581 = arith.constant 97216 : i32
      %dma_start3A_582 = tpu.memref_slice %arg3[%dma_start3A_581] : memref<100001xi32, #tpu.memory_space<hbm>> -> memref<1568xi32, #tpu.memory_space<hbm>>
      %dma_start3A_583 = arith.constant 0 : i32
      %dma_start3A_584 = tpu.memref_slice %arg7[%dma_start3A_583] : memref<1568xi32, #tpu.memory_space<vmem>> -> memref<1568xi32, #tpu.memory_space<vmem>>
      %dma_start3A_585 = arith.constant 97216 : i32
      %dma_start3A_586 = tpu.memref_slice %arg3[%dma_start3A_585] : memref<100001xi32, #tpu.memory_space<hbm>> -> memref<1568xi32, #tpu.memory_space<hbm>>
      tpu.enqueue_dma source(%dma_start3A_586 : memref<1568xi32, #tpu.memory_space<hbm>>) target(%dma_start3A_584 : memref<1568xi32, #tpu.memory_space<vmem>>) target_semaphore(%arg17 : memref<!tpu.dma_semaphore, #tpu.memory_space<semaphore_mem>>)
    } else {
    }
    %sub3A = arith.constant 0 : i32
    %sub3A_76 = arith.subi %select_n3A, %sub3A : i32
    %parallel_loop3A_77 = arith.constant 0 : i32
    %parallel_loop3A_78 = arith.constant 49 : i32
    %parallel_loop3A_79 = arith.constant 1 : i32
    scf.for %parallel_loop3A_579 = %parallel_loop3A_77 to %parallel_loop3A_78 step %parallel_loop3A_79  : i32 {
      %parallel_loop3A_580 = arith.constant 2 : i32
      %parallel_loop3A_581 = arith.muli %parallel_loop3A_579, %parallel_loop3A_580 : i32
      %parallel_loop3A_582 = arith.constant 16 : i32
      %parallel_loop3A_583 = arith.muli %parallel_loop3A_581, %parallel_loop3A_582 : i32
      %parallel_loop3A_584 = vector.broadcast %parallel_loop3A_583 : i32 to vector<16xi32>
      %parallel_loop3A_585 = arith.addi %parallel_loop3A_584, %mul3A_55 : vector<16xi32>
      %parallel_loop3A_586 = tpu.vector_load_idx %arg7[%parallel_loop3A_585] : memref<1568xi32, #tpu.memory_space<vmem>>[vector<16xi32>], vector<16xi32>,
      %parallel_loop3A_587 = arith.constant 1 : i32
      %parallel_loop3A_588 = vector.broadcast %parallel_loop3A_587 : i32 to vector<16xi32>
      %parallel_loop3A_589 = arith.addi %parallel_loop3A_585, %parallel_loop3A_588 : vector<16xi32>
      %parallel_loop3A_590 = tpu.vector_load_idx %arg7[%parallel_loop3A_589] : memref<1568xi32, #tpu.memory_space<vmem>>[vector<16xi32>], vector<16xi32>,
      %parallel_loop3A_591 = vector.broadcast %sub3A_76 : i32 to vector<16xi32>
      %parallel_loop3A_592 = arith.cmpi slt, %parallel_loop3A_585, %parallel_loop3A_591 : vector<16xi32>
      %parallel_loop3A_593 = arith.constant 8192 : i32
      %parallel_loop3A_594 = vector.broadcast %parallel_loop3A_593 : i32 to vector<16xi32>
      %parallel_loop3A_595 = arith.select %parallel_loop3A_592, %parallel_loop3A_586, %parallel_loop3A_594 : vector<16xi1>, vector<16xi32>
      %parallel_loop3A_596 = arith.constant 1 : i32
      %parallel_loop3A_597 = vector.broadcast %parallel_loop3A_596 : i32 to vector<16xi32>
      %parallel_loop3A_598 = arith.addi %parallel_loop3A_585, %parallel_loop3A_597 : vector<16xi32>
      %parallel_loop3A_599 = vector.broadcast %sub3A_76 : i32 to vector<16xi32>
      %parallel_loop3A_600 = arith.cmpi slt, %parallel_loop3A_598, %parallel_loop3A_599 : vector<16xi32>
      %parallel_loop3A_601 = arith.constant 8192 : i32
      %parallel_loop3A_602 = vector.broadcast %parallel_loop3A_601 : i32 to vector<16xi32>
      %parallel_loop3A_603 = arith.select %parallel_loop3A_600, %parallel_loop3A_590, %parallel_loop3A_602 : vector<16xi1>, vector<16xi32>
      %parallel_loop3A_604 = tpu.vector_load_idx %arg6[%parallel_loop3A_595] : memref<8448xf32, #tpu.memory_space<vmem>>[vector<16xi32>], vector<16xf32>,
      %parallel_loop3A_605 = tpu.vector_load_idx %arg6[%parallel_loop3A_603] : memref<8448xf32, #tpu.memory_space<vmem>>[vector<16xi32>], vector<16xf32>,
      %parallel_loop3A_606 = tpu.pack_subelements %parallel_loop3A_604, %parallel_loop3A_605 {pack_format = #tpu.pack_format<interleaved>, positions = array<i32: 0, 1>} : vector<16xf32>, vector<16xf32> -> vector<32xbf16>
      %parallel_loop3A_607 = vector.bitcast %parallel_loop3A_606 : vector<32xbf16> to vector<16xi32>
      %parallel_loop3A_608 = arith.constant 16 : i32
      %parallel_loop3A_609 = arith.muli %parallel_loop3A_579, %parallel_loop3A_608 : i32
      %parallel_loop3A_610 = arith.constant 0 : i32
      %parallel_loop3A_611 = arith.addi %parallel_loop3A_610, %parallel_loop3A_609 : i32
      %parallel_loop3A_612 = arith.index_cast %parallel_loop3A_611 : i32 to index
      %parallel_loop3A_613 = tpu.vector_load %arg9[%parallel_loop3A_612] {strides = array<i32>} : memref<50176xi32, #tpu.memory_space<vmem>>, vector<16xi32>,
      tpu.vector_store %arg9[%parallel_loop3A_612], %parallel_loop3A_607 {strides = array<i32>} : memref<50176xi32, #tpu.memory_space<vmem>>, vector<16xi32>,
    } {sc.loop_unroll_factor = 2 : i64, sc.parallel_access}
    %lt3A_80 = arith.constant 15 : i32
    %lt3A_81 = arith.cmpi slt, %arg1, %lt3A_80 : i32
    %convert_element_type3A_82 = arith.extui %lt3A_81 : i1 to i32
    %cond3A_83 = arith.constant 0 : i32
    %cond3A_84 = arith.cmpi ne, %convert_element_type3A_82, %cond3A_83 : i32
    scf.if %cond3A_84 {
      %dma_wait3A_579 = arith.constant 0 : i32
      %dma_wait3A_580 = tpu.memref_slice %arg8[%dma_wait3A_579] : memref<1568xi32, #tpu.memory_space<vmem>> -> memref<1568xi32, #tpu.memory_space<vmem>>
      %dma_wait3A_581 = arith.constant 0 : i32
      %dma_wait3A_582 = tpu.memref_slice %arg3[%dma_wait3A_581] : memref<100001xi32, #tpu.memory_space<hbm>> -> memref<1568xi32, #tpu.memory_space<hbm>>
      %dma_wait3A_583 = arith.constant 0 : i32
      %dma_wait3A_584 = tpu.memref_slice %arg8[%dma_wait3A_583] : memref<1568xi32, #tpu.memory_space<vmem>> -> memref<1568xi32, #tpu.memory_space<vmem>>
      %dma_wait3A_585 = arith.constant 0 : i32
      %dma_wait3A_586 = tpu.memref_slice %arg3[%dma_wait3A_585] : memref<100001xi32, #tpu.memory_space<hbm>> -> memref<1568xi32, #tpu.memory_space<hbm>>
      tpu.wait_dma2 semaphore(%arg18 : memref<!tpu.dma_semaphore, #tpu.memory_space<semaphore_mem>>) src(%dma_wait3A_586 : memref<1568xi32, #tpu.memory_space<hbm>>) dst(%dma_wait3A_584 : memref<1568xi32, #tpu.memory_space<vmem>>)
    } else {
    }
    %eq3A_85 = arith.constant 15 : i32
    %eq3A_86 = arith.cmpi eq, %arg1, %eq3A_85 : i32
    %convert_element_type3A_87 = arith.extui %eq3A_86 : i1 to i32
    %cond3A_88 = arith.constant 0 : i32
    %cond3A_89 = arith.cmpi ne, %convert_element_type3A_87, %cond3A_88 : i32
    scf.if %cond3A_89 {
      %dma_wait3A_579 = arith.constant 0 : i32
      %dma_wait3A_580 = tpu.memref_slice %arg8[%dma_wait3A_579] : memref<1568xi32, #tpu.memory_space<vmem>> -> memref<1568xi32, #tpu.memory_space<vmem>>
      %dma_wait3A_581 = arith.constant 0 : i32
      %dma_wait3A_582 = tpu.memref_slice %arg3[%dma_wait3A_581] : memref<100001xi32, #tpu.memory_space<hbm>> -> memref<1568xi32, #tpu.memory_space<hbm>>
      %dma_wait3A_583 = arith.constant 0 : i32
      %dma_wait3A_584 = tpu.memref_slice %arg8[%dma_wait3A_583] : memref<1568xi32, #tpu.memory_space<vmem>> -> memref<1568xi32, #tpu.memory_space<vmem>>
      %dma_wait3A_585 = arith.constant 0 : i32
      %dma_wait3A_586 = tpu.memref_slice %arg3[%dma_wait3A_585] : memref<100001xi32, #tpu.memory_space<hbm>> -> memref<1568xi32, #tpu.memory_space<hbm>>
      tpu.wait_dma2 semaphore(%arg18 : memref<!tpu.dma_semaphore, #tpu.memory_space<semaphore_mem>>) src(%dma_wait3A_586 : memref<1568xi32, #tpu.memory_space<hbm>>) dst(%dma_wait3A_584 : memref<1568xi32, #tpu.memory_space<vmem>>)
    } else {
    }
    %lt3A_90 = arith.constant 15 : i32
    %lt3A_91 = arith.cmpi slt, %arg1, %lt3A_90 : i32
    %convert_element_type3A_92 = arith.extui %lt3A_91 : i1 to i32
    %cond3A_93 = arith.constant 0 : i32
    %cond3A_94 = arith.cmpi ne, %convert_element_type3A_92, %cond3A_93 : i32
    scf.if %cond3A_94 {
      %mul3A_579 = arith.constant 6272 : i32
      %mul3A_580 = arith.muli %arg1, %mul3A_579 : i32
      %add3A_581 = arith.constant 4704 : i32
      %add3A_582 = arith.addi %mul3A_580, %add3A_581 : i32
      %dma_start3A_583 = arith.constant 0 : i32
      %dma_start3A_584 = tpu.memref_slice %arg8[%dma_start3A_583] : memref<1568xi32, #tpu.memory_space<vmem>> -> memref<1568xi32, #tpu.memory_space<vmem>>
      %dma_start3A_585 = tpu.memref_slice %arg3[%add3A_582] : memref<100001xi32, #tpu.memory_space<hbm>> -> memref<1568xi32, #tpu.memory_space<hbm>>
      %dma_start3A_586 = arith.constant 0 : i32
      %dma_start3A_587 = tpu.memref_slice %arg8[%dma_start3A_586] : memref<1568xi32, #tpu.memory_space<vmem>> -> memref<1568xi32, #tpu.memory_space<vmem>>
      %dma_start3A_588 = tpu.memref_slice %arg3[%add3A_582] : memref<100001xi32, #tpu.memory_space<hbm>> -> memref<1568xi32, #tpu.memory_space<hbm>>
      tpu.enqueue_dma source(%dma_start3A_588 : memref<1568xi32, #tpu.memory_space<hbm>>) target(%dma_start3A_587 : memref<1568xi32, #tpu.memory_space<vmem>>) target_semaphore(%arg18 : memref<!tpu.dma_semaphore, #tpu.memory_space<semaphore_mem>>)
    } else {
    }
    %eq3A_95 = arith.constant 15 : i32
    %eq3A_96 = arith.cmpi eq, %arg1, %eq3A_95 : i32
    %convert_element_type3A_97 = arith.extui %eq3A_96 : i1 to i32
    %cond3A_98 = arith.constant 0 : i32
    %cond3A_99 = arith.cmpi ne, %convert_element_type3A_97, %cond3A_98 : i32
    scf.if %cond3A_99 {
      %dma_start3A_579 = arith.constant 0 : i32
      %dma_start3A_580 = tpu.memref_slice %arg8[%dma_start3A_579] : memref<1568xi32, #tpu.memory_space<vmem>> -> memref<1216xi32, #tpu.memory_space<vmem>>
      %dma_start3A_581 = arith.constant 98784 : i32
      %dma_start3A_582 = tpu.memref_slice %arg3[%dma_start3A_581] : memref<100001xi32, #tpu.memory_space<hbm>> -> memref<1216xi32, #tpu.memory_space<hbm>>
      %dma_start3A_583 = arith.constant 0 : i32
      %dma_start3A_584 = tpu.memref_slice %arg8[%dma_start3A_583] : memref<1568xi32, #tpu.memory_space<vmem>> -> memref<1216xi32, #tpu.memory_space<vmem>>
      %dma_start3A_585 = arith.constant 98784 : i32
      %dma_start3A_586 = tpu.memref_slice %arg3[%dma_start3A_585] : memref<100001xi32, #tpu.memory_space<hbm>> -> memref<1216xi32, #tpu.memory_space<hbm>>
      tpu.enqueue_dma source(%dma_start3A_586 : memref<1216xi32, #tpu.memory_space<hbm>>) target(%dma_start3A_584 : memref<1216xi32, #tpu.memory_space<vmem>>) target_semaphore(%arg18 : memref<!tpu.dma_semaphore, #tpu.memory_space<semaphore_mem>>)
    } else {
    }
    %sub3A_100 = arith.constant 1568 : i32
    %sub3A_101 = arith.subi %select_n3A, %sub3A_100 : i32
    %parallel_loop3A_102 = arith.constant 0 : i32
    %parallel_loop3A_103 = arith.constant 49 : i32
    %parallel_loop3A_104 = arith.constant 1 : i32
    scf.for %parallel_loop3A_579 = %parallel_loop3A_102 to %parallel_loop3A_103 step %parallel_loop3A_104  : i32 {
      %parallel_loop3A_580 = arith.constant 2 : i32
      %parallel_loop3A_581 = arith.muli %parallel_loop3A_579, %parallel_loop3A_580 : i32
      %parallel_loop3A_582 = arith.constant 16 : i32
      %parallel_loop3A_583 = arith.muli %parallel_loop3A_581, %parallel_loop3A_582 : i32
      %parallel_loop3A_584 = vector.broadcast %parallel_loop3A_583 : i32 to vector<16xi32>
      %parallel_loop3A_585 = arith.addi %parallel_loop3A_584, %mul3A_55 : vector<16xi32>
      %parallel_loop3A_586 = tpu.vector_load_idx %arg8[%parallel_loop3A_585] : memref<1568xi32, #tpu.memory_space<vmem>>[vector<16xi32>], vector<16xi32>,
      %parallel_loop3A_587 = arith.constant 1 : i32
      %parallel_loop3A_588 = vector.broadcast %parallel_loop3A_587 : i32 to vector<16xi32>
      %parallel_loop3A_589 = arith.addi %parallel_loop3A_585, %parallel_loop3A_588 : vector<16xi32>
      %parallel_loop3A_590 = tpu.vector_load_idx %arg8[%parallel_loop3A_589] : memref<1568xi32, #tpu.memory_space<vmem>>[vector<16xi32>], vector<16xi32>,
      %parallel_loop3A_591 = vector.broadcast %sub3A_101 : i32 to vector<16xi32>
      %parallel_loop3A_592 = arith.cmpi slt, %parallel_loop3A_585, %parallel_loop3A_591 : vector<16xi32>
      %parallel_loop3A_593 = arith.constant 8192 : i32
      %parallel_loop3A_594 = vector.broadcast %parallel_loop3A_593 : i32 to vector<16xi32>
      %parallel_loop3A_595 = arith.select %parallel_loop3A_592, %parallel_loop3A_586, %parallel_loop3A_594 : vector<16xi1>, vector<16xi32>
      %parallel_loop3A_596 = arith.constant 1 : i32
      %parallel_loop3A_597 = vector.broadcast %parallel_loop3A_596 : i32 to vector<16xi32>
      %parallel_loop3A_598 = arith.addi %parallel_loop3A_585, %parallel_loop3A_597 : vector<16xi32>
      %parallel_loop3A_599 = vector.broadcast %sub3A_101 : i32 to vector<16xi32>
      %parallel_loop3A_600 = arith.cmpi slt, %parallel_loop3A_598, %parallel_loop3A_599 : vector<16xi32>
      %parallel_loop3A_601 = arith.constant 8192 : i32
      %parallel_loop3A_602 = vector.broadcast %parallel_loop3A_601 : i32 to vector<16xi32>
      %parallel_loop3A_603 = arith.select %parallel_loop3A_600, %parallel_loop3A_590, %parallel_loop3A_602 : vector<16xi1>, vector<16xi32>
      %parallel_loop3A_604 = tpu.vector_load_idx %arg6[%parallel_loop3A_595] : memref<8448xf32, #tpu.memory_space<vmem>>[vector<16xi32>], vector<16xf32>,
      %parallel_loop3A_605 = tpu.vector_load_idx %arg6[%parallel_loop3A_603] : memref<8448xf32, #tpu.memory_space<vmem>>[vector<16xi32>], vector<16xf32>,
      %parallel_loop3A_606 = tpu.pack_subelements %parallel_loop3A_604, %parallel_loop3A_605 {pack_format = #tpu.pack_format<interleaved>, positions = array<i32: 0, 1>} : vector<16xf32>, vector<16xf32> -> vector<32xbf16>
      %parallel_loop3A_607 = vector.bitcast %parallel_loop3A_606 : vector<32xbf16> to vector<16xi32>
      %parallel_loop3A_608 = arith.constant 16 : i32
      %parallel_loop3A_609 = arith.muli %parallel_loop3A_579, %parallel_loop3A_608 : i32
      %parallel_loop3A_610 = arith.constant 784 : i32
      %parallel_loop3A_611 = arith.addi %parallel_loop3A_610, %parallel_loop3A_609 : i32
      %parallel_loop3A_612 = arith.index_cast %parallel_loop3A_611 : i32 to index
      %parallel_loop3A_613 = tpu.vector_load %arg9[%parallel_loop3A_612] {strides = array<i32>} : memref<50176xi32, #tpu.memory_space<vmem>>, vector<16xi32>,
      tpu.vector_store %arg9[%parallel_loop3A_612], %parallel_loop3A_607 {strides = array<i32>} : memref<50176xi32, #tpu.memory_space<vmem>>, vector<16xi32>,
    } {sc.loop_unroll_factor = 2 : i64, sc.parallel_access}
    %lt3A_105 = arith.constant 15 : i32
    %lt3A_106 = arith.cmpi slt, %arg1, %lt3A_105 : i32
    %convert_element_type3A_107 = arith.extui %lt3A_106 : i1 to i32
    %cond3A_108 = arith.constant 0 : i32
    %cond3A_109 = arith.cmpi ne, %convert_element_type3A_107, %cond3A_108 : i32
    scf.if %cond3A_109 {
      %dma_wait3A_579 = arith.constant 0 : i32
      %dma_wait3A_580 = tpu.memref_slice %arg7[%dma_wait3A_579] : memref<1568xi32, #tpu.memory_space<vmem>> -> memref<1568xi32, #tpu.memory_space<vmem>>
      %dma_wait3A_581 = arith.constant 0 : i32
      %dma_wait3A_582 = tpu.memref_slice %arg3[%dma_wait3A_581] : memref<100001xi32, #tpu.memory_space<hbm>> -> memref<1568xi32, #tpu.memory_space<hbm>>
      %dma_wait3A_583 = arith.constant 0 : i32
      %dma_wait3A_584 = tpu.memref_slice %arg7[%dma_wait3A_583] : memref<1568xi32, #tpu.memory_space<vmem>> -> memref<1568xi32, #tpu.memory_space<vmem>>
      %dma_wait3A_585 = arith.constant 0 : i32
      %dma_wait3A_586 = tpu.memref_slice %arg3[%dma_wait3A_585] : memref<100001xi32, #tpu.memory_space<hbm>> -> memref<1568xi32, #tpu.memory_space<hbm>>
      tpu.wait_dma2 semaphore(%arg17 : memref<!tpu.dma_semaphore, #tpu.memory_space<semaphore_mem>>) src(%dma_wait3A_586 : memref<1568xi32, #tpu.memory_space<hbm>>) dst(%dma_wait3A_584 : memref<1568xi32, #tpu.memory_space<vmem>>)
    } else {
    }
    %eq3A_110 = arith.constant 15 : i32
    %eq3A_111 = arith.cmpi eq, %arg1, %eq3A_110 : i32
    %convert_element_type3A_112 = arith.extui %eq3A_111 : i1 to i32
    %cond3A_113 = arith.constant 0 : i32
    %cond3A_114 = arith.cmpi ne, %convert_element_type3A_112, %cond3A_113 : i32
    scf.if %cond3A_114 {
      %dma_wait3A_579 = arith.constant 0 : i32
      %dma_wait3A_580 = tpu.memref_slice %arg7[%dma_wait3A_579] : memref<1568xi32, #tpu.memory_space<vmem>> -> memref<1568xi32, #tpu.memory_space<vmem>>
      %dma_wait3A_581 = arith.constant 0 : i32
      %dma_wait3A_582 = tpu.memref_slice %arg3[%dma_wait3A_581] : memref<100001xi32, #tpu.memory_space<hbm>> -> memref<1568xi32, #tpu.memory_space<hbm>>
      %dma_wait3A_583 = arith.constant 0 : i32
      %dma_wait3A_584 = tpu.memref_slice %arg7[%dma_wait3A_583] : memref<1568xi32, #tpu.memory_space<vmem>> -> memref<1568xi32, #tpu.memory_space<vmem>>
      %dma_wait3A_585 = arith.constant 0 : i32
      %dma_wait3A_586 = tpu.memref_slice %arg3[%dma_wait3A_585] : memref<100001xi32, #tpu.memory_space<hbm>> -> memref<1568xi32, #tpu.memory_space<hbm>>
      tpu.wait_dma2 semaphore(%arg17 : memref<!tpu.dma_semaphore, #tpu.memory_space<semaphore_mem>>) src(%dma_wait3A_586 : memref<1568xi32, #tpu.memory_space<hbm>>) dst(%dma_wait3A_584 : memref<1568xi32, #tpu.memory_space<vmem>>)
    } else {
    }
    %sub3A_115 = arith.constant 3136 : i32
    %sub3A_116 = arith.subi %select_n3A, %sub3A_115 : i32
    %parallel_loop3A_117 = arith.constant 0 : i32
    %parallel_loop3A_118 = arith.constant 49 : i32
    %parallel_loop3A_119 = arith.constant 1 : i32
    scf.for %parallel_loop3A_579 = %parallel_loop3A_117 to %parallel_loop3A_118 step %parallel_loop3A_119  : i32 {
      %parallel_loop3A_580 = arith.constant 2 : i32
      %parallel_loop3A_581 = arith.muli %parallel_loop3A_579, %parallel_loop3A_580 : i32
      %parallel_loop3A_582 = arith.constant 16 : i32
      %parallel_loop3A_583 = arith.muli %parallel_loop3A_581, %parallel_loop3A_582 : i32
      %parallel_loop3A_584 = vector.broadcast %parallel_loop3A_583 : i32 to vector<16xi32>
      %parallel_loop3A_585 = arith.addi %parallel_loop3A_584, %mul3A_55 : vector<16xi32>
      %parallel_loop3A_586 = tpu.vector_load_idx %arg7[%parallel_loop3A_585] : memref<1568xi32, #tpu.memory_space<vmem>>[vector<16xi32>], vector<16xi32>,
      %parallel_loop3A_587 = arith.constant 1 : i32
      %parallel_loop3A_588 = vector.broadcast %parallel_loop3A_587 : i32 to vector<16xi32>
      %parallel_loop3A_589 = arith.addi %parallel_loop3A_585, %parallel_loop3A_588 : vector<16xi32>
      %parallel_loop3A_590 = tpu.vector_load_idx %arg7[%parallel_loop3A_589] : memref<1568xi32, #tpu.memory_space<vmem>>[vector<16xi32>], vector<16xi32>,
      %parallel_loop3A_591 = vector.broadcast %sub3A_116 : i32 to vector<16xi32>
      %parallel_loop3A_592 = arith.cmpi slt, %parallel_loop3A_585, %parallel_loop3A_591 : vector<16xi32>
      %parallel_loop3A_593 = arith.constant 8192 : i32
      %parallel_loop3A_594 = vector.broadcast %parallel_loop3A_593 : i32 to vector<16xi32>
      %parallel_loop3A_595 = arith.select %parallel_loop3A_592, %parallel_loop3A_586, %parallel_loop3A_594 : vector<16xi1>, vector<16xi32>
      %parallel_loop3A_596 = arith.constant 1 : i32
      %parallel_loop3A_597 = vector.broadcast %parallel_loop3A_596 : i32 to vector<16xi32>
      %parallel_loop3A_598 = arith.addi %parallel_loop3A_585, %parallel_loop3A_597 : vector<16xi32>
      %parallel_loop3A_599 = vector.broadcast %sub3A_116 : i32 to vector<16xi32>
      %parallel_loop3A_600 = arith.cmpi slt, %parallel_loop3A_598, %parallel_loop3A_599 : vector<16xi32>
      %parallel_loop3A_601 = arith.constant 8192 : i32
      %parallel_loop3A_602 = vector.broadcast %parallel_loop3A_601 : i32 to vector<16xi32>
      %parallel_loop3A_603 = arith.select %parallel_loop3A_600, %parallel_loop3A_590, %parallel_loop3A_602 : vector<16xi1>, vector<16xi32>
      %parallel_loop3A_604 = tpu.vector_load_idx %arg6[%parallel_loop3A_595] : memref<8448xf32, #tpu.memory_space<vmem>>[vector<16xi32>], vector<16xf32>,
      %parallel_loop3A_605 = tpu.vector_load_idx %arg6[%parallel_loop3A_603] : memref<8448xf32, #tpu.memory_space<vmem>>[vector<16xi32>], vector<16xf32>,
      %parallel_loop3A_606 = tpu.pack_subelements %parallel_loop3A_604, %parallel_loop3A_605 {pack_format = #tpu.pack_format<interleaved>, positions = array<i32: 0, 1>} : vector<16xf32>, vector<16xf32> -> vector<32xbf16>
      %parallel_loop3A_607 = vector.bitcast %parallel_loop3A_606 : vector<32xbf16> to vector<16xi32>
      %parallel_loop3A_608 = arith.constant 16 : i32
      %parallel_loop3A_609 = arith.muli %parallel_loop3A_579, %parallel_loop3A_608 : i32
      %parallel_loop3A_610 = arith.constant 1568 : i32
      %parallel_loop3A_611 = arith.addi %parallel_loop3A_610, %parallel_loop3A_609 : i32
      %parallel_loop3A_612 = arith.index_cast %parallel_loop3A_611 : i32 to index
      %parallel_loop3A_613 = tpu.vector_load %arg9[%parallel_loop3A_612] {strides = array<i32>} : memref<50176xi32, #tpu.memory_space<vmem>>, vector<16xi32>,
      tpu.vector_store %arg9[%parallel_loop3A_612], %parallel_loop3A_607 {strides = array<i32>} : memref<50176xi32, #tpu.memory_space<vmem>>, vector<16xi32>,
    } {sc.loop_unroll_factor = 2 : i64, sc.parallel_access}
    %lt3A_120 = arith.constant 15 : i32
    %lt3A_121 = arith.cmpi slt, %arg1, %lt3A_120 : i32
    %convert_element_type3A_122 = arith.extui %lt3A_121 : i1 to i32
    %cond3A_123 = arith.constant 0 : i32
    %cond3A_124 = arith.cmpi ne, %convert_element_type3A_122, %cond3A_123 : i32
    scf.if %cond3A_124 {
      %dma_wait3A_579 = arith.constant 0 : i32
      %dma_wait3A_580 = tpu.memref_slice %arg8[%dma_wait3A_579] : memref<1568xi32, #tpu.memory_space<vmem>> -> memref<1568xi32, #tpu.memory_space<vmem>>
      %dma_wait3A_581 = arith.constant 0 : i32
      %dma_wait3A_582 = tpu.memref_slice %arg3[%dma_wait3A_581] : memref<100001xi32, #tpu.memory_space<hbm>> -> memref<1568xi32, #tpu.memory_space<hbm>>
      %dma_wait3A_583 = arith.constant 0 : i32
      %dma_wait3A_584 = tpu.memref_slice %arg8[%dma_wait3A_583] : memref<1568xi32, #tpu.memory_space<vmem>> -> memref<1568xi32, #tpu.memory_space<vmem>>
      %dma_wait3A_585 = arith.constant 0 : i32
      %dma_wait3A_586 = tpu.memref_slice %arg3[%dma_wait3A_585] : memref<100001xi32, #tpu.memory_space<hbm>> -> memref<1568xi32, #tpu.memory_space<hbm>>
      tpu.wait_dma2 semaphore(%arg18 : memref<!tpu.dma_semaphore, #tpu.memory_space<semaphore_mem>>) src(%dma_wait3A_586 : memref<1568xi32, #tpu.memory_space<hbm>>) dst(%dma_wait3A_584 : memref<1568xi32, #tpu.memory_space<vmem>>)
    } else {
    }
    %eq3A_125 = arith.constant 15 : i32
    %eq3A_126 = arith.cmpi eq, %arg1, %eq3A_125 : i32
    %convert_element_type3A_127 = arith.extui %eq3A_126 : i1 to i32
    %cond3A_128 = arith.constant 0 : i32
    %cond3A_129 = arith.cmpi ne, %convert_element_type3A_127, %cond3A_128 : i32
    scf.if %cond3A_129 {
      %dma_wait3A_579 = arith.constant 0 : i32
      %dma_wait3A_580 = tpu.memref_slice %arg8[%dma_wait3A_579] : memref<1568xi32, #tpu.memory_space<vmem>> -> memref<1216xi32, #tpu.memory_space<vmem>>
      %dma_wait3A_581 = arith.constant 0 : i32
      %dma_wait3A_582 = tpu.memref_slice %arg3[%dma_wait3A_581] : memref<100001xi32, #tpu.memory_space<hbm>> -> memref<1216xi32, #tpu.memory_space<hbm>>
      %dma_wait3A_583 = arith.constant 0 : i32
      %dma_wait3A_584 = tpu.memref_slice %arg8[%dma_wait3A_583] : memref<1568xi32, #tpu.memory_space<vmem>> -> memref<1216xi32, #tpu.memory_space<vmem>>
      %dma_wait3A_585 = arith.constant 0 : i32
      %dma_wait3A_586 = tpu.memref_slice %arg3[%dma_wait3A_585] : memref<100001xi32, #tpu.memory_space<hbm>> -> memref<1216xi32, #tpu.memory_space<hbm>>
      tpu.wait_dma2 semaphore(%arg18 : memref<!tpu.dma_semaphore, #tpu.memory_space<semaphore_mem>>) src(%dma_wait3A_586 : memref<1216xi32, #tpu.memory_space<hbm>>) dst(%dma_wait3A_584 : memref<1216xi32, #tpu.memory_space<vmem>>)
    } else {
    }
    %sub3A_130 = arith.constant 4704 : i32
    %sub3A_131 = arith.subi %select_n3A, %sub3A_130 : i32
    %parallel_loop3A_132 = arith.constant 0 : i32
    %parallel_loop3A_133 = arith.constant 49 : i32
    %parallel_loop3A_134 = arith.constant 1 : i32
    scf.for %parallel_loop3A_579 = %parallel_loop3A_132 to %parallel_loop3A_133 step %parallel_loop3A_134  : i32 {
      %parallel_loop3A_580 = arith.constant 2 : i32
      %parallel_loop3A_581 = arith.muli %parallel_loop3A_579, %parallel_loop3A_580 : i32
      %parallel_loop3A_582 = arith.constant 16 : i32
      %parallel_loop3A_583 = arith.muli %parallel_loop3A_581, %parallel_loop3A_582 : i32
      %parallel_loop3A_584 = vector.broadcast %parallel_loop3A_583 : i32 to vector<16xi32>
      %parallel_loop3A_585 = arith.addi %parallel_loop3A_584, %mul3A_55 : vector<16xi32>
      %parallel_loop3A_586 = tpu.vector_load_idx %arg8[%parallel_loop3A_585] : memref<1568xi32, #tpu.memory_space<vmem>>[vector<16xi32>], vector<16xi32>,
      %parallel_loop3A_587 = arith.constant 1 : i32
      %parallel_loop3A_588 = vector.broadcast %parallel_loop3A_587 : i32 to vector<16xi32>
      %parallel_loop3A_589 = arith.addi %parallel_loop3A_585, %parallel_loop3A_588 : vector<16xi32>
      %parallel_loop3A_590 = tpu.vector_load_idx %arg8[%parallel_loop3A_589] : memref<1568xi32, #tpu.memory_space<vmem>>[vector<16xi32>], vector<16xi32>,
      %parallel_loop3A_591 = vector.broadcast %sub3A_131 : i32 to vector<16xi32>
      %parallel_loop3A_592 = arith.cmpi slt, %parallel_loop3A_585, %parallel_loop3A_591 : vector<16xi32>
      %parallel_loop3A_593 = arith.constant 8192 : i32
      %parallel_loop3A_594 = vector.broadcast %parallel_loop3A_593 : i32 to vector<16xi32>
      %parallel_loop3A_595 = arith.select %parallel_loop3A_592, %parallel_loop3A_586, %parallel_loop3A_594 : vector<16xi1>, vector<16xi32>
      %parallel_loop3A_596 = arith.constant 1 : i32
      %parallel_loop3A_597 = vector.broadcast %parallel_loop3A_596 : i32 to vector<16xi32>
      %parallel_loop3A_598 = arith.addi %parallel_loop3A_585, %parallel_loop3A_597 : vector<16xi32>
      %parallel_loop3A_599 = vector.broadcast %sub3A_131 : i32 to vector<16xi32>
      %parallel_loop3A_600 = arith.cmpi slt, %parallel_loop3A_598, %parallel_loop3A_599 : vector<16xi32>
      %parallel_loop3A_601 = arith.constant 8192 : i32
      %parallel_loop3A_602 = vector.broadcast %parallel_loop3A_601 : i32 to vector<16xi32>
      %parallel_loop3A_603 = arith.select %parallel_loop3A_600, %parallel_loop3A_590, %parallel_loop3A_602 : vector<16xi1>, vector<16xi32>
      %parallel_loop3A_604 = tpu.vector_load_idx %arg6[%parallel_loop3A_595] : memref<8448xf32, #tpu.memory_space<vmem>>[vector<16xi32>], vector<16xf32>,
      %parallel_loop3A_605 = tpu.vector_load_idx %arg6[%parallel_loop3A_603] : memref<8448xf32, #tpu.memory_space<vmem>>[vector<16xi32>], vector<16xf32>,
      %parallel_loop3A_606 = tpu.pack_subelements %parallel_loop3A_604, %parallel_loop3A_605 {pack_format = #tpu.pack_format<interleaved>, positions = array<i32: 0, 1>} : vector<16xf32>, vector<16xf32> -> vector<32xbf16>
      %parallel_loop3A_607 = vector.bitcast %parallel_loop3A_606 : vector<32xbf16> to vector<16xi32>
      %parallel_loop3A_608 = arith.constant 16 : i32
      %parallel_loop3A_609 = arith.muli %parallel_loop3A_579, %parallel_loop3A_608 : i32
      %parallel_loop3A_610 = arith.constant 2352 : i32
      %parallel_loop3A_611 = arith.addi %parallel_loop3A_610, %parallel_loop3A_609 : i32
      %parallel_loop3A_612 = arith.index_cast %parallel_loop3A_611 : i32 to index
      %parallel_loop3A_613 = tpu.vector_load %arg9[%parallel_loop3A_612] {strides = array<i32>} : memref<50176xi32, #tpu.memory_space<vmem>>, vector<16xi32>,
      tpu.vector_store %arg9[%parallel_loop3A_612], %parallel_loop3A_607 {strides = array<i32>} : memref<50176xi32, #tpu.memory_space<vmem>>, vector<16xi32>,
    } {sc.loop_unroll_factor = 2 : i64, sc.parallel_access}
    "tpu.trace_stop"() : () -> ()
    "tpu.trace_start"() <{level = 10 : i32, message = "bcast"}> : () -> ()
    %mul3A_135 = arith.constant 3136 : i32
    %mul3A_136 = arith.muli %arg1, %mul3A_135 : i32
    "tpu.region"() ({
      %run_scoped3A = tpu.sem_alloc : memref<!tpu.dma_semaphore, #tpu.memory_space<semaphore_mem>>
      %dma_start3A_579 = arith.constant 0 : i32
      %dma_start3A_580 = tpu.memref_slice %arg9[%dma_start3A_579] : memref<50176xi32, #tpu.memory_space<vmem>> -> memref<3136xi32, #tpu.memory_space<vmem>>
      %dma_start3A_581 = tpu.memref_slice %arg10[%mul3A_136] : memref<50176xi32, #tpu.memory_space<vmem_shared>> -> memref<3136xi32, #tpu.memory_space<vmem_shared>>
      %dma_start3A_582 = tpu.memref_slice %arg10[%mul3A_136] : memref<50176xi32, #tpu.memory_space<vmem_shared>> -> memref<3136xi32, #tpu.memory_space<vmem_shared>>
      %dma_start3A_583 = arith.constant 0 : i32
      %dma_start3A_584 = tpu.memref_slice %arg9[%dma_start3A_583] : memref<50176xi32, #tpu.memory_space<vmem>> -> memref<3136xi32, #tpu.memory_space<vmem>>
      tpu.enqueue_dma source(%dma_start3A_584 : memref<3136xi32, #tpu.memory_space<vmem>>) target(%dma_start3A_582 : memref<3136xi32, #tpu.memory_space<vmem_shared>>) target_semaphore(%run_scoped3A : memref<!tpu.dma_semaphore, #tpu.memory_space<semaphore_mem>>)
      %dma_wait3A_585 = arith.constant 0 : i32
      %dma_wait3A_586 = tpu.memref_slice %arg9[%dma_wait3A_585] : memref<50176xi32, #tpu.memory_space<vmem>> -> memref<3136xi32, #tpu.memory_space<vmem>>
      %dma_wait3A_587 = tpu.memref_slice %arg10[%mul3A_136] : memref<50176xi32, #tpu.memory_space<vmem_shared>> -> memref<3136xi32, #tpu.memory_space<vmem_shared>>
      %dma_wait3A_588 = tpu.memref_slice %arg10[%mul3A_136] : memref<50176xi32, #tpu.memory_space<vmem_shared>> -> memref<3136xi32, #tpu.memory_space<vmem_shared>>
      %dma_wait3A_589 = arith.constant 0 : i32
      %dma_wait3A_590 = tpu.memref_slice %arg9[%dma_wait3A_589] : memref<50176xi32, #tpu.memory_space<vmem>> -> memref<3136xi32, #tpu.memory_space<vmem>>
      tpu.wait_dma2 semaphore(%run_scoped3A : memref<!tpu.dma_semaphore, #tpu.memory_space<semaphore_mem>>) src(%dma_wait3A_590 : memref<3136xi32, #tpu.memory_space<vmem>>) dst(%dma_wait3A_588 : memref<3136xi32, #tpu.memory_space<vmem_shared>>)
      tpu.yield
    }) : () -> ()
    %barrier3A_137 = arith.constant 0 : index
    tpu.barrier barrier_id(%barrier3A_137)
    "tpu.region"() ({
      %run_scoped3A = tpu.sem_alloc : memref<!tpu.dma_semaphore, #tpu.memory_space<semaphore_mem>>
      tpu.enqueue_dma source(%arg10 : memref<50176xi32, #tpu.memory_space<vmem_shared>>) target(%arg9 : memref<50176xi32, #tpu.memory_space<vmem>>) target_semaphore(%run_scoped3A : memref<!tpu.dma_semaphore, #tpu.memory_space<semaphore_mem>>)
      tpu.wait_dma2 semaphore(%run_scoped3A : memref<!tpu.dma_semaphore, #tpu.memory_space<semaphore_mem>>) src(%arg10 : memref<50176xi32, #tpu.memory_space<vmem_shared>>) dst(%arg9 : memref<50176xi32, #tpu.memory_space<vmem>>)
      tpu.yield
    }) : () -> ()
    %broadcast_in_dim3A = arith.constant 1.000000e+00 : f32
    "tpu.trace_stop"() : () -> ()
    %broadcast_in_dim3A_138 = vector.broadcast %broadcast_in_dim3A : f32 to vector<16xf32>
    "tpu.trace_start"() <{level = 10 : i32, message = "main"}> : () -> ()
    %add3A_139 = arith.constant 0 : i32
    %add3A_140 = arith.addi %mul3A_2, %add3A_139 : i32
    %dma_wait3A_141 = arith.constant 0 : i32
    %dma_wait3A_142 = tpu.memref_slice %arg2[%dma_wait3A_141, %add3A_140] : memref<200x16384xi32, #tpu.memory_space<hbm>> -> memref<200x128xi32, #tpu.memory_space<hbm>>
    %dma_wait3A_143 = arith.constant 0 : i32
    %dma_wait3A_144 = tpu.memref_slice %arg2[%dma_wait3A_143, %add3A_140] : memref<200x16384xi32, #tpu.memory_space<hbm>> -> memref<200x128xi32, #tpu.memory_space<hbm>>
    tpu.wait_dma2 semaphore(%arg15 : memref<!tpu.dma_semaphore, #tpu.memory_space<semaphore_mem>>) src(%dma_wait3A_144 : memref<200x128xi32, #tpu.memory_space<hbm>>) dst(%arg12 : memref<200x128xi32, #tpu.memory_space<vmem>>)
    %scan3A = arith.constant 0 : i32
    %scan3A_145 = arith.constant 100 : i32
    %scan3A_146 = arith.addi %scan3A, %scan3A_145 : i32
    %scan3A_147 = arith.constant 1 : i32
    %scan3A_148:16 = scf.for %scan3A_579 = %scan3A to %scan3A_146 step %scan3A_147 iter_args(%scan3A_580 = %broadcast_in_dim3A_138, %scan3A_581 = %broadcast_in_dim3A_138, %scan3A_582 = %broadcast_in_dim3A_138, %scan3A_583 = %broadcast_in_dim3A_138, %scan3A_584 = %broadcast_in_dim3A_138, %scan3A_585 = %broadcast_in_dim3A_138, %scan3A_586 = %broadcast_in_dim3A_138, %scan3A_587 = %broadcast_in_dim3A_138, %scan3A_588 = %broadcast_in_dim3A_138, %scan3A_589 = %broadcast_in_dim3A_138, %scan3A_590 = %broadcast_in_dim3A_138, %scan3A_591 = %broadcast_in_dim3A_138, %scan3A_592 = %broadcast_in_dim3A_138, %scan3A_593 = %broadcast_in_dim3A_138, %scan3A_594 = %broadcast_in_dim3A_138, %scan3A_595 = %broadcast_in_dim3A_138) -> (vector<16xf32>, vector<16xf32>, vector<16xf32>, vector<16xf32>, vector<16xf32>, vector<16xf32>, vector<16xf32>, vector<16xf32>, vector<16xf32>, vector<16xf32>, vector<16xf32>, vector<16xf32>, vector<16xf32>, vector<16xf32>, vector<16xf32>, vector<16xf32>)  : i32 {
      %mul3A_596 = arith.constant 2 : i32
      %mul3A_597 = arith.muli %mul3A_596, %scan3A_579 : i32
      %get3A = arith.index_cast %mul3A_597 : i32 to index
      %get3A_598 = arith.constant 0 : index
      %get3A_599 = tpu.vector_load %arg12[%get3A, %get3A_598] {strides = array<i32>} : memref<200x128xi32, #tpu.memory_space<vmem>>, vector<16xi32>,
      %shift_right_arithmetic3A = arith.constant 1 : i32
      %shift_right_arithmetic3A_600 = vector.broadcast %shift_right_arithmetic3A : i32 to vector<16xi32>
      %shift_right_arithmetic3A_601 = arith.shrsi %get3A_599, %shift_right_arithmetic3A_600 : vector<16xi32>
      %gather3A = tpu.vector_load_idx %arg9[%shift_right_arithmetic3A_601] : memref<50176xi32, #tpu.memory_space<vmem>>[vector<16xi32>], vector<16xi32>,
      %xor3A = arith.constant 1 : i32
      %xor3A_602 = vector.broadcast %xor3A : i32 to vector<16xi32>
      %xor3A_603 = arith.xori %get3A_599, %xor3A_602 : vector<16xi32>
      %and3A = arith.constant 1 : i32
      %and3A_604 = vector.broadcast %and3A : i32 to vector<16xi32>
      %and3A_605 = arith.andi %xor3A_603, %and3A_604 : vector<16xi32>
      %shift_left3A = arith.constant 4 : i32
      %shift_left3A_606 = vector.broadcast %shift_left3A : i32 to vector<16xi32>
      %shift_left3A_607 = arith.shli %and3A_605, %shift_left3A_606 : vector<16xi32>
      %shift_left3A_608 = arith.shli %gather3A, %shift_left3A_607 : vector<16xi32>
      %bitcast3A = vector.bitcast %shift_left3A_608 : vector<16xi32> to vector<16xf32>
      %mul3A_609 = arith.mulf %scan3A_580, %bitcast3A : vector<16xf32>
      %mul3A_610 = arith.constant 2 : i32
      %mul3A_611 = arith.muli %mul3A_610, %scan3A_579 : i32
      %add3A_612 = arith.constant 1 : i32
      %add3A_613 = arith.addi %mul3A_611, %add3A_612 : i32
      %get3A_614 = arith.index_cast %add3A_613 : i32 to index
      %get3A_615 = arith.constant 0 : index
      %get3A_616 = tpu.vector_load %arg12[%get3A_614, %get3A_615] {strides = array<i32>} : memref<200x128xi32, #tpu.memory_space<vmem>>, vector<16xi32>,
      %shift_right_arithmetic3A_617 = arith.constant 1 : i32
      %shift_right_arithmetic3A_618 = vector.broadcast %shift_right_arithmetic3A_617 : i32 to vector<16xi32>
      %shift_right_arithmetic3A_619 = arith.shrsi %get3A_616, %shift_right_arithmetic3A_618 : vector<16xi32>
      %gather3A_620 = tpu.vector_load_idx %arg9[%shift_right_arithmetic3A_619] : memref<50176xi32, #tpu.memory_space<vmem>>[vector<16xi32>], vector<16xi32>,
      %xor3A_621 = arith.constant 1 : i32
      %xor3A_622 = vector.broadcast %xor3A_621 : i32 to vector<16xi32>
      %xor3A_623 = arith.xori %get3A_616, %xor3A_622 : vector<16xi32>
      %and3A_624 = arith.constant 1 : i32
      %and3A_625 = vector.broadcast %and3A_624 : i32 to vector<16xi32>
      %and3A_626 = arith.andi %xor3A_623, %and3A_625 : vector<16xi32>
      %shift_left3A_627 = arith.constant 4 : i32
      %shift_left3A_628 = vector.broadcast %shift_left3A_627 : i32 to vector<16xi32>
      %shift_left3A_629 = arith.shli %and3A_626, %shift_left3A_628 : vector<16xi32>
      %shift_left3A_630 = arith.shli %gather3A_620, %shift_left3A_629 : vector<16xi32>
      %bitcast3A_631 = vector.bitcast %shift_left3A_630 : vector<16xi32> to vector<16xf32>
      %mul3A_632 = arith.mulf %scan3A_581, %bitcast3A_631 : vector<16xf32>
      %mul3A_633 = arith.constant 2 : i32
      %mul3A_634 = arith.muli %mul3A_633, %scan3A_579 : i32
      %get3A_635 = arith.index_cast %mul3A_634 : i32 to index
      %get3A_636 = arith.constant 16 : index
      %get3A_637 = tpu.vector_load %arg12[%get3A_635, %get3A_636] {strides = array<i32>} : memref<200x128xi32, #tpu.memory_space<vmem>>, vector<16xi32>,
      %shift_right_arithmetic3A_638 = arith.constant 1 : i32
      %shift_right_arithmetic3A_639 = vector.broadcast %shift_right_arithmetic3A_638 : i32 to vector<16xi32>
      %shift_right_arithmetic3A_640 = arith.shrsi %get3A_637, %shift_right_arithmetic3A_639 : vector<16xi32>
      %gather3A_641 = tpu.vector_load_idx %arg9[%shift_right_arithmetic3A_640] : memref<50176xi32, #tpu.memory_space<vmem>>[vector<16xi32>], vector<16xi32>,
      %xor3A_642 = arith.constant 1 : i32
      %xor3A_643 = vector.broadcast %xor3A_642 : i32 to vector<16xi32>
      %xor3A_644 = arith.xori %get3A_637, %xor3A_643 : vector<16xi32>
      %and3A_645 = arith.constant 1 : i32
      %and3A_646 = vector.broadcast %and3A_645 : i32 to vector<16xi32>
      %and3A_647 = arith.andi %xor3A_644, %and3A_646 : vector<16xi32>
      %shift_left3A_648 = arith.constant 4 : i32
      %shift_left3A_649 = vector.broadcast %shift_left3A_648 : i32 to vector<16xi32>
      %shift_left3A_650 = arith.shli %and3A_647, %shift_left3A_649 : vector<16xi32>
      %shift_left3A_651 = arith.shli %gather3A_641, %shift_left3A_650 : vector<16xi32>
      %bitcast3A_652 = vector.bitcast %shift_left3A_651 : vector<16xi32> to vector<16xf32>
      %mul3A_653 = arith.mulf %scan3A_582, %bitcast3A_652 : vector<16xf32>
      %mul3A_654 = arith.constant 2 : i32
      %mul3A_655 = arith.muli %mul3A_654, %scan3A_579 : i32
      %add3A_656 = arith.constant 1 : i32
      %add3A_657 = arith.addi %mul3A_655, %add3A_656 : i32
      %get3A_658 = arith.index_cast %add3A_657 : i32 to index
      %get3A_659 = arith.constant 16 : index
      %get3A_660 = tpu.vector_load %arg12[%get3A_658, %get3A_659] {strides = array<i32>} : memref<200x128xi32, #tpu.memory_space<vmem>>, vector<16xi32>,
      %shift_right_arithmetic3A_661 = arith.constant 1 : i32
      %shift_right_arithmetic3A_662 = vector.broadcast %shift_right_arithmetic3A_661 : i32 to vector<16xi32>
      %shift_right_arithmetic3A_663 = arith.shrsi %get3A_660, %shift_right_arithmetic3A_662 : vector<16xi32>
      %gather3A_664 = tpu.vector_load_idx %arg9[%shift_right_arithmetic3A_663] : memref<50176xi32, #tpu.memory_space<vmem>>[vector<16xi32>], vector<16xi32>,
      %xor3A_665 = arith.constant 1 : i32
      %xor3A_666 = vector.broadcast %xor3A_665 : i32 to vector<16xi32>
      %xor3A_667 = arith.xori %get3A_660, %xor3A_666 : vector<16xi32>
      %and3A_668 = arith.constant 1 : i32
      %and3A_669 = vector.broadcast %and3A_668 : i32 to vector<16xi32>
      %and3A_670 = arith.andi %xor3A_667, %and3A_669 : vector<16xi32>
      %shift_left3A_671 = arith.constant 4 : i32
      %shift_left3A_672 = vector.broadcast %shift_left3A_671 : i32 to vector<16xi32>
      %shift_left3A_673 = arith.shli %and3A_670, %shift_left3A_672 : vector<16xi32>
      %shift_left3A_674 = arith.shli %gather3A_664, %shift_left3A_673 : vector<16xi32>
      %bitcast3A_675 = vector.bitcast %shift_left3A_674 : vector<16xi32> to vector<16xf32>
      %mul3A_676 = arith.mulf %scan3A_583, %bitcast3A_675 : vector<16xf32>
      %mul3A_677 = arith.constant 2 : i32
      %mul3A_678 = arith.muli %mul3A_677, %scan3A_579 : i32
      %get3A_679 = arith.index_cast %mul3A_678 : i32 to index
      %get3A_680 = arith.constant 32 : index
      %get3A_681 = tpu.vector_load %arg12[%get3A_679, %get3A_680] {strides = array<i32>} : memref<200x128xi32, #tpu.memory_space<vmem>>, vector<16xi32>,
      %shift_right_arithmetic3A_682 = arith.constant 1 : i32
      %shift_right_arithmetic3A_683 = vector.broadcast %shift_right_arithmetic3A_682 : i32 to vector<16xi32>
      %shift_right_arithmetic3A_684 = arith.shrsi %get3A_681, %shift_right_arithmetic3A_683 : vector<16xi32>
      %gather3A_685 = tpu.vector_load_idx %arg9[%shift_right_arithmetic3A_684] : memref<50176xi32, #tpu.memory_space<vmem>>[vector<16xi32>], vector<16xi32>,
      %xor3A_686 = arith.constant 1 : i32
      %xor3A_687 = vector.broadcast %xor3A_686 : i32 to vector<16xi32>
      %xor3A_688 = arith.xori %get3A_681, %xor3A_687 : vector<16xi32>
      %and3A_689 = arith.constant 1 : i32
      %and3A_690 = vector.broadcast %and3A_689 : i32 to vector<16xi32>
      %and3A_691 = arith.andi %xor3A_688, %and3A_690 : vector<16xi32>
      %shift_left3A_692 = arith.constant 4 : i32
      %shift_left3A_693 = vector.broadcast %shift_left3A_692 : i32 to vector<16xi32>
      %shift_left3A_694 = arith.shli %and3A_691, %shift_left3A_693 : vector<16xi32>
      %shift_left3A_695 = arith.shli %gather3A_685, %shift_left3A_694 : vector<16xi32>
      %bitcast3A_696 = vector.bitcast %shift_left3A_695 : vector<16xi32> to vector<16xf32>
      %mul3A_697 = arith.mulf %scan3A_584, %bitcast3A_696 : vector<16xf32>
      %mul3A_698 = arith.constant 2 : i32
      %mul3A_699 = arith.muli %mul3A_698, %scan3A_579 : i32
      %add3A_700 = arith.constant 1 : i32
      %add3A_701 = arith.addi %mul3A_699, %add3A_700 : i32
      %get3A_702 = arith.index_cast %add3A_701 : i32 to index
      %get3A_703 = arith.constant 32 : index
      %get3A_704 = tpu.vector_load %arg12[%get3A_702, %get3A_703] {strides = array<i32>} : memref<200x128xi32, #tpu.memory_space<vmem>>, vector<16xi32>,
      %shift_right_arithmetic3A_705 = arith.constant 1 : i32
      %shift_right_arithmetic3A_706 = vector.broadcast %shift_right_arithmetic3A_705 : i32 to vector<16xi32>
      %shift_right_arithmetic3A_707 = arith.shrsi %get3A_704, %shift_right_arithmetic3A_706 : vector<16xi32>
      %gather3A_708 = tpu.vector_load_idx %arg9[%shift_right_arithmetic3A_707] : memref<50176xi32, #tpu.memory_space<vmem>>[vector<16xi32>], vector<16xi32>,
      %xor3A_709 = arith.constant 1 : i32
      %xor3A_710 = vector.broadcast %xor3A_709 : i32 to vector<16xi32>
      %xor3A_711 = arith.xori %get3A_704, %xor3A_710 : vector<16xi32>
      %and3A_712 = arith.constant 1 : i32
      %and3A_713 = vector.broadcast %and3A_712 : i32 to vector<16xi32>
      %and3A_714 = arith.andi %xor3A_711, %and3A_713 : vector<16xi32>
      %shift_left3A_715 = arith.constant 4 : i32
      %shift_left3A_716 = vector.broadcast %shift_left3A_715 : i32 to vector<16xi32>
      %shift_left3A_717 = arith.shli %and3A_714, %shift_left3A_716 : vector<16xi32>
      %shift_left3A_718 = arith.shli %gather3A_708, %shift_left3A_717 : vector<16xi32>
      %bitcast3A_719 = vector.bitcast %shift_left3A_718 : vector<16xi32> to vector<16xf32>
      %mul3A_720 = arith.mulf %scan3A_585, %bitcast3A_719 : vector<16xf32>
      %mul3A_721 = arith.constant 2 : i32
      %mul3A_722 = arith.muli %mul3A_721, %scan3A_579 : i32
      %get3A_723 = arith.index_cast %mul3A_722 : i32 to index
      %get3A_724 = arith.constant 48 : index
      %get3A_725 = tpu.vector_load %arg12[%get3A_723, %get3A_724] {strides = array<i32>} : memref<200x128xi32, #tpu.memory_space<vmem>>, vector<16xi32>,
      %shift_right_arithmetic3A_726 = arith.constant 1 : i32
      %shift_right_arithmetic3A_727 = vector.broadcast %shift_right_arithmetic3A_726 : i32 to vector<16xi32>
      %shift_right_arithmetic3A_728 = arith.shrsi %get3A_725, %shift_right_arithmetic3A_727 : vector<16xi32>
      %gather3A_729 = tpu.vector_load_idx %arg9[%shift_right_arithmetic3A_728] : memref<50176xi32, #tpu.memory_space<vmem>>[vector<16xi32>], vector<16xi32>,
      %xor3A_730 = arith.constant 1 : i32
      %xor3A_731 = vector.broadcast %xor3A_730 : i32 to vector<16xi32>
      %xor3A_732 = arith.xori %get3A_725, %xor3A_731 : vector<16xi32>
      %and3A_733 = arith.constant 1 : i32
      %and3A_734 = vector.broadcast %and3A_733 : i32 to vector<16xi32>
      %and3A_735 = arith.andi %xor3A_732, %and3A_734 : vector<16xi32>
      %shift_left3A_736 = arith.constant 4 : i32
      %shift_left3A_737 = vector.broadcast %shift_left3A_736 : i32 to vector<16xi32>
      %shift_left3A_738 = arith.shli %and3A_735, %shift_left3A_737 : vector<16xi32>
      %shift_left3A_739 = arith.shli %gather3A_729, %shift_left3A_738 : vector<16xi32>
      %bitcast3A_740 = vector.bitcast %shift_left3A_739 : vector<16xi32> to vector<16xf32>
      %mul3A_741 = arith.mulf %scan3A_586, %bitcast3A_740 : vector<16xf32>
      %mul3A_742 = arith.constant 2 : i32
      %mul3A_743 = arith.muli %mul3A_742, %scan3A_579 : i32
      %add3A_744 = arith.constant 1 : i32
      %add3A_745 = arith.addi %mul3A_743, %add3A_744 : i32
      %get3A_746 = arith.index_cast %add3A_745 : i32 to index
      %get3A_747 = arith.constant 48 : index
      %get3A_748 = tpu.vector_load %arg12[%get3A_746, %get3A_747] {strides = array<i32>} : memref<200x128xi32, #tpu.memory_space<vmem>>, vector<16xi32>,
      %shift_right_arithmetic3A_749 = arith.constant 1 : i32
      %shift_right_arithmetic3A_750 = vector.broadcast %shift_right_arithmetic3A_749 : i32 to vector<16xi32>
      %shift_right_arithmetic3A_751 = arith.shrsi %get3A_748, %shift_right_arithmetic3A_750 : vector<16xi32>
      %gather3A_752 = tpu.vector_load_idx %arg9[%shift_right_arithmetic3A_751] : memref<50176xi32, #tpu.memory_space<vmem>>[vector<16xi32>], vector<16xi32>,
      %xor3A_753 = arith.constant 1 : i32
      %xor3A_754 = vector.broadcast %xor3A_753 : i32 to vector<16xi32>
      %xor3A_755 = arith.xori %get3A_748, %xor3A_754 : vector<16xi32>
      %and3A_756 = arith.constant 1 : i32
      %and3A_757 = vector.broadcast %and3A_756 : i32 to vector<16xi32>
      %and3A_758 = arith.andi %xor3A_755, %and3A_757 : vector<16xi32>
      %shift_left3A_759 = arith.constant 4 : i32
      %shift_left3A_760 = vector.broadcast %shift_left3A_759 : i32 to vector<16xi32>
      %shift_left3A_761 = arith.shli %and3A_758, %shift_left3A_760 : vector<16xi32>
      %shift_left3A_762 = arith.shli %gather3A_752, %shift_left3A_761 : vector<16xi32>
      %bitcast3A_763 = vector.bitcast %shift_left3A_762 : vector<16xi32> to vector<16xf32>
      %mul3A_764 = arith.mulf %scan3A_587, %bitcast3A_763 : vector<16xf32>
      %mul3A_765 = arith.constant 2 : i32
      %mul3A_766 = arith.muli %mul3A_765, %scan3A_579 : i32
      %get3A_767 = arith.index_cast %mul3A_766 : i32 to index
      %get3A_768 = arith.constant 64 : index
      %get3A_769 = tpu.vector_load %arg12[%get3A_767, %get3A_768] {strides = array<i32>} : memref<200x128xi32, #tpu.memory_space<vmem>>, vector<16xi32>,
      %shift_right_arithmetic3A_770 = arith.constant 1 : i32
      %shift_right_arithmetic3A_771 = vector.broadcast %shift_right_arithmetic3A_770 : i32 to vector<16xi32>
      %shift_right_arithmetic3A_772 = arith.shrsi %get3A_769, %shift_right_arithmetic3A_771 : vector<16xi32>
      %gather3A_773 = tpu.vector_load_idx %arg9[%shift_right_arithmetic3A_772] : memref<50176xi32, #tpu.memory_space<vmem>>[vector<16xi32>], vector<16xi32>,
      %xor3A_774 = arith.constant 1 : i32
      %xor3A_775 = vector.broadcast %xor3A_774 : i32 to vector<16xi32>
      %xor3A_776 = arith.xori %get3A_769, %xor3A_775 : vector<16xi32>
      %and3A_777 = arith.constant 1 : i32
      %and3A_778 = vector.broadcast %and3A_777 : i32 to vector<16xi32>
      %and3A_779 = arith.andi %xor3A_776, %and3A_778 : vector<16xi32>
      %shift_left3A_780 = arith.constant 4 : i32
      %shift_left3A_781 = vector.broadcast %shift_left3A_780 : i32 to vector<16xi32>
      %shift_left3A_782 = arith.shli %and3A_779, %shift_left3A_781 : vector<16xi32>
      %shift_left3A_783 = arith.shli %gather3A_773, %shift_left3A_782 : vector<16xi32>
      %bitcast3A_784 = vector.bitcast %shift_left3A_783 : vector<16xi32> to vector<16xf32>
      %mul3A_785 = arith.mulf %scan3A_588, %bitcast3A_784 : vector<16xf32>
      %mul3A_786 = arith.constant 2 : i32
      %mul3A_787 = arith.muli %mul3A_786, %scan3A_579 : i32
      %add3A_788 = arith.constant 1 : i32
      %add3A_789 = arith.addi %mul3A_787, %add3A_788 : i32
      %get3A_790 = arith.index_cast %add3A_789 : i32 to index
      %get3A_791 = arith.constant 64 : index
      %get3A_792 = tpu.vector_load %arg12[%get3A_790, %get3A_791] {strides = array<i32>} : memref<200x128xi32, #tpu.memory_space<vmem>>, vector<16xi32>,
      %shift_right_arithmetic3A_793 = arith.constant 1 : i32
      %shift_right_arithmetic3A_794 = vector.broadcast %shift_right_arithmetic3A_793 : i32 to vector<16xi32>
      %shift_right_arithmetic3A_795 = arith.shrsi %get3A_792, %shift_right_arithmetic3A_794 : vector<16xi32>
      %gather3A_796 = tpu.vector_load_idx %arg9[%shift_right_arithmetic3A_795] : memref<50176xi32, #tpu.memory_space<vmem>>[vector<16xi32>], vector<16xi32>,
      %xor3A_797 = arith.constant 1 : i32
      %xor3A_798 = vector.broadcast %xor3A_797 : i32 to vector<16xi32>
      %xor3A_799 = arith.xori %get3A_792, %xor3A_798 : vector<16xi32>
      %and3A_800 = arith.constant 1 : i32
      %and3A_801 = vector.broadcast %and3A_800 : i32 to vector<16xi32>
      %and3A_802 = arith.andi %xor3A_799, %and3A_801 : vector<16xi32>
      %shift_left3A_803 = arith.constant 4 : i32
      %shift_left3A_804 = vector.broadcast %shift_left3A_803 : i32 to vector<16xi32>
      %shift_left3A_805 = arith.shli %and3A_802, %shift_left3A_804 : vector<16xi32>
      %shift_left3A_806 = arith.shli %gather3A_796, %shift_left3A_805 : vector<16xi32>
      %bitcast3A_807 = vector.bitcast %shift_left3A_806 : vector<16xi32> to vector<16xf32>
      %mul3A_808 = arith.mulf %scan3A_589, %bitcast3A_807 : vector<16xf32>
      %mul3A_809 = arith.constant 2 : i32
      %mul3A_810 = arith.muli %mul3A_809, %scan3A_579 : i32
      %get3A_811 = arith.index_cast %mul3A_810 : i32 to index
      %get3A_812 = arith.constant 80 : index
      %get3A_813 = tpu.vector_load %arg12[%get3A_811, %get3A_812] {strides = array<i32>} : memref<200x128xi32, #tpu.memory_space<vmem>>, vector<16xi32>,
      %shift_right_arithmetic3A_814 = arith.constant 1 : i32
      %shift_right_arithmetic3A_815 = vector.broadcast %shift_right_arithmetic3A_814 : i32 to vector<16xi32>
      %shift_right_arithmetic3A_816 = arith.shrsi %get3A_813, %shift_right_arithmetic3A_815 : vector<16xi32>
      %gather3A_817 = tpu.vector_load_idx %arg9[%shift_right_arithmetic3A_816] : memref<50176xi32, #tpu.memory_space<vmem>>[vector<16xi32>], vector<16xi32>,
      %xor3A_818 = arith.constant 1 : i32
      %xor3A_819 = vector.broadcast %xor3A_818 : i32 to vector<16xi32>
      %xor3A_820 = arith.xori %get3A_813, %xor3A_819 : vector<16xi32>
      %and3A_821 = arith.constant 1 : i32
      %and3A_822 = vector.broadcast %and3A_821 : i32 to vector<16xi32>
      %and3A_823 = arith.andi %xor3A_820, %and3A_822 : vector<16xi32>
      %shift_left3A_824 = arith.constant 4 : i32
      %shift_left3A_825 = vector.broadcast %shift_left3A_824 : i32 to vector<16xi32>
      %shift_left3A_826 = arith.shli %and3A_823, %shift_left3A_825 : vector<16xi32>
      %shift_left3A_827 = arith.shli %gather3A_817, %shift_left3A_826 : vector<16xi32>
      %bitcast3A_828 = vector.bitcast %shift_left3A_827 : vector<16xi32> to vector<16xf32>
      %mul3A_829 = arith.mulf %scan3A_590, %bitcast3A_828 : vector<16xf32>
      %mul3A_830 = arith.constant 2 : i32
      %mul3A_831 = arith.muli %mul3A_830, %scan3A_579 : i32
      %add3A_832 = arith.constant 1 : i32
      %add3A_833 = arith.addi %mul3A_831, %add3A_832 : i32
      %get3A_834 = arith.index_cast %add3A_833 : i32 to index
      %get3A_835 = arith.constant 80 : index
      %get3A_836 = tpu.vector_load %arg12[%get3A_834, %get3A_835] {strides = array<i32>} : memref<200x128xi32, #tpu.memory_space<vmem>>, vector<16xi32>,
      %shift_right_arithmetic3A_837 = arith.constant 1 : i32
      %shift_right_arithmetic3A_838 = vector.broadcast %shift_right_arithmetic3A_837 : i32 to vector<16xi32>
      %shift_right_arithmetic3A_839 = arith.shrsi %get3A_836, %shift_right_arithmetic3A_838 : vector<16xi32>
      %gather3A_840 = tpu.vector_load_idx %arg9[%shift_right_arithmetic3A_839] : memref<50176xi32, #tpu.memory_space<vmem>>[vector<16xi32>], vector<16xi32>,
      %xor3A_841 = arith.constant 1 : i32
      %xor3A_842 = vector.broadcast %xor3A_841 : i32 to vector<16xi32>
      %xor3A_843 = arith.xori %get3A_836, %xor3A_842 : vector<16xi32>
      %and3A_844 = arith.constant 1 : i32
      %and3A_845 = vector.broadcast %and3A_844 : i32 to vector<16xi32>
      %and3A_846 = arith.andi %xor3A_843, %and3A_845 : vector<16xi32>
      %shift_left3A_847 = arith.constant 4 : i32
      %shift_left3A_848 = vector.broadcast %shift_left3A_847 : i32 to vector<16xi32>
      %shift_left3A_849 = arith.shli %and3A_846, %shift_left3A_848 : vector<16xi32>
      %shift_left3A_850 = arith.shli %gather3A_840, %shift_left3A_849 : vector<16xi32>
      %bitcast3A_851 = vector.bitcast %shift_left3A_850 : vector<16xi32> to vector<16xf32>
      %mul3A_852 = arith.mulf %scan3A_591, %bitcast3A_851 : vector<16xf32>
      %mul3A_853 = arith.constant 2 : i32
      %mul3A_854 = arith.muli %mul3A_853, %scan3A_579 : i32
      %get3A_855 = arith.index_cast %mul3A_854 : i32 to index
      %get3A_856 = arith.constant 96 : index
      %get3A_857 = tpu.vector_load %arg12[%get3A_855, %get3A_856] {strides = array<i32>} : memref<200x128xi32, #tpu.memory_space<vmem>>, vector<16xi32>,
      %shift_right_arithmetic3A_858 = arith.constant 1 : i32
      %shift_right_arithmetic3A_859 = vector.broadcast %shift_right_arithmetic3A_858 : i32 to vector<16xi32>
      %shift_right_arithmetic3A_860 = arith.shrsi %get3A_857, %shift_right_arithmetic3A_859 : vector<16xi32>
      %gather3A_861 = tpu.vector_load_idx %arg9[%shift_right_arithmetic3A_860] : memref<50176xi32, #tpu.memory_space<vmem>>[vector<16xi32>], vector<16xi32>,
      %xor3A_862 = arith.constant 1 : i32
      %xor3A_863 = vector.broadcast %xor3A_862 : i32 to vector<16xi32>
      %xor3A_864 = arith.xori %get3A_857, %xor3A_863 : vector<16xi32>
      %and3A_865 = arith.constant 1 : i32
      %and3A_866 = vector.broadcast %and3A_865 : i32 to vector<16xi32>
      %and3A_867 = arith.andi %xor3A_864, %and3A_866 : vector<16xi32>
      %shift_left3A_868 = arith.constant 4 : i32
      %shift_left3A_869 = vector.broadcast %shift_left3A_868 : i32 to vector<16xi32>
      %shift_left3A_870 = arith.shli %and3A_867, %shift_left3A_869 : vector<16xi32>
      %shift_left3A_871 = arith.shli %gather3A_861, %shift_left3A_870 : vector<16xi32>
      %bitcast3A_872 = vector.bitcast %shift_left3A_871 : vector<16xi32> to vector<16xf32>
      %mul3A_873 = arith.mulf %scan3A_592, %bitcast3A_872 : vector<16xf32>
      %mul3A_874 = arith.constant 2 : i32
      %mul3A_875 = arith.muli %mul3A_874, %scan3A_579 : i32
      %add3A_876 = arith.constant 1 : i32
      %add3A_877 = arith.addi %mul3A_875, %add3A_876 : i32
      %get3A_878 = arith.index_cast %add3A_877 : i32 to index
      %get3A_879 = arith.constant 96 : index
      %get3A_880 = tpu.vector_load %arg12[%get3A_878, %get3A_879] {strides = array<i32>} : memref<200x128xi32, #tpu.memory_space<vmem>>, vector<16xi32>,
      %shift_right_arithmetic3A_881 = arith.constant 1 : i32
      %shift_right_arithmetic3A_882 = vector.broadcast %shift_right_arithmetic3A_881 : i32 to vector<16xi32>
      %shift_right_arithmetic3A_883 = arith.shrsi %get3A_880, %shift_right_arithmetic3A_882 : vector<16xi32>
      %gather3A_884 = tpu.vector_load_idx %arg9[%shift_right_arithmetic3A_883] : memref<50176xi32, #tpu.memory_space<vmem>>[vector<16xi32>], vector<16xi32>,
      %xor3A_885 = arith.constant 1 : i32
      %xor3A_886 = vector.broadcast %xor3A_885 : i32 to vector<16xi32>
      %xor3A_887 = arith.xori %get3A_880, %xor3A_886 : vector<16xi32>
      %and3A_888 = arith.constant 1 : i32
      %and3A_889 = vector.broadcast %and3A_888 : i32 to vector<16xi32>
      %and3A_890 = arith.andi %xor3A_887, %and3A_889 : vector<16xi32>
      %shift_left3A_891 = arith.constant 4 : i32
      %shift_left3A_892 = vector.broadcast %shift_left3A_891 : i32 to vector<16xi32>
      %shift_left3A_893 = arith.shli %and3A_890, %shift_left3A_892 : vector<16xi32>
      %shift_left3A_894 = arith.shli %gather3A_884, %shift_left3A_893 : vector<16xi32>
      %bitcast3A_895 = vector.bitcast %shift_left3A_894 : vector<16xi32> to vector<16xf32>
      %mul3A_896 = arith.mulf %scan3A_593, %bitcast3A_895 : vector<16xf32>
      %mul3A_897 = arith.constant 2 : i32
      %mul3A_898 = arith.muli %mul3A_897, %scan3A_579 : i32
      %get3A_899 = arith.index_cast %mul3A_898 : i32 to index
      %get3A_900 = arith.constant 112 : index
      %get3A_901 = tpu.vector_load %arg12[%get3A_899, %get3A_900] {strides = array<i32>} : memref<200x128xi32, #tpu.memory_space<vmem>>, vector<16xi32>,
      %shift_right_arithmetic3A_902 = arith.constant 1 : i32
      %shift_right_arithmetic3A_903 = vector.broadcast %shift_right_arithmetic3A_902 : i32 to vector<16xi32>
      %shift_right_arithmetic3A_904 = arith.shrsi %get3A_901, %shift_right_arithmetic3A_903 : vector<16xi32>
      %gather3A_905 = tpu.vector_load_idx %arg9[%shift_right_arithmetic3A_904] : memref<50176xi32, #tpu.memory_space<vmem>>[vector<16xi32>], vector<16xi32>,
      %xor3A_906 = arith.constant 1 : i32
      %xor3A_907 = vector.broadcast %xor3A_906 : i32 to vector<16xi32>
      %xor3A_908 = arith.xori %get3A_901, %xor3A_907 : vector<16xi32>
      %and3A_909 = arith.constant 1 : i32
      %and3A_910 = vector.broadcast %and3A_909 : i32 to vector<16xi32>
      %and3A_911 = arith.andi %xor3A_908, %and3A_910 : vector<16xi32>
      %shift_left3A_912 = arith.constant 4 : i32
      %shift_left3A_913 = vector.broadcast %shift_left3A_912 : i32 to vector<16xi32>
      %shift_left3A_914 = arith.shli %and3A_911, %shift_left3A_913 : vector<16xi32>
      %shift_left3A_915 = arith.shli %gather3A_905, %shift_left3A_914 : vector<16xi32>
      %bitcast3A_916 = vector.bitcast %shift_left3A_915 : vector<16xi32> to vector<16xf32>
      %mul3A_917 = arith.mulf %scan3A_594, %bitcast3A_916 : vector<16xf32>
      %mul3A_918 = arith.constant 2 : i32
      %mul3A_919 = arith.muli %mul3A_918, %scan3A_579 : i32
      %add3A_920 = arith.constant 1 : i32
      %add3A_921 = arith.addi %mul3A_919, %add3A_920 : i32
      %get3A_922 = arith.index_cast %add3A_921 : i32 to index
      %get3A_923 = arith.constant 112 : index
      %get3A_924 = tpu.vector_load %arg12[%get3A_922, %get3A_923] {strides = array<i32>} : memref<200x128xi32, #tpu.memory_space<vmem>>, vector<16xi32>,
      %shift_right_arithmetic3A_925 = arith.constant 1 : i32
      %shift_right_arithmetic3A_926 = vector.broadcast %shift_right_arithmetic3A_925 : i32 to vector<16xi32>
      %shift_right_arithmetic3A_927 = arith.shrsi %get3A_924, %shift_right_arithmetic3A_926 : vector<16xi32>
      %gather3A_928 = tpu.vector_load_idx %arg9[%shift_right_arithmetic3A_927] : memref<50176xi32, #tpu.memory_space<vmem>>[vector<16xi32>], vector<16xi32>,
      %xor3A_929 = arith.constant 1 : i32
      %xor3A_930 = vector.broadcast %xor3A_929 : i32 to vector<16xi32>
      %xor3A_931 = arith.xori %get3A_924, %xor3A_930 : vector<16xi32>
      %and3A_932 = arith.constant 1 : i32
      %and3A_933 = vector.broadcast %and3A_932 : i32 to vector<16xi32>
      %and3A_934 = arith.andi %xor3A_931, %and3A_933 : vector<16xi32>
      %shift_left3A_935 = arith.constant 4 : i32
      %shift_left3A_936 = vector.broadcast %shift_left3A_935 : i32 to vector<16xi32>
      %shift_left3A_937 = arith.shli %and3A_934, %shift_left3A_936 : vector<16xi32>
      %shift_left3A_938 = arith.shli %gather3A_928, %shift_left3A_937 : vector<16xi32>
      %bitcast3A_939 = vector.bitcast %shift_left3A_938 : vector<16xi32> to vector<16xf32>
      %mul3A_940 = arith.mulf %scan3A_595, %bitcast3A_939 : vector<16xf32>
      scf.yield %mul3A_609, %mul3A_632, %mul3A_653, %mul3A_676, %mul3A_697, %mul3A_720, %mul3A_741, %mul3A_764, %mul3A_785, %mul3A_808, %mul3A_829, %mul3A_852, %mul3A_873, %mul3A_896, %mul3A_917, %mul3A_940 : vector<16xf32>, vector<16xf32>, vector<16xf32>, vector<16xf32>, vector<16xf32>, vector<16xf32>, vector<16xf32>, vector<16xf32>, vector<16xf32>, vector<16xf32>, vector<16xf32>, vector<16xf32>, vector<16xf32>, vector<16xf32>, vector<16xf32>, vector<16xf32>
    }
    %scan3A_149 = arith.constant 100 : i32
    %add3A_150 = arith.constant 256 : i32
    %add3A_151 = arith.addi %mul3A_2, %add3A_150 : i32
    %dma_start3A_152 = arith.constant 0 : i32
    %dma_start3A_153 = tpu.memref_slice %arg2[%dma_start3A_152, %add3A_151] : memref<200x16384xi32, #tpu.memory_space<hbm>> -> memref<200x128xi32, #tpu.memory_space<hbm>>
    %dma_start3A_154 = arith.constant 0 : i32
    %dma_start3A_155 = tpu.memref_slice %arg2[%dma_start3A_154, %add3A_151] : memref<200x16384xi32, #tpu.memory_space<hbm>> -> memref<200x128xi32, #tpu.memory_space<hbm>>
    tpu.enqueue_dma source(%dma_start3A_155 : memref<200x128xi32, #tpu.memory_space<hbm>>) target(%arg12 : memref<200x128xi32, #tpu.memory_space<vmem>>) target_semaphore(%arg15 : memref<!tpu.dma_semaphore, #tpu.memory_space<semaphore_mem>>)
    %mul3A_156 = arith.mulf %scan3A_148#0, %scan3A_148#1 : vector<16xf32>
    %sub3A_157 = arith.constant 1.000000e+00 : f32
    %sub3A_158 = vector.broadcast %sub3A_157 : f32 to vector<16xf32>
    %sub3A_159 = arith.subf %sub3A_158, %mul3A_156 : vector<16xf32>
    %jit3A_160 = arith.constant 9.99999974E-5 : f32
    %jit3A_161 = arith.constant 0.999989986 : f32
    %max3A = vector.broadcast %jit3A_160 : f32 to vector<16xf32>
    %max3A_162 = arith.maximumf %max3A, %sub3A_159 : vector<16xf32>
    %min3A = vector.broadcast %jit3A_161 : f32 to vector<16xf32>
    %min3A_163 = arith.minimumf %min3A, %max3A_162 : vector<16xf32>
    %swap3A = arith.constant 0 : index
    %swap3A_164 = tpu.vector_load %arg14[%swap3A] {strides = array<i32>} : memref<512xf32, #tpu.memory_space<vmem>>, vector<16xf32>,
    tpu.vector_store %arg14[%swap3A], %min3A_163 {strides = array<i32>} : memref<512xf32, #tpu.memory_space<vmem>>, vector<16xf32>,
    %mul3A_165 = arith.mulf %scan3A_148#2, %scan3A_148#3 : vector<16xf32>
    %sub3A_166 = arith.constant 1.000000e+00 : f32
    %sub3A_167 = vector.broadcast %sub3A_166 : f32 to vector<16xf32>
    %sub3A_168 = arith.subf %sub3A_167, %mul3A_165 : vector<16xf32>
    %jit3A_169 = arith.constant 9.99999974E-5 : f32
    %jit3A_170 = arith.constant 0.999989986 : f32
    %max3A_171 = vector.broadcast %jit3A_169 : f32 to vector<16xf32>
    %max3A_172 = arith.maximumf %max3A_171, %sub3A_168 : vector<16xf32>
    %min3A_173 = vector.broadcast %jit3A_170 : f32 to vector<16xf32>
    %min3A_174 = arith.minimumf %min3A_173, %max3A_172 : vector<16xf32>
    %swap3A_175 = arith.constant 16 : index
    %swap3A_176 = tpu.vector_load %arg14[%swap3A_175] {strides = array<i32>} : memref<512xf32, #tpu.memory_space<vmem>>, vector<16xf32>,
    tpu.vector_store %arg14[%swap3A_175], %min3A_174 {strides = array<i32>} : memref<512xf32, #tpu.memory_space<vmem>>, vector<16xf32>,
    %mul3A_177 = arith.mulf %scan3A_148#4, %scan3A_148#5 : vector<16xf32>
    %sub3A_178 = arith.constant 1.000000e+00 : f32
    %sub3A_179 = vector.broadcast %sub3A_178 : f32 to vector<16xf32>
    %sub3A_180 = arith.subf %sub3A_179, %mul3A_177 : vector<16xf32>
    %jit3A_181 = arith.constant 9.99999974E-5 : f32
    %jit3A_182 = arith.constant 0.999989986 : f32
    %max3A_183 = vector.broadcast %jit3A_181 : f32 to vector<16xf32>
    %max3A_184 = arith.maximumf %max3A_183, %sub3A_180 : vector<16xf32>
    %min3A_185 = vector.broadcast %jit3A_182 : f32 to vector<16xf32>
    %min3A_186 = arith.minimumf %min3A_185, %max3A_184 : vector<16xf32>
    %swap3A_187 = arith.constant 32 : index
    %swap3A_188 = tpu.vector_load %arg14[%swap3A_187] {strides = array<i32>} : memref<512xf32, #tpu.memory_space<vmem>>, vector<16xf32>,
    tpu.vector_store %arg14[%swap3A_187], %min3A_186 {strides = array<i32>} : memref<512xf32, #tpu.memory_space<vmem>>, vector<16xf32>,
    %mul3A_189 = arith.mulf %scan3A_148#6, %scan3A_148#7 : vector<16xf32>
    %sub3A_190 = arith.constant 1.000000e+00 : f32
    %sub3A_191 = vector.broadcast %sub3A_190 : f32 to vector<16xf32>
    %sub3A_192 = arith.subf %sub3A_191, %mul3A_189 : vector<16xf32>
    %jit3A_193 = arith.constant 9.99999974E-5 : f32
    %jit3A_194 = arith.constant 0.999989986 : f32
    %max3A_195 = vector.broadcast %jit3A_193 : f32 to vector<16xf32>
    %max3A_196 = arith.maximumf %max3A_195, %sub3A_192 : vector<16xf32>
    %min3A_197 = vector.broadcast %jit3A_194 : f32 to vector<16xf32>
    %min3A_198 = arith.minimumf %min3A_197, %max3A_196 : vector<16xf32>
    %swap3A_199 = arith.constant 48 : index
    %swap3A_200 = tpu.vector_load %arg14[%swap3A_199] {strides = array<i32>} : memref<512xf32, #tpu.memory_space<vmem>>, vector<16xf32>,
    tpu.vector_store %arg14[%swap3A_199], %min3A_198 {strides = array<i32>} : memref<512xf32, #tpu.memory_space<vmem>>, vector<16xf32>,
    %mul3A_201 = arith.mulf %scan3A_148#8, %scan3A_148#9 : vector<16xf32>
    %sub3A_202 = arith.constant 1.000000e+00 : f32
    %sub3A_203 = vector.broadcast %sub3A_202 : f32 to vector<16xf32>
    %sub3A_204 = arith.subf %sub3A_203, %mul3A_201 : vector<16xf32>
    %jit3A_205 = arith.constant 9.99999974E-5 : f32
    %jit3A_206 = arith.constant 0.999989986 : f32
    %max3A_207 = vector.broadcast %jit3A_205 : f32 to vector<16xf32>
    %max3A_208 = arith.maximumf %max3A_207, %sub3A_204 : vector<16xf32>
    %min3A_209 = vector.broadcast %jit3A_206 : f32 to vector<16xf32>
    %min3A_210 = arith.minimumf %min3A_209, %max3A_208 : vector<16xf32>
    %swap3A_211 = arith.constant 64 : index
    %swap3A_212 = tpu.vector_load %arg14[%swap3A_211] {strides = array<i32>} : memref<512xf32, #tpu.memory_space<vmem>>, vector<16xf32>,
    tpu.vector_store %arg14[%swap3A_211], %min3A_210 {strides = array<i32>} : memref<512xf32, #tpu.memory_space<vmem>>, vector<16xf32>,
    %mul3A_213 = arith.mulf %scan3A_148#10, %scan3A_148#11 : vector<16xf32>
    %sub3A_214 = arith.constant 1.000000e+00 : f32
    %sub3A_215 = vector.broadcast %sub3A_214 : f32 to vector<16xf32>
    %sub3A_216 = arith.subf %sub3A_215, %mul3A_213 : vector<16xf32>
    %jit3A_217 = arith.constant 9.99999974E-5 : f32
    %jit3A_218 = arith.constant 0.999989986 : f32
    %max3A_219 = vector.broadcast %jit3A_217 : f32 to vector<16xf32>
    %max3A_220 = arith.maximumf %max3A_219, %sub3A_216 : vector<16xf32>
    %min3A_221 = vector.broadcast %jit3A_218 : f32 to vector<16xf32>
    %min3A_222 = arith.minimumf %min3A_221, %max3A_220 : vector<16xf32>
    %swap3A_223 = arith.constant 80 : index
    %swap3A_224 = tpu.vector_load %arg14[%swap3A_223] {strides = array<i32>} : memref<512xf32, #tpu.memory_space<vmem>>, vector<16xf32>,
    tpu.vector_store %arg14[%swap3A_223], %min3A_222 {strides = array<i32>} : memref<512xf32, #tpu.memory_space<vmem>>, vector<16xf32>,
    %mul3A_225 = arith.mulf %scan3A_148#12, %scan3A_148#13 : vector<16xf32>
    %sub3A_226 = arith.constant 1.000000e+00 : f32
    %sub3A_227 = vector.broadcast %sub3A_226 : f32 to vector<16xf32>
    %sub3A_228 = arith.subf %sub3A_227, %mul3A_225 : vector<16xf32>
    %jit3A_229 = arith.constant 9.99999974E-5 : f32
    %jit3A_230 = arith.constant 0.999989986 : f32
    %max3A_231 = vector.broadcast %jit3A_229 : f32 to vector<16xf32>
    %max3A_232 = arith.maximumf %max3A_231, %sub3A_228 : vector<16xf32>
    %min3A_233 = vector.broadcast %jit3A_230 : f32 to vector<16xf32>
    %min3A_234 = arith.minimumf %min3A_233, %max3A_232 : vector<16xf32>
    %swap3A_235 = arith.constant 96 : index
    %swap3A_236 = tpu.vector_load %arg14[%swap3A_235] {strides = array<i32>} : memref<512xf32, #tpu.memory_space<vmem>>, vector<16xf32>,
    tpu.vector_store %arg14[%swap3A_235], %min3A_234 {strides = array<i32>} : memref<512xf32, #tpu.memory_space<vmem>>, vector<16xf32>,
    %mul3A_237 = arith.mulf %scan3A_148#14, %scan3A_148#15 : vector<16xf32>
    %sub3A_238 = arith.constant 1.000000e+00 : f32
    %sub3A_239 = vector.broadcast %sub3A_238 : f32 to vector<16xf32>
    %sub3A_240 = arith.subf %sub3A_239, %mul3A_237 : vector<16xf32>
    %jit3A_241 = arith.constant 9.99999974E-5 : f32
    %jit3A_242 = arith.constant 0.999989986 : f32
    %max3A_243 = vector.broadcast %jit3A_241 : f32 to vector<16xf32>
    %max3A_244 = arith.maximumf %max3A_243, %sub3A_240 : vector<16xf32>
    %min3A_245 = vector.broadcast %jit3A_242 : f32 to vector<16xf32>
    %min3A_246 = arith.minimumf %min3A_245, %max3A_244 : vector<16xf32>
    %swap3A_247 = arith.constant 112 : index
    %swap3A_248 = tpu.vector_load %arg14[%swap3A_247] {strides = array<i32>} : memref<512xf32, #tpu.memory_space<vmem>>, vector<16xf32>,
    tpu.vector_store %arg14[%swap3A_247], %min3A_246 {strides = array<i32>} : memref<512xf32, #tpu.memory_space<vmem>>, vector<16xf32>,
    %add3A_249 = arith.constant 0 : i32
    %add3A_250 = arith.addi %mul3A_2, %add3A_249 : i32
    %dma_wait3A_251 = arith.constant 0 : i32
    %dma_wait3A_252 = tpu.memref_slice %arg2[%dma_wait3A_251, %add3A_250] : memref<200x16384xi32, #tpu.memory_space<hbm>> -> memref<200x128xi32, #tpu.memory_space<hbm>>
    %dma_wait3A_253 = arith.constant 0 : i32
    %dma_wait3A_254 = tpu.memref_slice %arg2[%dma_wait3A_253, %add3A_250] : memref<200x16384xi32, #tpu.memory_space<hbm>> -> memref<200x128xi32, #tpu.memory_space<hbm>>
    tpu.wait_dma2 semaphore(%arg16 : memref<!tpu.dma_semaphore, #tpu.memory_space<semaphore_mem>>) src(%dma_wait3A_254 : memref<200x128xi32, #tpu.memory_space<hbm>>) dst(%arg13 : memref<200x128xi32, #tpu.memory_space<vmem>>)
    %scan3A_255 = arith.constant 0 : i32
    %scan3A_256 = arith.constant 100 : i32
    %scan3A_257 = arith.addi %scan3A_255, %scan3A_256 : i32
    %scan3A_258 = arith.constant 1 : i32
    %scan3A_259:16 = scf.for %scan3A_579 = %scan3A_255 to %scan3A_257 step %scan3A_258 iter_args(%scan3A_580 = %broadcast_in_dim3A_138, %scan3A_581 = %broadcast_in_dim3A_138, %scan3A_582 = %broadcast_in_dim3A_138, %scan3A_583 = %broadcast_in_dim3A_138, %scan3A_584 = %broadcast_in_dim3A_138, %scan3A_585 = %broadcast_in_dim3A_138, %scan3A_586 = %broadcast_in_dim3A_138, %scan3A_587 = %broadcast_in_dim3A_138, %scan3A_588 = %broadcast_in_dim3A_138, %scan3A_589 = %broadcast_in_dim3A_138, %scan3A_590 = %broadcast_in_dim3A_138, %scan3A_591 = %broadcast_in_dim3A_138, %scan3A_592 = %broadcast_in_dim3A_138, %scan3A_593 = %broadcast_in_dim3A_138, %scan3A_594 = %broadcast_in_dim3A_138, %scan3A_595 = %broadcast_in_dim3A_138) -> (vector<16xf32>, vector<16xf32>, vector<16xf32>, vector<16xf32>, vector<16xf32>, vector<16xf32>, vector<16xf32>, vector<16xf32>, vector<16xf32>, vector<16xf32>, vector<16xf32>, vector<16xf32>, vector<16xf32>, vector<16xf32>, vector<16xf32>, vector<16xf32>)  : i32 {
      %mul3A_596 = arith.constant 2 : i32
      %mul3A_597 = arith.muli %mul3A_596, %scan3A_579 : i32
      %get3A = arith.index_cast %mul3A_597 : i32 to index
      %get3A_598 = arith.constant 0 : index
      %get3A_599 = tpu.vector_load %arg13[%get3A, %get3A_598] {strides = array<i32>} : memref<200x128xi32, #tpu.memory_space<vmem>>, vector<16xi32>,
      %shift_right_arithmetic3A = arith.constant 1 : i32
      %shift_right_arithmetic3A_600 = vector.broadcast %shift_right_arithmetic3A : i32 to vector<16xi32>
      %shift_right_arithmetic3A_601 = arith.shrsi %get3A_599, %shift_right_arithmetic3A_600 : vector<16xi32>
      %gather3A = tpu.vector_load_idx %arg9[%shift_right_arithmetic3A_601] : memref<50176xi32, #tpu.memory_space<vmem>>[vector<16xi32>], vector<16xi32>,
      %xor3A = arith.constant 1 : i32
      %xor3A_602 = vector.broadcast %xor3A : i32 to vector<16xi32>
      %xor3A_603 = arith.xori %get3A_599, %xor3A_602 : vector<16xi32>
      %and3A = arith.constant 1 : i32
      %and3A_604 = vector.broadcast %and3A : i32 to vector<16xi32>
      %and3A_605 = arith.andi %xor3A_603, %and3A_604 : vector<16xi32>
      %shift_left3A = arith.constant 4 : i32
      %shift_left3A_606 = vector.broadcast %shift_left3A : i32 to vector<16xi32>
      %shift_left3A_607 = arith.shli %and3A_605, %shift_left3A_606 : vector<16xi32>
      %shift_left3A_608 = arith.shli %gather3A, %shift_left3A_607 : vector<16xi32>
      %bitcast3A = vector.bitcast %shift_left3A_608 : vector<16xi32> to vector<16xf32>
      %mul3A_609 = arith.mulf %scan3A_580, %bitcast3A : vector<16xf32>
      %mul3A_610 = arith.constant 2 : i32
      %mul3A_611 = arith.muli %mul3A_610, %scan3A_579 : i32
      %add3A_612 = arith.constant 1 : i32
      %add3A_613 = arith.addi %mul3A_611, %add3A_612 : i32
      %get3A_614 = arith.index_cast %add3A_613 : i32 to index
      %get3A_615 = arith.constant 0 : index
      %get3A_616 = tpu.vector_load %arg13[%get3A_614, %get3A_615] {strides = array<i32>} : memref<200x128xi32, #tpu.memory_space<vmem>>, vector<16xi32>,
      %shift_right_arithmetic3A_617 = arith.constant 1 : i32
      %shift_right_arithmetic3A_618 = vector.broadcast %shift_right_arithmetic3A_617 : i32 to vector<16xi32>
      %shift_right_arithmetic3A_619 = arith.shrsi %get3A_616, %shift_right_arithmetic3A_618 : vector<16xi32>
      %gather3A_620 = tpu.vector_load_idx %arg9[%shift_right_arithmetic3A_619] : memref<50176xi32, #tpu.memory_space<vmem>>[vector<16xi32>], vector<16xi32>,
      %xor3A_621 = arith.constant 1 : i32
      %xor3A_622 = vector.broadcast %xor3A_621 : i32 to vector<16xi32>
      %xor3A_623 = arith.xori %get3A_616, %xor3A_622 : vector<16xi32>
      %and3A_624 = arith.constant 1 : i32
      %and3A_625 = vector.broadcast %and3A_624 : i32 to vector<16xi32>
      %and3A_626 = arith.andi %xor3A_623, %and3A_625 : vector<16xi32>
      %shift_left3A_627 = arith.constant 4 : i32
      %shift_left3A_628 = vector.broadcast %shift_left3A_627 : i32 to vector<16xi32>
      %shift_left3A_629 = arith.shli %and3A_626, %shift_left3A_628 : vector<16xi32>
      %shift_left3A_630 = arith.shli %gather3A_620, %shift_left3A_629 : vector<16xi32>
      %bitcast3A_631 = vector.bitcast %shift_left3A_630 : vector<16xi32> to vector<16xf32>
      %mul3A_632 = arith.mulf %scan3A_581, %bitcast3A_631 : vector<16xf32>
      %mul3A_633 = arith.constant 2 : i32
      %mul3A_634 = arith.muli %mul3A_633, %scan3A_579 : i32
      %get3A_635 = arith.index_cast %mul3A_634 : i32 to index
      %get3A_636 = arith.constant 16 : index
      %get3A_637 = tpu.vector_load %arg13[%get3A_635, %get3A_636] {strides = array<i32>} : memref<200x128xi32, #tpu.memory_space<vmem>>, vector<16xi32>,
      %shift_right_arithmetic3A_638 = arith.constant 1 : i32
      %shift_right_arithmetic3A_639 = vector.broadcast %shift_right_arithmetic3A_638 : i32 to vector<16xi32>
      %shift_right_arithmetic3A_640 = arith.shrsi %get3A_637, %shift_right_arithmetic3A_639 : vector<16xi32>
      %gather3A_641 = tpu.vector_load_idx %arg9[%shift_right_arithmetic3A_640] : memref<50176xi32, #tpu.memory_space<vmem>>[vector<16xi32>], vector<16xi32>,
      %xor3A_642 = arith.constant 1 : i32
      %xor3A_643 = vector.broadcast %xor3A_642 : i32 to vector<16xi32>
      %xor3A_644 = arith.xori %get3A_637, %xor3A_643 : vector<16xi32>
      %and3A_645 = arith.constant 1 : i32
      %and3A_646 = vector.broadcast %and3A_645 : i32 to vector<16xi32>
      %and3A_647 = arith.andi %xor3A_644, %and3A_646 : vector<16xi32>
      %shift_left3A_648 = arith.constant 4 : i32
      %shift_left3A_649 = vector.broadcast %shift_left3A_648 : i32 to vector<16xi32>
      %shift_left3A_650 = arith.shli %and3A_647, %shift_left3A_649 : vector<16xi32>
      %shift_left3A_651 = arith.shli %gather3A_641, %shift_left3A_650 : vector<16xi32>
      %bitcast3A_652 = vector.bitcast %shift_left3A_651 : vector<16xi32> to vector<16xf32>
      %mul3A_653 = arith.mulf %scan3A_582, %bitcast3A_652 : vector<16xf32>
      %mul3A_654 = arith.constant 2 : i32
      %mul3A_655 = arith.muli %mul3A_654, %scan3A_579 : i32
      %add3A_656 = arith.constant 1 : i32
      %add3A_657 = arith.addi %mul3A_655, %add3A_656 : i32
      %get3A_658 = arith.index_cast %add3A_657 : i32 to index
      %get3A_659 = arith.constant 16 : index
      %get3A_660 = tpu.vector_load %arg13[%get3A_658, %get3A_659] {strides = array<i32>} : memref<200x128xi32, #tpu.memory_space<vmem>>, vector<16xi32>,
      %shift_right_arithmetic3A_661 = arith.constant 1 : i32
      %shift_right_arithmetic3A_662 = vector.broadcast %shift_right_arithmetic3A_661 : i32 to vector<16xi32>
      %shift_right_arithmetic3A_663 = arith.shrsi %get3A_660, %shift_right_arithmetic3A_662 : vector<16xi32>
      %gather3A_664 = tpu.vector_load_idx %arg9[%shift_right_arithmetic3A_663] : memref<50176xi32, #tpu.memory_space<vmem>>[vector<16xi32>], vector<16xi32>,
      %xor3A_665 = arith.constant 1 : i32
      %xor3A_666 = vector.broadcast %xor3A_665 : i32 to vector<16xi32>
      %xor3A_667 = arith.xori %get3A_660, %xor3A_666 : vector<16xi32>
      %and3A_668 = arith.constant 1 : i32
      %and3A_669 = vector.broadcast %and3A_668 : i32 to vector<16xi32>
      %and3A_670 = arith.andi %xor3A_667, %and3A_669 : vector<16xi32>
      %shift_left3A_671 = arith.constant 4 : i32
      %shift_left3A_672 = vector.broadcast %shift_left3A_671 : i32 to vector<16xi32>
      %shift_left3A_673 = arith.shli %and3A_670, %shift_left3A_672 : vector<16xi32>
      %shift_left3A_674 = arith.shli %gather3A_664, %shift_left3A_673 : vector<16xi32>
      %bitcast3A_675 = vector.bitcast %shift_left3A_674 : vector<16xi32> to vector<16xf32>
      %mul3A_676 = arith.mulf %scan3A_583, %bitcast3A_675 : vector<16xf32>
      %mul3A_677 = arith.constant 2 : i32
      %mul3A_678 = arith.muli %mul3A_677, %scan3A_579 : i32
      %get3A_679 = arith.index_cast %mul3A_678 : i32 to index
      %get3A_680 = arith.constant 32 : index
      %get3A_681 = tpu.vector_load %arg13[%get3A_679, %get3A_680] {strides = array<i32>} : memref<200x128xi32, #tpu.memory_space<vmem>>, vector<16xi32>,
      %shift_right_arithmetic3A_682 = arith.constant 1 : i32
      %shift_right_arithmetic3A_683 = vector.broadcast %shift_right_arithmetic3A_682 : i32 to vector<16xi32>
      %shift_right_arithmetic3A_684 = arith.shrsi %get3A_681, %shift_right_arithmetic3A_683 : vector<16xi32>
      %gather3A_685 = tpu.vector_load_idx %arg9[%shift_right_arithmetic3A_684] : memref<50176xi32, #tpu.memory_space<vmem>>[vector<16xi32>], vector<16xi32>,
      %xor3A_686 = arith.constant 1 : i32
      %xor3A_687 = vector.broadcast %xor3A_686 : i32 to vector<16xi32>
      %xor3A_688 = arith.xori %get3A_681, %xor3A_687 : vector<16xi32>
      %and3A_689 = arith.constant 1 : i32
      %and3A_690 = vector.broadcast %and3A_689 : i32 to vector<16xi32>
      %and3A_691 = arith.andi %xor3A_688, %and3A_690 : vector<16xi32>
      %shift_left3A_692 = arith.constant 4 : i32
      %shift_left3A_693 = vector.broadcast %shift_left3A_692 : i32 to vector<16xi32>
      %shift_left3A_694 = arith.shli %and3A_691, %shift_left3A_693 : vector<16xi32>
      %shift_left3A_695 = arith.shli %gather3A_685, %shift_left3A_694 : vector<16xi32>
      %bitcast3A_696 = vector.bitcast %shift_left3A_695 : vector<16xi32> to vector<16xf32>
      %mul3A_697 = arith.mulf %scan3A_584, %bitcast3A_696 : vector<16xf32>
      %mul3A_698 = arith.constant 2 : i32
      %mul3A_699 = arith.muli %mul3A_698, %scan3A_579 : i32
      %add3A_700 = arith.constant 1 : i32
      %add3A_701 = arith.addi %mul3A_699, %add3A_700 : i32
      %get3A_702 = arith.index_cast %add3A_701 : i32 to index
      %get3A_703 = arith.constant 32 : index
      %get3A_704 = tpu.vector_load %arg13[%get3A_702, %get3A_703] {strides = array<i32>} : memref<200x128xi32, #tpu.memory_space<vmem>>, vector<16xi32>,
      %shift_right_arithmetic3A_705 = arith.constant 1 : i32
      %shift_right_arithmetic3A_706 = vector.broadcast %shift_right_arithmetic3A_705 : i32 to vector<16xi32>
      %shift_right_arithmetic3A_707 = arith.shrsi %get3A_704, %shift_right_arithmetic3A_706 : vector<16xi32>
      %gather3A_708 = tpu.vector_load_idx %arg9[%shift_right_arithmetic3A_707] : memref<50176xi32, #tpu.memory_space<vmem>>[vector<16xi32>], vector<16xi32>,
      %xor3A_709 = arith.constant 1 : i32
      %xor3A_710 = vector.broadcast %xor3A_709 : i32 to vector<16xi32>
      %xor3A_711 = arith.xori %get3A_704, %xor3A_710 : vector<16xi32>
      %and3A_712 = arith.constant 1 : i32
      %and3A_713 = vector.broadcast %and3A_712 : i32 to vector<16xi32>
      %and3A_714 = arith.andi %xor3A_711, %and3A_713 : vector<16xi32>
      %shift_left3A_715 = arith.constant 4 : i32
      %shift_left3A_716 = vector.broadcast %shift_left3A_715 : i32 to vector<16xi32>
      %shift_left3A_717 = arith.shli %and3A_714, %shift_left3A_716 : vector<16xi32>
      %shift_left3A_718 = arith.shli %gather3A_708, %shift_left3A_717 : vector<16xi32>
      %bitcast3A_719 = vector.bitcast %shift_left3A_718 : vector<16xi32> to vector<16xf32>
      %mul3A_720 = arith.mulf %scan3A_585, %bitcast3A_719 : vector<16xf32>
      %mul3A_721 = arith.constant 2 : i32
      %mul3A_722 = arith.muli %mul3A_721, %scan3A_579 : i32
      %get3A_723 = arith.index_cast %mul3A_722 : i32 to index
      %get3A_724 = arith.constant 48 : index
      %get3A_725 = tpu.vector_load %arg13[%get3A_723, %get3A_724] {strides = array<i32>} : memref<200x128xi32, #tpu.memory_space<vmem>>, vector<16xi32>,
      %shift_right_arithmetic3A_726 = arith.constant 1 : i32
      %shift_right_arithmetic3A_727 = vector.broadcast %shift_right_arithmetic3A_726 : i32 to vector<16xi32>
      %shift_right_arithmetic3A_728 = arith.shrsi %get3A_725, %shift_right_arithmetic3A_727 : vector<16xi32>
      %gather3A_729 = tpu.vector_load_idx %arg9[%shift_right_arithmetic3A_728] : memref<50176xi32, #tpu.memory_space<vmem>>[vector<16xi32>], vector<16xi32>,
      %xor3A_730 = arith.constant 1 : i32
      %xor3A_731 = vector.broadcast %xor3A_730 : i32 to vector<16xi32>
      %xor3A_732 = arith.xori %get3A_725, %xor3A_731 : vector<16xi32>
      %and3A_733 = arith.constant 1 : i32
      %and3A_734 = vector.broadcast %and3A_733 : i32 to vector<16xi32>
      %and3A_735 = arith.andi %xor3A_732, %and3A_734 : vector<16xi32>
      %shift_left3A_736 = arith.constant 4 : i32
      %shift_left3A_737 = vector.broadcast %shift_left3A_736 : i32 to vector<16xi32>
      %shift_left3A_738 = arith.shli %and3A_735, %shift_left3A_737 : vector<16xi32>
      %shift_left3A_739 = arith.shli %gather3A_729, %shift_left3A_738 : vector<16xi32>
      %bitcast3A_740 = vector.bitcast %shift_left3A_739 : vector<16xi32> to vector<16xf32>
      %mul3A_741 = arith.mulf %scan3A_586, %bitcast3A_740 : vector<16xf32>
      %mul3A_742 = arith.constant 2 : i32
      %mul3A_743 = arith.muli %mul3A_742, %scan3A_579 : i32
      %add3A_744 = arith.constant 1 : i32
      %add3A_745 = arith.addi %mul3A_743, %add3A_744 : i32
      %get3A_746 = arith.index_cast %add3A_745 : i32 to index
      %get3A_747 = arith.constant 48 : index
      %get3A_748 = tpu.vector_load %arg13[%get3A_746, %get3A_747] {strides = array<i32>} : memref<200x128xi32, #tpu.memory_space<vmem>>, vector<16xi32>,
      %shift_right_arithmetic3A_749 = arith.constant 1 : i32
      %shift_right_arithmetic3A_750 = vector.broadcast %shift_right_arithmetic3A_749 : i32 to vector<16xi32>
      %shift_right_arithmetic3A_751 = arith.shrsi %get3A_748, %shift_right_arithmetic3A_750 : vector<16xi32>
      %gather3A_752 = tpu.vector_load_idx %arg9[%shift_right_arithmetic3A_751] : memref<50176xi32, #tpu.memory_space<vmem>>[vector<16xi32>], vector<16xi32>,
      %xor3A_753 = arith.constant 1 : i32
      %xor3A_754 = vector.broadcast %xor3A_753 : i32 to vector<16xi32>
      %xor3A_755 = arith.xori %get3A_748, %xor3A_754 : vector<16xi32>
      %and3A_756 = arith.constant 1 : i32
      %and3A_757 = vector.broadcast %and3A_756 : i32 to vector<16xi32>
      %and3A_758 = arith.andi %xor3A_755, %and3A_757 : vector<16xi32>
      %shift_left3A_759 = arith.constant 4 : i32
      %shift_left3A_760 = vector.broadcast %shift_left3A_759 : i32 to vector<16xi32>
      %shift_left3A_761 = arith.shli %and3A_758, %shift_left3A_760 : vector<16xi32>
      %shift_left3A_762 = arith.shli %gather3A_752, %shift_left3A_761 : vector<16xi32>
      %bitcast3A_763 = vector.bitcast %shift_left3A_762 : vector<16xi32> to vector<16xf32>
      %mul3A_764 = arith.mulf %scan3A_587, %bitcast3A_763 : vector<16xf32>
      %mul3A_765 = arith.constant 2 : i32
      %mul3A_766 = arith.muli %mul3A_765, %scan3A_579 : i32
      %get3A_767 = arith.index_cast %mul3A_766 : i32 to index
      %get3A_768 = arith.constant 64 : index
      %get3A_769 = tpu.vector_load %arg13[%get3A_767, %get3A_768] {strides = array<i32>} : memref<200x128xi32, #tpu.memory_space<vmem>>, vector<16xi32>,
      %shift_right_arithmetic3A_770 = arith.constant 1 : i32
      %shift_right_arithmetic3A_771 = vector.broadcast %shift_right_arithmetic3A_770 : i32 to vector<16xi32>
      %shift_right_arithmetic3A_772 = arith.shrsi %get3A_769, %shift_right_arithmetic3A_771 : vector<16xi32>
      %gather3A_773 = tpu.vector_load_idx %arg9[%shift_right_arithmetic3A_772] : memref<50176xi32, #tpu.memory_space<vmem>>[vector<16xi32>], vector<16xi32>,
      %xor3A_774 = arith.constant 1 : i32
      %xor3A_775 = vector.broadcast %xor3A_774 : i32 to vector<16xi32>
      %xor3A_776 = arith.xori %get3A_769, %xor3A_775 : vector<16xi32>
      %and3A_777 = arith.constant 1 : i32
      %and3A_778 = vector.broadcast %and3A_777 : i32 to vector<16xi32>
      %and3A_779 = arith.andi %xor3A_776, %and3A_778 : vector<16xi32>
      %shift_left3A_780 = arith.constant 4 : i32
      %shift_left3A_781 = vector.broadcast %shift_left3A_780 : i32 to vector<16xi32>
      %shift_left3A_782 = arith.shli %and3A_779, %shift_left3A_781 : vector<16xi32>
      %shift_left3A_783 = arith.shli %gather3A_773, %shift_left3A_782 : vector<16xi32>
      %bitcast3A_784 = vector.bitcast %shift_left3A_783 : vector<16xi32> to vector<16xf32>
      %mul3A_785 = arith.mulf %scan3A_588, %bitcast3A_784 : vector<16xf32>
      %mul3A_786 = arith.constant 2 : i32
      %mul3A_787 = arith.muli %mul3A_786, %scan3A_579 : i32
      %add3A_788 = arith.constant 1 : i32
      %add3A_789 = arith.addi %mul3A_787, %add3A_788 : i32
      %get3A_790 = arith.index_cast %add3A_789 : i32 to index
      %get3A_791 = arith.constant 64 : index
      %get3A_792 = tpu.vector_load %arg13[%get3A_790, %get3A_791] {strides = array<i32>} : memref<200x128xi32, #tpu.memory_space<vmem>>, vector<16xi32>,
      %shift_right_arithmetic3A_793 = arith.constant 1 : i32
      %shift_right_arithmetic3A_794 = vector.broadcast %shift_right_arithmetic3A_793 : i32 to vector<16xi32>
      %shift_right_arithmetic3A_795 = arith.shrsi %get3A_792, %shift_right_arithmetic3A_794 : vector<16xi32>
      %gather3A_796 = tpu.vector_load_idx %arg9[%shift_right_arithmetic3A_795] : memref<50176xi32, #tpu.memory_space<vmem>>[vector<16xi32>], vector<16xi32>,
      %xor3A_797 = arith.constant 1 : i32
      %xor3A_798 = vector.broadcast %xor3A_797 : i32 to vector<16xi32>
      %xor3A_799 = arith.xori %get3A_792, %xor3A_798 : vector<16xi32>
      %and3A_800 = arith.constant 1 : i32
      %and3A_801 = vector.broadcast %and3A_800 : i32 to vector<16xi32>
      %and3A_802 = arith.andi %xor3A_799, %and3A_801 : vector<16xi32>
      %shift_left3A_803 = arith.constant 4 : i32
      %shift_left3A_804 = vector.broadcast %shift_left3A_803 : i32 to vector<16xi32>
      %shift_left3A_805 = arith.shli %and3A_802, %shift_left3A_804 : vector<16xi32>
      %shift_left3A_806 = arith.shli %gather3A_796, %shift_left3A_805 : vector<16xi32>
      %bitcast3A_807 = vector.bitcast %shift_left3A_806 : vector<16xi32> to vector<16xf32>
      %mul3A_808 = arith.mulf %scan3A_589, %bitcast3A_807 : vector<16xf32>
      %mul3A_809 = arith.constant 2 : i32
      %mul3A_810 = arith.muli %mul3A_809, %scan3A_579 : i32
      %get3A_811 = arith.index_cast %mul3A_810 : i32 to index
      %get3A_812 = arith.constant 80 : index
      %get3A_813 = tpu.vector_load %arg13[%get3A_811, %get3A_812] {strides = array<i32>} : memref<200x128xi32, #tpu.memory_space<vmem>>, vector<16xi32>,
      %shift_right_arithmetic3A_814 = arith.constant 1 : i32
      %shift_right_arithmetic3A_815 = vector.broadcast %shift_right_arithmetic3A_814 : i32 to vector<16xi32>
      %shift_right_arithmetic3A_816 = arith.shrsi %get3A_813, %shift_right_arithmetic3A_815 : vector<16xi32>
      %gather3A_817 = tpu.vector_load_idx %arg9[%shift_right_arithmetic3A_816] : memref<50176xi32, #tpu.memory_space<vmem>>[vector<16xi32>], vector<16xi32>,
      %xor3A_818 = arith.constant 1 : i32
      %xor3A_819 = vector.broadcast %xor3A_818 : i32 to vector<16xi32>
      %xor3A_820 = arith.xori %get3A_813, %xor3A_819 : vector<16xi32>
      %and3A_821 = arith.constant 1 : i32
      %and3A_822 = vector.broadcast %and3A_821 : i32 to vector<16xi32>
      %and3A_823 = arith.andi %xor3A_820, %and3A_822 : vector<16xi32>
      %shift_left3A_824 = arith.constant 4 : i32
      %shift_left3A_825 = vector.broadcast %shift_left3A_824 : i32 to vector<16xi32>
      %shift_left3A_826 = arith.shli %and3A_823, %shift_left3A_825 : vector<16xi32>
      %shift_left3A_827 = arith.shli %gather3A_817, %shift_left3A_826 : vector<16xi32>
      %bitcast3A_828 = vector.bitcast %shift_left3A_827 : vector<16xi32> to vector<16xf32>
      %mul3A_829 = arith.mulf %scan3A_590, %bitcast3A_828 : vector<16xf32>
      %mul3A_830 = arith.constant 2 : i32
      %mul3A_831 = arith.muli %mul3A_830, %scan3A_579 : i32
      %add3A_832 = arith.constant 1 : i32
      %add3A_833 = arith.addi %mul3A_831, %add3A_832 : i32
      %get3A_834 = arith.index_cast %add3A_833 : i32 to index
      %get3A_835 = arith.constant 80 : index
      %get3A_836 = tpu.vector_load %arg13[%get3A_834, %get3A_835] {strides = array<i32>} : memref<200x128xi32, #tpu.memory_space<vmem>>, vector<16xi32>,
      %shift_right_arithmetic3A_837 = arith.constant 1 : i32
      %shift_right_arithmetic3A_838 = vector.broadcast %shift_right_arithmetic3A_837 : i32 to vector<16xi32>
      %shift_right_arithmetic3A_839 = arith.shrsi %get3A_836, %shift_right_arithmetic3A_838 : vector<16xi32>
      %gather3A_840 = tpu.vector_load_idx %arg9[%shift_right_arithmetic3A_839] : memref<50176xi32, #tpu.memory_space<vmem>>[vector<16xi32>], vector<16xi32>,
      %xor3A_841 = arith.constant 1 : i32
      %xor3A_842 = vector.broadcast %xor3A_841 : i32 to vector<16xi32>
      %xor3A_843 = arith.xori %get3A_836, %xor3A_842 : vector<16xi32>
      %and3A_844 = arith.constant 1 : i32
      %and3A_845 = vector.broadcast %and3A_844 : i32 to vector<16xi32>
      %and3A_846 = arith.andi %xor3A_843, %and3A_845 : vector<16xi32>
      %shift_left3A_847 = arith.constant 4 : i32
      %shift_left3A_848 = vector.broadcast %shift_left3A_847 : i32 to vector<16xi32>
      %shift_left3A_849 = arith.shli %and3A_846, %shift_left3A_848 : vector<16xi32>
      %shift_left3A_850 = arith.shli %gather3A_840, %shift_left3A_849 : vector<16xi32>
      %bitcast3A_851 = vector.bitcast %shift_left3A_850 : vector<16xi32> to vector<16xf32>
      %mul3A_852 = arith.mulf %scan3A_591, %bitcast3A_851 : vector<16xf32>
      %mul3A_853 = arith.constant 2 : i32
      %mul3A_854 = arith.muli %mul3A_853, %scan3A_579 : i32
      %get3A_855 = arith.index_cast %mul3A_854 : i32 to index
      %get3A_856 = arith.constant 96 : index
      %get3A_857 = tpu.vector_load %arg13[%get3A_855, %get3A_856] {strides = array<i32>} : memref<200x128xi32, #tpu.memory_space<vmem>>, vector<16xi32>,
      %shift_right_arithmetic3A_858 = arith.constant 1 : i32
      %shift_right_arithmetic3A_859 = vector.broadcast %shift_right_arithmetic3A_858 : i32 to vector<16xi32>
      %shift_right_arithmetic3A_860 = arith.shrsi %get3A_857, %shift_right_arithmetic3A_859 : vector<16xi32>
      %gather3A_861 = tpu.vector_load_idx %arg9[%shift_right_arithmetic3A_860] : memref<50176xi32, #tpu.memory_space<vmem>>[vector<16xi32>], vector<16xi32>,
      %xor3A_862 = arith.constant 1 : i32
      %xor3A_863 = vector.broadcast %xor3A_862 : i32 to vector<16xi32>
      %xor3A_864 = arith.xori %get3A_857, %xor3A_863 : vector<16xi32>
      %and3A_865 = arith.constant 1 : i32
      %and3A_866 = vector.broadcast %and3A_865 : i32 to vector<16xi32>
      %and3A_867 = arith.andi %xor3A_864, %and3A_866 : vector<16xi32>
      %shift_left3A_868 = arith.constant 4 : i32
      %shift_left3A_869 = vector.broadcast %shift_left3A_868 : i32 to vector<16xi32>
      %shift_left3A_870 = arith.shli %and3A_867, %shift_left3A_869 : vector<16xi32>
      %shift_left3A_871 = arith.shli %gather3A_861, %shift_left3A_870 : vector<16xi32>
      %bitcast3A_872 = vector.bitcast %shift_left3A_871 : vector<16xi32> to vector<16xf32>
      %mul3A_873 = arith.mulf %scan3A_592, %bitcast3A_872 : vector<16xf32>
      %mul3A_874 = arith.constant 2 : i32
      %mul3A_875 = arith.muli %mul3A_874, %scan3A_579 : i32
      %add3A_876 = arith.constant 1 : i32
      %add3A_877 = arith.addi %mul3A_875, %add3A_876 : i32
      %get3A_878 = arith.index_cast %add3A_877 : i32 to index
      %get3A_879 = arith.constant 96 : index
      %get3A_880 = tpu.vector_load %arg13[%get3A_878, %get3A_879] {strides = array<i32>} : memref<200x128xi32, #tpu.memory_space<vmem>>, vector<16xi32>,
      %shift_right_arithmetic3A_881 = arith.constant 1 : i32
      %shift_right_arithmetic3A_882 = vector.broadcast %shift_right_arithmetic3A_881 : i32 to vector<16xi32>
      %shift_right_arithmetic3A_883 = arith.shrsi %get3A_880, %shift_right_arithmetic3A_882 : vector<16xi32>
      %gather3A_884 = tpu.vector_load_idx %arg9[%shift_right_arithmetic3A_883] : memref<50176xi32, #tpu.memory_space<vmem>>[vector<16xi32>], vector<16xi32>,
      %xor3A_885 = arith.constant 1 : i32
      %xor3A_886 = vector.broadcast %xor3A_885 : i32 to vector<16xi32>
      %xor3A_887 = arith.xori %get3A_880, %xor3A_886 : vector<16xi32>
      %and3A_888 = arith.constant 1 : i32
      %and3A_889 = vector.broadcast %and3A_888 : i32 to vector<16xi32>
      %and3A_890 = arith.andi %xor3A_887, %and3A_889 : vector<16xi32>
      %shift_left3A_891 = arith.constant 4 : i32
      %shift_left3A_892 = vector.broadcast %shift_left3A_891 : i32 to vector<16xi32>
      %shift_left3A_893 = arith.shli %and3A_890, %shift_left3A_892 : vector<16xi32>
      %shift_left3A_894 = arith.shli %gather3A_884, %shift_left3A_893 : vector<16xi32>
      %bitcast3A_895 = vector.bitcast %shift_left3A_894 : vector<16xi32> to vector<16xf32>
      %mul3A_896 = arith.mulf %scan3A_593, %bitcast3A_895 : vector<16xf32>
      %mul3A_897 = arith.constant 2 : i32
      %mul3A_898 = arith.muli %mul3A_897, %scan3A_579 : i32
      %get3A_899 = arith.index_cast %mul3A_898 : i32 to index
      %get3A_900 = arith.constant 112 : index
      %get3A_901 = tpu.vector_load %arg13[%get3A_899, %get3A_900] {strides = array<i32>} : memref<200x128xi32, #tpu.memory_space<vmem>>, vector<16xi32>,
      %shift_right_arithmetic3A_902 = arith.constant 1 : i32
      %shift_right_arithmetic3A_903 = vector.broadcast %shift_right_arithmetic3A_902 : i32 to vector<16xi32>
      %shift_right_arithmetic3A_904 = arith.shrsi %get3A_901, %shift_right_arithmetic3A_903 : vector<16xi32>
      %gather3A_905 = tpu.vector_load_idx %arg9[%shift_right_arithmetic3A_904] : memref<50176xi32, #tpu.memory_space<vmem>>[vector<16xi32>], vector<16xi32>,
      %xor3A_906 = arith.constant 1 : i32
      %xor3A_907 = vector.broadcast %xor3A_906 : i32 to vector<16xi32>
      %xor3A_908 = arith.xori %get3A_901, %xor3A_907 : vector<16xi32>
      %and3A_909 = arith.constant 1 : i32
      %and3A_910 = vector.broadcast %and3A_909 : i32 to vector<16xi32>
      %and3A_911 = arith.andi %xor3A_908, %and3A_910 : vector<16xi32>
      %shift_left3A_912 = arith.constant 4 : i32
      %shift_left3A_913 = vector.broadcast %shift_left3A_912 : i32 to vector<16xi32>
      %shift_left3A_914 = arith.shli %and3A_911, %shift_left3A_913 : vector<16xi32>
      %shift_left3A_915 = arith.shli %gather3A_905, %shift_left3A_914 : vector<16xi32>
      %bitcast3A_916 = vector.bitcast %shift_left3A_915 : vector<16xi32> to vector<16xf32>
      %mul3A_917 = arith.mulf %scan3A_594, %bitcast3A_916 : vector<16xf32>
      %mul3A_918 = arith.constant 2 : i32
      %mul3A_919 = arith.muli %mul3A_918, %scan3A_579 : i32
      %add3A_920 = arith.constant 1 : i32
      %add3A_921 = arith.addi %mul3A_919, %add3A_920 : i32
      %get3A_922 = arith.index_cast %add3A_921 : i32 to index
      %get3A_923 = arith.constant 112 : index
      %get3A_924 = tpu.vector_load %arg13[%get3A_922, %get3A_923] {strides = array<i32>} : memref<200x128xi32, #tpu.memory_space<vmem>>, vector<16xi32>,
      %shift_right_arithmetic3A_925 = arith.constant 1 : i32
      %shift_right_arithmetic3A_926 = vector.broadcast %shift_right_arithmetic3A_925 : i32 to vector<16xi32>
      %shift_right_arithmetic3A_927 = arith.shrsi %get3A_924, %shift_right_arithmetic3A_926 : vector<16xi32>
      %gather3A_928 = tpu.vector_load_idx %arg9[%shift_right_arithmetic3A_927] : memref<50176xi32, #tpu.memory_space<vmem>>[vector<16xi32>], vector<16xi32>,
      %xor3A_929 = arith.constant 1 : i32
      %xor3A_930 = vector.broadcast %xor3A_929 : i32 to vector<16xi32>
      %xor3A_931 = arith.xori %get3A_924, %xor3A_930 : vector<16xi32>
      %and3A_932 = arith.constant 1 : i32
      %and3A_933 = vector.broadcast %and3A_932 : i32 to vector<16xi32>
      %and3A_934 = arith.andi %xor3A_931, %and3A_933 : vector<16xi32>
      %shift_left3A_935 = arith.constant 4 : i32
      %shift_left3A_936 = vector.broadcast %shift_left3A_935 : i32 to vector<16xi32>
      %shift_left3A_937 = arith.shli %and3A_934, %shift_left3A_936 : vector<16xi32>
      %shift_left3A_938 = arith.shli %gather3A_928, %shift_left3A_937 : vector<16xi32>
      %bitcast3A_939 = vector.bitcast %shift_left3A_938 : vector<16xi32> to vector<16xf32>
      %mul3A_940 = arith.mulf %scan3A_595, %bitcast3A_939 : vector<16xf32>
      scf.yield %mul3A_609, %mul3A_632, %mul3A_653, %mul3A_676, %mul3A_697, %mul3A_720, %mul3A_741, %mul3A_764, %mul3A_785, %mul3A_808, %mul3A_829, %mul3A_852, %mul3A_873, %mul3A_896, %mul3A_917, %mul3A_940 : vector<16xf32>, vector<16xf32>, vector<16xf32>, vector<16xf32>, vector<16xf32>, vector<16xf32>, vector<16xf32>, vector<16xf32>, vector<16xf32>, vector<16xf32>, vector<16xf32>, vector<16xf32>, vector<16xf32>, vector<16xf32>, vector<16xf32>, vector<16xf32>
    }
    %scan3A_260 = arith.constant 100 : i32
    %add3A_261 = arith.constant 384 : i32
    %add3A_262 = arith.addi %mul3A_2, %add3A_261 : i32
    %dma_start3A_263 = arith.constant 0 : i32
    %dma_start3A_264 = tpu.memref_slice %arg2[%dma_start3A_263, %add3A_262] : memref<200x16384xi32, #tpu.memory_space<hbm>> -> memref<200x128xi32, #tpu.memory_space<hbm>>
    %dma_start3A_265 = arith.constant 0 : i32
    %dma_start3A_266 = tpu.memref_slice %arg2[%dma_start3A_265, %add3A_262] : memref<200x16384xi32, #tpu.memory_space<hbm>> -> memref<200x128xi32, #tpu.memory_space<hbm>>
    tpu.enqueue_dma source(%dma_start3A_266 : memref<200x128xi32, #tpu.memory_space<hbm>>) target(%arg13 : memref<200x128xi32, #tpu.memory_space<vmem>>) target_semaphore(%arg16 : memref<!tpu.dma_semaphore, #tpu.memory_space<semaphore_mem>>)
    %mul3A_267 = arith.mulf %scan3A_259#0, %scan3A_259#1 : vector<16xf32>
    %sub3A_268 = arith.constant 1.000000e+00 : f32
    %sub3A_269 = vector.broadcast %sub3A_268 : f32 to vector<16xf32>
    %sub3A_270 = arith.subf %sub3A_269, %mul3A_267 : vector<16xf32>
    %jit3A_271 = arith.constant 9.99999974E-5 : f32
    %jit3A_272 = arith.constant 0.999989986 : f32
    %max3A_273 = vector.broadcast %jit3A_271 : f32 to vector<16xf32>
    %max3A_274 = arith.maximumf %max3A_273, %sub3A_270 : vector<16xf32>
    %min3A_275 = vector.broadcast %jit3A_272 : f32 to vector<16xf32>
    %min3A_276 = arith.minimumf %min3A_275, %max3A_274 : vector<16xf32>
    %swap3A_277 = arith.constant 128 : index
    %swap3A_278 = tpu.vector_load %arg14[%swap3A_277] {strides = array<i32>} : memref<512xf32, #tpu.memory_space<vmem>>, vector<16xf32>,
    tpu.vector_store %arg14[%swap3A_277], %min3A_276 {strides = array<i32>} : memref<512xf32, #tpu.memory_space<vmem>>, vector<16xf32>,
    %mul3A_279 = arith.mulf %scan3A_259#2, %scan3A_259#3 : vector<16xf32>
    %sub3A_280 = arith.constant 1.000000e+00 : f32
    %sub3A_281 = vector.broadcast %sub3A_280 : f32 to vector<16xf32>
    %sub3A_282 = arith.subf %sub3A_281, %mul3A_279 : vector<16xf32>
    %jit3A_283 = arith.constant 9.99999974E-5 : f32
    %jit3A_284 = arith.constant 0.999989986 : f32
    %max3A_285 = vector.broadcast %jit3A_283 : f32 to vector<16xf32>
    %max3A_286 = arith.maximumf %max3A_285, %sub3A_282 : vector<16xf32>
    %min3A_287 = vector.broadcast %jit3A_284 : f32 to vector<16xf32>
    %min3A_288 = arith.minimumf %min3A_287, %max3A_286 : vector<16xf32>
    %swap3A_289 = arith.constant 144 : index
    %swap3A_290 = tpu.vector_load %arg14[%swap3A_289] {strides = array<i32>} : memref<512xf32, #tpu.memory_space<vmem>>, vector<16xf32>,
    tpu.vector_store %arg14[%swap3A_289], %min3A_288 {strides = array<i32>} : memref<512xf32, #tpu.memory_space<vmem>>, vector<16xf32>,
    %mul3A_291 = arith.mulf %scan3A_259#4, %scan3A_259#5 : vector<16xf32>
    %sub3A_292 = arith.constant 1.000000e+00 : f32
    %sub3A_293 = vector.broadcast %sub3A_292 : f32 to vector<16xf32>
    %sub3A_294 = arith.subf %sub3A_293, %mul3A_291 : vector<16xf32>
    %jit3A_295 = arith.constant 9.99999974E-5 : f32
    %jit3A_296 = arith.constant 0.999989986 : f32
    %max3A_297 = vector.broadcast %jit3A_295 : f32 to vector<16xf32>
    %max3A_298 = arith.maximumf %max3A_297, %sub3A_294 : vector<16xf32>
    %min3A_299 = vector.broadcast %jit3A_296 : f32 to vector<16xf32>
    %min3A_300 = arith.minimumf %min3A_299, %max3A_298 : vector<16xf32>
    %swap3A_301 = arith.constant 160 : index
    %swap3A_302 = tpu.vector_load %arg14[%swap3A_301] {strides = array<i32>} : memref<512xf32, #tpu.memory_space<vmem>>, vector<16xf32>,
    tpu.vector_store %arg14[%swap3A_301], %min3A_300 {strides = array<i32>} : memref<512xf32, #tpu.memory_space<vmem>>, vector<16xf32>,
    %mul3A_303 = arith.mulf %scan3A_259#6, %scan3A_259#7 : vector<16xf32>
    %sub3A_304 = arith.constant 1.000000e+00 : f32
    %sub3A_305 = vector.broadcast %sub3A_304 : f32 to vector<16xf32>
    %sub3A_306 = arith.subf %sub3A_305, %mul3A_303 : vector<16xf32>
    %jit3A_307 = arith.constant 9.99999974E-5 : f32
    %jit3A_308 = arith.constant 0.999989986 : f32
    %max3A_309 = vector.broadcast %jit3A_307 : f32 to vector<16xf32>
    %max3A_310 = arith.maximumf %max3A_309, %sub3A_306 : vector<16xf32>
    %min3A_311 = vector.broadcast %jit3A_308 : f32 to vector<16xf32>
    %min3A_312 = arith.minimumf %min3A_311, %max3A_310 : vector<16xf32>
    %swap3A_313 = arith.constant 176 : index
    %swap3A_314 = tpu.vector_load %arg14[%swap3A_313] {strides = array<i32>} : memref<512xf32, #tpu.memory_space<vmem>>, vector<16xf32>,
    tpu.vector_store %arg14[%swap3A_313], %min3A_312 {strides = array<i32>} : memref<512xf32, #tpu.memory_space<vmem>>, vector<16xf32>,
    %mul3A_315 = arith.mulf %scan3A_259#8, %scan3A_259#9 : vector<16xf32>
    %sub3A_316 = arith.constant 1.000000e+00 : f32
    %sub3A_317 = vector.broadcast %sub3A_316 : f32 to vector<16xf32>
    %sub3A_318 = arith.subf %sub3A_317, %mul3A_315 : vector<16xf32>
    %jit3A_319 = arith.constant 9.99999974E-5 : f32
    %jit3A_320 = arith.constant 0.999989986 : f32
    %max3A_321 = vector.broadcast %jit3A_319 : f32 to vector<16xf32>
    %max3A_322 = arith.maximumf %max3A_321, %sub3A_318 : vector<16xf32>
    %min3A_323 = vector.broadcast %jit3A_320 : f32 to vector<16xf32>
    %min3A_324 = arith.minimumf %min3A_323, %max3A_322 : vector<16xf32>
    %swap3A_325 = arith.constant 192 : index
    %swap3A_326 = tpu.vector_load %arg14[%swap3A_325] {strides = array<i32>} : memref<512xf32, #tpu.memory_space<vmem>>, vector<16xf32>,
    tpu.vector_store %arg14[%swap3A_325], %min3A_324 {strides = array<i32>} : memref<512xf32, #tpu.memory_space<vmem>>, vector<16xf32>,
    %mul3A_327 = arith.mulf %scan3A_259#10, %scan3A_259#11 : vector<16xf32>
    %sub3A_328 = arith.constant 1.000000e+00 : f32
    %sub3A_329 = vector.broadcast %sub3A_328 : f32 to vector<16xf32>
    %sub3A_330 = arith.subf %sub3A_329, %mul3A_327 : vector<16xf32>
    %jit3A_331 = arith.constant 9.99999974E-5 : f32
    %jit3A_332 = arith.constant 0.999989986 : f32
    %max3A_333 = vector.broadcast %jit3A_331 : f32 to vector<16xf32>
    %max3A_334 = arith.maximumf %max3A_333, %sub3A_330 : vector<16xf32>
    %min3A_335 = vector.broadcast %jit3A_332 : f32 to vector<16xf32>
    %min3A_336 = arith.minimumf %min3A_335, %max3A_334 : vector<16xf32>
    %swap3A_337 = arith.constant 208 : index
    %swap3A_338 = tpu.vector_load %arg14[%swap3A_337] {strides = array<i32>} : memref<512xf32, #tpu.memory_space<vmem>>, vector<16xf32>,
    tpu.vector_store %arg14[%swap3A_337], %min3A_336 {strides = array<i32>} : memref<512xf32, #tpu.memory_space<vmem>>, vector<16xf32>,
    %mul3A_339 = arith.mulf %scan3A_259#12, %scan3A_259#13 : vector<16xf32>
    %sub3A_340 = arith.constant 1.000000e+00 : f32
    %sub3A_341 = vector.broadcast %sub3A_340 : f32 to vector<16xf32>
    %sub3A_342 = arith.subf %sub3A_341, %mul3A_339 : vector<16xf32>
    %jit3A_343 = arith.constant 9.99999974E-5 : f32
    %jit3A_344 = arith.constant 0.999989986 : f32
    %max3A_345 = vector.broadcast %jit3A_343 : f32 to vector<16xf32>
    %max3A_346 = arith.maximumf %max3A_345, %sub3A_342 : vector<16xf32>
    %min3A_347 = vector.broadcast %jit3A_344 : f32 to vector<16xf32>
    %min3A_348 = arith.minimumf %min3A_347, %max3A_346 : vector<16xf32>
    %swap3A_349 = arith.constant 224 : index
    %swap3A_350 = tpu.vector_load %arg14[%swap3A_349] {strides = array<i32>} : memref<512xf32, #tpu.memory_space<vmem>>, vector<16xf32>,
    tpu.vector_store %arg14[%swap3A_349], %min3A_348 {strides = array<i32>} : memref<512xf32, #tpu.memory_space<vmem>>, vector<16xf32>,
    %mul3A_351 = arith.mulf %scan3A_259#14, %scan3A_259#15 : vector<16xf32>
    %sub3A_352 = arith.constant 1.000000e+00 : f32
    %sub3A_353 = vector.broadcast %sub3A_352 : f32 to vector<16xf32>
    %sub3A_354 = arith.subf %sub3A_353, %mul3A_351 : vector<16xf32>
    %jit3A_355 = arith.constant 9.99999974E-5 : f32
    %jit3A_356 = arith.constant 0.999989986 : f32
    %max3A_357 = vector.broadcast %jit3A_355 : f32 to vector<16xf32>
    %max3A_358 = arith.maximumf %max3A_357, %sub3A_354 : vector<16xf32>
    %min3A_359 = vector.broadcast %jit3A_356 : f32 to vector<16xf32>
    %min3A_360 = arith.minimumf %min3A_359, %max3A_358 : vector<16xf32>
    %swap3A_361 = arith.constant 240 : index
    %swap3A_362 = tpu.vector_load %arg14[%swap3A_361] {strides = array<i32>} : memref<512xf32, #tpu.memory_space<vmem>>, vector<16xf32>,
    tpu.vector_store %arg14[%swap3A_361], %min3A_360 {strides = array<i32>} : memref<512xf32, #tpu.memory_space<vmem>>, vector<16xf32>,
    %add3A_363 = arith.constant 0 : i32
    %add3A_364 = arith.addi %mul3A_2, %add3A_363 : i32
    %dma_wait3A_365 = arith.constant 0 : i32
    %dma_wait3A_366 = tpu.memref_slice %arg2[%dma_wait3A_365, %add3A_364] : memref<200x16384xi32, #tpu.memory_space<hbm>> -> memref<200x128xi32, #tpu.memory_space<hbm>>
    %dma_wait3A_367 = arith.constant 0 : i32
    %dma_wait3A_368 = tpu.memref_slice %arg2[%dma_wait3A_367, %add3A_364] : memref<200x16384xi32, #tpu.memory_space<hbm>> -> memref<200x128xi32, #tpu.memory_space<hbm>>
    tpu.wait_dma2 semaphore(%arg15 : memref<!tpu.dma_semaphore, #tpu.memory_space<semaphore_mem>>) src(%dma_wait3A_368 : memref<200x128xi32, #tpu.memory_space<hbm>>) dst(%arg12 : memref<200x128xi32, #tpu.memory_space<vmem>>)
    %scan3A_369 = arith.constant 0 : i32
    %scan3A_370 = arith.constant 100 : i32
    %scan3A_371 = arith.addi %scan3A_369, %scan3A_370 : i32
    %scan3A_372 = arith.constant 1 : i32
    %scan3A_373:16 = scf.for %scan3A_579 = %scan3A_369 to %scan3A_371 step %scan3A_372 iter_args(%scan3A_580 = %broadcast_in_dim3A_138, %scan3A_581 = %broadcast_in_dim3A_138, %scan3A_582 = %broadcast_in_dim3A_138, %scan3A_583 = %broadcast_in_dim3A_138, %scan3A_584 = %broadcast_in_dim3A_138, %scan3A_585 = %broadcast_in_dim3A_138, %scan3A_586 = %broadcast_in_dim3A_138, %scan3A_587 = %broadcast_in_dim3A_138, %scan3A_588 = %broadcast_in_dim3A_138, %scan3A_589 = %broadcast_in_dim3A_138, %scan3A_590 = %broadcast_in_dim3A_138, %scan3A_591 = %broadcast_in_dim3A_138, %scan3A_592 = %broadcast_in_dim3A_138, %scan3A_593 = %broadcast_in_dim3A_138, %scan3A_594 = %broadcast_in_dim3A_138, %scan3A_595 = %broadcast_in_dim3A_138) -> (vector<16xf32>, vector<16xf32>, vector<16xf32>, vector<16xf32>, vector<16xf32>, vector<16xf32>, vector<16xf32>, vector<16xf32>, vector<16xf32>, vector<16xf32>, vector<16xf32>, vector<16xf32>, vector<16xf32>, vector<16xf32>, vector<16xf32>, vector<16xf32>)  : i32 {
      %mul3A_596 = arith.constant 2 : i32
      %mul3A_597 = arith.muli %mul3A_596, %scan3A_579 : i32
      %get3A = arith.index_cast %mul3A_597 : i32 to index
      %get3A_598 = arith.constant 0 : index
      %get3A_599 = tpu.vector_load %arg12[%get3A, %get3A_598] {strides = array<i32>} : memref<200x128xi32, #tpu.memory_space<vmem>>, vector<16xi32>,
      %shift_right_arithmetic3A = arith.constant 1 : i32
      %shift_right_arithmetic3A_600 = vector.broadcast %shift_right_arithmetic3A : i32 to vector<16xi32>
      %shift_right_arithmetic3A_601 = arith.shrsi %get3A_599, %shift_right_arithmetic3A_600 : vector<16xi32>
      %gather3A = tpu.vector_load_idx %arg9[%shift_right_arithmetic3A_601] : memref<50176xi32, #tpu.memory_space<vmem>>[vector<16xi32>], vector<16xi32>,
      %xor3A = arith.constant 1 : i32
      %xor3A_602 = vector.broadcast %xor3A : i32 to vector<16xi32>
      %xor3A_603 = arith.xori %get3A_599, %xor3A_602 : vector<16xi32>
      %and3A = arith.constant 1 : i32
      %and3A_604 = vector.broadcast %and3A : i32 to vector<16xi32>
      %and3A_605 = arith.andi %xor3A_603, %and3A_604 : vector<16xi32>
      %shift_left3A = arith.constant 4 : i32
      %shift_left3A_606 = vector.broadcast %shift_left3A : i32 to vector<16xi32>
      %shift_left3A_607 = arith.shli %and3A_605, %shift_left3A_606 : vector<16xi32>
      %shift_left3A_608 = arith.shli %gather3A, %shift_left3A_607 : vector<16xi32>
      %bitcast3A = vector.bitcast %shift_left3A_608 : vector<16xi32> to vector<16xf32>
      %mul3A_609 = arith.mulf %scan3A_580, %bitcast3A : vector<16xf32>
      %mul3A_610 = arith.constant 2 : i32
      %mul3A_611 = arith.muli %mul3A_610, %scan3A_579 : i32
      %add3A_612 = arith.constant 1 : i32
      %add3A_613 = arith.addi %mul3A_611, %add3A_612 : i32
      %get3A_614 = arith.index_cast %add3A_613 : i32 to index
      %get3A_615 = arith.constant 0 : index
      %get3A_616 = tpu.vector_load %arg12[%get3A_614, %get3A_615] {strides = array<i32>} : memref<200x128xi32, #tpu.memory_space<vmem>>, vector<16xi32>,
      %shift_right_arithmetic3A_617 = arith.constant 1 : i32
      %shift_right_arithmetic3A_618 = vector.broadcast %shift_right_arithmetic3A_617 : i32 to vector<16xi32>
      %shift_right_arithmetic3A_619 = arith.shrsi %get3A_616, %shift_right_arithmetic3A_618 : vector<16xi32>
      %gather3A_620 = tpu.vector_load_idx %arg9[%shift_right_arithmetic3A_619] : memref<50176xi32, #tpu.memory_space<vmem>>[vector<16xi32>], vector<16xi32>,
      %xor3A_621 = arith.constant 1 : i32
      %xor3A_622 = vector.broadcast %xor3A_621 : i32 to vector<16xi32>
      %xor3A_623 = arith.xori %get3A_616, %xor3A_622 : vector<16xi32>
      %and3A_624 = arith.constant 1 : i32
      %and3A_625 = vector.broadcast %and3A_624 : i32 to vector<16xi32>
      %and3A_626 = arith.andi %xor3A_623, %and3A_625 : vector<16xi32>
      %shift_left3A_627 = arith.constant 4 : i32
      %shift_left3A_628 = vector.broadcast %shift_left3A_627 : i32 to vector<16xi32>
      %shift_left3A_629 = arith.shli %and3A_626, %shift_left3A_628 : vector<16xi32>
      %shift_left3A_630 = arith.shli %gather3A_620, %shift_left3A_629 : vector<16xi32>
      %bitcast3A_631 = vector.bitcast %shift_left3A_630 : vector<16xi32> to vector<16xf32>
      %mul3A_632 = arith.mulf %scan3A_581, %bitcast3A_631 : vector<16xf32>
      %mul3A_633 = arith.constant 2 : i32
      %mul3A_634 = arith.muli %mul3A_633, %scan3A_579 : i32
      %get3A_635 = arith.index_cast %mul3A_634 : i32 to index
      %get3A_636 = arith.constant 16 : index
      %get3A_637 = tpu.vector_load %arg12[%get3A_635, %get3A_636] {strides = array<i32>} : memref<200x128xi32, #tpu.memory_space<vmem>>, vector<16xi32>,
      %shift_right_arithmetic3A_638 = arith.constant 1 : i32
      %shift_right_arithmetic3A_639 = vector.broadcast %shift_right_arithmetic3A_638 : i32 to vector<16xi32>
      %shift_right_arithmetic3A_640 = arith.shrsi %get3A_637, %shift_right_arithmetic3A_639 : vector<16xi32>
      %gather3A_641 = tpu.vector_load_idx %arg9[%shift_right_arithmetic3A_640] : memref<50176xi32, #tpu.memory_space<vmem>>[vector<16xi32>], vector<16xi32>,
      %xor3A_642 = arith.constant 1 : i32
      %xor3A_643 = vector.broadcast %xor3A_642 : i32 to vector<16xi32>
      %xor3A_644 = arith.xori %get3A_637, %xor3A_643 : vector<16xi32>
      %and3A_645 = arith.constant 1 : i32
      %and3A_646 = vector.broadcast %and3A_645 : i32 to vector<16xi32>
      %and3A_647 = arith.andi %xor3A_644, %and3A_646 : vector<16xi32>
      %shift_left3A_648 = arith.constant 4 : i32
      %shift_left3A_649 = vector.broadcast %shift_left3A_648 : i32 to vector<16xi32>
      %shift_left3A_650 = arith.shli %and3A_647, %shift_left3A_649 : vector<16xi32>
      %shift_left3A_651 = arith.shli %gather3A_641, %shift_left3A_650 : vector<16xi32>
      %bitcast3A_652 = vector.bitcast %shift_left3A_651 : vector<16xi32> to vector<16xf32>
      %mul3A_653 = arith.mulf %scan3A_582, %bitcast3A_652 : vector<16xf32>
      %mul3A_654 = arith.constant 2 : i32
      %mul3A_655 = arith.muli %mul3A_654, %scan3A_579 : i32
      %add3A_656 = arith.constant 1 : i32
      %add3A_657 = arith.addi %mul3A_655, %add3A_656 : i32
      %get3A_658 = arith.index_cast %add3A_657 : i32 to index
      %get3A_659 = arith.constant 16 : index
      %get3A_660 = tpu.vector_load %arg12[%get3A_658, %get3A_659] {strides = array<i32>} : memref<200x128xi32, #tpu.memory_space<vmem>>, vector<16xi32>,
      %shift_right_arithmetic3A_661 = arith.constant 1 : i32
      %shift_right_arithmetic3A_662 = vector.broadcast %shift_right_arithmetic3A_661 : i32 to vector<16xi32>
      %shift_right_arithmetic3A_663 = arith.shrsi %get3A_660, %shift_right_arithmetic3A_662 : vector<16xi32>
      %gather3A_664 = tpu.vector_load_idx %arg9[%shift_right_arithmetic3A_663] : memref<50176xi32, #tpu.memory_space<vmem>>[vector<16xi32>], vector<16xi32>,
      %xor3A_665 = arith.constant 1 : i32
      %xor3A_666 = vector.broadcast %xor3A_665 : i32 to vector<16xi32>
      %xor3A_667 = arith.xori %get3A_660, %xor3A_666 : vector<16xi32>
      %and3A_668 = arith.constant 1 : i32
      %and3A_669 = vector.broadcast %and3A_668 : i32 to vector<16xi32>
      %and3A_670 = arith.andi %xor3A_667, %and3A_669 : vector<16xi32>
      %shift_left3A_671 = arith.constant 4 : i32
      %shift_left3A_672 = vector.broadcast %shift_left3A_671 : i32 to vector<16xi32>
      %shift_left3A_673 = arith.shli %and3A_670, %shift_left3A_672 : vector<16xi32>
      %shift_left3A_674 = arith.shli %gather3A_664, %shift_left3A_673 : vector<16xi32>
      %bitcast3A_675 = vector.bitcast %shift_left3A_674 : vector<16xi32> to vector<16xf32>
      %mul3A_676 = arith.mulf %scan3A_583, %bitcast3A_675 : vector<16xf32>
      %mul3A_677 = arith.constant 2 : i32
      %mul3A_678 = arith.muli %mul3A_677, %scan3A_579 : i32
      %get3A_679 = arith.index_cast %mul3A_678 : i32 to index
      %get3A_680 = arith.constant 32 : index
      %get3A_681 = tpu.vector_load %arg12[%get3A_679, %get3A_680] {strides = array<i32>} : memref<200x128xi32, #tpu.memory_space<vmem>>, vector<16xi32>,
      %shift_right_arithmetic3A_682 = arith.constant 1 : i32
      %shift_right_arithmetic3A_683 = vector.broadcast %shift_right_arithmetic3A_682 : i32 to vector<16xi32>
      %shift_right_arithmetic3A_684 = arith.shrsi %get3A_681, %shift_right_arithmetic3A_683 : vector<16xi32>
      %gather3A_685 = tpu.vector_load_idx %arg9[%shift_right_arithmetic3A_684] : memref<50176xi32, #tpu.memory_space<vmem>>[vector<16xi32>], vector<16xi32>,
      %xor3A_686 = arith.constant 1 : i32
      %xor3A_687 = vector.broadcast %xor3A_686 : i32 to vector<16xi32>
      %xor3A_688 = arith.xori %get3A_681, %xor3A_687 : vector<16xi32>
      %and3A_689 = arith.constant 1 : i32
      %and3A_690 = vector.broadcast %and3A_689 : i32 to vector<16xi32>
      %and3A_691 = arith.andi %xor3A_688, %and3A_690 : vector<16xi32>
      %shift_left3A_692 = arith.constant 4 : i32
      %shift_left3A_693 = vector.broadcast %shift_left3A_692 : i32 to vector<16xi32>
      %shift_left3A_694 = arith.shli %and3A_691, %shift_left3A_693 : vector<16xi32>
      %shift_left3A_695 = arith.shli %gather3A_685, %shift_left3A_694 : vector<16xi32>
      %bitcast3A_696 = vector.bitcast %shift_left3A_695 : vector<16xi32> to vector<16xf32>
      %mul3A_697 = arith.mulf %scan3A_584, %bitcast3A_696 : vector<16xf32>
      %mul3A_698 = arith.constant 2 : i32
      %mul3A_699 = arith.muli %mul3A_698, %scan3A_579 : i32
      %add3A_700 = arith.constant 1 : i32
      %add3A_701 = arith.addi %mul3A_699, %add3A_700 : i32
      %get3A_702 = arith.index_cast %add3A_701 : i32 to index
      %get3A_703 = arith.constant 32 : index
      %get3A_704 = tpu.vector_load %arg12[%get3A_702, %get3A_703] {strides = array<i32>} : memref<200x128xi32, #tpu.memory_space<vmem>>, vector<16xi32>,
      %shift_right_arithmetic3A_705 = arith.constant 1 : i32
      %shift_right_arithmetic3A_706 = vector.broadcast %shift_right_arithmetic3A_705 : i32 to vector<16xi32>
      %shift_right_arithmetic3A_707 = arith.shrsi %get3A_704, %shift_right_arithmetic3A_706 : vector<16xi32>
      %gather3A_708 = tpu.vector_load_idx %arg9[%shift_right_arithmetic3A_707] : memref<50176xi32, #tpu.memory_space<vmem>>[vector<16xi32>], vector<16xi32>,
      %xor3A_709 = arith.constant 1 : i32
      %xor3A_710 = vector.broadcast %xor3A_709 : i32 to vector<16xi32>
      %xor3A_711 = arith.xori %get3A_704, %xor3A_710 : vector<16xi32>
      %and3A_712 = arith.constant 1 : i32
      %and3A_713 = vector.broadcast %and3A_712 : i32 to vector<16xi32>
      %and3A_714 = arith.andi %xor3A_711, %and3A_713 : vector<16xi32>
      %shift_left3A_715 = arith.constant 4 : i32
      %shift_left3A_716 = vector.broadcast %shift_left3A_715 : i32 to vector<16xi32>
      %shift_left3A_717 = arith.shli %and3A_714, %shift_left3A_716 : vector<16xi32>
      %shift_left3A_718 = arith.shli %gather3A_708, %shift_left3A_717 : vector<16xi32>
      %bitcast3A_719 = vector.bitcast %shift_left3A_718 : vector<16xi32> to vector<16xf32>
      %mul3A_720 = arith.mulf %scan3A_585, %bitcast3A_719 : vector<16xf32>
      %mul3A_721 = arith.constant 2 : i32
      %mul3A_722 = arith.muli %mul3A_721, %scan3A_579 : i32
      %get3A_723 = arith.index_cast %mul3A_722 : i32 to index
      %get3A_724 = arith.constant 48 : index
      %get3A_725 = tpu.vector_load %arg12[%get3A_723, %get3A_724] {strides = array<i32>} : memref<200x128xi32, #tpu.memory_space<vmem>>, vector<16xi32>,
      %shift_right_arithmetic3A_726 = arith.constant 1 : i32
      %shift_right_arithmetic3A_727 = vector.broadcast %shift_right_arithmetic3A_726 : i32 to vector<16xi32>
      %shift_right_arithmetic3A_728 = arith.shrsi %get3A_725, %shift_right_arithmetic3A_727 : vector<16xi32>
      %gather3A_729 = tpu.vector_load_idx %arg9[%shift_right_arithmetic3A_728] : memref<50176xi32, #tpu.memory_space<vmem>>[vector<16xi32>], vector<16xi32>,
      %xor3A_730 = arith.constant 1 : i32
      %xor3A_731 = vector.broadcast %xor3A_730 : i32 to vector<16xi32>
      %xor3A_732 = arith.xori %get3A_725, %xor3A_731 : vector<16xi32>
      %and3A_733 = arith.constant 1 : i32
      %and3A_734 = vector.broadcast %and3A_733 : i32 to vector<16xi32>
      %and3A_735 = arith.andi %xor3A_732, %and3A_734 : vector<16xi32>
      %shift_left3A_736 = arith.constant 4 : i32
      %shift_left3A_737 = vector.broadcast %shift_left3A_736 : i32 to vector<16xi32>
      %shift_left3A_738 = arith.shli %and3A_735, %shift_left3A_737 : vector<16xi32>
      %shift_left3A_739 = arith.shli %gather3A_729, %shift_left3A_738 : vector<16xi32>
      %bitcast3A_740 = vector.bitcast %shift_left3A_739 : vector<16xi32> to vector<16xf32>
      %mul3A_741 = arith.mulf %scan3A_586, %bitcast3A_740 : vector<16xf32>
      %mul3A_742 = arith.constant 2 : i32
      %mul3A_743 = arith.muli %mul3A_742, %scan3A_579 : i32
      %add3A_744 = arith.constant 1 : i32
      %add3A_745 = arith.addi %mul3A_743, %add3A_744 : i32
      %get3A_746 = arith.index_cast %add3A_745 : i32 to index
      %get3A_747 = arith.constant 48 : index
      %get3A_748 = tpu.vector_load %arg12[%get3A_746, %get3A_747] {strides = array<i32>} : memref<200x128xi32, #tpu.memory_space<vmem>>, vector<16xi32>,
      %shift_right_arithmetic3A_749 = arith.constant 1 : i32
      %shift_right_arithmetic3A_750 = vector.broadcast %shift_right_arithmetic3A_749 : i32 to vector<16xi32>
      %shift_right_arithmetic3A_751 = arith.shrsi %get3A_748, %shift_right_arithmetic3A_750 : vector<16xi32>
      %gather3A_752 = tpu.vector_load_idx %arg9[%shift_right_arithmetic3A_751] : memref<50176xi32, #tpu.memory_space<vmem>>[vector<16xi32>], vector<16xi32>,
      %xor3A_753 = arith.constant 1 : i32
      %xor3A_754 = vector.broadcast %xor3A_753 : i32 to vector<16xi32>
      %xor3A_755 = arith.xori %get3A_748, %xor3A_754 : vector<16xi32>
      %and3A_756 = arith.constant 1 : i32
      %and3A_757 = vector.broadcast %and3A_756 : i32 to vector<16xi32>
      %and3A_758 = arith.andi %xor3A_755, %and3A_757 : vector<16xi32>
      %shift_left3A_759 = arith.constant 4 : i32
      %shift_left3A_760 = vector.broadcast %shift_left3A_759 : i32 to vector<16xi32>
      %shift_left3A_761 = arith.shli %and3A_758, %shift_left3A_760 : vector<16xi32>
      %shift_left3A_762 = arith.shli %gather3A_752, %shift_left3A_761 : vector<16xi32>
      %bitcast3A_763 = vector.bitcast %shift_left3A_762 : vector<16xi32> to vector<16xf32>
      %mul3A_764 = arith.mulf %scan3A_587, %bitcast3A_763 : vector<16xf32>
      %mul3A_765 = arith.constant 2 : i32
      %mul3A_766 = arith.muli %mul3A_765, %scan3A_579 : i32
      %get3A_767 = arith.index_cast %mul3A_766 : i32 to index
      %get3A_768 = arith.constant 64 : index
      %get3A_769 = tpu.vector_load %arg12[%get3A_767, %get3A_768] {strides = array<i32>} : memref<200x128xi32, #tpu.memory_space<vmem>>, vector<16xi32>,
      %shift_right_arithmetic3A_770 = arith.constant 1 : i32
      %shift_right_arithmetic3A_771 = vector.broadcast %shift_right_arithmetic3A_770 : i32 to vector<16xi32>
      %shift_right_arithmetic3A_772 = arith.shrsi %get3A_769, %shift_right_arithmetic3A_771 : vector<16xi32>
      %gather3A_773 = tpu.vector_load_idx %arg9[%shift_right_arithmetic3A_772] : memref<50176xi32, #tpu.memory_space<vmem>>[vector<16xi32>], vector<16xi32>,
      %xor3A_774 = arith.constant 1 : i32
      %xor3A_775 = vector.broadcast %xor3A_774 : i32 to vector<16xi32>
      %xor3A_776 = arith.xori %get3A_769, %xor3A_775 : vector<16xi32>
      %and3A_777 = arith.constant 1 : i32
      %and3A_778 = vector.broadcast %and3A_777 : i32 to vector<16xi32>
      %and3A_779 = arith.andi %xor3A_776, %and3A_778 : vector<16xi32>
      %shift_left3A_780 = arith.constant 4 : i32
      %shift_left3A_781 = vector.broadcast %shift_left3A_780 : i32 to vector<16xi32>
      %shift_left3A_782 = arith.shli %and3A_779, %shift_left3A_781 : vector<16xi32>
      %shift_left3A_783 = arith.shli %gather3A_773, %shift_left3A_782 : vector<16xi32>
      %bitcast3A_784 = vector.bitcast %shift_left3A_783 : vector<16xi32> to vector<16xf32>
      %mul3A_785 = arith.mulf %scan3A_588, %bitcast3A_784 : vector<16xf32>
      %mul3A_786 = arith.constant 2 : i32
      %mul3A_787 = arith.muli %mul3A_786, %scan3A_579 : i32
      %add3A_788 = arith.constant 1 : i32
      %add3A_789 = arith.addi %mul3A_787, %add3A_788 : i32
      %get3A_790 = arith.index_cast %add3A_789 : i32 to index
      %get3A_791 = arith.constant 64 : index
      %get3A_792 = tpu.vector_load %arg12[%get3A_790, %get3A_791] {strides = array<i32>} : memref<200x128xi32, #tpu.memory_space<vmem>>, vector<16xi32>,
      %shift_right_arithmetic3A_793 = arith.constant 1 : i32
      %shift_right_arithmetic3A_794 = vector.broadcast %shift_right_arithmetic3A_793 : i32 to vector<16xi32>
      %shift_right_arithmetic3A_795 = arith.shrsi %get3A_792, %shift_right_arithmetic3A_794 : vector<16xi32>
      %gather3A_796 = tpu.vector_load_idx %arg9[%shift_right_arithmetic3A_795] : memref<50176xi32, #tpu.memory_space<vmem>>[vector<16xi32>], vector<16xi32>,
      %xor3A_797 = arith.constant 1 : i32
      %xor3A_798 = vector.broadcast %xor3A_797 : i32 to vector<16xi32>
      %xor3A_799 = arith.xori %get3A_792, %xor3A_798 : vector<16xi32>
      %and3A_800 = arith.constant 1 : i32
      %and3A_801 = vector.broadcast %and3A_800 : i32 to vector<16xi32>
      %and3A_802 = arith.andi %xor3A_799, %and3A_801 : vector<16xi32>
      %shift_left3A_803 = arith.constant 4 : i32
      %shift_left3A_804 = vector.broadcast %shift_left3A_803 : i32 to vector<16xi32>
      %shift_left3A_805 = arith.shli %and3A_802, %shift_left3A_804 : vector<16xi32>
      %shift_left3A_806 = arith.shli %gather3A_796, %shift_left3A_805 : vector<16xi32>
      %bitcast3A_807 = vector.bitcast %shift_left3A_806 : vector<16xi32> to vector<16xf32>
      %mul3A_808 = arith.mulf %scan3A_589, %bitcast3A_807 : vector<16xf32>
      %mul3A_809 = arith.constant 2 : i32
      %mul3A_810 = arith.muli %mul3A_809, %scan3A_579 : i32
      %get3A_811 = arith.index_cast %mul3A_810 : i32 to index
      %get3A_812 = arith.constant 80 : index
      %get3A_813 = tpu.vector_load %arg12[%get3A_811, %get3A_812] {strides = array<i32>} : memref<200x128xi32, #tpu.memory_space<vmem>>, vector<16xi32>,
      %shift_right_arithmetic3A_814 = arith.constant 1 : i32
      %shift_right_arithmetic3A_815 = vector.broadcast %shift_right_arithmetic3A_814 : i32 to vector<16xi32>
      %shift_right_arithmetic3A_816 = arith.shrsi %get3A_813, %shift_right_arithmetic3A_815 : vector<16xi32>
      %gather3A_817 = tpu.vector_load_idx %arg9[%shift_right_arithmetic3A_816] : memref<50176xi32, #tpu.memory_space<vmem>>[vector<16xi32>], vector<16xi32>,
      %xor3A_818 = arith.constant 1 : i32
      %xor3A_819 = vector.broadcast %xor3A_818 : i32 to vector<16xi32>
      %xor3A_820 = arith.xori %get3A_813, %xor3A_819 : vector<16xi32>
      %and3A_821 = arith.constant 1 : i32
      %and3A_822 = vector.broadcast %and3A_821 : i32 to vector<16xi32>
      %and3A_823 = arith.andi %xor3A_820, %and3A_822 : vector<16xi32>
      %shift_left3A_824 = arith.constant 4 : i32
      %shift_left3A_825 = vector.broadcast %shift_left3A_824 : i32 to vector<16xi32>
      %shift_left3A_826 = arith.shli %and3A_823, %shift_left3A_825 : vector<16xi32>
      %shift_left3A_827 = arith.shli %gather3A_817, %shift_left3A_826 : vector<16xi32>
      %bitcast3A_828 = vector.bitcast %shift_left3A_827 : vector<16xi32> to vector<16xf32>
      %mul3A_829 = arith.mulf %scan3A_590, %bitcast3A_828 : vector<16xf32>
      %mul3A_830 = arith.constant 2 : i32
      %mul3A_831 = arith.muli %mul3A_830, %scan3A_579 : i32
      %add3A_832 = arith.constant 1 : i32
      %add3A_833 = arith.addi %mul3A_831, %add3A_832 : i32
      %get3A_834 = arith.index_cast %add3A_833 : i32 to index
      %get3A_835 = arith.constant 80 : index
      %get3A_836 = tpu.vector_load %arg12[%get3A_834, %get3A_835] {strides = array<i32>} : memref<200x128xi32, #tpu.memory_space<vmem>>, vector<16xi32>,
      %shift_right_arithmetic3A_837 = arith.constant 1 : i32
      %shift_right_arithmetic3A_838 = vector.broadcast %shift_right_arithmetic3A_837 : i32 to vector<16xi32>
      %shift_right_arithmetic3A_839 = arith.shrsi %get3A_836, %shift_right_arithmetic3A_838 : vector<16xi32>
      %gather3A_840 = tpu.vector_load_idx %arg9[%shift_right_arithmetic3A_839] : memref<50176xi32, #tpu.memory_space<vmem>>[vector<16xi32>], vector<16xi32>,
      %xor3A_841 = arith.constant 1 : i32
      %xor3A_842 = vector.broadcast %xor3A_841 : i32 to vector<16xi32>
      %xor3A_843 = arith.xori %get3A_836, %xor3A_842 : vector<16xi32>
      %and3A_844 = arith.constant 1 : i32
      %and3A_845 = vector.broadcast %and3A_844 : i32 to vector<16xi32>
      %and3A_846 = arith.andi %xor3A_843, %and3A_845 : vector<16xi32>
      %shift_left3A_847 = arith.constant 4 : i32
      %shift_left3A_848 = vector.broadcast %shift_left3A_847 : i32 to vector<16xi32>
      %shift_left3A_849 = arith.shli %and3A_846, %shift_left3A_848 : vector<16xi32>
      %shift_left3A_850 = arith.shli %gather3A_840, %shift_left3A_849 : vector<16xi32>
      %bitcast3A_851 = vector.bitcast %shift_left3A_850 : vector<16xi32> to vector<16xf32>
      %mul3A_852 = arith.mulf %scan3A_591, %bitcast3A_851 : vector<16xf32>
      %mul3A_853 = arith.constant 2 : i32
      %mul3A_854 = arith.muli %mul3A_853, %scan3A_579 : i32
      %get3A_855 = arith.index_cast %mul3A_854 : i32 to index
      %get3A_856 = arith.constant 96 : index
      %get3A_857 = tpu.vector_load %arg12[%get3A_855, %get3A_856] {strides = array<i32>} : memref<200x128xi32, #tpu.memory_space<vmem>>, vector<16xi32>,
      %shift_right_arithmetic3A_858 = arith.constant 1 : i32
      %shift_right_arithmetic3A_859 = vector.broadcast %shift_right_arithmetic3A_858 : i32 to vector<16xi32>
      %shift_right_arithmetic3A_860 = arith.shrsi %get3A_857, %shift_right_arithmetic3A_859 : vector<16xi32>
      %gather3A_861 = tpu.vector_load_idx %arg9[%shift_right_arithmetic3A_860] : memref<50176xi32, #tpu.memory_space<vmem>>[vector<16xi32>], vector<16xi32>,
      %xor3A_862 = arith.constant 1 : i32
      %xor3A_863 = vector.broadcast %xor3A_862 : i32 to vector<16xi32>
      %xor3A_864 = arith.xori %get3A_857, %xor3A_863 : vector<16xi32>
      %and3A_865 = arith.constant 1 : i32
      %and3A_866 = vector.broadcast %and3A_865 : i32 to vector<16xi32>
      %and3A_867 = arith.andi %xor3A_864, %and3A_866 : vector<16xi32>
      %shift_left3A_868 = arith.constant 4 : i32
      %shift_left3A_869 = vector.broadcast %shift_left3A_868 : i32 to vector<16xi32>
      %shift_left3A_870 = arith.shli %and3A_867, %shift_left3A_869 : vector<16xi32>
      %shift_left3A_871 = arith.shli %gather3A_861, %shift_left3A_870 : vector<16xi32>
      %bitcast3A_872 = vector.bitcast %shift_left3A_871 : vector<16xi32> to vector<16xf32>
      %mul3A_873 = arith.mulf %scan3A_592, %bitcast3A_872 : vector<16xf32>
      %mul3A_874 = arith.constant 2 : i32
      %mul3A_875 = arith.muli %mul3A_874, %scan3A_579 : i32
      %add3A_876 = arith.constant 1 : i32
      %add3A_877 = arith.addi %mul3A_875, %add3A_876 : i32
      %get3A_878 = arith.index_cast %add3A_877 : i32 to index
      %get3A_879 = arith.constant 96 : index
      %get3A_880 = tpu.vector_load %arg12[%get3A_878, %get3A_879] {strides = array<i32>} : memref<200x128xi32, #tpu.memory_space<vmem>>, vector<16xi32>,
      %shift_right_arithmetic3A_881 = arith.constant 1 : i32
      %shift_right_arithmetic3A_882 = vector.broadcast %shift_right_arithmetic3A_881 : i32 to vector<16xi32>
      %shift_right_arithmetic3A_883 = arith.shrsi %get3A_880, %shift_right_arithmetic3A_882 : vector<16xi32>
      %gather3A_884 = tpu.vector_load_idx %arg9[%shift_right_arithmetic3A_883] : memref<50176xi32, #tpu.memory_space<vmem>>[vector<16xi32>], vector<16xi32>,
      %xor3A_885 = arith.constant 1 : i32
      %xor3A_886 = vector.broadcast %xor3A_885 : i32 to vector<16xi32>
      %xor3A_887 = arith.xori %get3A_880, %xor3A_886 : vector<16xi32>
      %and3A_888 = arith.constant 1 : i32
      %and3A_889 = vector.broadcast %and3A_888 : i32 to vector<16xi32>
      %and3A_890 = arith.andi %xor3A_887, %and3A_889 : vector<16xi32>
      %shift_left3A_891 = arith.constant 4 : i32
      %shift_left3A_892 = vector.broadcast %shift_left3A_891 : i32 to vector<16xi32>
      %shift_left3A_893 = arith.shli %and3A_890, %shift_left3A_892 : vector<16xi32>
      %shift_left3A_894 = arith.shli %gather3A_884, %shift_left3A_893 : vector<16xi32>
      %bitcast3A_895 = vector.bitcast %shift_left3A_894 : vector<16xi32> to vector<16xf32>
      %mul3A_896 = arith.mulf %scan3A_593, %bitcast3A_895 : vector<16xf32>
      %mul3A_897 = arith.constant 2 : i32
      %mul3A_898 = arith.muli %mul3A_897, %scan3A_579 : i32
      %get3A_899 = arith.index_cast %mul3A_898 : i32 to index
      %get3A_900 = arith.constant 112 : index
      %get3A_901 = tpu.vector_load %arg12[%get3A_899, %get3A_900] {strides = array<i32>} : memref<200x128xi32, #tpu.memory_space<vmem>>, vector<16xi32>,
      %shift_right_arithmetic3A_902 = arith.constant 1 : i32
      %shift_right_arithmetic3A_903 = vector.broadcast %shift_right_arithmetic3A_902 : i32 to vector<16xi32>
      %shift_right_arithmetic3A_904 = arith.shrsi %get3A_901, %shift_right_arithmetic3A_903 : vector<16xi32>
      %gather3A_905 = tpu.vector_load_idx %arg9[%shift_right_arithmetic3A_904] : memref<50176xi32, #tpu.memory_space<vmem>>[vector<16xi32>], vector<16xi32>,
      %xor3A_906 = arith.constant 1 : i32
      %xor3A_907 = vector.broadcast %xor3A_906 : i32 to vector<16xi32>
      %xor3A_908 = arith.xori %get3A_901, %xor3A_907 : vector<16xi32>
      %and3A_909 = arith.constant 1 : i32
      %and3A_910 = vector.broadcast %and3A_909 : i32 to vector<16xi32>
      %and3A_911 = arith.andi %xor3A_908, %and3A_910 : vector<16xi32>
      %shift_left3A_912 = arith.constant 4 : i32
      %shift_left3A_913 = vector.broadcast %shift_left3A_912 : i32 to vector<16xi32>
      %shift_left3A_914 = arith.shli %and3A_911, %shift_left3A_913 : vector<16xi32>
      %shift_left3A_915 = arith.shli %gather3A_905, %shift_left3A_914 : vector<16xi32>
      %bitcast3A_916 = vector.bitcast %shift_left3A_915 : vector<16xi32> to vector<16xf32>
      %mul3A_917 = arith.mulf %scan3A_594, %bitcast3A_916 : vector<16xf32>
      %mul3A_918 = arith.constant 2 : i32
      %mul3A_919 = arith.muli %mul3A_918, %scan3A_579 : i32
      %add3A_920 = arith.constant 1 : i32
      %add3A_921 = arith.addi %mul3A_919, %add3A_920 : i32
      %get3A_922 = arith.index_cast %add3A_921 : i32 to index
      %get3A_923 = arith.constant 112 : index
      %get3A_924 = tpu.vector_load %arg12[%get3A_922, %get3A_923] {strides = array<i32>} : memref<200x128xi32, #tpu.memory_space<vmem>>, vector<16xi32>,
      %shift_right_arithmetic3A_925 = arith.constant 1 : i32
      %shift_right_arithmetic3A_926 = vector.broadcast %shift_right_arithmetic3A_925 : i32 to vector<16xi32>
      %shift_right_arithmetic3A_927 = arith.shrsi %get3A_924, %shift_right_arithmetic3A_926 : vector<16xi32>
      %gather3A_928 = tpu.vector_load_idx %arg9[%shift_right_arithmetic3A_927] : memref<50176xi32, #tpu.memory_space<vmem>>[vector<16xi32>], vector<16xi32>,
      %xor3A_929 = arith.constant 1 : i32
      %xor3A_930 = vector.broadcast %xor3A_929 : i32 to vector<16xi32>
      %xor3A_931 = arith.xori %get3A_924, %xor3A_930 : vector<16xi32>
      %and3A_932 = arith.constant 1 : i32
      %and3A_933 = vector.broadcast %and3A_932 : i32 to vector<16xi32>
      %and3A_934 = arith.andi %xor3A_931, %and3A_933 : vector<16xi32>
      %shift_left3A_935 = arith.constant 4 : i32
      %shift_left3A_936 = vector.broadcast %shift_left3A_935 : i32 to vector<16xi32>
      %shift_left3A_937 = arith.shli %and3A_934, %shift_left3A_936 : vector<16xi32>
      %shift_left3A_938 = arith.shli %gather3A_928, %shift_left3A_937 : vector<16xi32>
      %bitcast3A_939 = vector.bitcast %shift_left3A_938 : vector<16xi32> to vector<16xf32>
      %mul3A_940 = arith.mulf %scan3A_595, %bitcast3A_939 : vector<16xf32>
      scf.yield %mul3A_609, %mul3A_632, %mul3A_653, %mul3A_676, %mul3A_697, %mul3A_720, %mul3A_741, %mul3A_764, %mul3A_785, %mul3A_808, %mul3A_829, %mul3A_852, %mul3A_873, %mul3A_896, %mul3A_917, %mul3A_940 : vector<16xf32>, vector<16xf32>, vector<16xf32>, vector<16xf32>, vector<16xf32>, vector<16xf32>, vector<16xf32>, vector<16xf32>, vector<16xf32>, vector<16xf32>, vector<16xf32>, vector<16xf32>, vector<16xf32>, vector<16xf32>, vector<16xf32>, vector<16xf32>
    }
    %scan3A_374 = arith.constant 100 : i32
    %mul3A_375 = arith.mulf %scan3A_373#0, %scan3A_373#1 : vector<16xf32>
    %sub3A_376 = arith.constant 1.000000e+00 : f32
    %sub3A_377 = vector.broadcast %sub3A_376 : f32 to vector<16xf32>
    %sub3A_378 = arith.subf %sub3A_377, %mul3A_375 : vector<16xf32>
    %jit3A_379 = arith.constant 9.99999974E-5 : f32
    %jit3A_380 = arith.constant 0.999989986 : f32
    %max3A_381 = vector.broadcast %jit3A_379 : f32 to vector<16xf32>
    %max3A_382 = arith.maximumf %max3A_381, %sub3A_378 : vector<16xf32>
    %min3A_383 = vector.broadcast %jit3A_380 : f32 to vector<16xf32>
    %min3A_384 = arith.minimumf %min3A_383, %max3A_382 : vector<16xf32>
    %swap3A_385 = arith.constant 256 : index
    %swap3A_386 = tpu.vector_load %arg14[%swap3A_385] {strides = array<i32>} : memref<512xf32, #tpu.memory_space<vmem>>, vector<16xf32>,
    tpu.vector_store %arg14[%swap3A_385], %min3A_384 {strides = array<i32>} : memref<512xf32, #tpu.memory_space<vmem>>, vector<16xf32>,
    %mul3A_387 = arith.mulf %scan3A_373#2, %scan3A_373#3 : vector<16xf32>
    %sub3A_388 = arith.constant 1.000000e+00 : f32
    %sub3A_389 = vector.broadcast %sub3A_388 : f32 to vector<16xf32>
    %sub3A_390 = arith.subf %sub3A_389, %mul3A_387 : vector<16xf32>
    %jit3A_391 = arith.constant 9.99999974E-5 : f32
    %jit3A_392 = arith.constant 0.999989986 : f32
    %max3A_393 = vector.broadcast %jit3A_391 : f32 to vector<16xf32>
    %max3A_394 = arith.maximumf %max3A_393, %sub3A_390 : vector<16xf32>
    %min3A_395 = vector.broadcast %jit3A_392 : f32 to vector<16xf32>
    %min3A_396 = arith.minimumf %min3A_395, %max3A_394 : vector<16xf32>
    %swap3A_397 = arith.constant 272 : index
    %swap3A_398 = tpu.vector_load %arg14[%swap3A_397] {strides = array<i32>} : memref<512xf32, #tpu.memory_space<vmem>>, vector<16xf32>,
    tpu.vector_store %arg14[%swap3A_397], %min3A_396 {strides = array<i32>} : memref<512xf32, #tpu.memory_space<vmem>>, vector<16xf32>,
    %mul3A_399 = arith.mulf %scan3A_373#4, %scan3A_373#5 : vector<16xf32>
    %sub3A_400 = arith.constant 1.000000e+00 : f32
    %sub3A_401 = vector.broadcast %sub3A_400 : f32 to vector<16xf32>
    %sub3A_402 = arith.subf %sub3A_401, %mul3A_399 : vector<16xf32>
    %jit3A_403 = arith.constant 9.99999974E-5 : f32
    %jit3A_404 = arith.constant 0.999989986 : f32
    %max3A_405 = vector.broadcast %jit3A_403 : f32 to vector<16xf32>
    %max3A_406 = arith.maximumf %max3A_405, %sub3A_402 : vector<16xf32>
    %min3A_407 = vector.broadcast %jit3A_404 : f32 to vector<16xf32>
    %min3A_408 = arith.minimumf %min3A_407, %max3A_406 : vector<16xf32>
    %swap3A_409 = arith.constant 288 : index
    %swap3A_410 = tpu.vector_load %arg14[%swap3A_409] {strides = array<i32>} : memref<512xf32, #tpu.memory_space<vmem>>, vector<16xf32>,
    tpu.vector_store %arg14[%swap3A_409], %min3A_408 {strides = array<i32>} : memref<512xf32, #tpu.memory_space<vmem>>, vector<16xf32>,
    %mul3A_411 = arith.mulf %scan3A_373#6, %scan3A_373#7 : vector<16xf32>
    %sub3A_412 = arith.constant 1.000000e+00 : f32
    %sub3A_413 = vector.broadcast %sub3A_412 : f32 to vector<16xf32>
    %sub3A_414 = arith.subf %sub3A_413, %mul3A_411 : vector<16xf32>
    %jit3A_415 = arith.constant 9.99999974E-5 : f32
    %jit3A_416 = arith.constant 0.999989986 : f32
    %max3A_417 = vector.broadcast %jit3A_415 : f32 to vector<16xf32>
    %max3A_418 = arith.maximumf %max3A_417, %sub3A_414 : vector<16xf32>
    %min3A_419 = vector.broadcast %jit3A_416 : f32 to vector<16xf32>
    %min3A_420 = arith.minimumf %min3A_419, %max3A_418 : vector<16xf32>
    %swap3A_421 = arith.constant 304 : index
    %swap3A_422 = tpu.vector_load %arg14[%swap3A_421] {strides = array<i32>} : memref<512xf32, #tpu.memory_space<vmem>>, vector<16xf32>,
    tpu.vector_store %arg14[%swap3A_421], %min3A_420 {strides = array<i32>} : memref<512xf32, #tpu.memory_space<vmem>>, vector<16xf32>,
    %mul3A_423 = arith.mulf %scan3A_373#8, %scan3A_373#9 : vector<16xf32>
    %sub3A_424 = arith.constant 1.000000e+00 : f32
    %sub3A_425 = vector.broadcast %sub3A_424 : f32 to vector<16xf32>
    %sub3A_426 = arith.subf %sub3A_425, %mul3A_423 : vector<16xf32>
    %jit3A_427 = arith.constant 9.99999974E-5 : f32
    %jit3A_428 = arith.constant 0.999989986 : f32
    %max3A_429 = vector.broadcast %jit3A_427 : f32 to vector<16xf32>
    %max3A_430 = arith.maximumf %max3A_429, %sub3A_426 : vector<16xf32>
    %min3A_431 = vector.broadcast %jit3A_428 : f32 to vector<16xf32>
    %min3A_432 = arith.minimumf %min3A_431, %max3A_430 : vector<16xf32>
    %swap3A_433 = arith.constant 320 : index
    %swap3A_434 = tpu.vector_load %arg14[%swap3A_433] {strides = array<i32>} : memref<512xf32, #tpu.memory_space<vmem>>, vector<16xf32>,
    tpu.vector_store %arg14[%swap3A_433], %min3A_432 {strides = array<i32>} : memref<512xf32, #tpu.memory_space<vmem>>, vector<16xf32>,
    %mul3A_435 = arith.mulf %scan3A_373#10, %scan3A_373#11 : vector<16xf32>
    %sub3A_436 = arith.constant 1.000000e+00 : f32
    %sub3A_437 = vector.broadcast %sub3A_436 : f32 to vector<16xf32>
    %sub3A_438 = arith.subf %sub3A_437, %mul3A_435 : vector<16xf32>
    %jit3A_439 = arith.constant 9.99999974E-5 : f32
    %jit3A_440 = arith.constant 0.999989986 : f32
    %max3A_441 = vector.broadcast %jit3A_439 : f32 to vector<16xf32>
    %max3A_442 = arith.maximumf %max3A_441, %sub3A_438 : vector<16xf32>
    %min3A_443 = vector.broadcast %jit3A_440 : f32 to vector<16xf32>
    %min3A_444 = arith.minimumf %min3A_443, %max3A_442 : vector<16xf32>
    %swap3A_445 = arith.constant 336 : index
    %swap3A_446 = tpu.vector_load %arg14[%swap3A_445] {strides = array<i32>} : memref<512xf32, #tpu.memory_space<vmem>>, vector<16xf32>,
    tpu.vector_store %arg14[%swap3A_445], %min3A_444 {strides = array<i32>} : memref<512xf32, #tpu.memory_space<vmem>>, vector<16xf32>,
    %mul3A_447 = arith.mulf %scan3A_373#12, %scan3A_373#13 : vector<16xf32>
    %sub3A_448 = arith.constant 1.000000e+00 : f32
    %sub3A_449 = vector.broadcast %sub3A_448 : f32 to vector<16xf32>
    %sub3A_450 = arith.subf %sub3A_449, %mul3A_447 : vector<16xf32>
    %jit3A_451 = arith.constant 9.99999974E-5 : f32
    %jit3A_452 = arith.constant 0.999989986 : f32
    %max3A_453 = vector.broadcast %jit3A_451 : f32 to vector<16xf32>
    %max3A_454 = arith.maximumf %max3A_453, %sub3A_450 : vector<16xf32>
    %min3A_455 = vector.broadcast %jit3A_452 : f32 to vector<16xf32>
    %min3A_456 = arith.minimumf %min3A_455, %max3A_454 : vector<16xf32>
    %swap3A_457 = arith.constant 352 : index
    %swap3A_458 = tpu.vector_load %arg14[%swap3A_457] {strides = array<i32>} : memref<512xf32, #tpu.memory_space<vmem>>, vector<16xf32>,
    tpu.vector_store %arg14[%swap3A_457], %min3A_456 {strides = array<i32>} : memref<512xf32, #tpu.memory_space<vmem>>, vector<16xf32>,
    %mul3A_459 = arith.mulf %scan3A_373#14, %scan3A_373#15 : vector<16xf32>
    %sub3A_460 = arith.constant 1.000000e+00 : f32
    %sub3A_461 = vector.broadcast %sub3A_460 : f32 to vector<16xf32>
    %sub3A_462 = arith.subf %sub3A_461, %mul3A_459 : vector<16xf32>
    %jit3A_463 = arith.constant 9.99999974E-5 : f32
    %jit3A_464 = arith.constant 0.999989986 : f32
    %max3A_465 = vector.broadcast %jit3A_463 : f32 to vector<16xf32>
    %max3A_466 = arith.maximumf %max3A_465, %sub3A_462 : vector<16xf32>
    %min3A_467 = vector.broadcast %jit3A_464 : f32 to vector<16xf32>
    %min3A_468 = arith.minimumf %min3A_467, %max3A_466 : vector<16xf32>
    %swap3A_469 = arith.constant 368 : index
    %swap3A_470 = tpu.vector_load %arg14[%swap3A_469] {strides = array<i32>} : memref<512xf32, #tpu.memory_space<vmem>>, vector<16xf32>,
    tpu.vector_store %arg14[%swap3A_469], %min3A_468 {strides = array<i32>} : memref<512xf32, #tpu.memory_space<vmem>>, vector<16xf32>,
    %add3A_471 = arith.constant 0 : i32
    %add3A_472 = arith.addi %mul3A_2, %add3A_471 : i32
    %dma_wait3A_473 = arith.constant 0 : i32
    %dma_wait3A_474 = tpu.memref_slice %arg2[%dma_wait3A_473, %add3A_472] : memref<200x16384xi32, #tpu.memory_space<hbm>> -> memref<200x128xi32, #tpu.memory_space<hbm>>
    %dma_wait3A_475 = arith.constant 0 : i32
    %dma_wait3A_476 = tpu.memref_slice %arg2[%dma_wait3A_475, %add3A_472] : memref<200x16384xi32, #tpu.memory_space<hbm>> -> memref<200x128xi32, #tpu.memory_space<hbm>>
    tpu.wait_dma2 semaphore(%arg16 : memref<!tpu.dma_semaphore, #tpu.memory_space<semaphore_mem>>) src(%dma_wait3A_476 : memref<200x128xi32, #tpu.memory_space<hbm>>) dst(%arg13 : memref<200x128xi32, #tpu.memory_space<vmem>>)
    %scan3A_477 = arith.constant 0 : i32
    %scan3A_478 = arith.constant 100 : i32
    %scan3A_479 = arith.addi %scan3A_477, %scan3A_478 : i32
    %scan3A_480 = arith.constant 1 : i32
    %scan3A_481:16 = scf.for %scan3A_579 = %scan3A_477 to %scan3A_479 step %scan3A_480 iter_args(%scan3A_580 = %broadcast_in_dim3A_138, %scan3A_581 = %broadcast_in_dim3A_138, %scan3A_582 = %broadcast_in_dim3A_138, %scan3A_583 = %broadcast_in_dim3A_138, %scan3A_584 = %broadcast_in_dim3A_138, %scan3A_585 = %broadcast_in_dim3A_138, %scan3A_586 = %broadcast_in_dim3A_138, %scan3A_587 = %broadcast_in_dim3A_138, %scan3A_588 = %broadcast_in_dim3A_138, %scan3A_589 = %broadcast_in_dim3A_138, %scan3A_590 = %broadcast_in_dim3A_138, %scan3A_591 = %broadcast_in_dim3A_138, %scan3A_592 = %broadcast_in_dim3A_138, %scan3A_593 = %broadcast_in_dim3A_138, %scan3A_594 = %broadcast_in_dim3A_138, %scan3A_595 = %broadcast_in_dim3A_138) -> (vector<16xf32>, vector<16xf32>, vector<16xf32>, vector<16xf32>, vector<16xf32>, vector<16xf32>, vector<16xf32>, vector<16xf32>, vector<16xf32>, vector<16xf32>, vector<16xf32>, vector<16xf32>, vector<16xf32>, vector<16xf32>, vector<16xf32>, vector<16xf32>)  : i32 {
      %mul3A_596 = arith.constant 2 : i32
      %mul3A_597 = arith.muli %mul3A_596, %scan3A_579 : i32
      %get3A = arith.index_cast %mul3A_597 : i32 to index
      %get3A_598 = arith.constant 0 : index
      %get3A_599 = tpu.vector_load %arg13[%get3A, %get3A_598] {strides = array<i32>} : memref<200x128xi32, #tpu.memory_space<vmem>>, vector<16xi32>,
      %shift_right_arithmetic3A = arith.constant 1 : i32
      %shift_right_arithmetic3A_600 = vector.broadcast %shift_right_arithmetic3A : i32 to vector<16xi32>
      %shift_right_arithmetic3A_601 = arith.shrsi %get3A_599, %shift_right_arithmetic3A_600 : vector<16xi32>
      %gather3A = tpu.vector_load_idx %arg9[%shift_right_arithmetic3A_601] : memref<50176xi32, #tpu.memory_space<vmem>>[vector<16xi32>], vector<16xi32>,
      %xor3A = arith.constant 1 : i32
      %xor3A_602 = vector.broadcast %xor3A : i32 to vector<16xi32>
      %xor3A_603 = arith.xori %get3A_599, %xor3A_602 : vector<16xi32>
      %and3A = arith.constant 1 : i32
      %and3A_604 = vector.broadcast %and3A : i32 to vector<16xi32>
      %and3A_605 = arith.andi %xor3A_603, %and3A_604 : vector<16xi32>
      %shift_left3A = arith.constant 4 : i32
      %shift_left3A_606 = vector.broadcast %shift_left3A : i32 to vector<16xi32>
      %shift_left3A_607 = arith.shli %and3A_605, %shift_left3A_606 : vector<16xi32>
      %shift_left3A_608 = arith.shli %gather3A, %shift_left3A_607 : vector<16xi32>
      %bitcast3A = vector.bitcast %shift_left3A_608 : vector<16xi32> to vector<16xf32>
      %mul3A_609 = arith.mulf %scan3A_580, %bitcast3A : vector<16xf32>
      %mul3A_610 = arith.constant 2 : i32
      %mul3A_611 = arith.muli %mul3A_610, %scan3A_579 : i32
      %add3A_612 = arith.constant 1 : i32
      %add3A_613 = arith.addi %mul3A_611, %add3A_612 : i32
      %get3A_614 = arith.index_cast %add3A_613 : i32 to index
      %get3A_615 = arith.constant 0 : index
      %get3A_616 = tpu.vector_load %arg13[%get3A_614, %get3A_615] {strides = array<i32>} : memref<200x128xi32, #tpu.memory_space<vmem>>, vector<16xi32>,
      %shift_right_arithmetic3A_617 = arith.constant 1 : i32
      %shift_right_arithmetic3A_618 = vector.broadcast %shift_right_arithmetic3A_617 : i32 to vector<16xi32>
      %shift_right_arithmetic3A_619 = arith.shrsi %get3A_616, %shift_right_arithmetic3A_618 : vector<16xi32>
      %gather3A_620 = tpu.vector_load_idx %arg9[%shift_right_arithmetic3A_619] : memref<50176xi32, #tpu.memory_space<vmem>>[vector<16xi32>], vector<16xi32>,
      %xor3A_621 = arith.constant 1 : i32
      %xor3A_622 = vector.broadcast %xor3A_621 : i32 to vector<16xi32>
      %xor3A_623 = arith.xori %get3A_616, %xor3A_622 : vector<16xi32>
      %and3A_624 = arith.constant 1 : i32
      %and3A_625 = vector.broadcast %and3A_624 : i32 to vector<16xi32>
      %and3A_626 = arith.andi %xor3A_623, %and3A_625 : vector<16xi32>
      %shift_left3A_627 = arith.constant 4 : i32
      %shift_left3A_628 = vector.broadcast %shift_left3A_627 : i32 to vector<16xi32>
      %shift_left3A_629 = arith.shli %and3A_626, %shift_left3A_628 : vector<16xi32>
      %shift_left3A_630 = arith.shli %gather3A_620, %shift_left3A_629 : vector<16xi32>
      %bitcast3A_631 = vector.bitcast %shift_left3A_630 : vector<16xi32> to vector<16xf32>
      %mul3A_632 = arith.mulf %scan3A_581, %bitcast3A_631 : vector<16xf32>
      %mul3A_633 = arith.constant 2 : i32
      %mul3A_634 = arith.muli %mul3A_633, %scan3A_579 : i32
      %get3A_635 = arith.index_cast %mul3A_634 : i32 to index
      %get3A_636 = arith.constant 16 : index
      %get3A_637 = tpu.vector_load %arg13[%get3A_635, %get3A_636] {strides = array<i32>} : memref<200x128xi32, #tpu.memory_space<vmem>>, vector<16xi32>,
      %shift_right_arithmetic3A_638 = arith.constant 1 : i32
      %shift_right_arithmetic3A_639 = vector.broadcast %shift_right_arithmetic3A_638 : i32 to vector<16xi32>
      %shift_right_arithmetic3A_640 = arith.shrsi %get3A_637, %shift_right_arithmetic3A_639 : vector<16xi32>
      %gather3A_641 = tpu.vector_load_idx %arg9[%shift_right_arithmetic3A_640] : memref<50176xi32, #tpu.memory_space<vmem>>[vector<16xi32>], vector<16xi32>,
      %xor3A_642 = arith.constant 1 : i32
      %xor3A_643 = vector.broadcast %xor3A_642 : i32 to vector<16xi32>
      %xor3A_644 = arith.xori %get3A_637, %xor3A_643 : vector<16xi32>
      %and3A_645 = arith.constant 1 : i32
      %and3A_646 = vector.broadcast %and3A_645 : i32 to vector<16xi32>
      %and3A_647 = arith.andi %xor3A_644, %and3A_646 : vector<16xi32>
      %shift_left3A_648 = arith.constant 4 : i32
      %shift_left3A_649 = vector.broadcast %shift_left3A_648 : i32 to vector<16xi32>
      %shift_left3A_650 = arith.shli %and3A_647, %shift_left3A_649 : vector<16xi32>
      %shift_left3A_651 = arith.shli %gather3A_641, %shift_left3A_650 : vector<16xi32>
      %bitcast3A_652 = vector.bitcast %shift_left3A_651 : vector<16xi32> to vector<16xf32>
      %mul3A_653 = arith.mulf %scan3A_582, %bitcast3A_652 : vector<16xf32>
      %mul3A_654 = arith.constant 2 : i32
      %mul3A_655 = arith.muli %mul3A_654, %scan3A_579 : i32
      %add3A_656 = arith.constant 1 : i32
      %add3A_657 = arith.addi %mul3A_655, %add3A_656 : i32
      %get3A_658 = arith.index_cast %add3A_657 : i32 to index
      %get3A_659 = arith.constant 16 : index
      %get3A_660 = tpu.vector_load %arg13[%get3A_658, %get3A_659] {strides = array<i32>} : memref<200x128xi32, #tpu.memory_space<vmem>>, vector<16xi32>,
      %shift_right_arithmetic3A_661 = arith.constant 1 : i32
      %shift_right_arithmetic3A_662 = vector.broadcast %shift_right_arithmetic3A_661 : i32 to vector<16xi32>
      %shift_right_arithmetic3A_663 = arith.shrsi %get3A_660, %shift_right_arithmetic3A_662 : vector<16xi32>
      %gather3A_664 = tpu.vector_load_idx %arg9[%shift_right_arithmetic3A_663] : memref<50176xi32, #tpu.memory_space<vmem>>[vector<16xi32>], vector<16xi32>,
      %xor3A_665 = arith.constant 1 : i32
      %xor3A_666 = vector.broadcast %xor3A_665 : i32 to vector<16xi32>
      %xor3A_667 = arith.xori %get3A_660, %xor3A_666 : vector<16xi32>
      %and3A_668 = arith.constant 1 : i32
      %and3A_669 = vector.broadcast %and3A_668 : i32 to vector<16xi32>
      %and3A_670 = arith.andi %xor3A_667, %and3A_669 : vector<16xi32>
      %shift_left3A_671 = arith.constant 4 : i32
      %shift_left3A_672 = vector.broadcast %shift_left3A_671 : i32 to vector<16xi32>
      %shift_left3A_673 = arith.shli %and3A_670, %shift_left3A_672 : vector<16xi32>
      %shift_left3A_674 = arith.shli %gather3A_664, %shift_left3A_673 : vector<16xi32>
      %bitcast3A_675 = vector.bitcast %shift_left3A_674 : vector<16xi32> to vector<16xf32>
      %mul3A_676 = arith.mulf %scan3A_583, %bitcast3A_675 : vector<16xf32>
      %mul3A_677 = arith.constant 2 : i32
      %mul3A_678 = arith.muli %mul3A_677, %scan3A_579 : i32
      %get3A_679 = arith.index_cast %mul3A_678 : i32 to index
      %get3A_680 = arith.constant 32 : index
      %get3A_681 = tpu.vector_load %arg13[%get3A_679, %get3A_680] {strides = array<i32>} : memref<200x128xi32, #tpu.memory_space<vmem>>, vector<16xi32>,
      %shift_right_arithmetic3A_682 = arith.constant 1 : i32
      %shift_right_arithmetic3A_683 = vector.broadcast %shift_right_arithmetic3A_682 : i32 to vector<16xi32>
      %shift_right_arithmetic3A_684 = arith.shrsi %get3A_681, %shift_right_arithmetic3A_683 : vector<16xi32>
      %gather3A_685 = tpu.vector_load_idx %arg9[%shift_right_arithmetic3A_684] : memref<50176xi32, #tpu.memory_space<vmem>>[vector<16xi32>], vector<16xi32>,
      %xor3A_686 = arith.constant 1 : i32
      %xor3A_687 = vector.broadcast %xor3A_686 : i32 to vector<16xi32>
      %xor3A_688 = arith.xori %get3A_681, %xor3A_687 : vector<16xi32>
      %and3A_689 = arith.constant 1 : i32
      %and3A_690 = vector.broadcast %and3A_689 : i32 to vector<16xi32>
      %and3A_691 = arith.andi %xor3A_688, %and3A_690 : vector<16xi32>
      %shift_left3A_692 = arith.constant 4 : i32
      %shift_left3A_693 = vector.broadcast %shift_left3A_692 : i32 to vector<16xi32>
      %shift_left3A_694 = arith.shli %and3A_691, %shift_left3A_693 : vector<16xi32>
      %shift_left3A_695 = arith.shli %gather3A_685, %shift_left3A_694 : vector<16xi32>
      %bitcast3A_696 = vector.bitcast %shift_left3A_695 : vector<16xi32> to vector<16xf32>
      %mul3A_697 = arith.mulf %scan3A_584, %bitcast3A_696 : vector<16xf32>
      %mul3A_698 = arith.constant 2 : i32
      %mul3A_699 = arith.muli %mul3A_698, %scan3A_579 : i32
      %add3A_700 = arith.constant 1 : i32
      %add3A_701 = arith.addi %mul3A_699, %add3A_700 : i32
      %get3A_702 = arith.index_cast %add3A_701 : i32 to index
      %get3A_703 = arith.constant 32 : index
      %get3A_704 = tpu.vector_load %arg13[%get3A_702, %get3A_703] {strides = array<i32>} : memref<200x128xi32, #tpu.memory_space<vmem>>, vector<16xi32>,
      %shift_right_arithmetic3A_705 = arith.constant 1 : i32
      %shift_right_arithmetic3A_706 = vector.broadcast %shift_right_arithmetic3A_705 : i32 to vector<16xi32>
      %shift_right_arithmetic3A_707 = arith.shrsi %get3A_704, %shift_right_arithmetic3A_706 : vector<16xi32>
      %gather3A_708 = tpu.vector_load_idx %arg9[%shift_right_arithmetic3A_707] : memref<50176xi32, #tpu.memory_space<vmem>>[vector<16xi32>], vector<16xi32>,
      %xor3A_709 = arith.constant 1 : i32
      %xor3A_710 = vector.broadcast %xor3A_709 : i32 to vector<16xi32>
      %xor3A_711 = arith.xori %get3A_704, %xor3A_710 : vector<16xi32>
      %and3A_712 = arith.constant 1 : i32
      %and3A_713 = vector.broadcast %and3A_712 : i32 to vector<16xi32>
      %and3A_714 = arith.andi %xor3A_711, %and3A_713 : vector<16xi32>
      %shift_left3A_715 = arith.constant 4 : i32
      %shift_left3A_716 = vector.broadcast %shift_left3A_715 : i32 to vector<16xi32>
      %shift_left3A_717 = arith.shli %and3A_714, %shift_left3A_716 : vector<16xi32>
      %shift_left3A_718 = arith.shli %gather3A_708, %shift_left3A_717 : vector<16xi32>
      %bitcast3A_719 = vector.bitcast %shift_left3A_718 : vector<16xi32> to vector<16xf32>
      %mul3A_720 = arith.mulf %scan3A_585, %bitcast3A_719 : vector<16xf32>
      %mul3A_721 = arith.constant 2 : i32
      %mul3A_722 = arith.muli %mul3A_721, %scan3A_579 : i32
      %get3A_723 = arith.index_cast %mul3A_722 : i32 to index
      %get3A_724 = arith.constant 48 : index
      %get3A_725 = tpu.vector_load %arg13[%get3A_723, %get3A_724] {strides = array<i32>} : memref<200x128xi32, #tpu.memory_space<vmem>>, vector<16xi32>,
      %shift_right_arithmetic3A_726 = arith.constant 1 : i32
      %shift_right_arithmetic3A_727 = vector.broadcast %shift_right_arithmetic3A_726 : i32 to vector<16xi32>
      %shift_right_arithmetic3A_728 = arith.shrsi %get3A_725, %shift_right_arithmetic3A_727 : vector<16xi32>
      %gather3A_729 = tpu.vector_load_idx %arg9[%shift_right_arithmetic3A_728] : memref<50176xi32, #tpu.memory_space<vmem>>[vector<16xi32>], vector<16xi32>,
      %xor3A_730 = arith.constant 1 : i32
      %xor3A_731 = vector.broadcast %xor3A_730 : i32 to vector<16xi32>
      %xor3A_732 = arith.xori %get3A_725, %xor3A_731 : vector<16xi32>
      %and3A_733 = arith.constant 1 : i32
      %and3A_734 = vector.broadcast %and3A_733 : i32 to vector<16xi32>
      %and3A_735 = arith.andi %xor3A_732, %and3A_734 : vector<16xi32>
      %shift_left3A_736 = arith.constant 4 : i32
      %shift_left3A_737 = vector.broadcast %shift_left3A_736 : i32 to vector<16xi32>
      %shift_left3A_738 = arith.shli %and3A_735, %shift_left3A_737 : vector<16xi32>
      %shift_left3A_739 = arith.shli %gather3A_729, %shift_left3A_738 : vector<16xi32>
      %bitcast3A_740 = vector.bitcast %shift_left3A_739 : vector<16xi32> to vector<16xf32>
      %mul3A_741 = arith.mulf %scan3A_586, %bitcast3A_740 : vector<16xf32>
      %mul3A_742 = arith.constant 2 : i32
      %mul3A_743 = arith.muli %mul3A_742, %scan3A_579 : i32
      %add3A_744 = arith.constant 1 : i32
      %add3A_745 = arith.addi %mul3A_743, %add3A_744 : i32
      %get3A_746 = arith.index_cast %add3A_745 : i32 to index
      %get3A_747 = arith.constant 48 : index
      %get3A_748 = tpu.vector_load %arg13[%get3A_746, %get3A_747] {strides = array<i32>} : memref<200x128xi32, #tpu.memory_space<vmem>>, vector<16xi32>,
      %shift_right_arithmetic3A_749 = arith.constant 1 : i32
      %shift_right_arithmetic3A_750 = vector.broadcast %shift_right_arithmetic3A_749 : i32 to vector<16xi32>
      %shift_right_arithmetic3A_751 = arith.shrsi %get3A_748, %shift_right_arithmetic3A_750 : vector<16xi32>
      %gather3A_752 = tpu.vector_load_idx %arg9[%shift_right_arithmetic3A_751] : memref<50176xi32, #tpu.memory_space<vmem>>[vector<16xi32>], vector<16xi32>,
      %xor3A_753 = arith.constant 1 : i32
      %xor3A_754 = vector.broadcast %xor3A_753 : i32 to vector<16xi32>
      %xor3A_755 = arith.xori %get3A_748, %xor3A_754 : vector<16xi32>
      %and3A_756 = arith.constant 1 : i32
      %and3A_757 = vector.broadcast %and3A_756 : i32 to vector<16xi32>
      %and3A_758 = arith.andi %xor3A_755, %and3A_757 : vector<16xi32>
      %shift_left3A_759 = arith.constant 4 : i32
      %shift_left3A_760 = vector.broadcast %shift_left3A_759 : i32 to vector<16xi32>
      %shift_left3A_761 = arith.shli %and3A_758, %shift_left3A_760 : vector<16xi32>
      %shift_left3A_762 = arith.shli %gather3A_752, %shift_left3A_761 : vector<16xi32>
      %bitcast3A_763 = vector.bitcast %shift_left3A_762 : vector<16xi32> to vector<16xf32>
      %mul3A_764 = arith.mulf %scan3A_587, %bitcast3A_763 : vector<16xf32>
      %mul3A_765 = arith.constant 2 : i32
      %mul3A_766 = arith.muli %mul3A_765, %scan3A_579 : i32
      %get3A_767 = arith.index_cast %mul3A_766 : i32 to index
      %get3A_768 = arith.constant 64 : index
      %get3A_769 = tpu.vector_load %arg13[%get3A_767, %get3A_768] {strides = array<i32>} : memref<200x128xi32, #tpu.memory_space<vmem>>, vector<16xi32>,
      %shift_right_arithmetic3A_770 = arith.constant 1 : i32
      %shift_right_arithmetic3A_771 = vector.broadcast %shift_right_arithmetic3A_770 : i32 to vector<16xi32>
      %shift_right_arithmetic3A_772 = arith.shrsi %get3A_769, %shift_right_arithmetic3A_771 : vector<16xi32>
      %gather3A_773 = tpu.vector_load_idx %arg9[%shift_right_arithmetic3A_772] : memref<50176xi32, #tpu.memory_space<vmem>>[vector<16xi32>], vector<16xi32>,
      %xor3A_774 = arith.constant 1 : i32
      %xor3A_775 = vector.broadcast %xor3A_774 : i32 to vector<16xi32>
      %xor3A_776 = arith.xori %get3A_769, %xor3A_775 : vector<16xi32>
      %and3A_777 = arith.constant 1 : i32
      %and3A_778 = vector.broadcast %and3A_777 : i32 to vector<16xi32>
      %and3A_779 = arith.andi %xor3A_776, %and3A_778 : vector<16xi32>
      %shift_left3A_780 = arith.constant 4 : i32
      %shift_left3A_781 = vector.broadcast %shift_left3A_780 : i32 to vector<16xi32>
      %shift_left3A_782 = arith.shli %and3A_779, %shift_left3A_781 : vector<16xi32>
      %shift_left3A_783 = arith.shli %gather3A_773, %shift_left3A_782 : vector<16xi32>
      %bitcast3A_784 = vector.bitcast %shift_left3A_783 : vector<16xi32> to vector<16xf32>
      %mul3A_785 = arith.mulf %scan3A_588, %bitcast3A_784 : vector<16xf32>
      %mul3A_786 = arith.constant 2 : i32
      %mul3A_787 = arith.muli %mul3A_786, %scan3A_579 : i32
      %add3A_788 = arith.constant 1 : i32
      %add3A_789 = arith.addi %mul3A_787, %add3A_788 : i32
      %get3A_790 = arith.index_cast %add3A_789 : i32 to index
      %get3A_791 = arith.constant 64 : index
      %get3A_792 = tpu.vector_load %arg13[%get3A_790, %get3A_791] {strides = array<i32>} : memref<200x128xi32, #tpu.memory_space<vmem>>, vector<16xi32>,
      %shift_right_arithmetic3A_793 = arith.constant 1 : i32
      %shift_right_arithmetic3A_794 = vector.broadcast %shift_right_arithmetic3A_793 : i32 to vector<16xi32>
      %shift_right_arithmetic3A_795 = arith.shrsi %get3A_792, %shift_right_arithmetic3A_794 : vector<16xi32>
      %gather3A_796 = tpu.vector_load_idx %arg9[%shift_right_arithmetic3A_795] : memref<50176xi32, #tpu.memory_space<vmem>>[vector<16xi32>], vector<16xi32>,
      %xor3A_797 = arith.constant 1 : i32
      %xor3A_798 = vector.broadcast %xor3A_797 : i32 to vector<16xi32>
      %xor3A_799 = arith.xori %get3A_792, %xor3A_798 : vector<16xi32>
      %and3A_800 = arith.constant 1 : i32
      %and3A_801 = vector.broadcast %and3A_800 : i32 to vector<16xi32>
      %and3A_802 = arith.andi %xor3A_799, %and3A_801 : vector<16xi32>
      %shift_left3A_803 = arith.constant 4 : i32
      %shift_left3A_804 = vector.broadcast %shift_left3A_803 : i32 to vector<16xi32>
      %shift_left3A_805 = arith.shli %and3A_802, %shift_left3A_804 : vector<16xi32>
      %shift_left3A_806 = arith.shli %gather3A_796, %shift_left3A_805 : vector<16xi32>
      %bitcast3A_807 = vector.bitcast %shift_left3A_806 : vector<16xi32> to vector<16xf32>
      %mul3A_808 = arith.mulf %scan3A_589, %bitcast3A_807 : vector<16xf32>
      %mul3A_809 = arith.constant 2 : i32
      %mul3A_810 = arith.muli %mul3A_809, %scan3A_579 : i32
      %get3A_811 = arith.index_cast %mul3A_810 : i32 to index
      %get3A_812 = arith.constant 80 : index
      %get3A_813 = tpu.vector_load %arg13[%get3A_811, %get3A_812] {strides = array<i32>} : memref<200x128xi32, #tpu.memory_space<vmem>>, vector<16xi32>,
      %shift_right_arithmetic3A_814 = arith.constant 1 : i32
      %shift_right_arithmetic3A_815 = vector.broadcast %shift_right_arithmetic3A_814 : i32 to vector<16xi32>
      %shift_right_arithmetic3A_816 = arith.shrsi %get3A_813, %shift_right_arithmetic3A_815 : vector<16xi32>
      %gather3A_817 = tpu.vector_load_idx %arg9[%shift_right_arithmetic3A_816] : memref<50176xi32, #tpu.memory_space<vmem>>[vector<16xi32>], vector<16xi32>,
      %xor3A_818 = arith.constant 1 : i32
      %xor3A_819 = vector.broadcast %xor3A_818 : i32 to vector<16xi32>
      %xor3A_820 = arith.xori %get3A_813, %xor3A_819 : vector<16xi32>
      %and3A_821 = arith.constant 1 : i32
      %and3A_822 = vector.broadcast %and3A_821 : i32 to vector<16xi32>
      %and3A_823 = arith.andi %xor3A_820, %and3A_822 : vector<16xi32>
      %shift_left3A_824 = arith.constant 4 : i32
      %shift_left3A_825 = vector.broadcast %shift_left3A_824 : i32 to vector<16xi32>
      %shift_left3A_826 = arith.shli %and3A_823, %shift_left3A_825 : vector<16xi32>
      %shift_left3A_827 = arith.shli %gather3A_817, %shift_left3A_826 : vector<16xi32>
      %bitcast3A_828 = vector.bitcast %shift_left3A_827 : vector<16xi32> to vector<16xf32>
      %mul3A_829 = arith.mulf %scan3A_590, %bitcast3A_828 : vector<16xf32>
      %mul3A_830 = arith.constant 2 : i32
      %mul3A_831 = arith.muli %mul3A_830, %scan3A_579 : i32
      %add3A_832 = arith.constant 1 : i32
      %add3A_833 = arith.addi %mul3A_831, %add3A_832 : i32
      %get3A_834 = arith.index_cast %add3A_833 : i32 to index
      %get3A_835 = arith.constant 80 : index
      %get3A_836 = tpu.vector_load %arg13[%get3A_834, %get3A_835] {strides = array<i32>} : memref<200x128xi32, #tpu.memory_space<vmem>>, vector<16xi32>,
      %shift_right_arithmetic3A_837 = arith.constant 1 : i32
      %shift_right_arithmetic3A_838 = vector.broadcast %shift_right_arithmetic3A_837 : i32 to vector<16xi32>
      %shift_right_arithmetic3A_839 = arith.shrsi %get3A_836, %shift_right_arithmetic3A_838 : vector<16xi32>
      %gather3A_840 = tpu.vector_load_idx %arg9[%shift_right_arithmetic3A_839] : memref<50176xi32, #tpu.memory_space<vmem>>[vector<16xi32>], vector<16xi32>,
      %xor3A_841 = arith.constant 1 : i32
      %xor3A_842 = vector.broadcast %xor3A_841 : i32 to vector<16xi32>
      %xor3A_843 = arith.xori %get3A_836, %xor3A_842 : vector<16xi32>
      %and3A_844 = arith.constant 1 : i32
      %and3A_845 = vector.broadcast %and3A_844 : i32 to vector<16xi32>
      %and3A_846 = arith.andi %xor3A_843, %and3A_845 : vector<16xi32>
      %shift_left3A_847 = arith.constant 4 : i32
      %shift_left3A_848 = vector.broadcast %shift_left3A_847 : i32 to vector<16xi32>
      %shift_left3A_849 = arith.shli %and3A_846, %shift_left3A_848 : vector<16xi32>
      %shift_left3A_850 = arith.shli %gather3A_840, %shift_left3A_849 : vector<16xi32>
      %bitcast3A_851 = vector.bitcast %shift_left3A_850 : vector<16xi32> to vector<16xf32>
      %mul3A_852 = arith.mulf %scan3A_591, %bitcast3A_851 : vector<16xf32>
      %mul3A_853 = arith.constant 2 : i32
      %mul3A_854 = arith.muli %mul3A_853, %scan3A_579 : i32
      %get3A_855 = arith.index_cast %mul3A_854 : i32 to index
      %get3A_856 = arith.constant 96 : index
      %get3A_857 = tpu.vector_load %arg13[%get3A_855, %get3A_856] {strides = array<i32>} : memref<200x128xi32, #tpu.memory_space<vmem>>, vector<16xi32>,
      %shift_right_arithmetic3A_858 = arith.constant 1 : i32
      %shift_right_arithmetic3A_859 = vector.broadcast %shift_right_arithmetic3A_858 : i32 to vector<16xi32>
      %shift_right_arithmetic3A_860 = arith.shrsi %get3A_857, %shift_right_arithmetic3A_859 : vector<16xi32>
      %gather3A_861 = tpu.vector_load_idx %arg9[%shift_right_arithmetic3A_860] : memref<50176xi32, #tpu.memory_space<vmem>>[vector<16xi32>], vector<16xi32>,
      %xor3A_862 = arith.constant 1 : i32
      %xor3A_863 = vector.broadcast %xor3A_862 : i32 to vector<16xi32>
      %xor3A_864 = arith.xori %get3A_857, %xor3A_863 : vector<16xi32>
      %and3A_865 = arith.constant 1 : i32
      %and3A_866 = vector.broadcast %and3A_865 : i32 to vector<16xi32>
      %and3A_867 = arith.andi %xor3A_864, %and3A_866 : vector<16xi32>
      %shift_left3A_868 = arith.constant 4 : i32
      %shift_left3A_869 = vector.broadcast %shift_left3A_868 : i32 to vector<16xi32>
      %shift_left3A_870 = arith.shli %and3A_867, %shift_left3A_869 : vector<16xi32>
      %shift_left3A_871 = arith.shli %gather3A_861, %shift_left3A_870 : vector<16xi32>
      %bitcast3A_872 = vector.bitcast %shift_left3A_871 : vector<16xi32> to vector<16xf32>
      %mul3A_873 = arith.mulf %scan3A_592, %bitcast3A_872 : vector<16xf32>
      %mul3A_874 = arith.constant 2 : i32
      %mul3A_875 = arith.muli %mul3A_874, %scan3A_579 : i32
      %add3A_876 = arith.constant 1 : i32
      %add3A_877 = arith.addi %mul3A_875, %add3A_876 : i32
      %get3A_878 = arith.index_cast %add3A_877 : i32 to index
      %get3A_879 = arith.constant 96 : index
      %get3A_880 = tpu.vector_load %arg13[%get3A_878, %get3A_879] {strides = array<i32>} : memref<200x128xi32, #tpu.memory_space<vmem>>, vector<16xi32>,
      %shift_right_arithmetic3A_881 = arith.constant 1 : i32
      %shift_right_arithmetic3A_882 = vector.broadcast %shift_right_arithmetic3A_881 : i32 to vector<16xi32>
      %shift_right_arithmetic3A_883 = arith.shrsi %get3A_880, %shift_right_arithmetic3A_882 : vector<16xi32>
      %gather3A_884 = tpu.vector_load_idx %arg9[%shift_right_arithmetic3A_883] : memref<50176xi32, #tpu.memory_space<vmem>>[vector<16xi32>], vector<16xi32>,
      %xor3A_885 = arith.constant 1 : i32
      %xor3A_886 = vector.broadcast %xor3A_885 : i32 to vector<16xi32>
      %xor3A_887 = arith.xori %get3A_880, %xor3A_886 : vector<16xi32>
      %and3A_888 = arith.constant 1 : i32
      %and3A_889 = vector.broadcast %and3A_888 : i32 to vector<16xi32>
      %and3A_890 = arith.andi %xor3A_887, %and3A_889 : vector<16xi32>
      %shift_left3A_891 = arith.constant 4 : i32
      %shift_left3A_892 = vector.broadcast %shift_left3A_891 : i32 to vector<16xi32>
      %shift_left3A_893 = arith.shli %and3A_890, %shift_left3A_892 : vector<16xi32>
      %shift_left3A_894 = arith.shli %gather3A_884, %shift_left3A_893 : vector<16xi32>
      %bitcast3A_895 = vector.bitcast %shift_left3A_894 : vector<16xi32> to vector<16xf32>
      %mul3A_896 = arith.mulf %scan3A_593, %bitcast3A_895 : vector<16xf32>
      %mul3A_897 = arith.constant 2 : i32
      %mul3A_898 = arith.muli %mul3A_897, %scan3A_579 : i32
      %get3A_899 = arith.index_cast %mul3A_898 : i32 to index
      %get3A_900 = arith.constant 112 : index
      %get3A_901 = tpu.vector_load %arg13[%get3A_899, %get3A_900] {strides = array<i32>} : memref<200x128xi32, #tpu.memory_space<vmem>>, vector<16xi32>,
      %shift_right_arithmetic3A_902 = arith.constant 1 : i32
      %shift_right_arithmetic3A_903 = vector.broadcast %shift_right_arithmetic3A_902 : i32 to vector<16xi32>
      %shift_right_arithmetic3A_904 = arith.shrsi %get3A_901, %shift_right_arithmetic3A_903 : vector<16xi32>
      %gather3A_905 = tpu.vector_load_idx %arg9[%shift_right_arithmetic3A_904] : memref<50176xi32, #tpu.memory_space<vmem>>[vector<16xi32>], vector<16xi32>,
      %xor3A_906 = arith.constant 1 : i32
      %xor3A_907 = vector.broadcast %xor3A_906 : i32 to vector<16xi32>
      %xor3A_908 = arith.xori %get3A_901, %xor3A_907 : vector<16xi32>
      %and3A_909 = arith.constant 1 : i32
      %and3A_910 = vector.broadcast %and3A_909 : i32 to vector<16xi32>
      %and3A_911 = arith.andi %xor3A_908, %and3A_910 : vector<16xi32>
      %shift_left3A_912 = arith.constant 4 : i32
      %shift_left3A_913 = vector.broadcast %shift_left3A_912 : i32 to vector<16xi32>
      %shift_left3A_914 = arith.shli %and3A_911, %shift_left3A_913 : vector<16xi32>
      %shift_left3A_915 = arith.shli %gather3A_905, %shift_left3A_914 : vector<16xi32>
      %bitcast3A_916 = vector.bitcast %shift_left3A_915 : vector<16xi32> to vector<16xf32>
      %mul3A_917 = arith.mulf %scan3A_594, %bitcast3A_916 : vector<16xf32>
      %mul3A_918 = arith.constant 2 : i32
      %mul3A_919 = arith.muli %mul3A_918, %scan3A_579 : i32
      %add3A_920 = arith.constant 1 : i32
      %add3A_921 = arith.addi %mul3A_919, %add3A_920 : i32
      %get3A_922 = arith.index_cast %add3A_921 : i32 to index
      %get3A_923 = arith.constant 112 : index
      %get3A_924 = tpu.vector_load %arg13[%get3A_922, %get3A_923] {strides = array<i32>} : memref<200x128xi32, #tpu.memory_space<vmem>>, vector<16xi32>,
      %shift_right_arithmetic3A_925 = arith.constant 1 : i32
      %shift_right_arithmetic3A_926 = vector.broadcast %shift_right_arithmetic3A_925 : i32 to vector<16xi32>
      %shift_right_arithmetic3A_927 = arith.shrsi %get3A_924, %shift_right_arithmetic3A_926 : vector<16xi32>
      %gather3A_928 = tpu.vector_load_idx %arg9[%shift_right_arithmetic3A_927] : memref<50176xi32, #tpu.memory_space<vmem>>[vector<16xi32>], vector<16xi32>,
      %xor3A_929 = arith.constant 1 : i32
      %xor3A_930 = vector.broadcast %xor3A_929 : i32 to vector<16xi32>
      %xor3A_931 = arith.xori %get3A_924, %xor3A_930 : vector<16xi32>
      %and3A_932 = arith.constant 1 : i32
      %and3A_933 = vector.broadcast %and3A_932 : i32 to vector<16xi32>
      %and3A_934 = arith.andi %xor3A_931, %and3A_933 : vector<16xi32>
      %shift_left3A_935 = arith.constant 4 : i32
      %shift_left3A_936 = vector.broadcast %shift_left3A_935 : i32 to vector<16xi32>
      %shift_left3A_937 = arith.shli %and3A_934, %shift_left3A_936 : vector<16xi32>
      %shift_left3A_938 = arith.shli %gather3A_928, %shift_left3A_937 : vector<16xi32>
      %bitcast3A_939 = vector.bitcast %shift_left3A_938 : vector<16xi32> to vector<16xf32>
      %mul3A_940 = arith.mulf %scan3A_595, %bitcast3A_939 : vector<16xf32>
      scf.yield %mul3A_609, %mul3A_632, %mul3A_653, %mul3A_676, %mul3A_697, %mul3A_720, %mul3A_741, %mul3A_764, %mul3A_785, %mul3A_808, %mul3A_829, %mul3A_852, %mul3A_873, %mul3A_896, %mul3A_917, %mul3A_940 : vector<16xf32>, vector<16xf32>, vector<16xf32>, vector<16xf32>, vector<16xf32>, vector<16xf32>, vector<16xf32>, vector<16xf32>, vector<16xf32>, vector<16xf32>, vector<16xf32>, vector<16xf32>, vector<16xf32>, vector<16xf32>, vector<16xf32>, vector<16xf32>
    }
    %scan3A_482 = arith.constant 100 : i32
    %mul3A_483 = arith.mulf %scan3A_481#0, %scan3A_481#1 : vector<16xf32>
    %sub3A_484 = arith.constant 1.000000e+00 : f32
    %sub3A_485 = vector.broadcast %sub3A_484 : f32 to vector<16xf32>
    %sub3A_486 = arith.subf %sub3A_485, %mul3A_483 : vector<16xf32>
    %jit3A_487 = arith.constant 9.99999974E-5 : f32
    %jit3A_488 = arith.constant 0.999989986 : f32
    %max3A_489 = vector.broadcast %jit3A_487 : f32 to vector<16xf32>
    %max3A_490 = arith.maximumf %max3A_489, %sub3A_486 : vector<16xf32>
    %min3A_491 = vector.broadcast %jit3A_488 : f32 to vector<16xf32>
    %min3A_492 = arith.minimumf %min3A_491, %max3A_490 : vector<16xf32>
    %swap3A_493 = arith.constant 384 : index
    %swap3A_494 = tpu.vector_load %arg14[%swap3A_493] {strides = array<i32>} : memref<512xf32, #tpu.memory_space<vmem>>, vector<16xf32>,
    tpu.vector_store %arg14[%swap3A_493], %min3A_492 {strides = array<i32>} : memref<512xf32, #tpu.memory_space<vmem>>, vector<16xf32>,
    %mul3A_495 = arith.mulf %scan3A_481#2, %scan3A_481#3 : vector<16xf32>
    %sub3A_496 = arith.constant 1.000000e+00 : f32
    %sub3A_497 = vector.broadcast %sub3A_496 : f32 to vector<16xf32>
    %sub3A_498 = arith.subf %sub3A_497, %mul3A_495 : vector<16xf32>
    %jit3A_499 = arith.constant 9.99999974E-5 : f32
    %jit3A_500 = arith.constant 0.999989986 : f32
    %max3A_501 = vector.broadcast %jit3A_499 : f32 to vector<16xf32>
    %max3A_502 = arith.maximumf %max3A_501, %sub3A_498 : vector<16xf32>
    %min3A_503 = vector.broadcast %jit3A_500 : f32 to vector<16xf32>
    %min3A_504 = arith.minimumf %min3A_503, %max3A_502 : vector<16xf32>
    %swap3A_505 = arith.constant 400 : index
    %swap3A_506 = tpu.vector_load %arg14[%swap3A_505] {strides = array<i32>} : memref<512xf32, #tpu.memory_space<vmem>>, vector<16xf32>,
    tpu.vector_store %arg14[%swap3A_505], %min3A_504 {strides = array<i32>} : memref<512xf32, #tpu.memory_space<vmem>>, vector<16xf32>,
    %mul3A_507 = arith.mulf %scan3A_481#4, %scan3A_481#5 : vector<16xf32>
    %sub3A_508 = arith.constant 1.000000e+00 : f32
    %sub3A_509 = vector.broadcast %sub3A_508 : f32 to vector<16xf32>
    %sub3A_510 = arith.subf %sub3A_509, %mul3A_507 : vector<16xf32>
    %jit3A_511 = arith.constant 9.99999974E-5 : f32
    %jit3A_512 = arith.constant 0.999989986 : f32
    %max3A_513 = vector.broadcast %jit3A_511 : f32 to vector<16xf32>
    %max3A_514 = arith.maximumf %max3A_513, %sub3A_510 : vector<16xf32>
    %min3A_515 = vector.broadcast %jit3A_512 : f32 to vector<16xf32>
    %min3A_516 = arith.minimumf %min3A_515, %max3A_514 : vector<16xf32>
    %swap3A_517 = arith.constant 416 : index
    %swap3A_518 = tpu.vector_load %arg14[%swap3A_517] {strides = array<i32>} : memref<512xf32, #tpu.memory_space<vmem>>, vector<16xf32>,
    tpu.vector_store %arg14[%swap3A_517], %min3A_516 {strides = array<i32>} : memref<512xf32, #tpu.memory_space<vmem>>, vector<16xf32>,
    %mul3A_519 = arith.mulf %scan3A_481#6, %scan3A_481#7 : vector<16xf32>
    %sub3A_520 = arith.constant 1.000000e+00 : f32
    %sub3A_521 = vector.broadcast %sub3A_520 : f32 to vector<16xf32>
    %sub3A_522 = arith.subf %sub3A_521, %mul3A_519 : vector<16xf32>
    %jit3A_523 = arith.constant 9.99999974E-5 : f32
    %jit3A_524 = arith.constant 0.999989986 : f32
    %max3A_525 = vector.broadcast %jit3A_523 : f32 to vector<16xf32>
    %max3A_526 = arith.maximumf %max3A_525, %sub3A_522 : vector<16xf32>
    %min3A_527 = vector.broadcast %jit3A_524 : f32 to vector<16xf32>
    %min3A_528 = arith.minimumf %min3A_527, %max3A_526 : vector<16xf32>
    %swap3A_529 = arith.constant 432 : index
    %swap3A_530 = tpu.vector_load %arg14[%swap3A_529] {strides = array<i32>} : memref<512xf32, #tpu.memory_space<vmem>>, vector<16xf32>,
    tpu.vector_store %arg14[%swap3A_529], %min3A_528 {strides = array<i32>} : memref<512xf32, #tpu.memory_space<vmem>>, vector<16xf32>,
    %mul3A_531 = arith.mulf %scan3A_481#8, %scan3A_481#9 : vector<16xf32>
    %sub3A_532 = arith.constant 1.000000e+00 : f32
    %sub3A_533 = vector.broadcast %sub3A_532 : f32 to vector<16xf32>
    %sub3A_534 = arith.subf %sub3A_533, %mul3A_531 : vector<16xf32>
    %jit3A_535 = arith.constant 9.99999974E-5 : f32
    %jit3A_536 = arith.constant 0.999989986 : f32
    %max3A_537 = vector.broadcast %jit3A_535 : f32 to vector<16xf32>
    %max3A_538 = arith.maximumf %max3A_537, %sub3A_534 : vector<16xf32>
    %min3A_539 = vector.broadcast %jit3A_536 : f32 to vector<16xf32>
    %min3A_540 = arith.minimumf %min3A_539, %max3A_538 : vector<16xf32>
    %swap3A_541 = arith.constant 448 : index
    %swap3A_542 = tpu.vector_load %arg14[%swap3A_541] {strides = array<i32>} : memref<512xf32, #tpu.memory_space<vmem>>, vector<16xf32>,
    tpu.vector_store %arg14[%swap3A_541], %min3A_540 {strides = array<i32>} : memref<512xf32, #tpu.memory_space<vmem>>, vector<16xf32>,
    %mul3A_543 = arith.mulf %scan3A_481#10, %scan3A_481#11 : vector<16xf32>
    %sub3A_544 = arith.constant 1.000000e+00 : f32
    %sub3A_545 = vector.broadcast %sub3A_544 : f32 to vector<16xf32>
    %sub3A_546 = arith.subf %sub3A_545, %mul3A_543 : vector<16xf32>
    %jit3A_547 = arith.constant 9.99999974E-5 : f32
    %jit3A_548 = arith.constant 0.999989986 : f32
    %max3A_549 = vector.broadcast %jit3A_547 : f32 to vector<16xf32>
    %max3A_550 = arith.maximumf %max3A_549, %sub3A_546 : vector<16xf32>
    %min3A_551 = vector.broadcast %jit3A_548 : f32 to vector<16xf32>
    %min3A_552 = arith.minimumf %min3A_551, %max3A_550 : vector<16xf32>
    %swap3A_553 = arith.constant 464 : index
    %swap3A_554 = tpu.vector_load %arg14[%swap3A_553] {strides = array<i32>} : memref<512xf32, #tpu.memory_space<vmem>>, vector<16xf32>,
    tpu.vector_store %arg14[%swap3A_553], %min3A_552 {strides = array<i32>} : memref<512xf32, #tpu.memory_space<vmem>>, vector<16xf32>,
    %mul3A_555 = arith.mulf %scan3A_481#12, %scan3A_481#13 : vector<16xf32>
    %sub3A_556 = arith.constant 1.000000e+00 : f32
    %sub3A_557 = vector.broadcast %sub3A_556 : f32 to vector<16xf32>
    %sub3A_558 = arith.subf %sub3A_557, %mul3A_555 : vector<16xf32>
    %jit3A_559 = arith.constant 9.99999974E-5 : f32
    %jit3A_560 = arith.constant 0.999989986 : f32
    %max3A_561 = vector.broadcast %jit3A_559 : f32 to vector<16xf32>
    %max3A_562 = arith.maximumf %max3A_561, %sub3A_558 : vector<16xf32>
    %min3A_563 = vector.broadcast %jit3A_560 : f32 to vector<16xf32>
    %min3A_564 = arith.minimumf %min3A_563, %max3A_562 : vector<16xf32>
    %swap3A_565 = arith.constant 480 : index
    %swap3A_566 = tpu.vector_load %arg14[%swap3A_565] {strides = array<i32>} : memref<512xf32, #tpu.memory_space<vmem>>, vector<16xf32>,
    tpu.vector_store %arg14[%swap3A_565], %min3A_564 {strides = array<i32>} : memref<512xf32, #tpu.memory_space<vmem>>, vector<16xf32>,
    %mul3A_567 = arith.mulf %scan3A_481#14, %scan3A_481#15 : vector<16xf32>
    %sub3A_568 = arith.constant 1.000000e+00 : f32
    %sub3A_569 = vector.broadcast %sub3A_568 : f32 to vector<16xf32>
    %sub3A_570 = arith.subf %sub3A_569, %mul3A_567 : vector<16xf32>
    %jit3A_571 = arith.constant 9.99999974E-5 : f32
    %jit3A_572 = arith.constant 0.999989986 : f32
    %max3A_573 = vector.broadcast %jit3A_571 : f32 to vector<16xf32>
    %max3A_574 = arith.maximumf %max3A_573, %sub3A_570 : vector<16xf32>
    %min3A_575 = vector.broadcast %jit3A_572 : f32 to vector<16xf32>
    %min3A_576 = arith.minimumf %min3A_575, %max3A_574 : vector<16xf32>
    %swap3A_577 = arith.constant 496 : index
    %swap3A_578 = tpu.vector_load %arg14[%swap3A_577] {strides = array<i32>} : memref<512xf32, #tpu.memory_space<vmem>>, vector<16xf32>,
    tpu.vector_store %arg14[%swap3A_577], %min3A_576 {strides = array<i32>} : memref<512xf32, #tpu.memory_space<vmem>>, vector<16xf32>,
    "tpu.region"() ({
      %run_scoped3A = tpu.sem_alloc : memref<!tpu.dma_semaphore, #tpu.memory_space<semaphore_mem>>
      %dma_start3A_579 = tpu.memref_slice %arg5[%mul3A_2] : memref<16384xf32, #tpu.memory_space<hbm>> -> memref<512xf32, #tpu.memory_space<hbm>>
      %dma_start3A_580 = tpu.memref_slice %arg5[%mul3A_2] : memref<16384xf32, #tpu.memory_space<hbm>> -> memref<512xf32, #tpu.memory_space<hbm>>
      tpu.enqueue_dma source(%arg14 : memref<512xf32, #tpu.memory_space<vmem>>) target(%dma_start3A_580 : memref<512xf32, #tpu.memory_space<hbm>>) target_semaphore(%run_scoped3A : memref<!tpu.dma_semaphore, #tpu.memory_space<semaphore_mem>>)
      %dma_wait3A_581 = tpu.memref_slice %arg5[%mul3A_2] : memref<16384xf32, #tpu.memory_space<hbm>> -> memref<512xf32, #tpu.memory_space<hbm>>
      %dma_wait3A_582 = tpu.memref_slice %arg5[%mul3A_2] : memref<16384xf32, #tpu.memory_space<hbm>> -> memref<512xf32, #tpu.memory_space<hbm>>
      tpu.wait_dma2 semaphore(%run_scoped3A : memref<!tpu.dma_semaphore, #tpu.memory_space<semaphore_mem>>) src(%arg14 : memref<512xf32, #tpu.memory_space<vmem>>) dst(%dma_wait3A_582 : memref<512xf32, #tpu.memory_space<hbm>>)
      tpu.yield
    }) : () -> ()
    "tpu.trace_stop"() : () -> ()
    return
  }
}

</mosaic_0001>

<sc_bundles>
// kernel: kernel.3.cloned.1.call-start
scs
__scs_entry_jumppad:
0x0: {  	(pc) =	sbr.rel $0x88, $3  }
0x1: {  	(tag) =	ssettag $0x0;
	lr =	simm.s32 $0x1  }
0x2: {  	[smem:$0x3F9E] =	sst lr;
	_ =	strace $0xD0000000  }
0x3: {  	_ = 	snop  }
0x4: {  	_ = 	snop  }
0x5: {  	_ = 	snop  }
0x6: {  	_ = 	snop  }
0x7: {  	_ = 	snop  }
__scs_overlays_trampoline_lowered:
0x8: {  	[smem:$0x3FAD] =	sst s0  }
0x9: {  	[smem:$0x3FAE] =	sst s1  }
0xa: {  	[smem:$0x3FAF] =	sst s2  }
0xb: {  	[smem:$0x3FB0] =	sst s3  }
0xc: {  	[smem:$0x3FB1] =	sst s4  }
0xd: {  	[smem:$0x3FB2] =	sst s5  }
0xe: {  	[smem:$0x3FB3] =	sst s6  }
0xf: {  	[smem:$0x3FB4] =	sst s7  }
0x10: {  	[smem:$0x3FB5] =	sst s8  }
0x11: {  	[smem:$0x3FB6] =	sst s9;
	s0 =	simm.s32 @!p0 $0x0  }
0x12: {  	s1 =	sld [smem:$0x3F9C];
	s0 =	simm.s32 @p0 $0x1  }
0x13: {  	[smem:$0x3FB7] =	sst s0;
	s0 =	simm.s32 @!p1 $0x0  }
0x14: {  	s2 =	sld [smem:$0x3F9B];
	s0 =	simm.s32 @p1 $0x1  }
0x15: {  	[smem:$0x3FB8] =	sst s0;
	s0 =	simm.s32 @!p2 $0x0  }
0x16: {  	s3 =	sld [smem:$0x3FDB];
	s0 =	simm.s32 @p2 $0x1  }
0x17: {  	s4 =	simm.s32 $0x1BF5;
	[smem:$0x3FBA] =	sst s0  }
0x18: {  	s0 =	sld [smem:$0x3F9D];
	_ =	swait.ge [sflag:s4], $0x0  }
0x19: {  	s7 =	sld [smem:$0x3F9E]  }
0x1a: {  	s8 =	sadd.s32 $0xFFFFE003, lr  }
0x1b: {  	s9 =	sadd.s32 $0xFFFFFEF7, lr;
	s5 =	simm.s32 $0xFFFFFFFF;
	p2 =	slt.u32 s8, $0xFFFFF086  }
0x1c: {  	p1 =	slt.u32 s9, $0xF7A;
	s5 =	simm.s32 @!p2 $0x0  }
0x1d: {  	s5 =	simm.s32 @p1 $0x1;
	p0 =	seq.s32 s7, s2  }
0x1e: {  	s7 =	smul.u32 @!p0 $0xF7A, s2;
	p2 =	seq.s32 @!p0 s5, $0x0  }
0x1f: {  	s9 =	smul.u32 $0xF7A, s1;
	s8 =	simm.s32 @!p0 $0x1BF5;
	p2 =	por !p2, p0  }
0x20: {  	[sflag:s8] =	ssyncset.s32 @!p0 $0xFFFFF086;
	s6 =	sadd.s32 @!p0 s3, s7;
	s7 =	simm.s32 @!p0 $0x108  }
0x21: {  	s3 =	sadd.s32 s3, s9;
	s6 =	sadd.s32 @!p0 $0x88, s6;
	s7 =	simm.s32 @p2 $0x1082  }
0x22: {  	[simem:s7], [sflag:s8] =	dma.local @!p0 [hbm:s6], $0xF7A  }
0x23: {  	s9 =	sor.u32 $0xD0000000, s2;
	s6 =	simm.s32 $0x108;
	_ =	swait.ge @!p0 [sflag:s8], $0x0  }
0x24: {  	s3 =	sadd.s32 $0x88, s3;
	s6 =	simm.s32 @!p1 $0x1082;
	[sflag:s4] =	ssyncset.s32 $0xFFFFF086  }
0x25: {  	[simem:s6], [sflag:s4] =	dma.local [hbm:s3], $0xF7A  }
0x26: {  	[smem:$0x3F9E] =	sst s1;
	(tag) =	ssettag s2;
	_ =	strace s9  }
0x27: {  	s1 =	sld [smem:$0x3FAE]  }
0x28: {  	s2 =	sld [smem:$0x3FAF]  }
0x29: {  	s4 =	sld [smem:$0x3FB1]  }
0x2a: {  	p0 =	seq.s32 s5, $0x0;
	s5 =	sld [smem:$0x3FB2]  }
0x2b: {  	s6 =	sld [smem:$0x3FB3]  }
0x2c: {  	s7 =	sld [smem:$0x3FB4]  }
0x2d: {  	s3 =	simm.s32 $0x108;
	s8 =	sld [smem:$0x3FB5]  }
0x2e: {  	s3 =	simm.s32 @!p0 $0x1082;
	s9 =	sld [smem:$0x3FB6]  }
0x2f: {  	lr =	sadd.s32 s0, s3;
	s0 =	sld [smem:$0x3FAD]  }
0x30: {  	s3 =	sld [smem:$0x3FB0]  }
0x31: {  	[smem:$0x3FB9] =	sst s10  }
0x32: {  	s10 =	sld [smem:$0x3FB7];
	_ =	sdelay $0x3  }
0x33: {  	p0 =	seq.s32 s10, $0x1;
	s10 =	sld [smem:$0x3FB9];
	_ =	sdelay $0x3  }
0x34: {  	[smem:$0x3FB9] =	sst s10  }
0x35: {  	s10 =	sld [smem:$0x3FB8];
	_ =	sdelay $0x3  }
0x36: {  	p1 =	seq.s32 s10, $0x1;
	s10 =	sld [smem:$0x3FB9];
	_ =	sdelay $0x3  }
0x37: {  	[smem:$0x3FB9] =	sst s10  }
0x38: {  	s10 =	sld [smem:$0x3FBA]  }
0x39: {  	_ = 	snop;
	(pc) =	sbr.ind lr, $3  }
0x3a: {  	_ = 	snop  }
0x3b: {  	_ = 	snop  }
0x3c: {  	p2 =	seq.s32 s10, $0x1;
	s10 =	sld [smem:$0x3FB9]  }
0x3d: {  	_ =	shalt  }
0x3e: {  	_ =	shalt  }
0x3f: {  	_ =	shalt  }
0x40: {  	_ =	shalt  }
0x41: {  	_ =	shalt  }
0x42: {  	_ =	shalt  }
0x43: {  	_ =	shalt  }
0x44: {  	_ =	shalt  }
0x45: {  	_ =	shalt  }
0x46: {  	_ =	shalt  }
0x47: {  	_ =	shalt  }
0x48: {  	_ =	shalt  }
0x49: {  	_ =	shalt  }
0x4a: {  	_ =	shalt  }
0x4b: {  	_ =	shalt  }
0x4c: {  	_ =	shalt  }
0x4d: {  	_ =	shalt  }
0x4e: {  	_ =	shalt  }
0x4f: {  	_ =	shalt  }
0x50: {  	_ =	shalt  }
0x51: {  	_ =	shalt  }
0x52: {  	_ =	shalt  }
0x53: {  	_ =	shalt  }
0x54: {  	_ =	shalt  }
0x55: {  	_ =	shalt  }
0x56: {  	_ =	shalt  }
0x57: {  	_ =	shalt  }
0x58: {  	_ =	shalt  }
0x59: {  	_ =	shalt  }
0x5a: {  	_ =	shalt  }
0x5b: {  	_ =	shalt  }
0x5c: {  	_ =	shalt  }
0x5d: {  	_ =	shalt  }
0x5e: {  	_ =	shalt  }
0x5f: {  	_ =	shalt  }
0x60: {  	_ =	shalt  }
0x61: {  	_ =	shalt  }
0x62: {  	_ =	shalt  }
0x63: {  	_ =	shalt  }
0x64: {  	_ =	shalt  }
0x65: {  	_ =	shalt  }
0x66: {  	_ =	shalt  }
0x67: {  	_ =	shalt  }
0x68: {  	_ =	shalt  }
0x69: {  	_ =	shalt  }
0x6a: {  	_ =	shalt  }
0x6b: {  	_ =	shalt  }
0x6c: {  	_ =	shalt  }
0x6d: {  	_ =	shalt  }
0x6e: {  	_ =	shalt  }
0x6f: {  	_ =	shalt  }
0x70: {  	_ =	shalt  }
0x71: {  	_ =	shalt  }
0x72: {  	_ =	shalt  }
0x73: {  	_ =	shalt  }
0x74: {  	_ =	shalt  }
0x75: {  	_ =	shalt  }
0x76: {  	_ =	shalt  }
0x77: {  	_ =	shalt  }
0x78: {  	_ =	shalt  }
0x79: {  	_ =	shalt  }
0x7a: {  	_ =	shalt  }
0x7b: {  	_ =	shalt  }
0x7c: {  	_ =	shalt  }
0x7d: {  	_ =	shalt  }
0x7e: {  	_ =	shalt  }
0x7f: {  	_ =	shalt  }
0x80: {  	_ =	shalt  }
0x81: {  	_ =	shalt  }
0x82: {  	_ =	shalt  }
0x83: {  	_ =	shalt  }
0x84: {  	_ =	shalt  }
0x85: {  	_ =	shalt  }
0x86: {  	_ =	shalt  }
0x87: {  	_ =	shalt  }
.Lfunc_end0:
.L_simem_size_0:
called_computation_lowered:
.L_overlay_start_0:
0x88: {  	s2 =	sld [smem:$0x3FD9]  }
0x89: {  	s3 =	sld [smem:$0x3FFE];
	_ =	sdelay $0x1  }
0x8a: {  	s1 =	srdreg.scid  }
0x8b: {  	s0 =	sand.u32 $0x1, s1  }
0x8c: {  	s17 =	sshll.u32 s0, $0xA;
	s2 =	sadd.s32 s3, s2  }
0x8d: {  	s2 =	sadd.s32 s2, s17  }
0x8e: {  	[smem:$0x3FC5] =	sst s2  }
0x8f: {  	_ = 	snop  }
0x90: {  	s2 =	sld [smem:$0x3FC9]  }
0x91: {  	s18 =	sld [smem:$0x3FC8]  }
0x92: {  	s4 =	sld [smem:$0x3FD0];
	(tm) =	ssettm $0x1  }
0x93: {  	s5 =	sld [smem:$0x3FFB];
	_ =	sdelay $0x3  }
0x94: {  	_ =	strace s5  }
0x95: {  	s5 =	sld [smem:$0x3FFC];
	_ =	sdelay $0x3  }
0x96: {  	_ =	strace s5  }
0x97: {  	s5 =	sld [smem:$0x3FFD];
	_ =	sdelay $0x3  }
0x98: {  	_ =	strace s5  }
0x99: {  	_ =	strace $0x8FFFFFFF  }
0x9a: {  	s19 =	sld [smem:$0x3FDB];
	_ =	sdelay $0x1  }
0x9b: {  	s6 =	simm.s32 $_scs_section_size  }
0x9c: {  	s7 =	simm.s32 $_size__tile_overlayer_lowered;
	s8 =	simm.s32 $_tile_overlayer_lowered  }
0x9d: {  	s22 =	simm.s32 $0x1BFF;
	s21 =	sshll.u32 s8, $0x1;
	s5 =	sadd.s32 s6, s19  }
0x9e: {  	s9 =	simm.s32 $0x0;
	s20 =	sshll.u32 s7, $0x1;
	s7 =	sadd.s32 s21, s5  }
0x9f: {  	[timem:s9], [sflag:s22] =	dma.local [hbm:s7], s20  }
0xa0: {  	_ =	swait.ge [sflag:s22], s20  }
0xa1: {  	s6 =	ssub.s32 $0x0, s20;
	[sflag:s22] =	ssyncset.done $0x0  }
0xa2: {  	[sflag:s22] =	ssyncadd.s32 s6;
	_ =	sdelay $0x1  }
0xa3: {  	s23 =	simm.s32 $0x1B8B  }
0xa4: {  	_ =	swait.ge [sflag:s23], $0x1  }
0xa5: {  	[sflag:s23] =	ssyncset.done $0x0  }
0xa6: {  	s25 =	simm.s32 $0x1B8E;
	s24 =	sld [smem:$0x3FFE];
	[sflag:s23] =	ssyncadd.s32 $0xFFFFFFFF  }
0xa7: {  	s26 =	simm.s32 $execute0_lowered;
	[smem:$0x3FD2] =	sst s25  }
0xa8: {  	s7 =	sshll.u32 s26, $0x1;
	_ =	strace $0x80000046;
	[dreg:$0x1] =	wrdreg $0xFFFFFFFF  }
0xa9: {  	s28 =	simm.s32 $_size_execute0_lowered;
	s5 =	sadd.s32 s5, s7;
	[dreg:$0x0] =	wrdreg $0x0  }
0xaa: {  	s7 =	sshll.u32 s28, $0x1;
	[dreg:$0x2] =	wrdreg s5  }
0xab: {  	[dreg:$0x3] =	wrdreg s7  }
0xac: {  	[dreg:$0x4] =	wrdreg $0xC0  }
0xad: {  	_ =	task [dreg:s9], $0x5FFFF  }
0xae: {  	[dreg:$0x1] =	wrdreg $0xFFFFFFFF  }
0xaf: {  	[dreg:$0x0] =	wrdreg $0x60  }
0xb0: {  	[dreg:$0x2] =	wrdreg s2  }
0xb1: {  	[dreg:$0x3] =	wrdreg s18  }
0xb2: {  	[dreg:$0x4] =	wrdreg s24  }
0xb3: {  	[dreg:$0x5] =	wrdreg s4  }
0xb4: {  	[dreg:$0x6] =	wrdreg $0xFE400  }
0xb5: {  	[dreg:$0x7] =	wrdreg $0xF2000  }
0xb6: {  	[dreg:$0x8] =	wrdreg $0x9  }
0xb7: {  	_ =	task.clear_ibuf [dreg:s9], $0x9FFFF;
	_ =	strace $0x90000046  }
0xb8: {  	s29 =	simm.s32 $0x9;
	_ =	strace $0x8000004B  }
0xb9: {  	_ =	swait.ge [sflag:s29], $0x1  }
0xba: {  	[sflag:s29] =	ssyncadd.s32 $0xFFFFFFFF  }
0xbb: {  	_ =	strace $0x9000004B  }
0xbc: {  	_ =	sfence  }
0xbd: {  	s30 =	sld [smem:$0x0];
	_ =	sdelay $0x2  }
0xbe: {  	s31 =	sshll.u32 s1, $0xD;
	s1 =	sshrl.u32 s1, $0x2  }
0xbf: {  	s3 =	sand.u32 $0x4000, s31;
	s1 =	sadd.s32 s1, s30  }
0xc0: {  	s0 =	sor.u32 s3, s0;
	s1 =	sshll.u32 s1, $0x11  }
0xc1: {  	s0 =	sor.u32 s1, s0  }
0xc2: {  	s0 =	sadd.s32 $0x8F2B, s0  }
0xc3: {  	[sflag:s0] =	ssyncadd.remote.s32 $0x1  }
0xc4: {  	_ =	sfence.sel $0xFFFF  }
0xc5: {  	[dreg:$0x0] =	wrdreg $0xFFFFFFFF;
	(pc) =	sbr.abs _section_cstart, $3  }
0xc6: {  	[dreg:$0x1] =	wrdreg $0xFFFFFFFF  }
0xc7: {  	_ =	task.clear_ibuf [dreg:s9], $0x2FFFF;
	_ =	strace $0x9FFFFFFF  }
0xc8: {  	(tm) =	ssettm $0x7FFFFFFF  }
0xc9: {  	_ =	shalt  }
tec
execute0_lowered:
.L_overlay_start_1:
0x0: {  	(tag) =	ssettag $0x1  }
0x1: {  	s0 =	rddreg [dreg:$0x0]  }
0x2: {  	s1 =	rddreg [dreg:$0x1]  }
0x3: {  	s2 =	rddreg [dreg:$0x3]  }
0x4: {  	s12 =	rddreg [dreg:$0x4]  }
0x5: {  	s13 =	rddreg [dreg:$0x5];
	s3 =	srdreg.scid;
	s5 =	simm.s32 $0x0  }
0x6: {  	s14 =	stileid.u32;
	s23 =	simm.s32 $0x2100;
	s28 =	simm.s32 $0x400  }
0x7: {  	s29 =	simm.s32 $0x20000;
	s30 =	simm.s32 $0x0;
	s6 =	smul.u32 $0x210, s14  }
0x8: {  	s3 =	sand.u32 $0x1, s3;
	[smem:$0x7FF] =	sst s5;
	s10 =	smul.u32 $0x1880, s14  }
0x9: {  	s11 =	sshll.u32 s14, $0xA;
	p0 =	seq.s32 s14, $0xF;
	s18 =	smul.u32 $0x3100, s14  }
0xa: {  	s21 =	sadd.s32 $0x303C, s1;
	s25 =	smul.u32 $0x840, s14;
	s4 =	ssub.s32 $0x2, s3  }
0xb: {  	_ =	strace $0x80000047;
	s3 =	sshll.u32 s3, $0x9;
	[dreg:$0xa] =	wrdreg s21  }
0xc: {  	s7 =	sshrl.u32 s4, $0x1;
	s3 =	sor.u32 s3, s11;
	s8 =	sadd.s32 $0x200, s6  }
0xd: {  	s9 =	sand.u32 $0x70, s6;
	s11 =	smul.u32 $0x310, s14;
	s16 =	sadd.s32 s6, s12  }
0xe: {  	s17 =	sshrl.u32 s10, $0x3;
	s10 =	sshrl.u32 s18, $0x2;
	s31 =	sshrl.u32 s25, $0x2  }
0xf: {  	s14 =	sadd.s32 $0x10, s6;
	s25 =	simm.s32 $0x5;
	s4 =	ssub.s32 s4, s7  }
0x10: {  	s15 =	sand.u32 $0x3F80, s8;
	p1 =	sgt.u32 s8, $0x1FFF;
	[dreg:$0x7] =	wrdreg s16  }
0x11: {  	s8 =	simm.s32 $0x1720;
	s10 =	sadd.s32 s10, s13;
	s13 =	sadd.s32 $0x10, s31  }
0x12: {  	s7 =	sor.u32 s9, s15;
	s9 =	sadd.s32 s0, s3;
	s0 =	sadd.s32 s1, s17  }
0x13: {  	s8 =	simm.s32 @!p0 $0x1880;
	[dreg:$0xb] =	wrdreg s10;
	s3 =	sshrl.u32 s3, $0x3  }
0x14: {  	v1 =	vlaneseq.u32;
	s17 =	smax.u32 s4, $0x1;
	s18 =	sadd.s32 s11, s1;
	s19 =	sadd.s32 $0x80, s9  }
0x15: {  	v1 =	vmul.u32 $0x2, v1;
	s4 =	simm.s32 $0x4;
	s20 =	sadd.s32 $0x24C, s0;
	[dreg:$0x8] =	wrdreg s19  }
0x16: {  	s22 =	sadd.s32 $0xFFFFF9E0, s8;
	s24 =	sadd.s32 $0x100, s9;
	[dreg:$0x9] =	wrdreg s20  }
0x17: {  	v5 =	vor.u32 $0x1, v1;
	s15 =	sadd.s32 $0xFFFFF3C0, s8;
	s2 =	sadd.s32 s2, s3;
	[dreg:$0xc] =	wrdreg s24  }
0x18: {  	v6 =	vor.u32 $0x600, v1;
	v7 =	vor.u32 $0x601, v1;
	s21 =	sadd.s32 $0xFFFFEDA0, s8;
	s26 =	sadd.s32 $0x180, s9;
	v0 =	vmov s8;
	[dreg:$0xd] =	wrdreg s2  }
0x19: {  	s1 =	simm.s32 $0x2E00;
	s3 =	simm.s32 $0x2;
	[dreg:$0xe] =	wrdreg s26;
	v2 =	vmov s22;
	v3 =	vmov s15;
	v4 =	vmov s21  }
0x1a: {  	s19 =	sadd.s32 $0xC4, s0;
	s20 =	sadd.s32 $0x188, s0;
	s24 =	simm.s32 $0x2780;
	vm0 =	vgt.u32 v2, v7;
	vm1 =	vgt.u32 v2, v6;
	vm2 =	vgt.u32 v3, v7  }
0x1b: {  	s26 =	simm.s32 $0x6;
	s0 =	simm.s32 $0x3;
	s2 =	simm.s32 $0x1;
	vm3 =	vgt.u32 v3, v6;
	vm4 =	vgt.s32 v4, v7;
	vm5 =	vgt.s32 v4, v6  }
.LBB2_1:
0x1c: {  	_ =	strace $0x80000048  }
0x1d: {  	s8 =	rddreg [dreg:$0x2]  }
0x1e: {  	[tilespmem:s5], [sflag:$0x5] =	stream.linear.gather [hbm4b:s8+s5], $0x2000, $0x200038;
	[tilespmem:$0x1CA50] =	vst v63  }
0x1f: {  	_ = 	snop  }
0x20: {  	[tilespmem:s23], [sflag:$0x3] =	stream.linear.gather [hbm4b:s18+s5], $0x620, $0x200038;
	[tilespmem:$0x1CA50] =	vst v63  }
0x21: {  	_ = 	snop  }
0x22: {  	[tilespmem:s24], [sflag:$0x4] =	stream.linear.gather [hbm4b:s19+s5], $0x620, $0x200038;
	[tilespmem:$0x1CA50] =	vst v63  }
0x23: {  	_ =	swait.ge [sflag:s25], $0x2000  }
0x24: {  	[sflag:s25] =	ssyncset.done $0x0  }
0x25: {  	[sflag:s25] =	ssyncadd.s32 $0xFFFFE000  }
0x26: {  	v8 =	vld [tilespmem:s13+$0x0];
	_ =	sdelay $0x3  }
0x27: {  	v9 =	vld [tilespmem:s13+$0xFFFFFFF0]  }
0x28: {  	s10 =	sadd.s32 $0x20, s13;
	v8 =	vmul.f32 $1.442695020e+00, v8  }
0x29: {  	v10 =	vld [tilespmem:s10+$0x0]  }
0x2a: {  	(erf) = vpow2.f32 v8;
	v8 =	vld [tilespmem:s10+$0xFFFFFFF0];
	_ =	sdelay $0x1  }
0x2b: {  	v9 =	vmul.f32 $1.442695020e+00, v9  }
0x2c: {  	s8 =	sadd.s32 $0x20, s10  }
0x2d: {  	v11 =	vld [tilespmem:s8+$0x0];
	(erf) = vpow2.f32 v9  }
0x2e: {  	v9 =	vmul.f32 $1.442695020e+00, v10;
	v8 =	vmul.f32 $1.442695020e+00, v8;
	_ =	sdelay $0x1  }
0x2f: {  	v10 =	vld [tilespmem:s8+$0xFFFFFFF0];
	(erf) = vpow2.f32 v9;
	_ =	sdelay $0x1  }
0x30: {  	v9 =	vmul.f32 $1.442695020e+00, v11;
	(erf) = vpow2.f32 v8;
	v8 =	vpop (erf)  }
0x31: {  	s11 =	sadd.s32 $0x20, s8;
	v8 =	vadd.f32 $1.000000000e+00, v8  }
0x32: {  	v11 =	vld [tilespmem:s11+$0x0];
	(erf) = vpow2.f32 v9  }
0x33: {  	v10 =	vmul.f32 $1.442695020e+00, v10;
	(erf) = vrcp.f32 v8;
	v8 =	vld [tilespmem:s11+$0xFFFFFFF0]  }
0x34: {  	v9 =	vpop (erf)  }
0x35: {  	v9 =	vadd.f32 $1.000000000e+00, v9;
	(erf) = vpow2.f32 v10;
	_ =	sdelay $0x1  }
0x36: {  	s31 =	sadd.s32 $0x20, s11;
	v11 =	vmul.f32 $1.442695020e+00, v11;
	v10 =	vpop (erf);
	(erf) = vrcp.f32 v9  }
0x37: {  	v12 =	vld [tilespmem:s31+$0x0];
	v9 =	vadd.f32 $1.000000000e+00, v10;
	v8 =	vmul.f32 $1.442695020e+00, v8  }
0x38: {  	v13 =	vld [tilespmem:s31+$0xFFFFFFF0];
	(erf) = vpow2.f32 v11;
	v10 =	vpop (erf)  }
0x39: {  	(erf) = vrcp.f32 v9;
	v10 =	vadd.f32 $1.000000000e+00, v10  }
0x3a: {  	(erf) = vpow2.f32 v8  }
0x3b: {  	s21 =	sadd.s32 $0xFFFFFFF0, s14;
	v8 =	vpop (erf);
	(erf) = vrcp.f32 v10  }
0x3c: {  	p3 =	sgt.u32 s14, $0x1FFF;
	s15 =	simm.s32 $0xA;
	s12 =	sadd.s32 $0x20, s31;
	v11 =	vmul.f32 $1.442695020e+00, v12;
	v14 =	vpop (erf)  }
0x3d: {  	s22 =	smov.u32 s14;
	p2 =	sgt.u32 s21, $0x1FFF;
	s21 =	smov.u32 s13;
	v12 =	vmul.f32 $1.442695020e+00, v13;
	v9 =	vld [tilespmem:s12+$0x0];
	v10 =	vadd.f32 $1.000000000e+00, v8;
	v13 =	vpop (erf);
	v8 =	vpsel p3, $0x3F800000, v14  }
.LBB2_2:
0x3e: {  	s15 =	sadd.s32 $0x2, s15  }
0x3f: {  	v14 =	vld [tilespmem:s12+$0xFFFFFFF0];
	(erf) = vpow2.f32 v11;
	v11 =	vadd.f32 $1.000000000e+00, v13;
	[tilespmem:s21+$0x0] =	vst v8;
	s22 =	sadd.s32 $0x20, s22;
	v8 =	vpop (erf);
	p3 =	slt.u32 s15, $0x1E  }
.Ltmp0:
0x40: {  	(erf) = vrcp.f32 v10;
	v10 =	vpsel p2, $0x3F800000, v8;
	(pc) =	sbr.rel @p3 .LBB2_2-.Ltmp0, $4  }
0x41: {  	(erf) = vpow2.f32 v12;
	[tilespmem:s21+$0xFFFFFFF0] =	vst v10;
	s21 =	smov.u32 s10;
	s10 =	smov.u32 s8;
	s8 =	smov.u32 s11  }
0x42: {  	s11 =	smov.u32 s31;
	s31 =	smov.u32 s12;
	v8 =	vpop (erf);
	(erf) = vrcp.f32 v11  }
0x43: {  	s16 =	sadd.s32 $0xFFFFFFF0, s22;
	p4 =	sgt.u32 s22, $0x1FFF;
	s12 =	sadd.s32 $0x20, s12;
	v11 =	vmul.f32 $1.442695020e+00, v9;
	v10 =	vadd.f32 $1.000000000e+00, v8;
	v8 =	vpop (erf)  }
0x44: {  	p2 =	sgt.u32 s16, $0x1FFF;
	v9 =	vld [tilespmem:s12+$0x0];
	v12 =	vmul.f32 $1.442695020e+00, v14;
	v13 =	vpop (erf);
	v8 =	vpsel p4, $0x3F800000, v8  }
0x45: {  	_ = 	snop  }
0x46: {  	v14 =	vld [tilespmem:s12+$0xFFFFFFF0]  }
0x47: {  	(erf) = vpow2.f32 v11  }
0x48: {  	v11 =	vadd.f32 $1.000000000e+00, v13;
	v13 =	vpop (erf);
	(erf) = vrcp.f32 v10  }
0x49: {  	(erf) = vpow2.f32 v12;
	v10 =	vpop (erf);
	v9 =	vmul.f32 $1.442695020e+00, v9  }
0x4a: {  	(erf) = vrcp.f32 v11;
	v10 =	vadd.f32 $1.000000000e+00, v10  }
0x4b: {  	v11 =	vmul.f32 $1.442695020e+00, v14;
	(erf) = vpow2.f32 v9  }
0x4c: {  	(erf) = vrcp.f32 v10  }
0x4d: {  	v9 =	vpop (erf);
	(erf) = vpow2.f32 v11  }
0x4e: {  	v10 =	vpop (erf)  }
0x4f: {  	v11 =	vpop (erf)  }
0x50: {  	v12 =	vpop (erf)  }
0x51: {  	v14 =	vpop (erf)  }
0x52: {  	v15 =	vpop (erf)  }
0x53: {  	v10 =	vadd.f32 $1.000000000e+00, v10;
	v16 =	vpop (erf)  }
0x54: {  	v12 =	vadd.f32 $1.000000000e+00, v12;
	v17 =	vpop (erf)  }
0x55: {  	(erf) = vrcp.f32 v10;
	v10 =	vadd.f32 $1.000000000e+00, v15;
	v15 =	vpop (erf)  }
0x56: {  	(erf) = vrcp.f32 v12;
	v12 =	vadd.f32 $1.000000000e+00, v17;
	v17 =	vpop (erf)  }
0x57: {  	(erf) = vrcp.f32 v10;
	v10 =	vadd.f32 $1.000000000e+00, v17  }
0x58: {  	s15 =	sadd.s32 $0x20, s22;
	(erf) = vrcp.f32 v12  }
0x59: {  	[tilespmem:s21+$0x0] =	vst v8;
	v8 =	vpsel p2, $0x3F800000, v13;
	s16 =	sadd.s32 $0xFFFFFFF0, s15;
	p6 =	sgt.u32 s15, $0x1FFF;
	(erf) = vrcp.f32 v10  }
0x5a: {  	s15 =	sadd.s32 $0x20, s15;
	[tilespmem:s21+$0xFFFFFFF0] =	vst v8;
	p3 =	sgt.u32 s16, $0x1FFF;
	v8 =	vpsel p6, $0x3F800000, v9  }
0x5b: {  	s22 =	sadd.s32 $0xFFFFFFF0, s15;
	[tilespmem:s10+$0x0] =	vst v8;
	v8 =	vpsel p3, $0x3F800000, v11;
	p3 =	sgt.u32 s15, $0x1FFF  }
0x5c: {  	s16 =	sadd.s32 $0x20, s15;
	p4 =	sgt.u32 s22, $0x1FFF;
	[tilespmem:s10+$0xFFFFFFF0] =	vst v8;
	v8 =	vpsel p3, $0x3F800000, v14  }
0x5d: {  	p5 =	sgt.u32 s16, $0x1FFF;
	s15 =	sadd.s32 $0xFFFFFFF0, s16;
	[tilespmem:s8+$0x0] =	vst v8;
	v8 =	vpsel p4, $0x3F800000, v16  }
0x5e: {  	s21 =	sadd.s32 $0x20, s16;
	p6 =	sgt.u32 s15, $0x1FFF;
	[tilespmem:s8+$0xFFFFFFF0] =	vst v8;
	v8 =	vpsel p5, $0x3F800000, v15;
	v9 =	vpop (erf)  }
0x5f: {  	s10 =	sadd.s32 $0xFFFFFFF0, s21;
	p3 =	sgt.u32 s21, $0x1FFF;
	[tilespmem:s11+$0x0] =	vst v8;
	v8 =	vpsel p6, $0x3F800000, v9;
	v9 =	vpop (erf)  }
0x60: {  	p4 =	sgt.u32 s10, $0x1FFF;
	s8 =	sadd.s32 $0x20, s21;
	[tilespmem:s11+$0xFFFFFFF0] =	vst v8;
	v8 =	vpsel p3, $0x3F800000, v9;
	v9 =	vpop (erf)  }
0x61: {  	s22 =	sadd.s32 $0xFFFFFFF0, s8;
	p5 =	sgt.u32 s8, $0x1FFF;
	[tilespmem:s31+$0x0] =	vst v8;
	v8 =	vpsel p4, $0x3F800000, v9;
	v9 =	vpop (erf)  }
0x62: {  	p6 =	sgt.u32 s22, $0x1FFF;
	[tilespmem:s31+$0xFFFFFFF0] =	vst v8;
	v8 =	vpsel p5, $0x3F800000, v9;
	v9 =	vpop (erf)  }
0x63: {  	[tilespmem:s12+$0x0] =	vst v8;
	v8 =	vpsel p6, $0x3F800000, v9  }
0x64: {  	[tilespmem:s12+$0xFFFFFFF0] =	vst v8  }
0x65: {  	v8 =	vld [tilespmem:s7+$0x0];
	_ =	sdelay $0x4  }
0x66: {  	v8 =	vmul.f32 $1.442695020e+00, v8;
	_ =	sdelay $0x1  }
0x67: {  	(erf) = vpow2.f32 v8;
	_ =	sdelay $0x8  }
0x68: {  	v8 =	vpop (erf)  }
0x69: {  	v8 =	vadd.f32 $1.000000000e+00, v8;
	_ =	sdelay $0x1  }
0x6a: {  	(erf) = vrcp.f32 v8;
	_ =	sdelay $0x8  }
0x6b: {  	v8 =	vpop (erf)  }
0x6c: {  	v8 =	vpsel p1, $0x3F800000, v8  }
0x6d: {  	s10 =	rddreg [dreg:$0x7];
	[tilespmem:s7+$0x0] =	vst v8  }
0x6e: {  	[spmem:s10] =	stream.linear.scatter [tilespmem:s6], [sflag:$0x6], $0x210, $0x200038;
	[tilespmem:$0x1CA50] =	vst v63  }
0x6f: {  	_ =	swait.ge [sflag:s26], $0x210  }
0x70: {  	[sflag:s26] =	ssyncset.done $0x0  }
0x71: {  	[sflag:s26] =	ssyncadd.s32 $0xFFFFFDF0  }
0x72: {  	[bflag:$0x0] =	sbarrier.arrive $0xFFFF  }
0x73: {  	s11 =	rddreg [dreg:$0x4]  }
0x74: {  	[tilespmem:s5], [sflag:$0x6] =	stream.linear.gather [spmem:s11], $0x2100, $0x200038;
	[tilespmem:$0x1CA50] =	vst v63  }
0x75: {  	_ =	swait.ge [sflag:s26], $0x2100  }
0x76: {  	[sflag:s26] =	ssyncset.done $0x0  }
0x77: {  	[sflag:s26] =	ssyncadd.s32 $0xFFFFDF00  }
0x78: {  	s16 =	simm.s32 $0x16450;
	s15 =	simm.s32 $0x10050;
	[bflag:$0x0] =	sbarrier.arrive $0xFFFF  }
0x79: {  	[tilespmem:s15], [sflag:$0x1] =	stream.strided.gather [hbm4b:s9+s28], $0x6400, s29, s28, $0x200038;
	[tilespmem:$0x1CA50] =	vst v63  }
0x7a: {  	s22 =	simm.s32 $0x20;
	s12 =	simm.s32 $0x0;
	s21 =	rddreg [dreg:$0x8]  }
0x7b: {  	v8 =	vor.u32 s12, v1;
	[tilespmem:s16], [sflag:$0x2] =	stream.strided.gather [hbm4b:s21+s28], $0x6400, s29, s28, $0x200038;
	[tilespmem:$0x1CA50] =	vst v63  }
0x7c: {  	v10 =	vor.u32 s22, v1;
	_ =	swait.ge [sflag:s0], $0x620  }
0x7d: {  	v9 =	vor.u32 s12, v5;
	[sflag:s0] =	ssyncset.done $0x0  }
0x7e: {  	v11 =	vor.u32 s22, v5;
	s31 =	simm.s32 $0x60;
	[sflag:s0] =	ssyncadd.s32 $0xFFFFF9E0  }
0x7f: {  	[tilespmem:s23], [sflag:$0x3] =	stream.linear.gather [hbm4b:s20+s5], $0x620, $0x200038;
	[tilespmem:$0x1CA50] =	vst v63  }
0x80: {  	v19 =	vor.u32 s31, v5;
	s12 =	simm.s32 $0xA0;
	v12 =	vld.idx.msk [tilespmem:v8+s23+$0x0], $0xffff  }
0x81: {  	v25 =	vor.u32 s12, v5;
	s11 =	simm.s32 $0x40;
	v15 =	vld.idx.msk [tilespmem:v10+s23+$0x0], $0xffff  }
0x82: {  	v16 =	vor.u32 s11, v1;
	v13 =	vld.idx.msk [tilespmem:v9+s23+$0x0], $0xffff  }
0x83: {  	v14 =	vor.u32 s31, v1;
	v17 =	vld.idx.msk [tilespmem:v11+s23+$0x0], $0xffff  }
0x84: {  	vm7 =	vlt.u32 v10, v0;
	vm6 =	vlt.u32 v8, v0;
	v18 =	vor.u32 s11, v5  }
0x85: {  	vm7 =	vmmov vm7;
	v20 =	vld.idx.msk [tilespmem:v19+s23+$0x0], $0xffff;
	v8 =	vnsel vm6, $0x2000, v12  }
0x86: {  	vm8 =	vlt.u32 v11, v0;
	v27 =	vld.idx.msk [tilespmem:v25+s23+$0x0], $0xffff;
	vm6 =	vlt.u32 v9, v0;
	v11 =	vnsel vm7, $0x2000, v15  }
0x87: {  	v12 =	vld.idx.msk [tilespmem:v16+s23+$0x0], $0xffff;
	v10 =	vnsel vm6, $0x2000, v13;
	vm6 =	vmmov vm8  }
0x88: {  	v9 =	vld.idx.msk [tilespmem:v14+s23+$0x0], $0xffff;
	v13 =	vnsel vm6, $0x2000, v17  }
0x89: {  	s21 =	simm.s32 $0x80;
	v15 =	vld.idx.msk [tilespmem:v18+s23+$0x0], $0xffff;
	v17 =	vor.u32 s12, v1  }
0x8a: {  	v21 =	vor.u32 s21, v1;
	v22 =	vld.idx.msk [tilespmem:v8+s5+$0x0], $0xffff  }
0x8b: {  	v23 =	vor.u32 s21, v5;
	vm7 =	vlt.u32 v14, v0;
	vm6 =	vlt.u32 v16, v0;
	v16 =	vld.idx.msk [tilespmem:v11+s5+$0x0], $0xffff  }
0x8c: {  	vm7 =	vmmov vm7;
	v8 =	vnsel vm6, $0x2000, v12;
	v24 =	vld.idx.msk [tilespmem:v10+s5+$0x0], $0xffff  }
0x8d: {  	vm8 =	vlt.u32 v19, v0;
	vm6 =	vlt.u32 v18, v0;
	v9 =	vnsel vm7, $0x2000, v9;
	v13 =	vld.idx.msk [tilespmem:v13+s5+$0x0], $0xffff  }
0x8e: {  	s22 =	simm.s32 $0xE0;
	v12 =	vnsel vm6, $0x2000, v15;
	vm6 =	vmmov vm8;
	v14 =	vld.idx.msk [tilespmem:v17+s23+$0x0], $0xffff  }
0x8f: {  	v18 =	vld.idx.msk [tilespmem:v21+s23+$0x0], $0xffff;
	v19 =	vnsel vm6, $0x2000, v20;
	v20 =	vor.u32 s22, v1  }
0x90: {  	s31 =	simm.s32 $0xC0;
	vm10 =	vlt.u32 v21, v0;
	v26 =	vld.idx.msk [tilespmem:v23+s23+$0x0], $0xffff  }
0x91: {  	v11 =	vor.u32 s31, v5;
	v10 =	vor.u32 s31, v1;
	vm6 =	vlt.u32 v17, v0;
	v8 =	vld.idx.msk [tilespmem:v8+s5+$0x0], $0xffff  }
0x92: {  	v15 =	vor.u32 s22, v5;
	vm6 =	vmmov vm6;
	vm8 =	vlt.u32 v20, v0;
	v9 =	vld.idx.msk [tilespmem:v9+s5+$0x0], $0xffff  }
0x93: {  	v12 =	vld.idx.msk [tilespmem:v12+s5+$0x0], $0xffff;
	v17 =	vpack.i.f32.bf16 v24, v22;
	v22 =	vpack.i.f32.bf16 v13, v16;
	v14 =	vnsel vm6, $0x2000, v14  }
0x94: {  	v16 =	vld.idx.msk [tilespmem:v20+s23+$0x0], $0xffff;
	vm6 =	vmmov vm8;
	v20 =	vnsel vm10, $0x2000, v18;
	vm8 =	vlt.u32 v23, v0  }
0x95: {  	s8 =	simm.s32 $0x2E10;
	vm7 =	vlt.u32 v25, v0;
	v13 =	vld.idx.msk [tilespmem:v19+s5+$0x0], $0xffff;
	v21 =	vnsel vm8, $0x2000, v26  }
0x96: {  	vm7 =	vmmov vm7;
	vm9 =	vlt.u32 v15, v0;
	[tilespmem:s8+$0xFFFFFFF0] =	vst v17;
	v18 =	vld.idx.msk [tilespmem:v10+s23+$0x0], $0xffff  }
0x97: {  	s10 =	simm.s32 $0x6;
	s11 =	simm.s32 $0x120;
	v17 =	vnsel vm7, $0x2000, v27;
	vm7 =	vmmov vm9;
	v19 =	vld.idx.msk [tilespmem:v11+s23+$0x0], $0xffff;
	[tilespmem:s8+$0x0] =	vst v22  }
.LBB2_4:
0x98: {  	s12 =	sadd.s32 $0xFFFFFFE0, s11;
	v22 =	vor.u32 s11, v1;
	v23 =	vld.idx.msk [tilespmem:v15+s23+$0x0], $0xffff;
	v15 =	vor.u32 s11, v5;
	v12 =	vpack.i.f32.bf16 v12, v8;
	s8 =	sadd.s32 $0x20, s8  }
0x99: {  	s10 =	sadd.s32 $0x2, s10;
	v24 =	vor.u32 s12, v1;
	vm8 =	vlt.u32 v22, v0;
	vm9 =	vlt.u32 v15, v0;
	v8 =	vld.idx.msk [tilespmem:v20+s5+$0x0], $0xffff;
	[tilespmem:s8+$0xFFFFFFF0] =	vst v12  }
0x9a: {  	v25 =	vor.u32 s12, v5;
	p2 =	slt.u32 s10, $0x2E;
	v13 =	vpack.i.f32.bf16 v13, v9;
	v12 =	vld.idx.msk [tilespmem:v21+s5+$0x0], $0xffff  }
.Ltmp1:
0x9b: {  	vm10 =	vlt.u32 v10, v0;
	v10 =	vmovc v24;
	v9 =	vld.idx.msk [tilespmem:v14+s5+$0x0], $0xffff;
	v14 =	vnsel vm6, $0x2000, v16;
	[tilespmem:s8+$0x0] =	vst v13;
	vm6 =	vmmov vm8;
	(pc) =	sbr.rel @p2 .LBB2_4-.Ltmp1, $4  }
0x9c: {  	v20 =	vnsel vm10, $0x2000, v18;
	vm8 =	vlt.u32 v11, v0;
	v11 =	vmov v25;
	v13 =	vld.idx.msk [tilespmem:v17+s5+$0x0], $0xffff  }
0x9d: {  	v21 =	vnsel vm8, $0x2000, v19;
	v16 =	vld.idx.msk [tilespmem:v22+s23+$0x0], $0xffff  }
0x9e: {  	v17 =	vnsel vm7, $0x2000, v23;
	vm7 =	vmmov vm9;
	v18 =	vld.idx.msk [tilespmem:v24+s23+$0x0], $0xffff  }
0x9f: {  	s11 =	sadd.s32 $0x40, s11;
	v19 =	vld.idx.msk [tilespmem:v25+s23+$0x0], $0xffff  }
0xa0: {  	_ =	sdelay $0x3  }
0xa1: {  	v15 =	vld.idx.msk [tilespmem:v15+s23+$0x0], $0xffff;
	_ =	sdelay $0x1  }
0xa2: {  	vm8 =	vlt.u32 v10, v0;
	v16 =	vnsel vm6, $0x2000, v16  }
0xa3: {  	v14 =	vld.idx.msk [tilespmem:v14+s5+$0x0], $0xffff;
	v10 =	vnsel vm8, $0x2000, v18;
	vm8 =	vlt.u32 v11, v0  }
0xa4: {  	v17 =	vld.idx.msk [tilespmem:v17+s5+$0x0], $0xffff;
	v18 =	vnsel vm8, $0x2000, v19  }
0xa5: {  	v11 =	vld.idx.msk [tilespmem:v20+s5+$0x0], $0xffff;
	v15 =	vnsel vm7, $0x2000, v15  }
0xa6: {  	v19 =	vld.idx.msk [tilespmem:v21+s5+$0x0], $0xffff  }
0xa7: {  	v16 =	vld.idx.msk [tilespmem:v16+s5+$0x0], $0xffff  }
0xa8: {  	v10 =	vld.idx.msk [tilespmem:v10+s5+$0x0], $0xffff  }
0xa9: {  	v18 =	vld.idx.msk [tilespmem:v18+s5+$0x0], $0xffff  }
0xaa: {  	v8 =	vpack.i.f32.bf16 v12, v8;
	s8 =	sadd.s32 $0x20, s8;
	v12 =	vld.idx.msk [tilespmem:v15+s5+$0x0], $0xffff  }
0xab: {  	[tilespmem:s8+$0xFFFFFFF0] =	vst v8;
	v8 =	vpack.i.f32.bf16 v13, v9  }
0xac: {  	[tilespmem:s8+$0x0] =	vst v8;
	s8 =	sadd.s32 $0x20, s8;
	v8 =	vpack.i.f32.bf16 v19, v11  }
0xad: {  	[tilespmem:s8+$0xFFFFFFF0] =	vst v8;
	v8 =	vpack.i.f32.bf16 v17, v14  }
0xae: {  	[tilespmem:s8+$0x0] =	vst v8;
	s8 =	sadd.s32 $0x20, s8;
	v8 =	vpack.i.f32.bf16 v18, v10  }
0xaf: {  	[tilespmem:s8+$0xFFFFFFF0] =	vst v8;
	v8 =	vpack.i.f32.bf16 v12, v16  }
0xb0: {  	[tilespmem:s8+$0x0] =	vst v8  }
0xb1: {  	v8 =	vld.idx.msk [tilespmem:v6+s23+$0x0], $0xffff  }
0xb2: {  	v9 =	vld.idx.msk [tilespmem:v7+s23+$0x0], $0xffff;
	_ =	sdelay $0x6  }
0xb3: {  	v8 =	vld.idx.msk [tilespmem:v8+s5+$0x0], $0xffff  }
0xb4: {  	v9 =	vld.idx.msk [tilespmem:v9+s5+$0x0], $0xffff;
	_ =	sdelay $0x4  }
0xb5: {  	v8 =	vpack.i.f32.bf16 v9, v8  }
0xb6: {  	[tilespmem:$0x3100] =	vst v8  }
0xb7: {  	s21 =	simm.s32 $0x0;
	s10 =	simm.s32 @p0 $0x0;
	_ =	swait.ge [sflag:s4], $0x620  }
0xb8: {  	s11 =	simm.s32 @p0 $0x2780;
	s22 =	simm.s32 $0x20;
	v8 =	vor.u32 s21, v1;
	[sflag:s4] =	ssyncset.done $0x0  }
0xb9: {  	s31 =	simm.s32 $0x60;
	v10 =	vor.u32 s22, v1;
	s12 =	rddreg [dreg:$0xa];
	[sflag:s4] =	ssyncadd.s32 $0xFFFFF9E0  }
0xba: {  	v9 =	vor.u32 s21, v5;
	[tilespmem:s11], [sflag:$0x4] =	stream.linear.gather @p0 [hbm4b:s12+s10], $0x4C0, $0x200038;
	[tilespmem:$0x1CA50] =	vst v63  }
0xbb: {  	v11 =	vor.u32 s22, v5;
	s8 =	rddreg [dreg:$0x9];
	s10 =	simm.s32 @!p0 $0x0;
	s11 =	simm.s32 @!p0 $0x2780  }
0xbc: {  	[tilespmem:s11], [sflag:$0x4] =	stream.linear.gather @!p0 [hbm4b:s8+s10], $0x620, $0x200038;
	[tilespmem:$0x1CA50] =	vst v63  }
0xbd: {  	v19 =	vor.u32 s31, v5;
	s21 =	simm.s32 $0x80;
	v12 =	vld.idx.msk [tilespmem:v8+s24+$0x0], $0xffff  }
0xbe: {  	v23 =	vor.u32 s21, v5;
	s11 =	simm.s32 $0x40;
	v15 =	vld.idx.msk [tilespmem:v10+s24+$0x0], $0xffff  }
0xbf: {  	v13 =	vld.idx.msk [tilespmem:v9+s24+$0x0], $0xffff;
	v16 =	vor.u32 s11, v1  }
0xc0: {  	v14 =	vor.u32 s31, v1;
	v17 =	vld.idx.msk [tilespmem:v11+s24+$0x0], $0xffff  }
0xc1: {  	vm7 =	vlt.u32 v10, v2;
	vm6 =	vlt.u32 v8, v2;
	v18 =	vor.u32 s11, v5  }
0xc2: {  	vm7 =	vmmov vm7;
	v20 =	vld.idx.msk [tilespmem:v19+s24+$0x0], $0xffff;
	v8 =	vnsel vm6, $0x2000, v12  }
0xc3: {  	vm8 =	vlt.u32 v11, v2;
	v26 =	vld.idx.msk [tilespmem:v23+s24+$0x0], $0xffff;
	vm6 =	vlt.u32 v9, v2;
	v11 =	vnsel vm7, $0x2000, v15  }
0xc4: {  	v12 =	vld.idx.msk [tilespmem:v16+s24+$0x0], $0xffff;
	v10 =	vnsel vm6, $0x2000, v13;
	vm6 =	vmmov vm8  }
0xc5: {  	s12 =	simm.s32 $0xA0;
	v9 =	vld.idx.msk [tilespmem:v14+s24+$0x0], $0xffff;
	v13 =	vnsel vm6, $0x2000, v17  }
0xc6: {  	v15 =	vld.idx.msk [tilespmem:v18+s24+$0x0], $0xffff;
	v17 =	vor.u32 s12, v1  }
0xc7: {  	v21 =	vor.u32 s21, v1;
	v22 =	vld.idx.msk [tilespmem:v8+s5+$0x0], $0xffff  }
0xc8: {  	v25 =	vor.u32 s12, v5;
	vm7 =	vlt.u32 v14, v2;
	vm6 =	vlt.u32 v16, v2;
	v16 =	vld.idx.msk [tilespmem:v11+s5+$0x0], $0xffff  }
0xc9: {  	vm7 =	vmmov vm7;
	v8 =	vnsel vm6, $0x2000, v12;
	v24 =	vld.idx.msk [tilespmem:v10+s5+$0x0], $0xffff  }
0xca: {  	vm8 =	vlt.u32 v19, v2;
	vm6 =	vlt.u32 v18, v2;
	v9 =	vnsel vm7, $0x2000, v9;
	v13 =	vld.idx.msk [tilespmem:v13+s5+$0x0], $0xffff  }
0xcb: {  	s22 =	simm.s32 $0xE0;
	v12 =	vnsel vm6, $0x2000, v15;
	vm6 =	vmmov vm8;
	v14 =	vld.idx.msk [tilespmem:v17+s24+$0x0], $0xffff  }
0xcc: {  	v18 =	vld.idx.msk [tilespmem:v21+s24+$0x0], $0xffff;
	v19 =	vnsel vm6, $0x2000, v20;
	v20 =	vor.u32 s22, v1  }
0xcd: {  	s31 =	simm.s32 $0xC0;
	vm10 =	vlt.u32 v21, v2;
	v27 =	vld.idx.msk [tilespmem:v25+s24+$0x0], $0xffff  }
0xce: {  	v11 =	vor.u32 s31, v5;
	v10 =	vor.u32 s31, v1;
	vm6 =	vlt.u32 v17, v2;
	v8 =	vld.idx.msk [tilespmem:v8+s5+$0x0], $0xffff  }
0xcf: {  	v15 =	vor.u32 s22, v5;
	vm6 =	vmmov vm6;
	vm8 =	vlt.u32 v20, v2;
	v9 =	vld.idx.msk [tilespmem:v9+s5+$0x0], $0xffff  }
0xd0: {  	v12 =	vld.idx.msk [tilespmem:v12+s5+$0x0], $0xffff;
	v17 =	vpack.i.f32.bf16 v24, v22;
	v22 =	vpack.i.f32.bf16 v13, v16;
	v14 =	vnsel vm6, $0x2000, v14  }
0xd1: {  	v16 =	vld.idx.msk [tilespmem:v20+s24+$0x0], $0xffff;
	vm6 =	vmmov vm8;
	v20 =	vnsel vm10, $0x2000, v18;
	vm8 =	vlt.u32 v23, v2  }
0xd2: {  	s8 =	simm.s32 $0x3120;
	vm7 =	vlt.u32 v25, v2;
	v13 =	vld.idx.msk [tilespmem:v19+s5+$0x0], $0xffff;
	v21 =	vnsel vm8, $0x2000, v26  }
0xd3: {  	vm7 =	vmmov vm7;
	vm9 =	vlt.u32 v15, v2;
	[tilespmem:s8+$0xFFFFFFF0] =	vst v17;
	v18 =	vld.idx.msk [tilespmem:v10+s24+$0x0], $0xffff  }
0xd4: {  	s10 =	simm.s32 $0x6;
	s11 =	simm.s32 $0x120;
	v17 =	vnsel vm7, $0x2000, v27;
	vm7 =	vmmov vm9;
	v19 =	vld.idx.msk [tilespmem:v11+s24+$0x0], $0xffff;
	[tilespmem:s8+$0x0] =	vst v22  }
.LBB2_6:
0xd5: {  	s12 =	sadd.s32 $0xFFFFFFE0, s11;
	v22 =	vor.u32 s11, v1;
	v23 =	vld.idx.msk [tilespmem:v15+s24+$0x0], $0xffff;
	v15 =	vor.u32 s11, v5;
	v12 =	vpack.i.f32.bf16 v12, v8;
	s8 =	sadd.s32 $0x20, s8  }
0xd6: {  	s10 =	sadd.s32 $0x2, s10;
	v24 =	vor.u32 s12, v1;
	vm8 =	vlt.u32 v22, v2;
	vm9 =	vlt.u32 v15, v2;
	v8 =	vld.idx.msk [tilespmem:v20+s5+$0x0], $0xffff;
	[tilespmem:s8+$0xFFFFFFF0] =	vst v12  }
0xd7: {  	v25 =	vor.u32 s12, v5;
	p2 =	slt.u32 s10, $0x2E;
	v13 =	vpack.i.f32.bf16 v13, v9;
	v12 =	vld.idx.msk [tilespmem:v21+s5+$0x0], $0xffff  }
.Ltmp2:
0xd8: {  	vm10 =	vlt.u32 v10, v2;
	v10 =	vmovc v24;
	v9 =	vld.idx.msk [tilespmem:v14+s5+$0x0], $0xffff;
	v14 =	vnsel vm6, $0x2000, v16;
	[tilespmem:s8+$0x0] =	vst v13;
	vm6 =	vmmov vm8;
	(pc) =	sbr.rel @p2 .LBB2_6-.Ltmp2, $4  }
0xd9: {  	v20 =	vnsel vm10, $0x2000, v18;
	vm8 =	vlt.u32 v11, v2;
	v11 =	vmov v25;
	v13 =	vld.idx.msk [tilespmem:v17+s5+$0x0], $0xffff  }
0xda: {  	v21 =	vnsel vm8, $0x2000, v19;
	v16 =	vld.idx.msk [tilespmem:v22+s24+$0x0], $0xffff  }
0xdb: {  	v17 =	vnsel vm7, $0x2000, v23;
	vm7 =	vmmov vm9;
	v18 =	vld.idx.msk [tilespmem:v24+s24+$0x0], $0xffff  }
0xdc: {  	s11 =	sadd.s32 $0x40, s11;
	v19 =	vld.idx.msk [tilespmem:v25+s24+$0x0], $0xffff  }
0xdd: {  	_ =	sdelay $0x3  }
0xde: {  	v15 =	vld.idx.msk [tilespmem:v15+s24+$0x0], $0xffff;
	_ =	sdelay $0x1  }
0xdf: {  	vm8 =	vlt.u32 v10, v2;
	v16 =	vnsel vm6, $0x2000, v16  }
0xe0: {  	v14 =	vld.idx.msk [tilespmem:v14+s5+$0x0], $0xffff;
	v10 =	vnsel vm8, $0x2000, v18;
	vm8 =	vlt.u32 v11, v2  }
0xe1: {  	v17 =	vld.idx.msk [tilespmem:v17+s5+$0x0], $0xffff;
	v18 =	vnsel vm8, $0x2000, v19  }
0xe2: {  	v11 =	vld.idx.msk [tilespmem:v20+s5+$0x0], $0xffff;
	v15 =	vnsel vm7, $0x2000, v15  }
0xe3: {  	v19 =	vld.idx.msk [tilespmem:v21+s5+$0x0], $0xffff  }
0xe4: {  	v16 =	vld.idx.msk [tilespmem:v16+s5+$0x0], $0xffff  }
0xe5: {  	v10 =	vld.idx.msk [tilespmem:v10+s5+$0x0], $0xffff  }
0xe6: {  	v18 =	vld.idx.msk [tilespmem:v18+s5+$0x0], $0xffff  }
0xe7: {  	v8 =	vpack.i.f32.bf16 v12, v8;
	s8 =	sadd.s32 $0x20, s8;
	v12 =	vld.idx.msk [tilespmem:v15+s5+$0x0], $0xffff  }
0xe8: {  	[tilespmem:s8+$0xFFFFFFF0] =	vst v8;
	v8 =	vpack.i.f32.bf16 v13, v9  }
0xe9: {  	[tilespmem:s8+$0x0] =	vst v8;
	s8 =	sadd.s32 $0x20, s8;
	v8 =	vpack.i.f32.bf16 v19, v11  }
0xea: {  	[tilespmem:s8+$0xFFFFFFF0] =	vst v8;
	v8 =	vpack.i.f32.bf16 v17, v14  }
0xeb: {  	[tilespmem:s8+$0x0] =	vst v8;
	s8 =	sadd.s32 $0x20, s8;
	v8 =	vpack.i.f32.bf16 v18, v10  }
0xec: {  	[tilespmem:s8+$0xFFFFFFF0] =	vst v8;
	v8 =	vpack.i.f32.bf16 v12, v16  }
0xed: {  	[tilespmem:s8+$0x0] =	vst v8  }
0xee: {  	v8 =	vld.idx.msk [tilespmem:v6+s24+$0x0], $0xffff  }
0xef: {  	v9 =	vld.idx.msk [tilespmem:v7+s24+$0x0], $0xffff;
	_ =	sdelay $0x3  }
0xf0: {  	v8 =	vnsel vm1, $0x2000, v8  }
0xf1: {  	v9 =	vnsel vm0, $0x2000, v9;
	_ =	sdelay $0x3  }
0xf2: {  	v8 =	vld.idx.msk [tilespmem:v8+s5+$0x0], $0xffff  }
0xf3: {  	v9 =	vld.idx.msk [tilespmem:v9+s5+$0x0], $0xffff;
	_ =	sdelay $0x3  }
0xf4: {  	s22 =	simm.s32 $0x0  }
0xf5: {  	s10 =	simm.s32 $0x20;
	v8 =	vpack.i.f32.bf16 v9, v8;
	v9 =	vor.u32 s22, v1  }
0xf6: {  	v10 =	vor.u32 s10, v1;
	[tilespmem:$0x3410] =	vst v8  }
0xf7: {  	v8 =	vor.u32 s22, v5;
	_ =	swait.ge [sflag:s0], $0x620  }
0xf8: {  	v11 =	vor.u32 s10, v5;
	[sflag:s0] =	ssyncset.done $0x0  }
0xf9: {  	s31 =	simm.s32 $0x60;
	[sflag:s0] =	ssyncadd.s32 $0xFFFFF9E0  }
0xfa: {  	s21 =	simm.s32 $0x80;
	v19 =	vor.u32 s31, v5;
	v12 =	vld.idx.msk [tilespmem:v9+s23+$0x0], $0xffff  }
0xfb: {  	s11 =	simm.s32 $0x40;
	v22 =	vor.u32 s21, v5;
	v15 =	vld.idx.msk [tilespmem:v10+s23+$0x0], $0xffff  }
0xfc: {  	v16 =	vor.u32 s11, v1;
	v13 =	vld.idx.msk [tilespmem:v8+s23+$0x0], $0xffff  }
0xfd: {  	v18 =	vor.u32 s11, v5;
	v17 =	vld.idx.msk [tilespmem:v11+s23+$0x0], $0xffff  }
0xfe: {  	v14 =	vor.u32 s31, v1;
	vm7 =	vlt.u32 v10, v3;
	vm6 =	vlt.u32 v9, v3  }
0xff: {  	vm7 =	vmmov vm7;
	v20 =	vld.idx.msk [tilespmem:v19+s23+$0x0], $0xffff;
	v9 =	vnsel vm6, $0x2000, v12  }
0x100: {  	vm8 =	vlt.u32 v11, v3;
	v25 =	vld.idx.msk [tilespmem:v22+s23+$0x0], $0xffff;
	vm6 =	vlt.u32 v8, v3;
	v11 =	vnsel vm7, $0x2000, v15  }
0x101: {  	v12 =	vld.idx.msk [tilespmem:v16+s23+$0x0], $0xffff;
	v10 =	vnsel vm6, $0x2000, v13;
	vm6 =	vmmov vm8  }
0x102: {  	s12 =	simm.s32 $0xA0;
	v15 =	vld.idx.msk [tilespmem:v18+s23+$0x0], $0xffff;
	v13 =	vnsel vm6, $0x2000, v17  }
0x103: {  	v8 =	vld.idx.msk [tilespmem:v14+s23+$0x0], $0xffff;
	v17 =	vor.u32 s12, v1  }
0x104: {  	v21 =	vor.u32 s21, v1;
	v9 =	vld.idx.msk [tilespmem:v9+s5+$0x0], $0xffff  }
0x105: {  	v24 =	vor.u32 s12, v5;
	vm6 =	vlt.u32 v16, v3;
	v16 =	vld.idx.msk [tilespmem:v11+s5+$0x0], $0xffff  }
0x106: {  	vm7 =	vlt.u32 v14, v3;
	v11 =	vnsel vm6, $0x2000, v12;
	vm6 =	vlt.u32 v18, v3;
	v23 =	vld.idx.msk [tilespmem:v10+s5+$0x0], $0xffff  }
0x107: {  	vm8 =	vlt.u32 v19, v3;
	vm7 =	vmmov vm7;
	v12 =	vnsel vm6, $0x2000, v15;
	v13 =	vld.idx.msk [tilespmem:v13+s5+$0x0], $0xffff  }
0x108: {  	s22 =	simm.s32 $0xE0;
	vm6 =	vmmov vm8;
	v15 =	vnsel vm7, $0x2000, v8;
	v14 =	vld.idx.msk [tilespmem:v17+s23+$0x0], $0xffff  }
0x109: {  	v18 =	vld.idx.msk [tilespmem:v21+s23+$0x0], $0xffff;
	v19 =	vnsel vm6, $0x2000, v20;
	v20 =	vor.u32 s22, v1  }
0x10a: {  	s31 =	simm.s32 $0xC0;
	v26 =	vld.idx.msk [tilespmem:v24+s23+$0x0], $0xffff;
	vm6 =	vlt.u32 v17, v3  }
0x10b: {  	vm10 =	vlt.u32 v21, v3;
	v10 =	vor.u32 s31, v1;
	vm6 =	vmmov vm6;
	v8 =	vld.idx.msk [tilespmem:v11+s5+$0x0], $0xffff  }
0x10c: {  	vm8 =	vlt.u32 v20, v3;
	v11 =	vor.u32 s31, v5;
	v12 =	vld.idx.msk [tilespmem:v12+s5+$0x0], $0xffff;
	v17 =	vpack.i.f32.bf16 v23, v9  }
0x10d: {  	v9 =	vld.idx.msk [tilespmem:v15+s5+$0x0], $0xffff;
	v15 =	vor.u32 s22, v5;
	v23 =	vpack.i.f32.bf16 v13, v16;
	v14 =	vnsel vm6, $0x2000, v14  }
0x10e: {  	v16 =	vld.idx.msk [tilespmem:v20+s23+$0x0], $0xffff;
	vm6 =	vmmov vm8;
	v20 =	vnsel vm10, $0x2000, v18;
	vm8 =	vlt.u32 v22, v3  }
0x10f: {  	s8 =	simm.s32 $0x3430;
	vm7 =	vlt.u32 v24, v3;
	v13 =	vld.idx.msk [tilespmem:v19+s5+$0x0], $0xffff;
	v21 =	vnsel vm8, $0x2000, v25  }
0x110: {  	vm7 =	vmmov vm7;
	vm9 =	vlt.u32 v15, v3;
	[tilespmem:s8+$0xFFFFFFF0] =	vst v17;
	v18 =	vld.idx.msk [tilespmem:v10+s23+$0x0], $0xffff  }
0x111: {  	s10 =	simm.s32 $0x6;
	s11 =	simm.s32 $0x120;
	v17 =	vnsel vm7, $0x2000, v26;
	[tilespmem:s8+$0x0] =	vst v23;
	vm7 =	vmmov vm9;
	v19 =	vld.idx.msk [tilespmem:v11+s23+$0x0], $0xffff  }
.LBB2_8:
0x112: {  	s12 =	sadd.s32 $0xFFFFFFE0, s11;
	v22 =	vor.u32 s11, v1;
	v23 =	vld.idx.msk [tilespmem:v15+s23+$0x0], $0xffff;
	v15 =	vor.u32 s11, v5;
	v12 =	vpack.i.f32.bf16 v12, v8;
	s8 =	sadd.s32 $0x20, s8  }
0x113: {  	s10 =	sadd.s32 $0x2, s10;
	v24 =	vor.u32 s12, v1;
	vm8 =	vlt.u32 v22, v3;
	vm9 =	vlt.u32 v15, v3;
	v8 =	vld.idx.msk [tilespmem:v20+s5+$0x0], $0xffff;
	[tilespmem:s8+$0xFFFFFFF0] =	vst v12  }
0x114: {  	v25 =	vor.u32 s12, v5;
	p2 =	slt.u32 s10, $0x2E;
	v13 =	vpack.i.f32.bf16 v13, v9;
	v12 =	vld.idx.msk [tilespmem:v21+s5+$0x0], $0xffff  }
.Ltmp3:
0x115: {  	vm10 =	vlt.u32 v10, v3;
	v10 =	vmovc v24;
	v9 =	vld.idx.msk [tilespmem:v14+s5+$0x0], $0xffff;
	v14 =	vnsel vm6, $0x2000, v16;
	[tilespmem:s8+$0x0] =	vst v13;
	vm6 =	vmmov vm8;
	(pc) =	sbr.rel @p2 .LBB2_8-.Ltmp3, $4  }
0x116: {  	v20 =	vnsel vm10, $0x2000, v18;
	vm8 =	vlt.u32 v11, v3;
	v11 =	vmov v25;
	v13 =	vld.idx.msk [tilespmem:v17+s5+$0x0], $0xffff  }
0x117: {  	v21 =	vnsel vm8, $0x2000, v19;
	v16 =	vld.idx.msk [tilespmem:v22+s23+$0x0], $0xffff  }
0x118: {  	v17 =	vnsel vm7, $0x2000, v23;
	vm7 =	vmmov vm9;
	v18 =	vld.idx.msk [tilespmem:v24+s23+$0x0], $0xffff  }
0x119: {  	s11 =	sadd.s32 $0x40, s11;
	v19 =	vld.idx.msk [tilespmem:v25+s23+$0x0], $0xffff  }
0x11a: {  	_ =	sdelay $0x3  }
0x11b: {  	v15 =	vld.idx.msk [tilespmem:v15+s23+$0x0], $0xffff;
	_ =	sdelay $0x1  }
0x11c: {  	vm8 =	vlt.u32 v10, v3;
	v16 =	vnsel vm6, $0x2000, v16  }
0x11d: {  	v14 =	vld.idx.msk [tilespmem:v14+s5+$0x0], $0xffff;
	v10 =	vnsel vm8, $0x2000, v18;
	vm8 =	vlt.u32 v11, v3  }
0x11e: {  	v17 =	vld.idx.msk [tilespmem:v17+s5+$0x0], $0xffff;
	v18 =	vnsel vm8, $0x2000, v19  }
0x11f: {  	v11 =	vld.idx.msk [tilespmem:v20+s5+$0x0], $0xffff;
	v15 =	vnsel vm7, $0x2000, v15  }
0x120: {  	v19 =	vld.idx.msk [tilespmem:v21+s5+$0x0], $0xffff  }
0x121: {  	v16 =	vld.idx.msk [tilespmem:v16+s5+$0x0], $0xffff  }
0x122: {  	v10 =	vld.idx.msk [tilespmem:v10+s5+$0x0], $0xffff  }
0x123: {  	v18 =	vld.idx.msk [tilespmem:v18+s5+$0x0], $0xffff  }
0x124: {  	v8 =	vpack.i.f32.bf16 v12, v8;
	s8 =	sadd.s32 $0x20, s8;
	v12 =	vld.idx.msk [tilespmem:v15+s5+$0x0], $0xffff  }
0x125: {  	[tilespmem:s8+$0xFFFFFFF0] =	vst v8;
	v8 =	vpack.i.f32.bf16 v13, v9  }
0x126: {  	[tilespmem:s8+$0x0] =	vst v8;
	s8 =	sadd.s32 $0x20, s8;
	v8 =	vpack.i.f32.bf16 v19, v11  }
0x127: {  	[tilespmem:s8+$0xFFFFFFF0] =	vst v8;
	v8 =	vpack.i.f32.bf16 v17, v14  }
0x128: {  	[tilespmem:s8+$0x0] =	vst v8;
	s8 =	sadd.s32 $0x20, s8;
	v8 =	vpack.i.f32.bf16 v18, v10  }
0x129: {  	[tilespmem:s8+$0xFFFFFFF0] =	vst v8;
	v8 =	vpack.i.f32.bf16 v12, v16  }
0x12a: {  	[tilespmem:s8+$0x0] =	vst v8  }
0x12b: {  	v8 =	vld.idx.msk [tilespmem:v6+s23+$0x0], $0xffff  }
0x12c: {  	v9 =	vld.idx.msk [tilespmem:v7+s23+$0x0], $0xffff;
	_ =	sdelay $0x3  }
0x12d: {  	v8 =	vnsel vm3, $0x2000, v8  }
0x12e: {  	v9 =	vnsel vm2, $0x2000, v9;
	_ =	sdelay $0x3  }
0x12f: {  	v8 =	vld.idx.msk [tilespmem:v8+s5+$0x0], $0xffff  }
0x130: {  	v9 =	vld.idx.msk [tilespmem:v9+s5+$0x0], $0xffff;
	_ =	sdelay $0x4  }
0x131: {  	v8 =	vpack.i.f32.bf16 v9, v8  }
0x132: {  	s8 =	simm.s32 @p0 $0x4;
	[tilespmem:$0x3720] =	vst v8  }
0x133: {  	s10 =	simm.s32 $0x0;
	_ =	swait.ge @p0 [sflag:s8], $0x4C0  }
0x134: {  	s11 =	simm.s32 $0x20;
	v8 =	vor.u32 s10, v1;
	[sflag:s8] =	ssyncset.done @p0 $0x0  }
0x135: {  	v10 =	vor.u32 s11, v1;
	[sflag:s8] =	ssyncadd.s32 @p0 $0xFFFFFB40;
	s8 =	simm.s32 @!p0 $0x4  }
0x136: {  	v9 =	vor.u32 s10, v5;
	_ =	swait.ge @!p0 [sflag:s8], $0x620  }
0x137: {  	v11 =	vor.u32 s11, v5;
	[sflag:s8] =	ssyncset.done @!p0 $0x0  }
0x138: {  	s31 =	simm.s32 $0x60;
	[sflag:s8] =	ssyncadd.s32 @!p0 $0xFFFFF9E0  }
0x139: {  	s21 =	simm.s32 $0x80;
	v19 =	vor.u32 s31, v5;
	v12 =	vld.idx.msk [tilespmem:v8+s24+$0x0], $0xffff  }
0x13a: {  	v23 =	vor.u32 s21, v5;
	s11 =	simm.s32 $0x40;
	v15 =	vld.idx.msk [tilespmem:v10+s24+$0x0], $0xffff  }
0x13b: {  	v16 =	vor.u32 s11, v1;
	v13 =	vld.idx.msk [tilespmem:v9+s24+$0x0], $0xffff  }
0x13c: {  	v14 =	vor.u32 s31, v1;
	v17 =	vld.idx.msk [tilespmem:v11+s24+$0x0], $0xffff  }
0x13d: {  	v18 =	vor.u32 s11, v5;
	vm7 =	vlt.s32 v10, v4;
	vm6 =	vlt.s32 v8, v4  }
0x13e: {  	vm7 =	vmmov vm7;
	v20 =	vld.idx.msk [tilespmem:v19+s24+$0x0], $0xffff;
	v8 =	vnsel vm6, $0x2000, v12  }
0x13f: {  	vm8 =	vlt.s32 v11, v4;
	v26 =	vld.idx.msk [tilespmem:v23+s24+$0x0], $0xffff;
	vm6 =	vlt.s32 v9, v4;
	v11 =	vnsel vm7, $0x2000, v15  }
0x140: {  	v12 =	vld.idx.msk [tilespmem:v16+s24+$0x0], $0xffff;
	v10 =	vnsel vm6, $0x2000, v13;
	vm6 =	vmmov vm8  }
0x141: {  	s12 =	simm.s32 $0xA0;
	v9 =	vld.idx.msk [tilespmem:v14+s24+$0x0], $0xffff;
	v13 =	vnsel vm6, $0x2000, v17  }
0x142: {  	v15 =	vld.idx.msk [tilespmem:v18+s24+$0x0], $0xffff;
	v17 =	vor.u32 s12, v1  }
0x143: {  	v21 =	vor.u32 s21, v1;
	v22 =	vld.idx.msk [tilespmem:v8+s5+$0x0], $0xffff  }
0x144: {  	v25 =	vor.u32 s12, v5;
	vm7 =	vlt.s32 v14, v4;
	vm6 =	vlt.s32 v16, v4;
	v16 =	vld.idx.msk [tilespmem:v11+s5+$0x0], $0xffff  }
0x145: {  	vm7 =	vmmov vm7;
	v8 =	vnsel vm6, $0x2000, v12;
	v24 =	vld.idx.msk [tilespmem:v10+s5+$0x0], $0xffff  }
0x146: {  	vm8 =	vlt.s32 v19, v4;
	vm6 =	vlt.s32 v18, v4;
	v9 =	vnsel vm7, $0x2000, v9;
	v13 =	vld.idx.msk [tilespmem:v13+s5+$0x0], $0xffff  }
0x147: {  	s22 =	simm.s32 $0xE0;
	v12 =	vnsel vm6, $0x2000, v15;
	vm6 =	vmmov vm8;
	v14 =	vld.idx.msk [tilespmem:v17+s24+$0x0], $0xffff  }
0x148: {  	v18 =	vld.idx.msk [tilespmem:v21+s24+$0x0], $0xffff;
	v19 =	vnsel vm6, $0x2000, v20;
	v20 =	vor.u32 s22, v1  }
0x149: {  	vm10 =	vlt.s32 v21, v4;
	s31 =	simm.s32 $0xC0;
	v27 =	vld.idx.msk [tilespmem:v25+s24+$0x0], $0xffff  }
0x14a: {  	v11 =	vor.u32 s31, v5;
	v10 =	vor.u32 s31, v1;
	vm6 =	vlt.s32 v17, v4;
	v8 =	vld.idx.msk [tilespmem:v8+s5+$0x0], $0xffff  }
0x14b: {  	v15 =	vor.u32 s22, v5;
	vm6 =	vmmov vm6;
	vm8 =	vlt.s32 v20, v4;
	v9 =	vld.idx.msk [tilespmem:v9+s5+$0x0], $0xffff  }
0x14c: {  	v12 =	vld.idx.msk [tilespmem:v12+s5+$0x0], $0xffff;
	v17 =	vpack.i.f32.bf16 v24, v22;
	v22 =	vpack.i.f32.bf16 v13, v16;
	v14 =	vnsel vm6, $0x2000, v14  }
0x14d: {  	v16 =	vld.idx.msk [tilespmem:v20+s24+$0x0], $0xffff;
	vm6 =	vmmov vm8;
	v20 =	vnsel vm10, $0x2000, v18;
	vm8 =	vlt.s32 v23, v4  }
0x14e: {  	s8 =	simm.s32 $0x3740;
	vm7 =	vlt.s32 v25, v4;
	v13 =	vld.idx.msk [tilespmem:v19+s5+$0x0], $0xffff;
	v21 =	vnsel vm8, $0x2000, v26  }
0x14f: {  	vm7 =	vmmov vm7;
	vm9 =	vlt.s32 v15, v4;
	[tilespmem:s8+$0xFFFFFFF0] =	vst v17;
	v18 =	vld.idx.msk [tilespmem:v10+s24+$0x0], $0xffff  }
0x150: {  	s11 =	simm.s32 $0x120;
	s10 =	simm.s32 $0x6;
	v17 =	vnsel vm7, $0x2000, v27;
	vm7 =	vmmov vm9;
	v19 =	vld.idx.msk [tilespmem:v11+s24+$0x0], $0xffff;
	[tilespmem:s8+$0x0] =	vst v22  }
.LBB2_10:
0x151: {  	s12 =	sadd.s32 $0xFFFFFFE0, s11;
	v22 =	vor.u32 s11, v1;
	v23 =	vld.idx.msk [tilespmem:v15+s24+$0x0], $0xffff;
	v15 =	vor.u32 s11, v5;
	v12 =	vpack.i.f32.bf16 v12, v8;
	s8 =	sadd.s32 $0x20, s8  }
0x152: {  	s10 =	sadd.s32 $0x2, s10;
	v24 =	vor.u32 s12, v1;
	vm8 =	vlt.s32 v22, v4;
	vm9 =	vlt.s32 v15, v4;
	v8 =	vld.idx.msk [tilespmem:v20+s5+$0x0], $0xffff;
	[tilespmem:s8+$0xFFFFFFF0] =	vst v12  }
0x153: {  	v25 =	vor.u32 s12, v5;
	p2 =	slt.u32 s10, $0x2E;
	v13 =	vpack.i.f32.bf16 v13, v9;
	v12 =	vld.idx.msk [tilespmem:v21+s5+$0x0], $0xffff  }
.Ltmp4:
0x154: {  	vm10 =	vlt.s32 v10, v4;
	v10 =	vmovc v24;
	v9 =	vld.idx.msk [tilespmem:v14+s5+$0x0], $0xffff;
	v14 =	vnsel vm6, $0x2000, v16;
	[tilespmem:s8+$0x0] =	vst v13;
	vm6 =	vmmov vm8;
	(pc) =	sbr.rel @p2 .LBB2_10-.Ltmp4, $4  }
0x155: {  	v20 =	vnsel vm10, $0x2000, v18;
	vm8 =	vlt.s32 v11, v4;
	v11 =	vmov v25;
	v13 =	vld.idx.msk [tilespmem:v17+s5+$0x0], $0xffff  }
0x156: {  	v21 =	vnsel vm8, $0x2000, v19;
	v16 =	vld.idx.msk [tilespmem:v22+s24+$0x0], $0xffff  }
0x157: {  	v17 =	vnsel vm7, $0x2000, v23;
	vm7 =	vmmov vm9;
	v18 =	vld.idx.msk [tilespmem:v24+s24+$0x0], $0xffff  }
0x158: {  	s11 =	sadd.s32 $0x40, s11;
	v19 =	vld.idx.msk [tilespmem:v25+s24+$0x0], $0xffff  }
0x159: {  	_ =	sdelay $0x3  }
0x15a: {  	v15 =	vld.idx.msk [tilespmem:v15+s24+$0x0], $0xffff;
	_ =	sdelay $0x1  }
0x15b: {  	vm8 =	vlt.s32 v10, v4;
	v16 =	vnsel vm6, $0x2000, v16  }
0x15c: {  	vm15 =	vlt.s32 v11, v4;
	v11 =	vld.idx.msk [tilespmem:v20+s5+$0x0], $0xffff;
	v10 =	vnsel vm8, $0x2000, v18  }
0x15d: {  	v14 =	vld.idx.msk [tilespmem:v14+s5+$0x0], $0xffff;
	v18 =	vnsel vm15, $0x2000, v19  }
0x15e: {  	v17 =	vld.idx.msk [tilespmem:v17+s5+$0x0], $0xffff;
	v15 =	vnsel vm7, $0x2000, v15  }
0x15f: {  	v19 =	vld.idx.msk [tilespmem:v21+s5+$0x0], $0xffff  }
0x160: {  	v16 =	vld.idx.msk [tilespmem:v16+s5+$0x0], $0xffff  }
0x161: {  	v10 =	vld.idx.msk [tilespmem:v10+s5+$0x0], $0xffff  }
0x162: {  	v18 =	vld.idx.msk [tilespmem:v18+s5+$0x0], $0xffff  }
0x163: {  	v8 =	vpack.i.f32.bf16 v12, v8;
	s8 =	sadd.s32 $0x20, s8;
	v12 =	vld.idx.msk [tilespmem:v15+s5+$0x0], $0xffff  }
0x164: {  	[tilespmem:s8+$0xFFFFFFF0] =	vst v8;
	v8 =	vpack.i.f32.bf16 v13, v9  }
0x165: {  	[tilespmem:s8+$0x0] =	vst v8;
	s8 =	sadd.s32 $0x20, s8;
	v8 =	vpack.i.f32.bf16 v19, v11  }
0x166: {  	[tilespmem:s8+$0xFFFFFFF0] =	vst v8;
	v8 =	vpack.i.f32.bf16 v17, v14  }
0x167: {  	[tilespmem:s8+$0x0] =	vst v8;
	s8 =	sadd.s32 $0x20, s8;
	v8 =	vpack.i.f32.bf16 v18, v10  }
0x168: {  	[tilespmem:s8+$0xFFFFFFF0] =	vst v8;
	v8 =	vpack.i.f32.bf16 v12, v16  }
0x169: {  	[tilespmem:s8+$0x0] =	vst v8  }
0x16a: {  	v8 =	vld.idx.msk [tilespmem:v6+s24+$0x0], $0xffff  }
0x16b: {  	v9 =	vld.idx.msk [tilespmem:v7+s24+$0x0], $0xffff;
	_ =	sdelay $0x3  }
0x16c: {  	v8 =	vnsel vm5, $0x2000, v8  }
0x16d: {  	v9 =	vnsel vm4, $0x2000, v9;
	_ =	sdelay $0x2  }
0x16e: {  	s11 =	simm.s32 $0x0  }
0x16f: {  	v8 =	vld.idx.msk [tilespmem:v8+s11+$0x0], $0xffff  }
0x170: {  	v9 =	vld.idx.msk [tilespmem:v9+s11+$0x0], $0xffff;
	_ =	sdelay $0x4  }
0x171: {  	v8 =	vpack.i.f32.bf16 v9, v8  }
0x172: {  	[tilespmem:$0x3A30] =	vst v8  }
0x173: {  	_ =	strace $0x90000048  }
0x174: {  	_ =	strace $0x80000049  }
0x175: {  	s12 =	rddreg [dreg:$0xb]  }
0x176: {  	[spmem:s12] =	stream.linear.scatter [tilespmem:s1], [sflag:$0x6], $0xC40, $0x200038;
	[tilespmem:$0x1CA50] =	vst v63  }
0x177: {  	_ =	swait.ge [sflag:s26], $0xC40  }
0x178: {  	[sflag:s26] =	ssyncset.done $0x0  }
0x179: {  	[sflag:s26] =	ssyncadd.s32 $0xFFFFF3C0  }
0x17a: {  	[bflag:$0x0] =	sbarrier.arrive $0xFFFF  }
0x17b: {  	s21 =	rddreg [dreg:$0x5]  }
0x17c: {  	[tilespmem:s1], [sflag:$0x6] =	stream.linear.gather [spmem:s21], $0xC400, $0x200038;
	[tilespmem:$0x1CA50] =	vst v63  }
0x17d: {  	_ =	swait.ge [sflag:s26], $0xC400  }
0x17e: {  	[sflag:s26] =	ssyncset.done $0x0  }
0x17f: {  	[sflag:s26] =	ssyncadd.s32 $0xFFFF3C00  }
0x180: {  	_ =	strace $0x90000049  }
0x181: {  	_ =	strace $0x8000004A  }
0x182: {  	_ =	swait.ge [sflag:s2], $0x6400  }
0x183: {  	[sflag:s2] =	ssyncset.done $0x0  }
0x184: {  	s22 =	simm.s32 $0x0;
	[sflag:s2] =	ssyncadd.s32 $0xFFFF9C00  }
0x185: {  	v8 =	vld [tilespmem:s22+$0x10140]  }
0x186: {  	v9 =	vld [tilespmem:s22+$0x10050]  }
0x187: {  	v10 =	vld [tilespmem:s22+$0x100D0]  }
0x188: {  	v11 =	vld [tilespmem:s22+$0x10060]  }
0x189: {  	v19 =	vld [tilespmem:s22+$0x10080]  }
0x18a: {  	v21 =	vld [tilespmem:s22+$0x10100]  }
0x18b: {  	v23 =	vld [tilespmem:s22+$0x10090]  }
0x18c: {  	v26 =	vld [tilespmem:s22+$0x10110]  }
0x18d: {  	v12 =	vimm.f32 $1.000000000e+00;
	v32 =	vld [tilespmem:s22+$0x100B0];
	v15 =	vshra.s32 v8, $0x1;
	v16 =	vxor.u32 $0xFFFFFFFF, v9  }
0x18e: {  	v33 =	vld [tilespmem:s22+$0x10130];
	v9 =	vshra.s32 v9, $0x1;
	v18 =	vxor.u32 $0xFFFFFFFF, v10;
	v20 =	vshra.s32 v10, $0x1  }
0x18f: {  	v35 =	vld [tilespmem:s22+$0x100C0];
	v10 =	vxor.u32 $0xFFFFFFFF, v11;
	v11 =	vshra.s32 v11, $0x1;
	v28 =	vshra.s32 v19, $0x1  }
0x190: {  	v13 =	vld [tilespmem:s22+$0x100E0];
	v19 =	vxor.u32 $0xFFFFFFFF, v19;
	v29 =	vshra.s32 v21, $0x1;
	v21 =	vxor.u32 $0xFFFFFFFF, v21  }
0x191: {  	v8 =	vxor.u32 $0xFFFFFFFF, v8;
	v31 =	vshra.s32 v23, $0x1;
	v23 =	vxor.u32 $0xFFFFFFFF, v23  }
0x192: {  	v14 =	vld [tilespmem:s22+$0x10070];
	v34 =	vshra.s32 v26, $0x1;
	v26 =	vxor.u32 $0xFFFFFFFF, v26;
	v42 =	vshra.s32 v32, $0x1  }
0x193: {  	v17 =	vld [tilespmem:s22+$0x100F0];
	v32 =	vxor.u32 $0xFFFFFFFF, v32;
	v43 =	vshra.s32 v33, $0x1;
	v33 =	vxor.u32 $0xFFFFFFFF, v33  }
0x194: {  	v44 =	vshra.s32 v35, $0x1;
	v35 =	vxor.u32 $0xFFFFFFFF, v35;
	v16 =	vshll.u32 v16, $0x4  }
0x195: {  	v18 =	vshll.u32 v18, $0x4;
	v22 =	vshll.u32 v10, $0x4;
	v10 =	vxor.u32 $0xFFFFFFFF, v13  }
0x196: {  	v13 =	vshra.s32 v13, $0x1;
	v8 =	vshll.u32 v8, $0x4;
	v19 =	vshll.u32 v19, $0x4  }
0x197: {  	v21 =	vshll.u32 v21, $0x4;
	v24 =	vshll.u32 v10, $0x4;
	v10 =	vxor.u32 $0xFFFFFFFF, v14  }
0x198: {  	v30 =	vld [tilespmem:s22+$0x10120];
	v26 =	vshll.u32 v26, $0x4;
	v25 =	vshll.u32 v10, $0x4;
	v10 =	vxor.u32 $0xFFFFFFFF, v17  }
0x199: {  	v32 =	vshll.u32 v32, $0x4;
	v33 =	vshll.u32 v33, $0x4;
	v27 =	vshll.u32 v10, $0x4;
	v10 =	vld [tilespmem:s22+$0x100A0]  }
0x19a: {  	v35 =	vshll.u32 v35, $0x4;
	v14 =	vshra.s32 v14, $0x1;
	v8 =	vand.u32 $0x10, v8;
	v15 =	vld.idx.msk [tilespmem:v15+s1+$0x0], $0xffff  }
0x19b: {  	v16 =	vand.u32 $0x10, v16;
	v18 =	vand.u32 $0x10, v18;
	v22 =	vand.u32 $0x10, v22;
	v40 =	vld.idx.msk [tilespmem:v28+s1+$0x0], $0xffff  }
0x19c: {  	v19 =	vand.u32 $0x10, v19;
	v21 =	vand.u32 $0x10, v21;
	v17 =	vshra.s32 v17, $0x1;
	v9 =	vld.idx.msk [tilespmem:v9+s1+$0x0], $0xffff  }
0x19d: {  	v37 =	vand.u32 $0x10, v24;
	v24 =	vand.u32 $0x10, v35;
	v39 =	vand.u32 $0x10, v25;
	v45 =	vld.idx.msk [tilespmem:v29+s1+$0x0], $0xffff  }
0x19e: {  	v25 =	vand.u32 $0x10, v33;
	v41 =	vand.u32 $0x10, v27;
	v29 =	vand.u32 $0x10, v26;
	v13 =	vld.idx.msk [tilespmem:v13+s1+$0x0], $0xffff  }
0x19f: {  	v20 =	vld.idx.msk [tilespmem:v20+s1+$0x0], $0xffff;
	v26 =	vand.u32 $0x10, v32;
	v36 =	vxor.u32 $0xFFFFFFFF, v10;
	v8 =	vshll.u32 v15, v8  }
0x1a0: {  	v11 =	vld.idx.msk [tilespmem:v11+s1+$0x0], $0xffff;
	v15 =	vshra.s32 v10, $0x1;
	v36 =	vshll.u32 v36, $0x4;
	v40 =	vshll.u32 v40, v19  }
0x1a1: {  	v14 =	vld.idx.msk [tilespmem:v14+s1+$0x0], $0xffff;
	v19 =	vimm.f32 $1.000000000e+00;
	v10 =	vmul.f32 v8, v12;
	v8 =	vshll.u32 v23, $0x4  }
0x1a2: {  	v23 =	vshra.s32 v30, $0x1;
	v30 =	vxor.u32 $0xFFFFFFFF, v30;
	v28 =	vand.u32 $0x10, v36  }
0x1a3: {  	v17 =	vld.idx.msk [tilespmem:v17+s1+$0x0], $0xffff;
	v38 =	vshll.u32 v13, v37;
	v37 =	vshll.u32 v45, v21;
	v21 =	vimm.f32 $1.000000000e+00  }
0x1a4: {  	v47 =	vld.idx.msk [tilespmem:v31+s1+$0x0], $0xffff;
	v13 =	vimm.f32 $1.000000000e+00;
	v30 =	vshll.u32 v30, $0x4;
	v46 =	vand.u32 $0x10, v8  }
0x1a5: {  	v33 =	vld.idx.msk [tilespmem:v42+s1+$0x0], $0xffff;
	v8 =	vshll.u32 v9, v16;
	v9 =	vshll.u32 v20, v18;
	v16 =	vshll.u32 v11, v22  }
0x1a6: {  	v39 =	vshll.u32 v14, v39;
	v22 =	vimm.f32 $1.000000000e+00;
	v27 =	vand.u32 $0x10, v30;
	v30 =	vld.idx.msk [tilespmem:v34+s1+$0x0], $0xffff  }
0x1a7: {  	v18 =	vimm.f32 $1.000000000e+00;
	v14 =	vimm.f32 $1.000000000e+00;
	v20 =	vimm.f32 $1.000000000e+00;
	v31 =	vld.idx.msk [tilespmem:v15+s1+$0x0], $0xffff  }
0x1a8: {  	v36 =	vshll.u32 v17, v41;
	v8 =	vmul.f32 v8, v12;
	v11 =	vmul.f32 v9, v12;
	v32 =	vld.idx.msk [tilespmem:v23+s1+$0x0], $0xffff  }
0x1a9: {  	v35 =	vld.idx.msk [tilespmem:v44+s1+$0x0], $0xffff;
	v9 =	vmul.f32 v16, v12;
	v41 =	vshll.u32 v47, v46;
	v16 =	vimm.f32 $1.000000000e+00  }
0x1aa: {  	s31 =	simm.s32 $0x800;
	s8 =	simm.s32 $0x100;
	v34 =	vld.idx.msk [tilespmem:v43+s1+$0x0], $0xffff;
	v17 =	vimm.f32 $1.000000000e+00;
	v15 =	vimm.f32 $1.000000000e+00;
	v23 =	vimm.f32 $1.000000000e+00  }
.LBB2_12:
0x1ab: {  	p2 =	sne.s32 s31, $0x18C00;
	v42 =	vld [tilespmem:s8+$0x10140];
	v12 =	vmul.f32 v38, v12;
	v23 =	vmul.f32 v39, v23;
	v29 =	vshll.u32 v30, v29  }
0x1ac: {  	v21 =	vmul.f32 v36, v21;
	v22 =	vmul.f32 v40, v22;
	v28 =	vshll.u32 v31, v28;
	v30 =	vld [tilespmem:s8+$0x10050]  }
0x1ad: {  	v18 =	vmul.f32 v37, v18;
	v19 =	vmul.f32 v41, v19;
	v27 =	vshll.u32 v32, v27;
	v31 =	vld [tilespmem:s8+$0x100D0]  }
0x1ae: {  	v16 =	vmul.f32 v29, v16;
	v17 =	vmul.f32 v28, v17;
	v26 =	vshll.u32 v33, v26;
	v32 =	vld [tilespmem:s8+$0x10060]  }
0x1af: {  	v14 =	vmul.f32 v27, v14;
	v20 =	vmul.f32 v26, v20;
	v25 =	vshll.u32 v34, v25;
	v28 =	vld [tilespmem:s8+$0x100E0]  }
0x1b0: {  	v15 =	vmul.f32 v25, v15;
	v24 =	vshll.u32 v35, v24;
	v26 =	vld [tilespmem:s8+$0x10070];
	v27 =	vshra.s32 v42, $0x1  }
0x1b1: {  	v13 =	vmul.f32 v24, v13;
	v25 =	vshra.s32 v30, $0x1;
	v29 =	vxor.u32 $0xFFFFFFFF, v30;
	v30 =	vld [tilespmem:s8+$0x100F0]  }
0x1b2: {  	v24 =	vshll.u32 v29, $0x4;
	v29 =	vshra.s32 v31, $0x1;
	v31 =	vxor.u32 $0xFFFFFFFF, v31;
	v33 =	vld [tilespmem:s8+$0x10080]  }
0x1b3: {  	v31 =	vshll.u32 v31, $0x4;
	v34 =	vshra.s32 v32, $0x1;
	v32 =	vxor.u32 $0xFFFFFFFF, v32;
	v35 =	vld [tilespmem:s8+$0x10100]  }
0x1b4: {  	v32 =	vshll.u32 v32, $0x4;
	v36 =	vshra.s32 v28, $0x1;
	v28 =	vxor.u32 $0xFFFFFFFF, v28;
	v37 =	vld [tilespmem:s8+$0x10090]  }
0x1b5: {  	v28 =	vshll.u32 v28, $0x4;
	v38 =	vshra.s32 v26, $0x1;
	v26 =	vxor.u32 $0xFFFFFFFF, v26;
	v27 =	vld.idx.msk [tilespmem:v27+s1+$0x0], $0xffff  }
0x1b6: {  	v26 =	vshll.u32 v26, $0x4;
	v39 =	vshra.s32 v30, $0x1;
	v30 =	vxor.u32 $0xFFFFFFFF, v30;
	v40 =	vld [tilespmem:s8+$0x10110]  }
0x1b7: {  	v30 =	vshll.u32 v30, $0x4;
	v41 =	vshra.s32 v33, $0x1;
	v33 =	vxor.u32 $0xFFFFFFFF, v33;
	v43 =	vld [tilespmem:s8+$0x100A0]  }
0x1b8: {  	v42 =	vxor.u32 $0xFFFFFFFF, v42;
	v44 =	vshra.s32 v35, $0x1;
	v35 =	vxor.u32 $0xFFFFFFFF, v35;
	v45 =	vld [tilespmem:s8+$0x10120]  }
0x1b9: {  	v42 =	vshll.u32 v42, $0x4;
	v46 =	vshra.s32 v37, $0x1;
	v37 =	vxor.u32 $0xFFFFFFFF, v37;
	v47 =	vld [tilespmem:s8+$0x100B0]  }
0x1ba: {  	v42 =	vand.u32 $0x10, v42;
	v33 =	vshll.u32 v33, $0x4;
	v35 =	vshll.u32 v35, $0x4;
	v48 =	vld [tilespmem:s8+$0x10130]  }
0x1bb: {  	v27 =	vshll.u32 v27, v42;
	v49 =	vshra.s32 v40, $0x1;
	v40 =	vxor.u32 $0xFFFFFFFF, v40;
	v50 =	vld [tilespmem:s8+$0x100C0]  }
0x1bc: {  	v10 =	vmul.f32 v27, v10;
	v42 =	vld.idx.msk [tilespmem:v25+s1+$0x0], $0xffff;
	v25 =	vshra.s32 v43, $0x1;
	v43 =	vxor.u32 $0xFFFFFFFF, v43  }
0x1bd: {  	v27 =	vshll.u32 v37, $0x4;
	v51 =	vld.idx.msk [tilespmem:v29+s1+$0x0], $0xffff;
	v37 =	vshra.s32 v45, $0x1;
	v29 =	vxor.u32 $0xFFFFFFFF, v45  }
0x1be: {  	v40 =	vshll.u32 v40, $0x4;
	v34 =	vld.idx.msk [tilespmem:v34+s1+$0x0], $0xffff;
	v45 =	vshra.s32 v47, $0x1;
	v47 =	vxor.u32 $0xFFFFFFFF, v47  }
0x1bf: {  	v43 =	vshll.u32 v43, $0x4;
	v36 =	vld.idx.msk [tilespmem:v36+s1+$0x0], $0xffff;
	v52 =	vshra.s32 v48, $0x1;
	v48 =	vxor.u32 $0xFFFFFFFF, v48  }
0x1c0: {  	v53 =	vld.idx.msk [tilespmem:v38+s1+$0x0], $0xffff;
	v38 =	vshll.u32 v29, $0x4;
	v54 =	vshra.s32 v50, $0x1;
	v29 =	vxor.u32 $0xFFFFFFFF, v50  }
0x1c1: {  	v50 =	vld.idx.msk [tilespmem:v39+s1+$0x0], $0xffff;
	v39 =	vshll.u32 v47, $0x4;
	v47 =	vshll.u32 v48, $0x4;
	v48 =	vshll.u32 v29, $0x4  }
0x1c2: {  	v55 =	vand.u32 $0x10, v24;
	v56 =	vand.u32 $0x10, v31;
	v32 =	vand.u32 $0x10, v32;
	v41 =	vld.idx.msk [tilespmem:v41+s1+$0x0], $0xffff  }
0x1c3: {  	v57 =	vand.u32 $0x10, v28;
	v58 =	vand.u32 $0x10, v26;
	v59 =	vand.u32 $0x10, v30;
	v44 =	vld.idx.msk [tilespmem:v44+s1+$0x0], $0xffff  }
0x1c4: {  	v60 =	vand.u32 $0x10, v33;
	v35 =	vand.u32 $0x10, v35;
	v61 =	vand.u32 $0x10, v27;
	v46 =	vld.idx.msk [tilespmem:v46+s1+$0x0], $0xffff  }
0x1c5: {  	v28 =	vand.u32 $0x10, v43;
	v29 =	vand.u32 $0x10, v40;
	v27 =	vand.u32 $0x10, v38;
	v30 =	vld.idx.msk [tilespmem:v49+s1+$0x0], $0xffff  }
.Ltmp5:
0x1c6: {  	v26 =	vand.u32 $0x10, v39;
	v24 =	vand.u32 $0x10, v48;
	v31 =	vld.idx.msk [tilespmem:v25+s1+$0x0], $0xffff;
	v25 =	vand.u32 $0x10, v47;
	(pc) =	sbr.rel @p2 .LBB2_12-.Ltmp5, $4  }
0x1c7: {  	v40 =	vshll.u32 v42, v55;
	v42 =	vshll.u32 v51, v56;
	v43 =	vshll.u32 v34, v32;
	v32 =	vld.idx.msk [tilespmem:v37+s1+$0x0], $0xffff  }
0x1c8: {  	v38 =	vshll.u32 v36, v57;
	v39 =	vshll.u32 v53, v58;
	v36 =	vshll.u32 v50, v59;
	v33 =	vld.idx.msk [tilespmem:v45+s1+$0x0], $0xffff  }
0x1c9: {  	v8 =	vmul.f32 v40, v8;
	v40 =	vshll.u32 v41, v60;
	v37 =	vshll.u32 v44, v35;
	v34 =	vld.idx.msk [tilespmem:v52+s1+$0x0], $0xffff  }
0x1ca: {  	s8 =	sshra.s32 s31, $0x2;
	s31 =	sadd.s32 $0x400, s31;
	v11 =	vmul.f32 v42, v11;
	v9 =	vmul.f32 v43, v9;
	v41 =	vshll.u32 v46, v61;
	v35 =	vld.idx.msk [tilespmem:v54+s1+$0x0], $0xffff  }
0x1cb: {  	v42 =	vld [tilespmem:s8+$0x10140]  }
0x1cc: {  	v29 =	vshll.u32 v30, v29;
	v30 =	vld [tilespmem:s8+$0x10050]  }
0x1cd: {  	v53 =	vld [tilespmem:s8+$0x10060]  }
0x1ce: {  	v12 =	vmul.f32 v38, v12;
	v23 =	vmul.f32 v39, v23;
	v54 =	vld [tilespmem:s8+$0x10080]  }
0x1cf: {  	v21 =	vmul.f32 v36, v21;
	v22 =	vmul.f32 v40, v22;
	v28 =	vshll.u32 v31, v28;
	v55 =	vld [tilespmem:s8+$0x10100]  }
0x1d0: {  	v18 =	vmul.f32 v37, v18;
	v19 =	vmul.f32 v41, v19;
	v57 =	vld [tilespmem:s8+$0x10090];
	v27 =	vshll.u32 v32, v27  }
0x1d1: {  	v60 =	vld [tilespmem:s8+$0x10110];
	v16 =	vmul.f32 v29, v16;
	v17 =	vmul.f32 v28, v17;
	v26 =	vshll.u32 v33, v26  }
0x1d2: {  	v43 =	vld [tilespmem:s8+$0x100A0];
	v14 =	vmul.f32 v27, v14;
	v20 =	vmul.f32 v26, v20;
	v25 =	vshll.u32 v34, v25  }
0x1d3: {  	v45 =	vld [tilespmem:s8+$0x10120];
	v15 =	vmul.f32 v25, v15;
	v24 =	vshll.u32 v35, v24;
	v27 =	vshra.s32 v42, $0x1  }
0x1d4: {  	v47 =	vld [tilespmem:s8+$0x100B0];
	v25 =	vshra.s32 v30, $0x1;
	v29 =	vxor.u32 $0xFFFFFFFF, v30;
	v13 =	vmul.f32 v24, v13  }
0x1d5: {  	v48 =	vld [tilespmem:s8+$0x10130];
	v34 =	vshra.s32 v53, $0x1;
	v32 =	vxor.u32 $0xFFFFFFFF, v53;
	v61 =	vshra.s32 v54, $0x1  }
0x1d6: {  	v50 =	vld [tilespmem:s8+$0x100C0];
	v33 =	vxor.u32 $0xFFFFFFFF, v54;
	v44 =	vshra.s32 v55, $0x1;
	v35 =	vxor.u32 $0xFFFFFFFF, v55  }
0x1d7: {  	v31 =	vld [tilespmem:s8+$0x100D0];
	v42 =	vxor.u32 $0xFFFFFFFF, v42;
	v46 =	vshra.s32 v57, $0x1;
	v37 =	vxor.u32 $0xFFFFFFFF, v57  }
0x1d8: {  	v28 =	vld [tilespmem:s8+$0x100E0];
	v49 =	vshra.s32 v60, $0x1;
	v40 =	vxor.u32 $0xFFFFFFFF, v60;
	v62 =	vshra.s32 v43, $0x1  }
0x1d9: {  	v43 =	vxor.u32 $0xFFFFFFFF, v43;
	v63 =	vshra.s32 v45, $0x1;
	v45 =	vxor.u32 $0xFFFFFFFF, v45  }
0x1da: {  	v51 =	vshra.s32 v47, $0x1;
	v47 =	vxor.u32 $0xFFFFFFFF, v47;
	v52 =	vshra.s32 v48, $0x1  }
0x1db: {  	v48 =	vxor.u32 $0xFFFFFFFF, v48;
	v53 =	vshra.s32 v50, $0x1;
	v50 =	vxor.u32 $0xFFFFFFFF, v50  }
0x1dc: {  	v24 =	vshll.u32 v29, $0x4;
	v29 =	vshra.s32 v31, $0x1;
	v31 =	vxor.u32 $0xFFFFFFFF, v31  }
0x1dd: {  	v32 =	vshll.u32 v32, $0x4;
	v56 =	vshra.s32 v28, $0x1;
	v28 =	vxor.u32 $0xFFFFFFFF, v28  }
0x1de: {  	v26 =	vld [tilespmem:s8+$0x10070];
	v42 =	vshll.u32 v42, $0x4;
	v33 =	vshll.u32 v33, $0x4;
	v35 =	vshll.u32 v35, $0x4  }
0x1df: {  	v30 =	vld [tilespmem:s8+$0x100F0];
	v40 =	vshll.u32 v40, $0x4;
	v43 =	vshll.u32 v43, $0x4;
	v45 =	vshll.u32 v45, $0x4  }
0x1e0: {  	v47 =	vshll.u32 v47, $0x4;
	v48 =	vshll.u32 v48, $0x4;
	v50 =	vshll.u32 v50, $0x4;
	v27 =	vld.idx.msk [tilespmem:v27+s1+$0x0], $0xffff  }
0x1e1: {  	v31 =	vshll.u32 v31, $0x4;
	v28 =	vshll.u32 v28, $0x4;
	v42 =	vand.u32 $0x10, v42;
	v25 =	vld.idx.msk [tilespmem:v25+s1+$0x0], $0xffff  }
0x1e2: {  	v24 =	vand.u32 $0x10, v24;
	v32 =	vand.u32 $0x10, v32;
	v33 =	vand.u32 $0x10, v33;
	v34 =	vld.idx.msk [tilespmem:v34+s1+$0x0], $0xffff  }
0x1e3: {  	v35 =	vand.u32 $0x10, v35;
	v40 =	vand.u32 $0x10, v40;
	v43 =	vand.u32 $0x10, v43;
	v44 =	vld.idx.msk [tilespmem:v44+s1+$0x0], $0xffff  }
0x1e4: {  	v45 =	vand.u32 $0x10, v45;
	v47 =	vand.u32 $0x10, v47;
	v58 =	vshra.s32 v26, $0x1;
	v29 =	vld.idx.msk [tilespmem:v29+s1+$0x0], $0xffff  }
0x1e5: {  	v48 =	vand.u32 $0x10, v48;
	v50 =	vand.u32 $0x10, v50;
	v26 =	vxor.u32 $0xFFFFFFFF, v26;
	v36 =	vld.idx.msk [tilespmem:v56+s1+$0x0], $0xffff  }
0x1e6: {  	v31 =	vand.u32 $0x10, v31;
	v26 =	vshll.u32 v26, $0x4;
	v59 =	vshra.s32 v30, $0x1;
	v41 =	vld.idx.msk [tilespmem:v61+s1+$0x0], $0xffff  }
0x1e7: {  	v28 =	vand.u32 $0x10, v28;
	v30 =	vxor.u32 $0xFFFFFFFF, v30;
	v26 =	vand.u32 $0x10, v26;
	v46 =	vld.idx.msk [tilespmem:v46+s1+$0x0], $0xffff  }
0x1e8: {  	v49 =	vld.idx.msk [tilespmem:v49+s1+$0x0], $0xffff;
	v30 =	vshll.u32 v30, $0x4;
	v27 =	vshll.u32 v27, v42;
	v24 =	vshll.u32 v25, v24  }
0x1e9: {  	v38 =	vld.idx.msk [tilespmem:v58+s1+$0x0], $0xffff;
	v44 =	vshll.u32 v44, v35;
	v10 =	vmul.f32 v27, v10;
	v27 =	vshll.u32 v37, $0x4  }
0x1ea: {  	v25 =	vshll.u32 v29, v31;
	v29 =	vshll.u32 v34, v32;
	v28 =	vshll.u32 v36, v28  }
0x1eb: {  	v39 =	vld.idx.msk [tilespmem:v59+s1+$0x0], $0xffff;
	v8 =	vmul.f32 v24, v8;
	v24 =	vshll.u32 v41, v33;
	v18 =	vmul.f32 v44, v18  }
0x1ec: {  	v42 =	vld.idx.msk [tilespmem:v63+s1+$0x0], $0xffff;
	v27 =	vand.u32 $0x10, v27;
	v11 =	vmul.f32 v25, v11;
	v9 =	vmul.f32 v29, v9  }
0x1ed: {  	v31 =	vld.idx.msk [tilespmem:v62+s1+$0x0], $0xffff;
	v12 =	vmul.f32 v28, v12;
	v29 =	vshll.u32 v49, v40;
	v22 =	vmul.f32 v24, v22  }
0x1ee: {  	v25 =	vld.idx.msk [tilespmem:v51+s1+$0x0], $0xffff;
	v26 =	vshll.u32 v38, v26;
	v27 =	vshll.u32 v46, v27;
	v16 =	vmul.f32 v29, v16  }
0x1ef: {  	v30 =	vand.u32 $0x10, v30;
	v28 =	vld.idx.msk [tilespmem:v52+s1+$0x0], $0xffff;
	v23 =	vmul.f32 v26, v23;
	v19 =	vmul.f32 v27, v19  }
0x1f0: {  	v8 =	vmul.f32 v11, v8;
	v9 =	vmul.f32 v12, v9;
	v30 =	vshll.u32 v39, v30  }
0x1f1: {  	v18 =	vmul.f32 v18, v22;
	v27 =	vshll.u32 v42, v45;
	v21 =	vmul.f32 v30, v21  }
0x1f2: {  	v26 =	vld.idx.msk [tilespmem:v53+s1+$0x0], $0xffff;
	v24 =	vshll.u32 v31, v43;
	v14 =	vmul.f32 v27, v14;
	v8 =	vsub.f32 $1.000000000e+00, v8  }
0x1f3: {  	v9 =	vsub.f32 $1.000000000e+00, v9;
	v16 =	vmul.f32 v16, v19;
	v17 =	vmul.f32 v24, v17  }
0x1f4: {  	v11 =	vshll.u32 v25, v47;
	v12 =	vshll.u32 v28, v48;
	v21 =	vmul.f32 v21, v23  }
0x1f5: {  	v18 =	vsub.f32 $1.000000000e+00, v18;
	v11 =	vmul.f32 v11, v20;
	v12 =	vmul.f32 v12, v15  }
0x1f6: {  	v8 =	vmax.f32 v8, $9.999999740e-05;
	v9 =	vmax.f32 v9, $9.999999740e-05;
	v15 =	vsub.f32 $1.000000000e+00, v21  }
0x1f7: {  	s21 =	rddreg [dreg:$0xc];
	v20 =	vshll.u32 v26, v50;
	v8 =	vmin.f32 v8, $9.999899860e-01;
	v9 =	vmin.f32 v9, $9.999899860e-01  }
0x1f8: {  	[tilespmem:s15], [sflag:$0x1] =	stream.strided.gather [hbm4b:s21+s28], $0x6400, s29, s28, $0x200038;
	v14 =	vmul.f32 v14, v17;
	v13 =	vmul.f32 v20, v13;
	v15 =	vmax.f32 v15, $9.999999740e-05;
	[tilespmem:$0x1CA50] =	vst v63  }
0x1f9: {  	[tilespmem:$0x1C850] =	vst v8;
	v11 =	vmul.f32 v12, v11;
	v8 =	vmin.f32 v15, $9.999899860e-01;
	v15 =	vsub.f32 $1.000000000e+00, v16  }
0x1fa: {  	[tilespmem:$0x1C860] =	vst v9;
	v9 =	vmax.f32 v18, $9.999999740e-05;
	v12 =	vsub.f32 $1.000000000e+00, v14;
	v10 =	vmul.f32 v10, v13  }
0x1fb: {  	v11 =	vsub.f32 $1.000000000e+00, v11;
	[tilespmem:$0x1C870] =	vst v8;
	v8 =	vmin.f32 v9, $9.999899860e-01;
	v9 =	vmax.f32 v15, $9.999999740e-05  }
0x1fc: {  	v10 =	vsub.f32 $1.000000000e+00, v10;
	[tilespmem:$0x1C880] =	vst v8;
	v8 =	vmin.f32 v9, $9.999899860e-01;
	v9 =	vmax.f32 v12, $9.999999740e-05  }
0x1fd: {  	[tilespmem:$0x1C890] =	vst v8;
	v8 =	vmin.f32 v9, $9.999899860e-01;
	v9 =	vmax.f32 v11, $9.999999740e-05  }
0x1fe: {  	[tilespmem:$0x1C8A0] =	vst v8;
	v8 =	vmin.f32 v9, $9.999899860e-01;
	v9 =	vmax.f32 v10, $9.999999740e-05  }
0x1ff: {  	[tilespmem:$0x1C8B0] =	vst v8;
	v8 =	vmin.f32 v9, $9.999899860e-01  }
0x200: {  	[tilespmem:$0x1C8C0] =	vst v8  }
0x201: {  	_ =	swait.ge [sflag:s3], $0x6400  }
0x202: {  	[sflag:s3] =	ssyncset.done $0x0  }
0x203: {  	s22 =	simm.s32 $0x0;
	[sflag:s3] =	ssyncadd.s32 $0xFFFF9C00  }
0x204: {  	v8 =	vld [tilespmem:s22+$0x16540]  }
0x205: {  	v9 =	vld [tilespmem:s22+$0x16450]  }
0x206: {  	v10 =	vld [tilespmem:s22+$0x164D0]  }
0x207: {  	v11 =	vld [tilespmem:s22+$0x16460]  }
0x208: {  	v19 =	vld [tilespmem:s22+$0x16480]  }
0x209: {  	v21 =	vld [tilespmem:s22+$0x16500]  }
0x20a: {  	v23 =	vld [tilespmem:s22+$0x16490]  }
0x20b: {  	v26 =	vld [tilespmem:s22+$0x16510]  }
0x20c: {  	v12 =	vimm.f32 $1.000000000e+00;
	v49 =	vld [tilespmem:s22+$0x164B0];
	v15 =	vshra.s32 v8, $0x1;
	v16 =	vxor.u32 $0xFFFFFFFF, v9  }
0x20d: {  	v50 =	vld [tilespmem:s22+$0x16530];
	v9 =	vshra.s32 v9, $0x1;
	v18 =	vxor.u32 $0xFFFFFFFF, v10;
	v20 =	vshra.s32 v10, $0x1  }
0x20e: {  	v52 =	vld [tilespmem:s22+$0x164C0];
	v10 =	vxor.u32 $0xFFFFFFFF, v11;
	v11 =	vshra.s32 v11, $0x1;
	v28 =	vshra.s32 v19, $0x1  }
0x20f: {  	v13 =	vld [tilespmem:s22+$0x164E0];
	v19 =	vxor.u32 $0xFFFFFFFF, v19;
	v29 =	vshra.s32 v21, $0x1;
	v21 =	vxor.u32 $0xFFFFFFFF, v21  }
0x210: {  	v8 =	vxor.u32 $0xFFFFFFFF, v8;
	v31 =	vshra.s32 v23, $0x1;
	v23 =	vxor.u32 $0xFFFFFFFF, v23  }
0x211: {  	v14 =	vld [tilespmem:s22+$0x16470];
	v51 =	vshra.s32 v26, $0x1;
	v26 =	vxor.u32 $0xFFFFFFFF, v26;
	v54 =	vshra.s32 v49, $0x1  }
0x212: {  	v17 =	vld [tilespmem:s22+$0x164F0];
	v32 =	vxor.u32 $0xFFFFFFFF, v49;
	v55 =	vshra.s32 v50, $0x1;
	v33 =	vxor.u32 $0xFFFFFFFF, v50  }
0x213: {  	v56 =	vshra.s32 v52, $0x1;
	v35 =	vxor.u32 $0xFFFFFFFF, v52;
	v16 =	vshll.u32 v16, $0x4  }
0x214: {  	v18 =	vshll.u32 v18, $0x4;
	v22 =	vshll.u32 v10, $0x4;
	v10 =	vxor.u32 $0xFFFFFFFF, v13  }
0x215: {  	v13 =	vshra.s32 v13, $0x1;
	v8 =	vshll.u32 v8, $0x4;
	v19 =	vshll.u32 v19, $0x4  }
0x216: {  	v21 =	vshll.u32 v21, $0x4;
	v24 =	vshll.u32 v10, $0x4;
	v10 =	vxor.u32 $0xFFFFFFFF, v14  }
0x217: {  	v30 =	vld [tilespmem:s22+$0x16520];
	v26 =	vshll.u32 v26, $0x4;
	v25 =	vshll.u32 v10, $0x4;
	v10 =	vxor.u32 $0xFFFFFFFF, v17  }
0x218: {  	v32 =	vshll.u32 v32, $0x4;
	v33 =	vshll.u32 v33, $0x4;
	v27 =	vshll.u32 v10, $0x4;
	v10 =	vld [tilespmem:s22+$0x164A0]  }
0x219: {  	v35 =	vshll.u32 v35, $0x4;
	v14 =	vshra.s32 v14, $0x1;
	v8 =	vand.u32 $0x10, v8;
	v15 =	vld.idx.msk [tilespmem:v15+s1+$0x0], $0xffff  }
0x21a: {  	v16 =	vand.u32 $0x10, v16;
	v18 =	vand.u32 $0x10, v18;
	v22 =	vand.u32 $0x10, v22;
	v59 =	vld.idx.msk [tilespmem:v28+s1+$0x0], $0xffff  }
0x21b: {  	v19 =	vand.u32 $0x10, v19;
	v21 =	vand.u32 $0x10, v21;
	v17 =	vshra.s32 v17, $0x1;
	v61 =	vld.idx.msk [tilespmem:v29+s1+$0x0], $0xffff  }
0x21c: {  	v57 =	vand.u32 $0x10, v24;
	v24 =	vand.u32 $0x10, v35;
	v58 =	vand.u32 $0x10, v25;
	v9 =	vld.idx.msk [tilespmem:v9+s1+$0x0], $0xffff  }
0x21d: {  	v25 =	vand.u32 $0x10, v33;
	v60 =	vand.u32 $0x10, v27;
	v29 =	vand.u32 $0x10, v26;
	v13 =	vld.idx.msk [tilespmem:v13+s1+$0x0], $0xffff  }
0x21e: {  	v20 =	vld.idx.msk [tilespmem:v20+s1+$0x0], $0xffff;
	v26 =	vand.u32 $0x10, v32;
	v53 =	vxor.u32 $0xFFFFFFFF, v10;
	v8 =	vshll.u32 v15, v8  }
0x21f: {  	v11 =	vld.idx.msk [tilespmem:v11+s1+$0x0], $0xffff;
	v15 =	vshra.s32 v10, $0x1;
	v36 =	vshll.u32 v53, $0x4;
	v40 =	vshll.u32 v59, v19  }
0x220: {  	v14 =	vld.idx.msk [tilespmem:v14+s1+$0x0], $0xffff;
	v37 =	vshll.u32 v61, v21;
	v21 =	vimm.f32 $1.000000000e+00;
	v19 =	vimm.f32 $1.000000000e+00  }
0x221: {  	v10 =	vmul.f32 v8, v12;
	v8 =	vshll.u32 v23, $0x4;
	v23 =	vshra.s32 v30, $0x1  }
0x222: {  	v17 =	vld.idx.msk [tilespmem:v17+s1+$0x0], $0xffff;
	v30 =	vxor.u32 $0xFFFFFFFF, v30;
	v28 =	vand.u32 $0x10, v36;
	v38 =	vshll.u32 v13, v57  }
0x223: {  	v63 =	vld.idx.msk [tilespmem:v31+s1+$0x0], $0xffff;
	v13 =	vimm.f32 $1.000000000e+00;
	v30 =	vshll.u32 v30, $0x4;
	v62 =	vand.u32 $0x10, v8  }
0x224: {  	v33 =	vld.idx.msk [tilespmem:v54+s1+$0x0], $0xffff;
	v8 =	vshll.u32 v9, v16;
	v9 =	vshll.u32 v20, v18;
	v16 =	vshll.u32 v11, v22  }
0x225: {  	v39 =	vshll.u32 v14, v58;
	v22 =	vimm.f32 $1.000000000e+00;
	v27 =	vand.u32 $0x10, v30;
	v30 =	vld.idx.msk [tilespmem:v51+s1+$0x0], $0xffff  }
0x226: {  	v18 =	vimm.f32 $1.000000000e+00;
	v14 =	vimm.f32 $1.000000000e+00;
	v20 =	vimm.f32 $1.000000000e+00;
	v31 =	vld.idx.msk [tilespmem:v15+s1+$0x0], $0xffff  }
0x227: {  	v36 =	vshll.u32 v17, v60;
	v8 =	vmul.f32 v8, v12;
	v11 =	vmul.f32 v9, v12;
	v32 =	vld.idx.msk [tilespmem:v23+s1+$0x0], $0xffff  }
0x228: {  	v34 =	vld.idx.msk [tilespmem:v55+s1+$0x0], $0xffff;
	v9 =	vmul.f32 v16, v12;
	v41 =	vshll.u32 v63, v62;
	v16 =	vimm.f32 $1.000000000e+00  }
0x229: {  	s31 =	simm.s32 $0x800;
	s8 =	simm.s32 $0x100;
	v35 =	vld.idx.msk [tilespmem:v56+s1+$0x0], $0xffff;
	v17 =	vimm.f32 $1.000000000e+00;
	v15 =	vimm.f32 $1.000000000e+00;
	v23 =	vimm.f32 $1.000000000e+00  }
.LBB2_14:
0x22a: {  	p2 =	sne.s32 s31, $0x18C00;
	v42 =	vld [tilespmem:s8+$0x16540];
	v12 =	vmul.f32 v38, v12;
	v23 =	vmul.f32 v39, v23;
	v29 =	vshll.u32 v30, v29  }
0x22b: {  	v21 =	vmul.f32 v36, v21;
	v22 =	vmul.f32 v40, v22;
	v28 =	vshll.u32 v31, v28;
	v30 =	vld [tilespmem:s8+$0x16450]  }
0x22c: {  	v18 =	vmul.f32 v37, v18;
	v19 =	vmul.f32 v41, v19;
	v27 =	vshll.u32 v32, v27;
	v31 =	vld [tilespmem:s8+$0x164D0]  }
0x22d: {  	v16 =	vmul.f32 v29, v16;
	v17 =	vmul.f32 v28, v17;
	v26 =	vshll.u32 v33, v26;
	v32 =	vld [tilespmem:s8+$0x16460]  }
0x22e: {  	v14 =	vmul.f32 v27, v14;
	v20 =	vmul.f32 v26, v20;
	v25 =	vshll.u32 v34, v25;
	v28 =	vld [tilespmem:s8+$0x164E0]  }
0x22f: {  	v15 =	vmul.f32 v25, v15;
	v24 =	vshll.u32 v35, v24;
	v26 =	vld [tilespmem:s8+$0x16470];
	v27 =	vshra.s32 v42, $0x1  }
0x230: {  	v13 =	vmul.f32 v24, v13;
	v25 =	vshra.s32 v30, $0x1;
	v29 =	vxor.u32 $0xFFFFFFFF, v30;
	v30 =	vld [tilespmem:s8+$0x164F0]  }
0x231: {  	v24 =	vshll.u32 v29, $0x4;
	v29 =	vshra.s32 v31, $0x1;
	v31 =	vxor.u32 $0xFFFFFFFF, v31;
	v33 =	vld [tilespmem:s8+$0x16480]  }
0x232: {  	v31 =	vshll.u32 v31, $0x4;
	v34 =	vshra.s32 v32, $0x1;
	v32 =	vxor.u32 $0xFFFFFFFF, v32;
	v35 =	vld [tilespmem:s8+$0x16500]  }
0x233: {  	v32 =	vshll.u32 v32, $0x4;
	v36 =	vshra.s32 v28, $0x1;
	v28 =	vxor.u32 $0xFFFFFFFF, v28;
	v37 =	vld [tilespmem:s8+$0x16490]  }
0x234: {  	v28 =	vshll.u32 v28, $0x4;
	v38 =	vshra.s32 v26, $0x1;
	v26 =	vxor.u32 $0xFFFFFFFF, v26;
	v27 =	vld.idx.msk [tilespmem:v27+s1+$0x0], $0xffff  }
0x235: {  	v26 =	vshll.u32 v26, $0x4;
	v39 =	vshra.s32 v30, $0x1;
	v30 =	vxor.u32 $0xFFFFFFFF, v30;
	v40 =	vld [tilespmem:s8+$0x16510]  }
0x236: {  	v30 =	vshll.u32 v30, $0x4;
	v41 =	vshra.s32 v33, $0x1;
	v33 =	vxor.u32 $0xFFFFFFFF, v33;
	v43 =	vld [tilespmem:s8+$0x164A0]  }
0x237: {  	v42 =	vxor.u32 $0xFFFFFFFF, v42;
	v44 =	vshra.s32 v35, $0x1;
	v35 =	vxor.u32 $0xFFFFFFFF, v35;
	v45 =	vld [tilespmem:s8+$0x16520]  }
0x238: {  	v42 =	vshll.u32 v42, $0x4;
	v46 =	vshra.s32 v37, $0x1;
	v37 =	vxor.u32 $0xFFFFFFFF, v37;
	v47 =	vld [tilespmem:s8+$0x164B0]  }
0x239: {  	v42 =	vand.u32 $0x10, v42;
	v33 =	vshll.u32 v33, $0x4;
	v35 =	vshll.u32 v35, $0x4;
	v48 =	vld [tilespmem:s8+$0x16530]  }
0x23a: {  	v27 =	vshll.u32 v27, v42;
	v49 =	vshra.s32 v40, $0x1;
	v40 =	vxor.u32 $0xFFFFFFFF, v40;
	v50 =	vld [tilespmem:s8+$0x164C0]  }
0x23b: {  	v10 =	vmul.f32 v27, v10;
	v42 =	vld.idx.msk [tilespmem:v25+s1+$0x0], $0xffff;
	v25 =	vshra.s32 v43, $0x1;
	v43 =	vxor.u32 $0xFFFFFFFF, v43  }
0x23c: {  	v27 =	vshll.u32 v37, $0x4;
	v51 =	vld.idx.msk [tilespmem:v29+s1+$0x0], $0xffff;
	v37 =	vshra.s32 v45, $0x1;
	v29 =	vxor.u32 $0xFFFFFFFF, v45  }
0x23d: {  	v40 =	vshll.u32 v40, $0x4;
	v34 =	vld.idx.msk [tilespmem:v34+s1+$0x0], $0xffff;
	v45 =	vshra.s32 v47, $0x1;
	v47 =	vxor.u32 $0xFFFFFFFF, v47  }
0x23e: {  	v43 =	vshll.u32 v43, $0x4;
	v36 =	vld.idx.msk [tilespmem:v36+s1+$0x0], $0xffff;
	v52 =	vshra.s32 v48, $0x1;
	v48 =	vxor.u32 $0xFFFFFFFF, v48  }
0x23f: {  	v53 =	vld.idx.msk [tilespmem:v38+s1+$0x0], $0xffff;
	v38 =	vshll.u32 v29, $0x4;
	v54 =	vshra.s32 v50, $0x1;
	v29 =	vxor.u32 $0xFFFFFFFF, v50  }
0x240: {  	v50 =	vld.idx.msk [tilespmem:v39+s1+$0x0], $0xffff;
	v39 =	vshll.u32 v47, $0x4;
	v47 =	vshll.u32 v48, $0x4;
	v48 =	vshll.u32 v29, $0x4  }
0x241: {  	v55 =	vand.u32 $0x10, v24;
	v56 =	vand.u32 $0x10, v31;
	v32 =	vand.u32 $0x10, v32;
	v41 =	vld.idx.msk [tilespmem:v41+s1+$0x0], $0xffff  }
0x242: {  	v57 =	vand.u32 $0x10, v28;
	v58 =	vand.u32 $0x10, v26;
	v59 =	vand.u32 $0x10, v30;
	v44 =	vld.idx.msk [tilespmem:v44+s1+$0x0], $0xffff  }
0x243: {  	v60 =	vand.u32 $0x10, v33;
	v35 =	vand.u32 $0x10, v35;
	v61 =	vand.u32 $0x10, v27;
	v46 =	vld.idx.msk [tilespmem:v46+s1+$0x0], $0xffff  }
0x244: {  	v28 =	vand.u32 $0x10, v43;
	v29 =	vand.u32 $0x10, v40;
	v27 =	vand.u32 $0x10, v38;
	v30 =	vld.idx.msk [tilespmem:v49+s1+$0x0], $0xffff  }
.Ltmp6:
0x245: {  	v26 =	vand.u32 $0x10, v39;
	v24 =	vand.u32 $0x10, v48;
	v31 =	vld.idx.msk [tilespmem:v25+s1+$0x0], $0xffff;
	v25 =	vand.u32 $0x10, v47;
	(pc) =	sbr.rel @p2 .LBB2_14-.Ltmp6, $4  }
0x246: {  	v40 =	vshll.u32 v42, v55;
	v42 =	vshll.u32 v51, v56;
	v43 =	vshll.u32 v34, v32;
	v32 =	vld.idx.msk [tilespmem:v37+s1+$0x0], $0xffff  }
0x247: {  	v38 =	vshll.u32 v36, v57;
	v39 =	vshll.u32 v53, v58;
	v36 =	vshll.u32 v50, v59;
	v33 =	vld.idx.msk [tilespmem:v45+s1+$0x0], $0xffff  }
0x248: {  	v8 =	vmul.f32 v40, v8;
	v40 =	vshll.u32 v41, v60;
	v37 =	vshll.u32 v44, v35;
	v34 =	vld.idx.msk [tilespmem:v52+s1+$0x0], $0xffff  }
0x249: {  	s8 =	sshra.s32 s31, $0x2;
	s31 =	sadd.s32 $0x400, s31;
	v11 =	vmul.f32 v42, v11;
	v9 =	vmul.f32 v43, v9;
	v41 =	vshll.u32 v46, v61;
	v35 =	vld.idx.msk [tilespmem:v54+s1+$0x0], $0xffff  }
0x24a: {  	v42 =	vld [tilespmem:s8+$0x16540]  }
0x24b: {  	v29 =	vshll.u32 v30, v29;
	v30 =	vld [tilespmem:s8+$0x16450]  }
0x24c: {  	v53 =	vld [tilespmem:s8+$0x16460]  }
0x24d: {  	v12 =	vmul.f32 v38, v12;
	v23 =	vmul.f32 v39, v23;
	v54 =	vld [tilespmem:s8+$0x16480]  }
0x24e: {  	v21 =	vmul.f32 v36, v21;
	v22 =	vmul.f32 v40, v22;
	v28 =	vshll.u32 v31, v28;
	v55 =	vld [tilespmem:s8+$0x16500]  }
0x24f: {  	v18 =	vmul.f32 v37, v18;
	v19 =	vmul.f32 v41, v19;
	v57 =	vld [tilespmem:s8+$0x16490];
	v27 =	vshll.u32 v32, v27  }
0x250: {  	v60 =	vld [tilespmem:s8+$0x16510];
	v16 =	vmul.f32 v29, v16;
	v17 =	vmul.f32 v28, v17;
	v26 =	vshll.u32 v33, v26  }
0x251: {  	v43 =	vld [tilespmem:s8+$0x164A0];
	v14 =	vmul.f32 v27, v14;
	v20 =	vmul.f32 v26, v20;
	v25 =	vshll.u32 v34, v25  }
0x252: {  	v45 =	vld [tilespmem:s8+$0x16520];
	v15 =	vmul.f32 v25, v15;
	v24 =	vshll.u32 v35, v24;
	v27 =	vshra.s32 v42, $0x1  }
0x253: {  	v47 =	vld [tilespmem:s8+$0x164B0];
	v25 =	vshra.s32 v30, $0x1;
	v29 =	vxor.u32 $0xFFFFFFFF, v30;
	v13 =	vmul.f32 v24, v13  }
0x254: {  	v48 =	vld [tilespmem:s8+$0x16530];
	v34 =	vshra.s32 v53, $0x1;
	v32 =	vxor.u32 $0xFFFFFFFF, v53;
	v61 =	vshra.s32 v54, $0x1  }
0x255: {  	v50 =	vld [tilespmem:s8+$0x164C0];
	v33 =	vxor.u32 $0xFFFFFFFF, v54;
	v44 =	vshra.s32 v55, $0x1;
	v35 =	vxor.u32 $0xFFFFFFFF, v55  }
0x256: {  	v31 =	vld [tilespmem:s8+$0x164D0];
	v42 =	vxor.u32 $0xFFFFFFFF, v42;
	v46 =	vshra.s32 v57, $0x1;
	v37 =	vxor.u32 $0xFFFFFFFF, v57  }
0x257: {  	v28 =	vld [tilespmem:s8+$0x164E0];
	v49 =	vshra.s32 v60, $0x1;
	v40 =	vxor.u32 $0xFFFFFFFF, v60;
	v62 =	vshra.s32 v43, $0x1  }
0x258: {  	v43 =	vxor.u32 $0xFFFFFFFF, v43;
	v63 =	vshra.s32 v45, $0x1;
	v45 =	vxor.u32 $0xFFFFFFFF, v45  }
0x259: {  	v51 =	vshra.s32 v47, $0x1;
	v47 =	vxor.u32 $0xFFFFFFFF, v47;
	v52 =	vshra.s32 v48, $0x1  }
0x25a: {  	v48 =	vxor.u32 $0xFFFFFFFF, v48;
	v53 =	vshra.s32 v50, $0x1;
	v50 =	vxor.u32 $0xFFFFFFFF, v50  }
0x25b: {  	v24 =	vshll.u32 v29, $0x4;
	v29 =	vshra.s32 v31, $0x1;
	v31 =	vxor.u32 $0xFFFFFFFF, v31  }
0x25c: {  	v32 =	vshll.u32 v32, $0x4;
	v56 =	vshra.s32 v28, $0x1;
	v28 =	vxor.u32 $0xFFFFFFFF, v28  }
0x25d: {  	v26 =	vld [tilespmem:s8+$0x16470];
	v42 =	vshll.u32 v42, $0x4;
	v33 =	vshll.u32 v33, $0x4;
	v35 =	vshll.u32 v35, $0x4  }
0x25e: {  	v30 =	vld [tilespmem:s8+$0x164F0];
	v40 =	vshll.u32 v40, $0x4;
	v43 =	vshll.u32 v43, $0x4;
	v45 =	vshll.u32 v45, $0x4  }
0x25f: {  	v47 =	vshll.u32 v47, $0x4;
	v48 =	vshll.u32 v48, $0x4;
	v50 =	vshll.u32 v50, $0x4;
	v27 =	vld.idx.msk [tilespmem:v27+s1+$0x0], $0xffff  }
0x260: {  	v31 =	vshll.u32 v31, $0x4;
	v28 =	vshll.u32 v28, $0x4;
	v42 =	vand.u32 $0x10, v42;
	v25 =	vld.idx.msk [tilespmem:v25+s1+$0x0], $0xffff  }
0x261: {  	v24 =	vand.u32 $0x10, v24;
	v32 =	vand.u32 $0x10, v32;
	v33 =	vand.u32 $0x10, v33;
	v34 =	vld.idx.msk [tilespmem:v34+s1+$0x0], $0xffff  }
0x262: {  	v35 =	vand.u32 $0x10, v35;
	v40 =	vand.u32 $0x10, v40;
	v43 =	vand.u32 $0x10, v43;
	v44 =	vld.idx.msk [tilespmem:v44+s1+$0x0], $0xffff  }
0x263: {  	v45 =	vand.u32 $0x10, v45;
	v47 =	vand.u32 $0x10, v47;
	v58 =	vshra.s32 v26, $0x1;
	v29 =	vld.idx.msk [tilespmem:v29+s1+$0x0], $0xffff  }
0x264: {  	v48 =	vand.u32 $0x10, v48;
	v50 =	vand.u32 $0x10, v50;
	v26 =	vxor.u32 $0xFFFFFFFF, v26;
	v36 =	vld.idx.msk [tilespmem:v56+s1+$0x0], $0xffff  }
0x265: {  	v31 =	vand.u32 $0x10, v31;
	v26 =	vshll.u32 v26, $0x4;
	v59 =	vshra.s32 v30, $0x1;
	v41 =	vld.idx.msk [tilespmem:v61+s1+$0x0], $0xffff  }
0x266: {  	v28 =	vand.u32 $0x10, v28;
	v30 =	vxor.u32 $0xFFFFFFFF, v30;
	v26 =	vand.u32 $0x10, v26;
	v46 =	vld.idx.msk [tilespmem:v46+s1+$0x0], $0xffff  }
0x267: {  	v49 =	vld.idx.msk [tilespmem:v49+s1+$0x0], $0xffff;
	v30 =	vshll.u32 v30, $0x4;
	v27 =	vshll.u32 v27, v42;
	v24 =	vshll.u32 v25, v24  }
0x268: {  	v38 =	vld.idx.msk [tilespmem:v58+s1+$0x0], $0xffff;
	v44 =	vshll.u32 v44, v35;
	v10 =	vmul.f32 v27, v10;
	v27 =	vshll.u32 v37, $0x4  }
0x269: {  	v25 =	vshll.u32 v29, v31;
	v29 =	vshll.u32 v34, v32;
	v28 =	vshll.u32 v36, v28  }
0x26a: {  	v39 =	vld.idx.msk [tilespmem:v59+s1+$0x0], $0xffff;
	v8 =	vmul.f32 v24, v8;
	v24 =	vshll.u32 v41, v33;
	v18 =	vmul.f32 v44, v18  }
0x26b: {  	v42 =	vld.idx.msk [tilespmem:v63+s1+$0x0], $0xffff;
	v27 =	vand.u32 $0x10, v27;
	v11 =	vmul.f32 v25, v11;
	v9 =	vmul.f32 v29, v9  }
0x26c: {  	v31 =	vld.idx.msk [tilespmem:v62+s1+$0x0], $0xffff;
	v12 =	vmul.f32 v28, v12;
	v29 =	vshll.u32 v49, v40;
	v22 =	vmul.f32 v24, v22  }
0x26d: {  	v25 =	vld.idx.msk [tilespmem:v51+s1+$0x0], $0xffff;
	v26 =	vshll.u32 v38, v26;
	v27 =	vshll.u32 v46, v27;
	v16 =	vmul.f32 v29, v16  }
0x26e: {  	v30 =	vand.u32 $0x10, v30;
	v28 =	vld.idx.msk [tilespmem:v52+s1+$0x0], $0xffff;
	v23 =	vmul.f32 v26, v23;
	v19 =	vmul.f32 v27, v19  }
0x26f: {  	v8 =	vmul.f32 v11, v8;
	v9 =	vmul.f32 v12, v9;
	v30 =	vshll.u32 v39, v30  }
0x270: {  	v18 =	vmul.f32 v18, v22;
	v27 =	vshll.u32 v42, v45;
	v21 =	vmul.f32 v30, v21  }
0x271: {  	v26 =	vld.idx.msk [tilespmem:v53+s1+$0x0], $0xffff;
	v24 =	vshll.u32 v31, v43;
	v14 =	vmul.f32 v27, v14;
	v8 =	vsub.f32 $1.000000000e+00, v8  }
0x272: {  	v9 =	vsub.f32 $1.000000000e+00, v9;
	v16 =	vmul.f32 v16, v19;
	v17 =	vmul.f32 v24, v17  }
0x273: {  	v11 =	vshll.u32 v25, v47;
	v12 =	vshll.u32 v28, v48;
	v21 =	vmul.f32 v21, v23  }
0x274: {  	v18 =	vsub.f32 $1.000000000e+00, v18;
	v11 =	vmul.f32 v11, v20;
	v12 =	vmul.f32 v12, v15  }
0x275: {  	v8 =	vmax.f32 v8, $9.999999740e-05;
	v9 =	vmax.f32 v9, $9.999999740e-05;
	v15 =	vsub.f32 $1.000000000e+00, v21  }
0x276: {  	s21 =	rddreg [dreg:$0xe];
	v20 =	vshll.u32 v26, v50;
	v8 =	vmin.f32 v8, $9.999899860e-01;
	v9 =	vmin.f32 v9, $9.999899860e-01  }
0x277: {  	[tilespmem:s16], [sflag:$0x2] =	stream.strided.gather [hbm4b:s21+s28], $0x6400, s29, s28, $0x200038;
	v14 =	vmul.f32 v14, v17;
	v13 =	vmul.f32 v20, v13;
	v15 =	vmax.f32 v15, $9.999999740e-05;
	[tilespmem:$0x1CA50] =	vst v63  }
0x278: {  	[tilespmem:$0x1C8D0] =	vst v8;
	v11 =	vmul.f32 v12, v11;
	v8 =	vmin.f32 v15, $9.999899860e-01;
	v15 =	vsub.f32 $1.000000000e+00, v16  }
0x279: {  	[tilespmem:$0x1C8E0] =	vst v9;
	v9 =	vmax.f32 v18, $9.999999740e-05;
	v12 =	vsub.f32 $1.000000000e+00, v14;
	v10 =	vmul.f32 v10, v13  }
0x27a: {  	v11 =	vsub.f32 $1.000000000e+00, v11;
	[tilespmem:$0x1C8F0] =	vst v8;
	v8 =	vmin.f32 v9, $9.999899860e-01;
	v9 =	vmax.f32 v15, $9.999999740e-05  }
0x27b: {  	v10 =	vsub.f32 $1.000000000e+00, v10;
	[tilespmem:$0x1C900] =	vst v8;
	v8 =	vmin.f32 v9, $9.999899860e-01;
	v9 =	vmax.f32 v12, $9.999999740e-05  }
0x27c: {  	[tilespmem:$0x1C910] =	vst v8;
	v8 =	vmin.f32 v9, $9.999899860e-01;
	v9 =	vmax.f32 v11, $9.999999740e-05  }
0x27d: {  	[tilespmem:$0x1C920] =	vst v8;
	v8 =	vmin.f32 v9, $9.999899860e-01;
	v9 =	vmax.f32 v10, $9.999999740e-05  }
0x27e: {  	[tilespmem:$0x1C930] =	vst v8;
	v8 =	vmin.f32 v9, $9.999899860e-01  }
0x27f: {  	[tilespmem:$0x1C940] =	vst v8  }
0x280: {  	_ =	swait.ge [sflag:s2], $0x6400  }
0x281: {  	[sflag:s2] =	ssyncset.done $0x0  }
0x282: {  	s22 =	simm.s32 $0x0;
	[sflag:s2] =	ssyncadd.s32 $0xFFFF9C00  }
0x283: {  	v8 =	vld [tilespmem:s22+$0x10140]  }
0x284: {  	v9 =	vld [tilespmem:s22+$0x10050]  }
0x285: {  	v10 =	vld [tilespmem:s22+$0x100D0]  }
0x286: {  	v11 =	vld [tilespmem:s22+$0x10060]  }
0x287: {  	v19 =	vld [tilespmem:s22+$0x10080]  }
0x288: {  	v21 =	vld [tilespmem:s22+$0x10100]  }
0x289: {  	v23 =	vld [tilespmem:s22+$0x10090]  }
0x28a: {  	v26 =	vld [tilespmem:s22+$0x10110]  }
0x28b: {  	v12 =	vimm.f32 $1.000000000e+00;
	v49 =	vld [tilespmem:s22+$0x100B0];
	v15 =	vshra.s32 v8, $0x1;
	v16 =	vxor.u32 $0xFFFFFFFF, v9  }
0x28c: {  	v50 =	vld [tilespmem:s22+$0x10130];
	v9 =	vshra.s32 v9, $0x1;
	v18 =	vxor.u32 $0xFFFFFFFF, v10;
	v20 =	vshra.s32 v10, $0x1  }
0x28d: {  	v52 =	vld [tilespmem:s22+$0x100C0];
	v10 =	vxor.u32 $0xFFFFFFFF, v11;
	v11 =	vshra.s32 v11, $0x1;
	v28 =	vshra.s32 v19, $0x1  }
0x28e: {  	v13 =	vld [tilespmem:s22+$0x100E0];
	v19 =	vxor.u32 $0xFFFFFFFF, v19;
	v29 =	vshra.s32 v21, $0x1;
	v21 =	vxor.u32 $0xFFFFFFFF, v21  }
0x28f: {  	v8 =	vxor.u32 $0xFFFFFFFF, v8;
	v31 =	vshra.s32 v23, $0x1;
	v23 =	vxor.u32 $0xFFFFFFFF, v23  }
0x290: {  	v14 =	vld [tilespmem:s22+$0x10070];
	v51 =	vshra.s32 v26, $0x1;
	v26 =	vxor.u32 $0xFFFFFFFF, v26;
	v54 =	vshra.s32 v49, $0x1  }
0x291: {  	v17 =	vld [tilespmem:s22+$0x100F0];
	v32 =	vxor.u32 $0xFFFFFFFF, v49;
	v55 =	vshra.s32 v50, $0x1;
	v33 =	vxor.u32 $0xFFFFFFFF, v50  }
0x292: {  	v56 =	vshra.s32 v52, $0x1;
	v35 =	vxor.u32 $0xFFFFFFFF, v52;
	v16 =	vshll.u32 v16, $0x4  }
0x293: {  	v18 =	vshll.u32 v18, $0x4;
	v22 =	vshll.u32 v10, $0x4;
	v10 =	vxor.u32 $0xFFFFFFFF, v13  }
0x294: {  	v13 =	vshra.s32 v13, $0x1;
	v8 =	vshll.u32 v8, $0x4;
	v19 =	vshll.u32 v19, $0x4  }
0x295: {  	v21 =	vshll.u32 v21, $0x4;
	v24 =	vshll.u32 v10, $0x4;
	v10 =	vxor.u32 $0xFFFFFFFF, v14  }
0x296: {  	v30 =	vld [tilespmem:s22+$0x10120];
	v26 =	vshll.u32 v26, $0x4;
	v25 =	vshll.u32 v10, $0x4;
	v10 =	vxor.u32 $0xFFFFFFFF, v17  }
0x297: {  	v32 =	vshll.u32 v32, $0x4;
	v33 =	vshll.u32 v33, $0x4;
	v27 =	vshll.u32 v10, $0x4;
	v10 =	vld [tilespmem:s22+$0x100A0]  }
0x298: {  	v35 =	vshll.u32 v35, $0x4;
	v14 =	vshra.s32 v14, $0x1;
	v8 =	vand.u32 $0x10, v8;
	v15 =	vld.idx.msk [tilespmem:v15+s1+$0x0], $0xffff  }
0x299: {  	v16 =	vand.u32 $0x10, v16;
	v18 =	vand.u32 $0x10, v18;
	v22 =	vand.u32 $0x10, v22;
	v59 =	vld.idx.msk [tilespmem:v28+s1+$0x0], $0xffff  }
0x29a: {  	v19 =	vand.u32 $0x10, v19;
	v21 =	vand.u32 $0x10, v21;
	v17 =	vshra.s32 v17, $0x1;
	v61 =	vld.idx.msk [tilespmem:v29+s1+$0x0], $0xffff  }
0x29b: {  	v57 =	vand.u32 $0x10, v24;
	v24 =	vand.u32 $0x10, v35;
	v58 =	vand.u32 $0x10, v25;
	v9 =	vld.idx.msk [tilespmem:v9+s1+$0x0], $0xffff  }
0x29c: {  	v25 =	vand.u32 $0x10, v33;
	v60 =	vand.u32 $0x10, v27;
	v29 =	vand.u32 $0x10, v26;
	v13 =	vld.idx.msk [tilespmem:v13+s1+$0x0], $0xffff  }
0x29d: {  	v20 =	vld.idx.msk [tilespmem:v20+s1+$0x0], $0xffff;
	v26 =	vand.u32 $0x10, v32;
	v53 =	vxor.u32 $0xFFFFFFFF, v10;
	v8 =	vshll.u32 v15, v8  }
0x29e: {  	v11 =	vld.idx.msk [tilespmem:v11+s1+$0x0], $0xffff;
	v15 =	vshra.s32 v10, $0x1;
	v36 =	vshll.u32 v53, $0x4;
	v40 =	vshll.u32 v59, v19  }
0x29f: {  	v14 =	vld.idx.msk [tilespmem:v14+s1+$0x0], $0xffff;
	v37 =	vshll.u32 v61, v21;
	v21 =	vimm.f32 $1.000000000e+00;
	v19 =	vimm.f32 $1.000000000e+00  }
0x2a0: {  	v10 =	vmul.f32 v8, v12;
	v8 =	vshll.u32 v23, $0x4;
	v23 =	vshra.s32 v30, $0x1  }
0x2a1: {  	v17 =	vld.idx.msk [tilespmem:v17+s1+$0x0], $0xffff;
	v30 =	vxor.u32 $0xFFFFFFFF, v30;
	v28 =	vand.u32 $0x10, v36;
	v38 =	vshll.u32 v13, v57  }
0x2a2: {  	v63 =	vld.idx.msk [tilespmem:v31+s1+$0x0], $0xffff;
	v13 =	vimm.f32 $1.000000000e+00;
	v30 =	vshll.u32 v30, $0x4;
	v62 =	vand.u32 $0x10, v8  }
0x2a3: {  	v33 =	vld.idx.msk [tilespmem:v54+s1+$0x0], $0xffff;
	v8 =	vshll.u32 v9, v16;
	v9 =	vshll.u32 v20, v18;
	v16 =	vshll.u32 v11, v22  }
0x2a4: {  	v39 =	vshll.u32 v14, v58;
	v22 =	vimm.f32 $1.000000000e+00;
	v27 =	vand.u32 $0x10, v30;
	v30 =	vld.idx.msk [tilespmem:v51+s1+$0x0], $0xffff  }
0x2a5: {  	v18 =	vimm.f32 $1.000000000e+00;
	v14 =	vimm.f32 $1.000000000e+00;
	v20 =	vimm.f32 $1.000000000e+00;
	v31 =	vld.idx.msk [tilespmem:v15+s1+$0x0], $0xffff  }
0x2a6: {  	v36 =	vshll.u32 v17, v60;
	v8 =	vmul.f32 v8, v12;
	v11 =	vmul.f32 v9, v12;
	v32 =	vld.idx.msk [tilespmem:v23+s1+$0x0], $0xffff  }
0x2a7: {  	v34 =	vld.idx.msk [tilespmem:v55+s1+$0x0], $0xffff;
	v9 =	vmul.f32 v16, v12;
	v41 =	vshll.u32 v63, v62;
	v16 =	vimm.f32 $1.000000000e+00  }
0x2a8: {  	s31 =	simm.s32 $0x800;
	s8 =	simm.s32 $0x100;
	v35 =	vld.idx.msk [tilespmem:v56+s1+$0x0], $0xffff;
	v17 =	vimm.f32 $1.000000000e+00;
	v15 =	vimm.f32 $1.000000000e+00;
	v23 =	vimm.f32 $1.000000000e+00  }
.LBB2_16:
0x2a9: {  	p2 =	sne.s32 s31, $0x18C00;
	v42 =	vld [tilespmem:s8+$0x10140];
	v12 =	vmul.f32 v38, v12;
	v23 =	vmul.f32 v39, v23;
	v29 =	vshll.u32 v30, v29  }
0x2aa: {  	v21 =	vmul.f32 v36, v21;
	v22 =	vmul.f32 v40, v22;
	v28 =	vshll.u32 v31, v28;
	v30 =	vld [tilespmem:s8+$0x10050]  }
0x2ab: {  	v18 =	vmul.f32 v37, v18;
	v19 =	vmul.f32 v41, v19;
	v27 =	vshll.u32 v32, v27;
	v31 =	vld [tilespmem:s8+$0x100D0]  }
0x2ac: {  	v16 =	vmul.f32 v29, v16;
	v17 =	vmul.f32 v28, v17;
	v26 =	vshll.u32 v33, v26;
	v32 =	vld [tilespmem:s8+$0x10060]  }
0x2ad: {  	v14 =	vmul.f32 v27, v14;
	v20 =	vmul.f32 v26, v20;
	v25 =	vshll.u32 v34, v25;
	v28 =	vld [tilespmem:s8+$0x100E0]  }
0x2ae: {  	v15 =	vmul.f32 v25, v15;
	v24 =	vshll.u32 v35, v24;
	v26 =	vld [tilespmem:s8+$0x10070];
	v27 =	vshra.s32 v42, $0x1  }
0x2af: {  	v13 =	vmul.f32 v24, v13;
	v25 =	vshra.s32 v30, $0x1;
	v29 =	vxor.u32 $0xFFFFFFFF, v30;
	v30 =	vld [tilespmem:s8+$0x100F0]  }
0x2b0: {  	v24 =	vshll.u32 v29, $0x4;
	v29 =	vshra.s32 v31, $0x1;
	v31 =	vxor.u32 $0xFFFFFFFF, v31;
	v33 =	vld [tilespmem:s8+$0x10080]  }
0x2b1: {  	v31 =	vshll.u32 v31, $0x4;
	v34 =	vshra.s32 v32, $0x1;
	v32 =	vxor.u32 $0xFFFFFFFF, v32;
	v35 =	vld [tilespmem:s8+$0x10100]  }
0x2b2: {  	v32 =	vshll.u32 v32, $0x4;
	v36 =	vshra.s32 v28, $0x1;
	v28 =	vxor.u32 $0xFFFFFFFF, v28;
	v37 =	vld [tilespmem:s8+$0x10090]  }
0x2b3: {  	v28 =	vshll.u32 v28, $0x4;
	v38 =	vshra.s32 v26, $0x1;
	v26 =	vxor.u32 $0xFFFFFFFF, v26;
	v27 =	vld.idx.msk [tilespmem:v27+s1+$0x0], $0xffff  }
0x2b4: {  	v26 =	vshll.u32 v26, $0x4;
	v39 =	vshra.s32 v30, $0x1;
	v30 =	vxor.u32 $0xFFFFFFFF, v30;
	v40 =	vld [tilespmem:s8+$0x10110]  }
0x2b5: {  	v30 =	vshll.u32 v30, $0x4;
	v41 =	vshra.s32 v33, $0x1;
	v33 =	vxor.u32 $0xFFFFFFFF, v33;
	v43 =	vld [tilespmem:s8+$0x100A0]  }
0x2b6: {  	v42 =	vxor.u32 $0xFFFFFFFF, v42;
	v44 =	vshra.s32 v35, $0x1;
	v35 =	vxor.u32 $0xFFFFFFFF, v35;
	v45 =	vld [tilespmem:s8+$0x10120]  }
0x2b7: {  	v42 =	vshll.u32 v42, $0x4;
	v46 =	vshra.s32 v37, $0x1;
	v37 =	vxor.u32 $0xFFFFFFFF, v37;
	v47 =	vld [tilespmem:s8+$0x100B0]  }
0x2b8: {  	v42 =	vand.u32 $0x10, v42;
	v33 =	vshll.u32 v33, $0x4;
	v35 =	vshll.u32 v35, $0x4;
	v48 =	vld [tilespmem:s8+$0x10130]  }
0x2b9: {  	v27 =	vshll.u32 v27, v42;
	v49 =	vshra.s32 v40, $0x1;
	v40 =	vxor.u32 $0xFFFFFFFF, v40;
	v50 =	vld [tilespmem:s8+$0x100C0]  }
0x2ba: {  	v10 =	vmul.f32 v27, v10;
	v42 =	vld.idx.msk [tilespmem:v25+s1+$0x0], $0xffff;
	v25 =	vshra.s32 v43, $0x1;
	v43 =	vxor.u32 $0xFFFFFFFF, v43  }
0x2bb: {  	v27 =	vshll.u32 v37, $0x4;
	v51 =	vld.idx.msk [tilespmem:v29+s1+$0x0], $0xffff;
	v37 =	vshra.s32 v45, $0x1;
	v29 =	vxor.u32 $0xFFFFFFFF, v45  }
0x2bc: {  	v40 =	vshll.u32 v40, $0x4;
	v34 =	vld.idx.msk [tilespmem:v34+s1+$0x0], $0xffff;
	v45 =	vshra.s32 v47, $0x1;
	v47 =	vxor.u32 $0xFFFFFFFF, v47  }
0x2bd: {  	v43 =	vshll.u32 v43, $0x4;
	v36 =	vld.idx.msk [tilespmem:v36+s1+$0x0], $0xffff;
	v52 =	vshra.s32 v48, $0x1;
	v48 =	vxor.u32 $0xFFFFFFFF, v48  }
0x2be: {  	v53 =	vld.idx.msk [tilespmem:v38+s1+$0x0], $0xffff;
	v38 =	vshll.u32 v29, $0x4;
	v54 =	vshra.s32 v50, $0x1;
	v29 =	vxor.u32 $0xFFFFFFFF, v50  }
0x2bf: {  	v50 =	vld.idx.msk [tilespmem:v39+s1+$0x0], $0xffff;
	v39 =	vshll.u32 v47, $0x4;
	v47 =	vshll.u32 v48, $0x4;
	v48 =	vshll.u32 v29, $0x4  }
0x2c0: {  	v55 =	vand.u32 $0x10, v24;
	v56 =	vand.u32 $0x10, v31;
	v32 =	vand.u32 $0x10, v32;
	v41 =	vld.idx.msk [tilespmem:v41+s1+$0x0], $0xffff  }
0x2c1: {  	v57 =	vand.u32 $0x10, v28;
	v58 =	vand.u32 $0x10, v26;
	v59 =	vand.u32 $0x10, v30;
	v44 =	vld.idx.msk [tilespmem:v44+s1+$0x0], $0xffff  }
0x2c2: {  	v60 =	vand.u32 $0x10, v33;
	v35 =	vand.u32 $0x10, v35;
	v61 =	vand.u32 $0x10, v27;
	v46 =	vld.idx.msk [tilespmem:v46+s1+$0x0], $0xffff  }
0x2c3: {  	v28 =	vand.u32 $0x10, v43;
	v29 =	vand.u32 $0x10, v40;
	v27 =	vand.u32 $0x10, v38;
	v30 =	vld.idx.msk [tilespmem:v49+s1+$0x0], $0xffff  }
.Ltmp7:
0x2c4: {  	v26 =	vand.u32 $0x10, v39;
	v24 =	vand.u32 $0x10, v48;
	v31 =	vld.idx.msk [tilespmem:v25+s1+$0x0], $0xffff;
	v25 =	vand.u32 $0x10, v47;
	(pc) =	sbr.rel @p2 .LBB2_16-.Ltmp7, $4  }
0x2c5: {  	v40 =	vshll.u32 v42, v55;
	v42 =	vshll.u32 v51, v56;
	v43 =	vshll.u32 v34, v32;
	v32 =	vld.idx.msk [tilespmem:v37+s1+$0x0], $0xffff  }
0x2c6: {  	v38 =	vshll.u32 v36, v57;
	v39 =	vshll.u32 v53, v58;
	v36 =	vshll.u32 v50, v59;
	v33 =	vld.idx.msk [tilespmem:v45+s1+$0x0], $0xffff  }
0x2c7: {  	v8 =	vmul.f32 v40, v8;
	v40 =	vshll.u32 v41, v60;
	v37 =	vshll.u32 v44, v35;
	v34 =	vld.idx.msk [tilespmem:v52+s1+$0x0], $0xffff  }
0x2c8: {  	s8 =	sshra.s32 s31, $0x2;
	s31 =	sadd.s32 $0x400, s31;
	v11 =	vmul.f32 v42, v11;
	v9 =	vmul.f32 v43, v9;
	v41 =	vshll.u32 v46, v61;
	v35 =	vld.idx.msk [tilespmem:v54+s1+$0x0], $0xffff  }
0x2c9: {  	v42 =	vld [tilespmem:s8+$0x10140]  }
0x2ca: {  	v29 =	vshll.u32 v30, v29;
	v30 =	vld [tilespmem:s8+$0x10050]  }
0x2cb: {  	v53 =	vld [tilespmem:s8+$0x10060]  }
0x2cc: {  	v12 =	vmul.f32 v38, v12;
	v23 =	vmul.f32 v39, v23;
	v54 =	vld [tilespmem:s8+$0x10080]  }
0x2cd: {  	v21 =	vmul.f32 v36, v21;
	v22 =	vmul.f32 v40, v22;
	v28 =	vshll.u32 v31, v28;
	v55 =	vld [tilespmem:s8+$0x10100]  }
0x2ce: {  	v18 =	vmul.f32 v37, v18;
	v19 =	vmul.f32 v41, v19;
	v57 =	vld [tilespmem:s8+$0x10090];
	v27 =	vshll.u32 v32, v27  }
0x2cf: {  	v60 =	vld [tilespmem:s8+$0x10110];
	v16 =	vmul.f32 v29, v16;
	v17 =	vmul.f32 v28, v17;
	v26 =	vshll.u32 v33, v26  }
0x2d0: {  	v43 =	vld [tilespmem:s8+$0x100A0];
	v14 =	vmul.f32 v27, v14;
	v20 =	vmul.f32 v26, v20;
	v25 =	vshll.u32 v34, v25  }
0x2d1: {  	v45 =	vld [tilespmem:s8+$0x10120];
	v15 =	vmul.f32 v25, v15;
	v24 =	vshll.u32 v35, v24;
	v27 =	vshra.s32 v42, $0x1  }
0x2d2: {  	v47 =	vld [tilespmem:s8+$0x100B0];
	v25 =	vshra.s32 v30, $0x1;
	v29 =	vxor.u32 $0xFFFFFFFF, v30;
	v13 =	vmul.f32 v24, v13  }
0x2d3: {  	v48 =	vld [tilespmem:s8+$0x10130];
	v34 =	vshra.s32 v53, $0x1;
	v32 =	vxor.u32 $0xFFFFFFFF, v53;
	v61 =	vshra.s32 v54, $0x1  }
0x2d4: {  	v50 =	vld [tilespmem:s8+$0x100C0];
	v33 =	vxor.u32 $0xFFFFFFFF, v54;
	v44 =	vshra.s32 v55, $0x1;
	v35 =	vxor.u32 $0xFFFFFFFF, v55  }
0x2d5: {  	v31 =	vld [tilespmem:s8+$0x100D0];
	v42 =	vxor.u32 $0xFFFFFFFF, v42;
	v46 =	vshra.s32 v57, $0x1;
	v37 =	vxor.u32 $0xFFFFFFFF, v57  }
0x2d6: {  	v28 =	vld [tilespmem:s8+$0x100E0];
	v49 =	vshra.s32 v60, $0x1;
	v40 =	vxor.u32 $0xFFFFFFFF, v60;
	v62 =	vshra.s32 v43, $0x1  }
0x2d7: {  	v43 =	vxor.u32 $0xFFFFFFFF, v43;
	v63 =	vshra.s32 v45, $0x1;
	v45 =	vxor.u32 $0xFFFFFFFF, v45  }
0x2d8: {  	v51 =	vshra.s32 v47, $0x1;
	v47 =	vxor.u32 $0xFFFFFFFF, v47;
	v52 =	vshra.s32 v48, $0x1  }
0x2d9: {  	v48 =	vxor.u32 $0xFFFFFFFF, v48;
	v53 =	vshra.s32 v50, $0x1;
	v50 =	vxor.u32 $0xFFFFFFFF, v50  }
0x2da: {  	v24 =	vshll.u32 v29, $0x4;
	v29 =	vshra.s32 v31, $0x1;
	v31 =	vxor.u32 $0xFFFFFFFF, v31  }
0x2db: {  	v32 =	vshll.u32 v32, $0x4;
	v56 =	vshra.s32 v28, $0x1;
	v28 =	vxor.u32 $0xFFFFFFFF, v28  }
0x2dc: {  	v26 =	vld [tilespmem:s8+$0x10070];
	v42 =	vshll.u32 v42, $0x4;
	v33 =	vshll.u32 v33, $0x4;
	v35 =	vshll.u32 v35, $0x4  }
0x2dd: {  	v30 =	vld [tilespmem:s8+$0x100F0];
	v40 =	vshll.u32 v40, $0x4;
	v43 =	vshll.u32 v43, $0x4;
	v45 =	vshll.u32 v45, $0x4  }
0x2de: {  	v47 =	vshll.u32 v47, $0x4;
	v48 =	vshll.u32 v48, $0x4;
	v50 =	vshll.u32 v50, $0x4;
	v27 =	vld.idx.msk [tilespmem:v27+s1+$0x0], $0xffff  }
0x2df: {  	v31 =	vshll.u32 v31, $0x4;
	v28 =	vshll.u32 v28, $0x4;
	v42 =	vand.u32 $0x10, v42;
	v25 =	vld.idx.msk [tilespmem:v25+s1+$0x0], $0xffff  }
0x2e0: {  	v24 =	vand.u32 $0x10, v24;
	v32 =	vand.u32 $0x10, v32;
	v33 =	vand.u32 $0x10, v33;
	v34 =	vld.idx.msk [tilespmem:v34+s1+$0x0], $0xffff  }
0x2e1: {  	v35 =	vand.u32 $0x10, v35;
	v40 =	vand.u32 $0x10, v40;
	v43 =	vand.u32 $0x10, v43;
	v44 =	vld.idx.msk [tilespmem:v44+s1+$0x0], $0xffff  }
0x2e2: {  	v45 =	vand.u32 $0x10, v45;
	v47 =	vand.u32 $0x10, v47;
	v58 =	vshra.s32 v26, $0x1;
	v29 =	vld.idx.msk [tilespmem:v29+s1+$0x0], $0xffff  }
0x2e3: {  	v48 =	vand.u32 $0x10, v48;
	v50 =	vand.u32 $0x10, v50;
	v26 =	vxor.u32 $0xFFFFFFFF, v26;
	v36 =	vld.idx.msk [tilespmem:v56+s1+$0x0], $0xffff  }
0x2e4: {  	v31 =	vand.u32 $0x10, v31;
	v26 =	vshll.u32 v26, $0x4;
	v59 =	vshra.s32 v30, $0x1;
	v41 =	vld.idx.msk [tilespmem:v61+s1+$0x0], $0xffff  }
0x2e5: {  	v28 =	vand.u32 $0x10, v28;
	v30 =	vxor.u32 $0xFFFFFFFF, v30;
	v26 =	vand.u32 $0x10, v26;
	v46 =	vld.idx.msk [tilespmem:v46+s1+$0x0], $0xffff  }
0x2e6: {  	v49 =	vld.idx.msk [tilespmem:v49+s1+$0x0], $0xffff;
	v30 =	vshll.u32 v30, $0x4;
	v27 =	vshll.u32 v27, v42;
	v24 =	vshll.u32 v25, v24  }
0x2e7: {  	v38 =	vld.idx.msk [tilespmem:v58+s1+$0x0], $0xffff;
	v44 =	vshll.u32 v44, v35;
	v10 =	vmul.f32 v27, v10;
	v27 =	vshll.u32 v37, $0x4  }
0x2e8: {  	v25 =	vshll.u32 v29, v31;
	v29 =	vshll.u32 v34, v32;
	v28 =	vshll.u32 v36, v28  }
0x2e9: {  	v39 =	vld.idx.msk [tilespmem:v59+s1+$0x0], $0xffff;
	v8 =	vmul.f32 v24, v8;
	v24 =	vshll.u32 v41, v33;
	v18 =	vmul.f32 v44, v18  }
0x2ea: {  	v42 =	vld.idx.msk [tilespmem:v63+s1+$0x0], $0xffff;
	v27 =	vand.u32 $0x10, v27;
	v11 =	vmul.f32 v25, v11;
	v9 =	vmul.f32 v29, v9  }
0x2eb: {  	v31 =	vld.idx.msk [tilespmem:v62+s1+$0x0], $0xffff;
	v12 =	vmul.f32 v28, v12;
	v29 =	vshll.u32 v49, v40;
	v22 =	vmul.f32 v24, v22  }
0x2ec: {  	v25 =	vld.idx.msk [tilespmem:v51+s1+$0x0], $0xffff;
	v26 =	vshll.u32 v38, v26;
	v27 =	vshll.u32 v46, v27;
	v16 =	vmul.f32 v29, v16  }
0x2ed: {  	v30 =	vand.u32 $0x10, v30;
	v28 =	vld.idx.msk [tilespmem:v52+s1+$0x0], $0xffff;
	v23 =	vmul.f32 v26, v23;
	v19 =	vmul.f32 v27, v19  }
0x2ee: {  	v8 =	vmul.f32 v11, v8;
	v9 =	vmul.f32 v12, v9;
	v30 =	vshll.u32 v39, v30  }
0x2ef: {  	v18 =	vmul.f32 v18, v22;
	v27 =	vshll.u32 v42, v45;
	v21 =	vmul.f32 v30, v21  }
0x2f0: {  	v26 =	vld.idx.msk [tilespmem:v53+s1+$0x0], $0xffff;
	v24 =	vshll.u32 v31, v43;
	v14 =	vmul.f32 v27, v14;
	v8 =	vsub.f32 $1.000000000e+00, v8  }
0x2f1: {  	v9 =	vsub.f32 $1.000000000e+00, v9;
	v16 =	vmul.f32 v16, v19;
	v17 =	vmul.f32 v24, v17  }
0x2f2: {  	v11 =	vshll.u32 v25, v47;
	v12 =	vshll.u32 v28, v48;
	v21 =	vmul.f32 v21, v23  }
0x2f3: {  	v18 =	vsub.f32 $1.000000000e+00, v18;
	v11 =	vmul.f32 v11, v20;
	v12 =	vmul.f32 v12, v15  }
0x2f4: {  	v8 =	vmax.f32 v8, $9.999999740e-05;
	v9 =	vmax.f32 v9, $9.999999740e-05;
	v15 =	vsub.f32 $1.000000000e+00, v21  }
0x2f5: {  	v20 =	vshll.u32 v26, v50;
	v8 =	vmin.f32 v8, $9.999899860e-01;
	v9 =	vmin.f32 v9, $9.999899860e-01  }
0x2f6: {  	v14 =	vmul.f32 v14, v17;
	v13 =	vmul.f32 v20, v13;
	v15 =	vmax.f32 v15, $9.999999740e-05  }
0x2f7: {  	[tilespmem:$0x1C950] =	vst v8;
	v11 =	vmul.f32 v12, v11;
	v8 =	vmin.f32 v15, $9.999899860e-01;
	v15 =	vsub.f32 $1.000000000e+00, v16  }
0x2f8: {  	[tilespmem:$0x1C960] =	vst v9;
	v9 =	vmax.f32 v18, $9.999999740e-05;
	v12 =	vsub.f32 $1.000000000e+00, v14;
	v10 =	vmul.f32 v10, v13  }
0x2f9: {  	v11 =	vsub.f32 $1.000000000e+00, v11;
	[tilespmem:$0x1C970] =	vst v8;
	v8 =	vmin.f32 v9, $9.999899860e-01;
	v9 =	vmax.f32 v15, $9.999999740e-05  }
0x2fa: {  	v10 =	vsub.f32 $1.000000000e+00, v10;
	[tilespmem:$0x1C980] =	vst v8;
	v8 =	vmin.f32 v9, $9.999899860e-01;
	v9 =	vmax.f32 v12, $9.999999740e-05  }
0x2fb: {  	[tilespmem:$0x1C990] =	vst v8;
	v8 =	vmin.f32 v9, $9.999899860e-01;
	v9 =	vmax.f32 v11, $9.999999740e-05  }
0x2fc: {  	[tilespmem:$0x1C9A0] =	vst v8;
	v8 =	vmin.f32 v9, $9.999899860e-01;
	v9 =	vmax.f32 v10, $9.999999740e-05  }
0x2fd: {  	[tilespmem:$0x1C9B0] =	vst v8;
	v8 =	vmin.f32 v9, $9.999899860e-01  }
0x2fe: {  	[tilespmem:$0x1C9C0] =	vst v8  }
0x2ff: {  	_ =	swait.ge [sflag:s3], $0x6400  }
0x300: {  	[sflag:s3] =	ssyncset.done $0x0  }
0x301: {  	s22 =	simm.s32 $0x0;
	[sflag:s3] =	ssyncadd.s32 $0xFFFF9C00  }
0x302: {  	v8 =	vld [tilespmem:s22+$0x16540]  }
0x303: {  	v9 =	vld [tilespmem:s22+$0x16450]  }
0x304: {  	v10 =	vld [tilespmem:s22+$0x164D0]  }
0x305: {  	v11 =	vld [tilespmem:s22+$0x16460]  }
0x306: {  	v19 =	vld [tilespmem:s22+$0x16480]  }
0x307: {  	v21 =	vld [tilespmem:s22+$0x16500]  }
0x308: {  	v23 =	vld [tilespmem:s22+$0x16490]  }
0x309: {  	v26 =	vld [tilespmem:s22+$0x16510]  }
0x30a: {  	v12 =	vimm.f32 $1.000000000e+00;
	v49 =	vld [tilespmem:s22+$0x164B0];
	v15 =	vshra.s32 v8, $0x1;
	v16 =	vxor.u32 $0xFFFFFFFF, v9  }
0x30b: {  	v50 =	vld [tilespmem:s22+$0x16530];
	v9 =	vshra.s32 v9, $0x1;
	v18 =	vxor.u32 $0xFFFFFFFF, v10;
	v20 =	vshra.s32 v10, $0x1  }
0x30c: {  	v52 =	vld [tilespmem:s22+$0x164C0];
	v10 =	vxor.u32 $0xFFFFFFFF, v11;
	v11 =	vshra.s32 v11, $0x1;
	v28 =	vshra.s32 v19, $0x1  }
0x30d: {  	v13 =	vld [tilespmem:s22+$0x164E0];
	v19 =	vxor.u32 $0xFFFFFFFF, v19;
	v29 =	vshra.s32 v21, $0x1;
	v21 =	vxor.u32 $0xFFFFFFFF, v21  }
0x30e: {  	v8 =	vxor.u32 $0xFFFFFFFF, v8;
	v31 =	vshra.s32 v23, $0x1;
	v23 =	vxor.u32 $0xFFFFFFFF, v23  }
0x30f: {  	v14 =	vld [tilespmem:s22+$0x16470];
	v51 =	vshra.s32 v26, $0x1;
	v26 =	vxor.u32 $0xFFFFFFFF, v26;
	v54 =	vshra.s32 v49, $0x1  }
0x310: {  	v17 =	vld [tilespmem:s22+$0x164F0];
	v32 =	vxor.u32 $0xFFFFFFFF, v49;
	v55 =	vshra.s32 v50, $0x1;
	v33 =	vxor.u32 $0xFFFFFFFF, v50  }
0x311: {  	v56 =	vshra.s32 v52, $0x1;
	v35 =	vxor.u32 $0xFFFFFFFF, v52;
	v16 =	vshll.u32 v16, $0x4  }
0x312: {  	v18 =	vshll.u32 v18, $0x4;
	v22 =	vshll.u32 v10, $0x4;
	v10 =	vxor.u32 $0xFFFFFFFF, v13  }
0x313: {  	v13 =	vshra.s32 v13, $0x1;
	v8 =	vshll.u32 v8, $0x4;
	v19 =	vshll.u32 v19, $0x4  }
0x314: {  	v21 =	vshll.u32 v21, $0x4;
	v24 =	vshll.u32 v10, $0x4;
	v10 =	vxor.u32 $0xFFFFFFFF, v14  }
0x315: {  	v30 =	vld [tilespmem:s22+$0x16520];
	v26 =	vshll.u32 v26, $0x4;
	v25 =	vshll.u32 v10, $0x4;
	v10 =	vxor.u32 $0xFFFFFFFF, v17  }
0x316: {  	v32 =	vshll.u32 v32, $0x4;
	v33 =	vshll.u32 v33, $0x4;
	v27 =	vshll.u32 v10, $0x4;
	v10 =	vld [tilespmem:s22+$0x164A0]  }
0x317: {  	v35 =	vshll.u32 v35, $0x4;
	v14 =	vshra.s32 v14, $0x1;
	v8 =	vand.u32 $0x10, v8;
	v15 =	vld.idx.msk [tilespmem:v15+s1+$0x0], $0xffff  }
0x318: {  	v16 =	vand.u32 $0x10, v16;
	v18 =	vand.u32 $0x10, v18;
	v22 =	vand.u32 $0x10, v22;
	v59 =	vld.idx.msk [tilespmem:v28+s1+$0x0], $0xffff  }
0x319: {  	v19 =	vand.u32 $0x10, v19;
	v21 =	vand.u32 $0x10, v21;
	v17 =	vshra.s32 v17, $0x1;
	v61 =	vld.idx.msk [tilespmem:v29+s1+$0x0], $0xffff  }
0x31a: {  	v57 =	vand.u32 $0x10, v24;
	v24 =	vand.u32 $0x10, v35;
	v58 =	vand.u32 $0x10, v25;
	v9 =	vld.idx.msk [tilespmem:v9+s1+$0x0], $0xffff  }
0x31b: {  	v25 =	vand.u32 $0x10, v33;
	v60 =	vand.u32 $0x10, v27;
	v29 =	vand.u32 $0x10, v26;
	v13 =	vld.idx.msk [tilespmem:v13+s1+$0x0], $0xffff  }
0x31c: {  	v20 =	vld.idx.msk [tilespmem:v20+s1+$0x0], $0xffff;
	v26 =	vand.u32 $0x10, v32;
	v53 =	vxor.u32 $0xFFFFFFFF, v10;
	v8 =	vshll.u32 v15, v8  }
0x31d: {  	v11 =	vld.idx.msk [tilespmem:v11+s1+$0x0], $0xffff;
	v15 =	vshra.s32 v10, $0x1;
	v36 =	vshll.u32 v53, $0x4;
	v40 =	vshll.u32 v59, v19  }
0x31e: {  	v14 =	vld.idx.msk [tilespmem:v14+s1+$0x0], $0xffff;
	v37 =	vshll.u32 v61, v21;
	v21 =	vimm.f32 $1.000000000e+00;
	v19 =	vimm.f32 $1.000000000e+00  }
0x31f: {  	v10 =	vmul.f32 v8, v12;
	v8 =	vshll.u32 v23, $0x4;
	v23 =	vshra.s32 v30, $0x1  }
0x320: {  	v17 =	vld.idx.msk [tilespmem:v17+s1+$0x0], $0xffff;
	v30 =	vxor.u32 $0xFFFFFFFF, v30;
	v28 =	vand.u32 $0x10, v36;
	v38 =	vshll.u32 v13, v57  }
0x321: {  	v63 =	vld.idx.msk [tilespmem:v31+s1+$0x0], $0xffff;
	v13 =	vimm.f32 $1.000000000e+00;
	v30 =	vshll.u32 v30, $0x4;
	v62 =	vand.u32 $0x10, v8  }
0x322: {  	v33 =	vld.idx.msk [tilespmem:v54+s1+$0x0], $0xffff;
	v8 =	vshll.u32 v9, v16;
	v9 =	vshll.u32 v20, v18;
	v16 =	vshll.u32 v11, v22  }
0x323: {  	v39 =	vshll.u32 v14, v58;
	v22 =	vimm.f32 $1.000000000e+00;
	v27 =	vand.u32 $0x10, v30;
	v30 =	vld.idx.msk [tilespmem:v51+s1+$0x0], $0xffff  }
0x324: {  	v18 =	vimm.f32 $1.000000000e+00;
	v14 =	vimm.f32 $1.000000000e+00;
	v20 =	vimm.f32 $1.000000000e+00;
	v31 =	vld.idx.msk [tilespmem:v15+s1+$0x0], $0xffff  }
0x325: {  	v36 =	vshll.u32 v17, v60;
	v8 =	vmul.f32 v8, v12;
	v11 =	vmul.f32 v9, v12;
	v32 =	vld.idx.msk [tilespmem:v23+s1+$0x0], $0xffff  }
0x326: {  	v34 =	vld.idx.msk [tilespmem:v55+s1+$0x0], $0xffff;
	v9 =	vmul.f32 v16, v12;
	v41 =	vshll.u32 v63, v62;
	v16 =	vimm.f32 $1.000000000e+00  }
0x327: {  	s31 =	simm.s32 $0x800;
	s8 =	simm.s32 $0x100;
	v35 =	vld.idx.msk [tilespmem:v56+s1+$0x0], $0xffff;
	v17 =	vimm.f32 $1.000000000e+00;
	v15 =	vimm.f32 $1.000000000e+00;
	v23 =	vimm.f32 $1.000000000e+00  }
.LBB2_18:
0x328: {  	p2 =	sne.s32 s31, $0x18C00;
	v42 =	vld [tilespmem:s8+$0x16540];
	v12 =	vmul.f32 v38, v12;
	v23 =	vmul.f32 v39, v23;
	v29 =	vshll.u32 v30, v29  }
0x329: {  	v21 =	vmul.f32 v36, v21;
	v22 =	vmul.f32 v40, v22;
	v28 =	vshll.u32 v31, v28;
	v30 =	vld [tilespmem:s8+$0x16450]  }
0x32a: {  	v18 =	vmul.f32 v37, v18;
	v19 =	vmul.f32 v41, v19;
	v27 =	vshll.u32 v32, v27;
	v31 =	vld [tilespmem:s8+$0x164D0]  }
0x32b: {  	v16 =	vmul.f32 v29, v16;
	v17 =	vmul.f32 v28, v17;
	v26 =	vshll.u32 v33, v26;
	v32 =	vld [tilespmem:s8+$0x16460]  }
0x32c: {  	v14 =	vmul.f32 v27, v14;
	v20 =	vmul.f32 v26, v20;
	v25 =	vshll.u32 v34, v25;
	v28 =	vld [tilespmem:s8+$0x164E0]  }
0x32d: {  	v15 =	vmul.f32 v25, v15;
	v24 =	vshll.u32 v35, v24;
	v26 =	vld [tilespmem:s8+$0x16470];
	v27 =	vshra.s32 v42, $0x1  }
0x32e: {  	v13 =	vmul.f32 v24, v13;
	v25 =	vshra.s32 v30, $0x1;
	v29 =	vxor.u32 $0xFFFFFFFF, v30;
	v30 =	vld [tilespmem:s8+$0x164F0]  }
0x32f: {  	v24 =	vshll.u32 v29, $0x4;
	v29 =	vshra.s32 v31, $0x1;
	v31 =	vxor.u32 $0xFFFFFFFF, v31;
	v33 =	vld [tilespmem:s8+$0x16480]  }
0x330: {  	v31 =	vshll.u32 v31, $0x4;
	v34 =	vshra.s32 v32, $0x1;
	v32 =	vxor.u32 $0xFFFFFFFF, v32;
	v35 =	vld [tilespmem:s8+$0x16500]  }
0x331: {  	v32 =	vshll.u32 v32, $0x4;
	v36 =	vshra.s32 v28, $0x1;
	v28 =	vxor.u32 $0xFFFFFFFF, v28;
	v37 =	vld [tilespmem:s8+$0x16490]  }
0x332: {  	v28 =	vshll.u32 v28, $0x4;
	v38 =	vshra.s32 v26, $0x1;
	v26 =	vxor.u32 $0xFFFFFFFF, v26;
	v27 =	vld.idx.msk [tilespmem:v27+s1+$0x0], $0xffff  }
0x333: {  	v26 =	vshll.u32 v26, $0x4;
	v39 =	vshra.s32 v30, $0x1;
	v30 =	vxor.u32 $0xFFFFFFFF, v30;
	v40 =	vld [tilespmem:s8+$0x16510]  }
0x334: {  	v30 =	vshll.u32 v30, $0x4;
	v41 =	vshra.s32 v33, $0x1;
	v33 =	vxor.u32 $0xFFFFFFFF, v33;
	v43 =	vld [tilespmem:s8+$0x164A0]  }
0x335: {  	v42 =	vxor.u32 $0xFFFFFFFF, v42;
	v44 =	vshra.s32 v35, $0x1;
	v35 =	vxor.u32 $0xFFFFFFFF, v35;
	v45 =	vld [tilespmem:s8+$0x16520]  }
0x336: {  	v42 =	vshll.u32 v42, $0x4;
	v46 =	vshra.s32 v37, $0x1;
	v37 =	vxor.u32 $0xFFFFFFFF, v37;
	v47 =	vld [tilespmem:s8+$0x164B0]  }
0x337: {  	v42 =	vand.u32 $0x10, v42;
	v33 =	vshll.u32 v33, $0x4;
	v35 =	vshll.u32 v35, $0x4;
	v48 =	vld [tilespmem:s8+$0x16530]  }
0x338: {  	v27 =	vshll.u32 v27, v42;
	v49 =	vshra.s32 v40, $0x1;
	v40 =	vxor.u32 $0xFFFFFFFF, v40;
	v50 =	vld [tilespmem:s8+$0x164C0]  }
0x339: {  	v10 =	vmul.f32 v27, v10;
	v42 =	vld.idx.msk [tilespmem:v25+s1+$0x0], $0xffff;
	v25 =	vshra.s32 v43, $0x1;
	v43 =	vxor.u32 $0xFFFFFFFF, v43  }
0x33a: {  	v27 =	vshll.u32 v37, $0x4;
	v51 =	vld.idx.msk [tilespmem:v29+s1+$0x0], $0xffff;
	v37 =	vshra.s32 v45, $0x1;
	v29 =	vxor.u32 $0xFFFFFFFF, v45  }
0x33b: {  	v40 =	vshll.u32 v40, $0x4;
	v34 =	vld.idx.msk [tilespmem:v34+s1+$0x0], $0xffff;
	v45 =	vshra.s32 v47, $0x1;
	v47 =	vxor.u32 $0xFFFFFFFF, v47  }
0x33c: {  	v43 =	vshll.u32 v43, $0x4;
	v36 =	vld.idx.msk [tilespmem:v36+s1+$0x0], $0xffff;
	v52 =	vshra.s32 v48, $0x1;
	v48 =	vxor.u32 $0xFFFFFFFF, v48  }
0x33d: {  	v53 =	vld.idx.msk [tilespmem:v38+s1+$0x0], $0xffff;
	v38 =	vshll.u32 v29, $0x4;
	v54 =	vshra.s32 v50, $0x1;
	v29 =	vxor.u32 $0xFFFFFFFF, v50  }
0x33e: {  	v50 =	vld.idx.msk [tilespmem:v39+s1+$0x0], $0xffff;
	v39 =	vshll.u32 v47, $0x4;
	v47 =	vshll.u32 v48, $0x4;
	v48 =	vshll.u32 v29, $0x4  }
0x33f: {  	v55 =	vand.u32 $0x10, v24;
	v56 =	vand.u32 $0x10, v31;
	v32 =	vand.u32 $0x10, v32;
	v41 =	vld.idx.msk [tilespmem:v41+s1+$0x0], $0xffff  }
0x340: {  	v57 =	vand.u32 $0x10, v28;
	v58 =	vand.u32 $0x10, v26;
	v59 =	vand.u32 $0x10, v30;
	v44 =	vld.idx.msk [tilespmem:v44+s1+$0x0], $0xffff  }
0x341: {  	v60 =	vand.u32 $0x10, v33;
	v35 =	vand.u32 $0x10, v35;
	v61 =	vand.u32 $0x10, v27;
	v46 =	vld.idx.msk [tilespmem:v46+s1+$0x0], $0xffff  }
0x342: {  	v28 =	vand.u32 $0x10, v43;
	v29 =	vand.u32 $0x10, v40;
	v27 =	vand.u32 $0x10, v38;
	v30 =	vld.idx.msk [tilespmem:v49+s1+$0x0], $0xffff  }
.Ltmp8:
0x343: {  	v26 =	vand.u32 $0x10, v39;
	v24 =	vand.u32 $0x10, v48;
	v31 =	vld.idx.msk [tilespmem:v25+s1+$0x0], $0xffff;
	v25 =	vand.u32 $0x10, v47;
	(pc) =	sbr.rel @p2 .LBB2_18-.Ltmp8, $4  }
0x344: {  	v40 =	vshll.u32 v42, v55;
	v42 =	vshll.u32 v51, v56;
	v43 =	vshll.u32 v34, v32;
	v32 =	vld.idx.msk [tilespmem:v37+s1+$0x0], $0xffff  }
0x345: {  	v38 =	vshll.u32 v36, v57;
	v39 =	vshll.u32 v53, v58;
	v36 =	vshll.u32 v50, v59;
	v33 =	vld.idx.msk [tilespmem:v45+s1+$0x0], $0xffff  }
0x346: {  	v8 =	vmul.f32 v40, v8;
	v40 =	vshll.u32 v41, v60;
	v37 =	vshll.u32 v44, v35;
	v34 =	vld.idx.msk [tilespmem:v52+s1+$0x0], $0xffff  }
0x347: {  	s8 =	sshra.s32 s31, $0x2;
	s31 =	sadd.s32 $0x400, s31;
	v11 =	vmul.f32 v42, v11;
	v9 =	vmul.f32 v43, v9;
	v41 =	vshll.u32 v46, v61;
	v35 =	vld.idx.msk [tilespmem:v54+s1+$0x0], $0xffff  }
0x348: {  	v42 =	vld [tilespmem:s8+$0x16540]  }
0x349: {  	v46 =	vld [tilespmem:s8+$0x16450]  }
0x34a: {  	v47 =	vld [tilespmem:s8+$0x164D0]  }
0x34b: {  	v12 =	vmul.f32 v38, v12;
	v23 =	vmul.f32 v39, v23;
	v29 =	vshll.u32 v30, v29;
	v48 =	vld [tilespmem:s8+$0x16460]  }
0x34c: {  	v21 =	vmul.f32 v36, v21;
	v22 =	vmul.f32 v40, v22;
	v28 =	vshll.u32 v31, v28;
	v49 =	vld [tilespmem:s8+$0x164E0]  }
0x34d: {  	v18 =	vmul.f32 v37, v18;
	v19 =	vmul.f32 v41, v19;
	v50 =	vld [tilespmem:s8+$0x16470];
	v27 =	vshll.u32 v32, v27  }
0x34e: {  	v54 =	vld [tilespmem:s8+$0x164F0];
	v16 =	vmul.f32 v29, v16;
	v17 =	vmul.f32 v28, v17;
	v26 =	vshll.u32 v33, v26  }
0x34f: {  	v59 =	vld [tilespmem:s8+$0x16480];
	v14 =	vmul.f32 v27, v14;
	v20 =	vmul.f32 v26, v20;
	v25 =	vshll.u32 v34, v25  }
0x350: {  	v60 =	vld [tilespmem:s8+$0x16500];
	v15 =	vmul.f32 v25, v15;
	v24 =	vshll.u32 v35, v24;
	v51 =	vshra.s32 v42, $0x1  }
0x351: {  	v61 =	vld [tilespmem:s8+$0x16490];
	v52 =	vshra.s32 v46, $0x1;
	v53 =	vxor.u32 $0xFFFFFFFF, v46;
	v13 =	vmul.f32 v24, v13  }
0x352: {  	v56 =	vld [tilespmem:s8+$0x16510];
	v55 =	vshra.s32 v47, $0x1;
	v31 =	vxor.u32 $0xFFFFFFFF, v47;
	v34 =	vshra.s32 v48, $0x1  }
0x353: {  	v43 =	vld [tilespmem:s8+$0x164A0];
	v32 =	vxor.u32 $0xFFFFFFFF, v48;
	v36 =	vshra.s32 v49, $0x1;
	v28 =	vxor.u32 $0xFFFFFFFF, v49  }
0x354: {  	v45 =	vld [tilespmem:s8+$0x16520];
	v62 =	vshra.s32 v50, $0x1;
	v26 =	vxor.u32 $0xFFFFFFFF, v50;
	v63 =	vshra.s32 v54, $0x1  }
0x355: {  	v30 =	vxor.u32 $0xFFFFFFFF, v54;
	v57 =	vshra.s32 v59, $0x1;
	v33 =	vxor.u32 $0xFFFFFFFF, v59  }
0x356: {  	v44 =	vshra.s32 v60, $0x1;
	v35 =	vxor.u32 $0xFFFFFFFF, v60;
	v42 =	vxor.u32 $0xFFFFFFFF, v42  }
0x357: {  	v46 =	vshra.s32 v61, $0x1;
	v37 =	vxor.u32 $0xFFFFFFFF, v61;
	v49 =	vshra.s32 v56, $0x1  }
0x358: {  	v47 =	vld [tilespmem:s8+$0x164B0];
	v40 =	vxor.u32 $0xFFFFFFFF, v56;
	v58 =	vshra.s32 v43, $0x1;
	v43 =	vxor.u32 $0xFFFFFFFF, v43  }
0x359: {  	v48 =	vld [tilespmem:s8+$0x16530];
	v60 =	vshra.s32 v45, $0x1;
	v45 =	vxor.u32 $0xFFFFFFFF, v45;
	v24 =	vshll.u32 v53, $0x4  }
0x35a: {  	v50 =	vld [tilespmem:s8+$0x164C0];
	v31 =	vshll.u32 v31, $0x4;
	v32 =	vshll.u32 v32, $0x4;
	v28 =	vshll.u32 v28, $0x4  }
0x35b: {  	v26 =	vshll.u32 v26, $0x4;
	v30 =	vshll.u32 v30, $0x4;
	v42 =	vshll.u32 v42, $0x4;
	v27 =	vld.idx.msk [tilespmem:v51+s1+$0x0], $0xffff  }
0x35c: {  	v33 =	vshll.u32 v33, $0x4;
	v35 =	vshll.u32 v35, $0x4;
	v59 =	vshll.u32 v37, $0x4;
	v25 =	vld.idx.msk [tilespmem:v52+s1+$0x0], $0xffff  }
0x35d: {  	v40 =	vshll.u32 v40, $0x4;
	v43 =	vshll.u32 v43, $0x4;
	v45 =	vshll.u32 v45, $0x4;
	v29 =	vld.idx.msk [tilespmem:v55+s1+$0x0], $0xffff  }
0x35e: {  	v42 =	vand.u32 $0x10, v42;
	v24 =	vand.u32 $0x10, v24;
	v31 =	vand.u32 $0x10, v31;
	v34 =	vld.idx.msk [tilespmem:v34+s1+$0x0], $0xffff  }
0x35f: {  	v32 =	vand.u32 $0x10, v32;
	v28 =	vand.u32 $0x10, v28;
	v26 =	vand.u32 $0x10, v26;
	v36 =	vld.idx.msk [tilespmem:v36+s1+$0x0], $0xffff  }
0x360: {  	v30 =	vand.u32 $0x10, v30;
	v33 =	vand.u32 $0x10, v33;
	v35 =	vand.u32 $0x10, v35;
	v38 =	vld.idx.msk [tilespmem:v62+s1+$0x0], $0xffff  }
0x361: {  	v40 =	vand.u32 $0x10, v40;
	v43 =	vand.u32 $0x10, v43;
	v45 =	vand.u32 $0x10, v45;
	v39 =	vld.idx.msk [tilespmem:v63+s1+$0x0], $0xffff  }
0x362: {  	v51 =	vshra.s32 v47, $0x1;
	v47 =	vxor.u32 $0xFFFFFFFF, v47;
	v52 =	vshra.s32 v48, $0x1;
	v41 =	vld.idx.msk [tilespmem:v57+s1+$0x0], $0xffff  }
0x363: {  	v48 =	vxor.u32 $0xFFFFFFFF, v48;
	v53 =	vshra.s32 v50, $0x1;
	v50 =	vxor.u32 $0xFFFFFFFF, v50;
	v44 =	vld.idx.msk [tilespmem:v44+s1+$0x0], $0xffff  }
0x364: {  	v49 =	vld.idx.msk [tilespmem:v49+s1+$0x0], $0xffff;
	v47 =	vshll.u32 v47, $0x4;
	v48 =	vshll.u32 v48, $0x4;
	v50 =	vshll.u32 v50, $0x4  }
0x365: {  	v63 =	vld.idx.msk [tilespmem:v58+s1+$0x0], $0xffff;
	v47 =	vand.u32 $0x10, v47;
	v27 =	vshll.u32 v27, v42;
	v24 =	vshll.u32 v25, v24  }
0x366: {  	v61 =	vshll.u32 v29, v31;
	v62 =	vshll.u32 v34, v32;
	v28 =	vshll.u32 v36, v28  }
0x367: {  	v46 =	vld.idx.msk [tilespmem:v46+s1+$0x0], $0xffff;
	v26 =	vshll.u32 v38, v26;
	v30 =	vshll.u32 v39, v30;
	v39 =	vshll.u32 v41, v33  }
0x368: {  	v42 =	vshll.u32 v44, v35;
	v10 =	vmul.f32 v27, v10;
	v8 =	vmul.f32 v24, v8  }
0x369: {  	v38 =	vld.idx.msk [tilespmem:v60+s1+$0x0], $0xffff;
	v49 =	vshll.u32 v49, v40;
	v11 =	vmul.f32 v61, v11;
	v9 =	vmul.f32 v62, v9  }
0x36a: {  	v41 =	vld.idx.msk [tilespmem:v51+s1+$0x0], $0xffff;
	v51 =	vshll.u32 v63, v43;
	v12 =	vmul.f32 v28, v12;
	v23 =	vmul.f32 v26, v23  }
0x36b: {  	v44 =	vld.idx.msk [tilespmem:v52+s1+$0x0], $0xffff;
	v27 =	vand.u32 $0x10, v59;
	v21 =	vmul.f32 v30, v21;
	v22 =	vmul.f32 v39, v22  }
0x36c: {  	v18 =	vmul.f32 v42, v18;
	v16 =	vmul.f32 v49, v16;
	v27 =	vshll.u32 v46, v27  }
0x36d: {  	v48 =	vand.u32 $0x10, v48;
	v17 =	vmul.f32 v51, v17;
	v19 =	vmul.f32 v27, v19  }
0x36e: {  	v50 =	vand.u32 $0x10, v50;
	v46 =	vld.idx.msk [tilespmem:v53+s1+$0x0], $0xffff;
	v8 =	vmul.f32 v11, v8;
	v9 =	vmul.f32 v12, v9  }
0x36f: {  	v21 =	vmul.f32 v21, v23;
	v18 =	vmul.f32 v18, v22;
	v52 =	vshll.u32 v38, v45  }
0x370: {  	v53 =	vshll.u32 v41, v47;
	v54 =	vshll.u32 v44, v48;
	v8 =	vsub.f32 $1.000000000e+00, v8  }
0x371: {  	v9 =	vsub.f32 $1.000000000e+00, v9;
	v56 =	vsub.f32 $1.000000000e+00, v21;
	v16 =	vmul.f32 v16, v19  }
0x372: {  	v18 =	vsub.f32 $1.000000000e+00, v18;
	v14 =	vmul.f32 v52, v14;
	v11 =	vmul.f32 v53, v20  }
0x373: {  	v12 =	vmul.f32 v54, v15;
	v55 =	vshll.u32 v46, v50;
	v8 =	vmax.f32 v8, $9.999999740e-05  }
0x374: {  	v9 =	vmax.f32 v9, $9.999999740e-05;
	v15 =	vmax.f32 v56, $9.999999740e-05;
	v57 =	vsub.f32 $1.000000000e+00, v16  }
0x375: {  	v13 =	vmul.f32 v55, v13;
	v8 =	vmin.f32 v8, $9.999899860e-01;
	v14 =	vmul.f32 v14, v17  }
0x376: {  	v58 =	vmax.f32 v18, $9.999999740e-05;
	v9 =	vmin.f32 v9, $9.999899860e-01;
	v11 =	vmul.f32 v12, v11;
	[tilespmem:$0x1C9D0] =	vst v8  }
0x377: {  	v8 =	vmin.f32 v15, $9.999899860e-01;
	[tilespmem:$0x1C9E0] =	vst v9;
	v59 =	vsub.f32 $1.000000000e+00, v14;
	v10 =	vmul.f32 v10, v13  }
0x378: {  	v60 =	vmax.f32 v57, $9.999999740e-05;
	[tilespmem:$0x1C9F0] =	vst v8;
	v8 =	vmin.f32 v58, $9.999899860e-01;
	v11 =	vsub.f32 $1.000000000e+00, v11  }
0x379: {  	[tilespmem:$0x1CA00] =	vst v8;
	v8 =	vmin.f32 v60, $9.999899860e-01;
	v61 =	vmax.f32 v59, $9.999999740e-05;
	v10 =	vsub.f32 $1.000000000e+00, v10  }
0x37a: {  	[tilespmem:$0x1CA10] =	vst v8;
	v62 =	vmax.f32 v11, $9.999999740e-05;
	v8 =	vmin.f32 v61, $9.999899860e-01  }
0x37b: {  	[tilespmem:$0x1CA20] =	vst v8;
	v8 =	vmin.f32 v62, $9.999899860e-01;
	v63 =	vmax.f32 v10, $9.999999740e-05  }
0x37c: {  	s30 =	sadd.s32 $0x1, s30;
	[tilespmem:$0x1CA30] =	vst v8;
	v8 =	vmin.f32 v63, $9.999899860e-01  }
0x37d: {  	s31 =	rddreg [dreg:$0xd];
	s10 =	simm.s32 $0x1C850;
	p2 =	sne.s32 s30, s17;
	[tilespmem:$0x1CA40] =	vst v8  }
0x37e: {  	[hbm4b:s31+s5] =	stream.linear.scatter [tilespmem:s10], [sflag:$0x6], $0x200, $0x200038;
	[tilespmem:$0x1CA50] =	vst v63  }
.Ltmp9:
0x37f: {  	_ = 	snop;
	(pc) =	sbr.rel @p2 .LBB2_1-.Ltmp9, $4  }
0x380: {  	_ =	swait.ge [sflag:s26], $0x200  }
0x381: {  	[sflag:s26] =	ssyncset.done $0x0  }
0x382: {  	[sflag:s26] =	ssyncadd.s32 $0xFFFFFE00  }
0x383: {  	_ =	strace $0x9000004A  }
0x384: {  	_ =	sfence.sel $0x180000  }
0x385: {  	[bflag:$0x0] =	sbarrier.arrive $0xFFFF  }
0x386: {  	_ =	strace $0x90000047  }
0x387: {  	s0 =	stileid.u32;
	[bflag:$0x2] =	sbarrier.arrive $0xFFFF  }
0x388: {  	p0 =	sne.s32 s0, $0x0;
	s0 =	rddreg [dreg:$0x6]  }
0x389: {  	s0 =	sadd.s32 @!p0 $0x100000, s0  }
0x38a: {  	[sflag:s0] =	ssyncadd.tile.s32 @!p0 $0x1;
	_ =	shalt  }
.Lfunc_end2:
_tile_overlayer_lowered:
.L_overlay_start_2:
0x38b: {  	(tag) =	ssettag $0x2  }
0x38c: {  	s0 =	rddreg [dreg:$0x0];
	s2 =	stileid.u32  }
0x38d: {  	s1 =	rddreg [dreg:$0x1];
	p0 =	sne.s32 s2, $0x0  }
0x38e: {  	s3 =	rddreg [dreg:$0x2];
	[bflag:$0x3] =	sbarrier.arrive $0xFFFF;
	s2 =	simm.s32 @!p0 $0x1C06  }
0x38f: {  	[timem:s3], [sflag:s2] =	dma.local @!p0 [hbm:s0], s1  }
0x390: {  	s0 =	simm.s32 @!p0 $0x6  }
0x391: {  	_ =	swait.ge @!p0 [sflag:s0], s1  }
0x392: {  	s1 =	ssub.s32 @!p0 $0x0, s1;
	[sflag:s0] =	ssyncset.done @!p0 $0x0  }
0x393: {  	[sflag:s0] =	ssyncadd.s32 @!p0 s1  }
0x394: {  	[bflag:$0x3] =	sbarrier.arrive $0xFFFF  }
0x395: {  	_ =	shalt  }

</sc_bundles>
